<compile_context>
chip_gen: v7x
topology: tpu7x:2x2x1
jax: 0.10.2.dev20260603
libtpu: 0.0.44.dev20260713+nightly
codegen_flags: <defaults>
</compile_context>

<pallas_src>
import functools

import jax
import jax.numpy as jnp
from jax import lax
from jax.experimental import pallas as pl
from jax.experimental.pallas import tpu as pltpu
from jax.experimental.pallas import tpu_sc as plsc

N = 10000
NP = 10240
E = 320000
IN_C = 128
HID_C = 256
OUT_C = 128

CH = 128
NC = 2
NS = 16
NW = NC * NS
NCHUNK = 80
HC = 40
EPW = NCHUNK * CH
EPAD = EPW * NW
RPT = NP // NS

_sc_mesh = plsc.VectorSubcoreMesh(core_axis_name="c", subcore_axis_name="s")



EDGW = E // NW


def _deg_body(ei_hbm, out_hbm, didx_all, deg_local, colbuf, shared):
    cid = lax.axis_index("c")
    sid = lax.axis_index("s")
    wid = sid * NC + cid
    zeros = jnp.zeros((16,), jnp.float32)

    def zbody(i, c):
        deg_local[pl.ds(i * 16, 16)] = zeros
        return c

    lax.fori_loop(0, NP // 16, zbody, 0)
    pltpu.sync_copy(ei_hbm.at[pl.ds(E + wid * EDGW, EDGW)], didx_all)
    ones = jnp.ones((16,), jnp.float32)

    def body(i, c):
        idx = didx_all[pl.ds(i * 16, 16)]
        plsc.addupdate_scatter(deg_local, [idx], ones)
        return c

    lax.fori_loop(0, EDGW // 16, body, 0)
    pltpu.sync_copy(deg_local, shared.at[sid])
    plsc.subcore_barrier()
    for t in range(NS):
        pltpu.sync_copy(shared.at[t, pl.ds(sid * RPT, RPT)], colbuf.at[t])

    def red(j, c):
        s = colbuf[0, pl.ds(j * 16, 16)]
        for t in range(1, NS):
            s = s + colbuf[t, pl.ds(j * 16, 16)]
        deg_local[pl.ds(j * 16, 16)] = s
        return c

    lax.fori_loop(0, RPT // 16, red, 0)
    pltpu.sync_copy(deg_local.at[pl.ds(0, RPT)],
                    out_hbm.at[pl.ds(cid * NP + sid * RPT, RPT)])


_deg_call = pl.kernel(
    _deg_body,
    out_type=jax.ShapeDtypeStruct((2 * NP,), jnp.float32),
    mesh=_sc_mesh,
    compiler_params=pltpu.CompilerParams(needs_layout_passes=False),
    scratch_types=[
        pltpu.VMEM((EDGW,), jnp.int32),
        pltpu.VMEM((NP,), jnp.float32),
        pltpu.VMEM((NS, RPT), jnp.float32),
        pltpu.VMEM_SHARED((NS, NP), jnp.float32),
    ],
)


def _agg_body(src_hbm, dst_hbm, g_hbm, zrows_hbm, out_hbm,
              sidx, didx, rows0, rows1, acc, sem0, sem1):
    cid = lax.axis_index("c")
    sid = lax.axis_index("s")
    wid = sid * NC + cid
    pltpu.sync_copy(zrows_hbm, acc.at[pl.ds(sid * RPT, RPT)])
    plsc.subcore_barrier()
    hpair = HC // 2
    for sb in range(NCHUNK // HC):
        base_c = wid * NCHUNK + sb * HC
        pltpu.sync_copy(src_hbm.at[pl.ds(base_c, HC)], sidx)
        pltpu.sync_copy(dst_hbm.at[pl.ds(base_c, HC)], didx)
        pltpu.async_copy(g_hbm.at[sidx.at[0]], rows0, sem0)

        def body(j, carry):
            c = 4 * j
            pltpu.async_copy(g_hbm.at[sidx.at[c + 1]], rows1, sem1)
            pltpu.make_async_copy(g_hbm.at[sidx.at[c]], rows0, sem0).wait()
            pltpu.sync_copy(rows0, acc.at[didx.at[c]], add=True)
            pltpu.async_copy(g_hbm.at[sidx.at[c + 2]], rows0, sem0)
            pltpu.make_async_copy(g_hbm.at[sidx.at[c + 1]], rows1, sem1).wait()
            pltpu.sync_copy(rows1, acc.at[didx.at[c + 1]], add=True)
            pltpu.async_copy(g_hbm.at[sidx.at[c + 3]], rows1, sem1)
            pltpu.make_async_copy(g_hbm.at[sidx.at[c + 2]], rows0, sem0).wait()
            pltpu.sync_copy(rows0, acc.at[didx.at[c + 2]], add=True)

            @pl.when(j < hpair // 2 - 1)
            def _():
                pltpu.async_copy(g_hbm.at[sidx.at[c + 4]], rows0, sem0)

            pltpu.make_async_copy(g_hbm.at[sidx.at[c + 3]], rows1, sem1).wait()
            pltpu.sync_copy(rows1, acc.at[didx.at[c + 3]], add=True)
            return carry

        lax.fori_loop(0, hpair // 2, body, 0)
    plsc.subcore_barrier()
    pltpu.sync_copy(acc.at[pl.ds(sid * RPT, RPT)],
                    out_hbm.at[pl.ds(cid * NP + sid * RPT, RPT)])


_agg_call = pl.kernel(
    _agg_body,
    out_type=jax.ShapeDtypeStruct((2 * NP, IN_C), jnp.float32),
    mesh=_sc_mesh,
    scratch_types=[
        pltpu.VMEM((HC, CH), jnp.int32),
        pltpu.VMEM((HC, CH), jnp.int32),
        pltpu.VMEM((CH, IN_C), jnp.float32),
        pltpu.VMEM((CH, IN_C), jnp.float32),
        pltpu.VMEM_SHARED((NP, IN_C), jnp.float32),
        pltpu.SemaphoreType.DMA,
        pltpu.SemaphoreType.DMA,
    ],
)



_RB = 2048


def _prep_body(degp_ref, x_ref, dinv_ref, g0_ref):
    nrow = _RB // 128
    deg = degp_ref[0] + degp_ref[1] + 1.0
    dinv = lax.rsqrt(jnp.maximum(deg, 1.0))
    drep = jnp.broadcast_to(dinv[:, None, :], (nrow, 128, 128)).reshape(_RB, 128)
    lane = lax.broadcasted_iota(jnp.int32, (_RB, 128), 1)
    row = lax.broadcasted_iota(jnp.int32, (_RB, 128), 0)
    sel = jnp.where(lane == row % 128, drep, 0.0)
    dinv_col = jnp.sum(sel, axis=1, keepdims=True)
    dinv_ref[...] = dinv_col
    g0_ref[...] = x_ref[...] * jnp.broadcast_to(dinv_col, (_RB, IN_C))


def _prep_call(degp, x_p):
    grid = NP // _RB
    return pl.pallas_call(
        _prep_body,
        grid=(grid,),
        in_specs=[
            pl.BlockSpec((2, _RB // 128, 128), lambda i: (0, i, 0)),
            pl.BlockSpec((_RB, IN_C), lambda i: (i, 0)),
        ],
        out_specs=[
            pl.BlockSpec((_RB, 1), lambda i: (i, 0)),
            pl.BlockSpec((_RB, IN_C), lambda i: (i, 0)),
        ],
        out_shape=[
            jax.ShapeDtypeStruct((NP, 1), jnp.float32),
            jax.ShapeDtypeStruct((NP, IN_C), jnp.float32),
        ],
    )(degp, x_p)


def _mid_body(p_ref, g0_ref, dinv_ref, W1_ref, b1_ref, W2_ref, g1_ref):
    dinv = jnp.broadcast_to(dinv_ref[...], (_RB, IN_C))
    P0 = dinv * (p_ref[0] + p_ref[1] + g0_ref[...])
    h1 = jnp.maximum(
        jnp.dot(P0, W1_ref[...], preferred_element_type=jnp.float32)
        + b1_ref[...], 0.0)
    q = jnp.dot(h1, W2_ref[...], preferred_element_type=jnp.float32)
    g1_ref[...] = q * dinv


def _mid_call(p, g0, dinv, W1, b1, W2):
    grid = NP // _RB
    return pl.pallas_call(
        _mid_body,
        grid=(grid,),
        in_specs=[
            pl.BlockSpec((2, _RB, IN_C), lambda i: (0, i, 0)),
            pl.BlockSpec((_RB, IN_C), lambda i: (i, 0)),
            pl.BlockSpec((_RB, 1), lambda i: (i, 0)),
            pl.BlockSpec((IN_C, HID_C), lambda i: (0, 0)),
            pl.BlockSpec((1, HID_C), lambda i: (0, 0)),
            pl.BlockSpec((HID_C, OUT_C), lambda i: (0, 0)),
        ],
        out_specs=pl.BlockSpec((_RB, OUT_C), lambda i: (i, 0)),
        out_shape=jax.ShapeDtypeStruct((NP, OUT_C), jnp.float32),
    )(p, g0, dinv, W1, b1, W2)


_RBF = 2000


def _fin_body(q_ref, g1_ref, dinv_ref, b2_ref, z_ref):
    dinv = jnp.broadcast_to(dinv_ref[...], (_RBF, OUT_C))
    z_ref[...] = dinv * (q_ref[0] + q_ref[1] + g1_ref[...]) + b2_ref[...]


def _fin_call(q, g1, dinv, b2):
    grid = N // _RBF
    return pl.pallas_call(
        _fin_body,
        grid=(grid,),
        in_specs=[
            pl.BlockSpec((2, _RBF, OUT_C), lambda i: (0, i, 0)),
            pl.BlockSpec((_RBF, OUT_C), lambda i: (i, 0)),
            pl.BlockSpec((_RBF, 1), lambda i: (i, 0)),
            pl.BlockSpec((1, OUT_C), lambda i: (0, 0)),
        ],
        out_specs=pl.BlockSpec((_RBF, OUT_C), lambda i: (i, 0)),
        out_shape=jax.ShapeDtypeStruct((N, OUT_C), jnp.float32),
    )(q, g1, dinv, b2)



def kernel(x, edge_index, W1, b1, W2, b2):
    src = edge_index[0]
    dst = edge_index[1]
    npad = EPAD - E
    spread = jnp.arange(npad, dtype=jnp.int32) % 128
    src_p = jnp.concatenate([src, spread])
    dst_p = jnp.concatenate([dst, N + spread])

    z128 = jnp.zeros((RPT, IN_C), jnp.float32)

    src2d = src_p.reshape(NW * NCHUNK, CH)
    dst2d = dst_p.reshape(NW * NCHUNK, CH)
    degp = _deg_call(edge_index.reshape(2 * E)).reshape(2, NP // 128, 128)
    dinv, g0 = _prep_call(degp, x)
    p0 = _agg_call(src2d, dst2d, g0, z128).reshape(2, NP, IN_C)
    g1 = _mid_call(p0, g0, dinv, W1, b1.reshape(1, HID_C), W2)
    p1 = _agg_call(src2d, dst2d, g1, z128).reshape(2, NP, OUT_C)
    z = _fin_call(p1, g1, dinv, b2.reshape(1, OUT_C))
    return z

# --- scband reference (transcript-rebuilt; emitter-appended) ---
"""Pipeline reference for scband-net-69758858821883 (READ-ONLY COPY).

The authoritative reference and input builder live on the scoring server;
editing this copy changes nothing except your own understanding.
"""

import jax, jax.numpy as jnp
import numpy as np

N = 10000
E = 320000
IN_C = 128
HID_C = 256
OUT_C = 128


def setup_inputs(seed: int = 0) -> dict:
    key = jax.random.key(seed)
    ks = jax.random.split(key, 6)
    x = jax.random.normal(ks[0], (N, IN_C), dtype=jnp.float32)
    edge_index = jax.random.randint(ks[1], (2, E), 0, N, dtype=jnp.int32)
    W1 = jax.random.normal(ks[2], (IN_C, HID_C), dtype=jnp.float32) * (1.0 / np.sqrt(IN_C))
    b1 = jnp.zeros((HID_C,), dtype=jnp.float32)
    W2 = jax.random.normal(ks[3], (HID_C, OUT_C), dtype=jnp.float32) * (1.0 / np.sqrt(HID_C))
    b2 = jnp.zeros((OUT_C,), dtype=jnp.float32)
    return {"x": x, "edge_index": edge_index, "W1": W1, "b1": b1, "W2": W2, "b2": b2}


def _gcn_conv(x, edge_index, W, b):
    # PyG GCNConv: h = X @ W; add self-loops; symmetric normalization D^-1/2 A_hat D^-1/2; aggregate; + bias
    n = x.shape[0]
    h = x @ W
    loop = jnp.arange(n, dtype=edge_index.dtype)
    src = jnp.concatenate([edge_index[0], loop])
    dst = jnp.concatenate([edge_index[1], loop])
    ones = jnp.ones(src.shape[0], dtype=h.dtype)
    deg = jax.ops.segment_sum(ones, dst, num_segments=n)
    dinv = jax.lax.rsqrt(jnp.maximum(deg, 1.0))
    norm = dinv[src] * dinv[dst]
    msg = h[src] * norm[:, None]
    out = jax.ops.segment_sum(msg, dst, num_segments=n)
    return out + b


def reference(x, edge_index, W1, b1, W2, b2):
    # Net.encode: conv1 -> relu -> conv2
    h = _gcn_conv(x, edge_index, W1, b1)
    h = jax.nn.relu(h)
    z = _gcn_conv(h, edge_index, W2, b2)
    return z

if __name__ == "__main__":
    import jax
    _d = setup_inputs()
    print(jax.jit(kernel)(*tuple(_d.values())))

</pallas_src>

<mosaic_0001>
#map = affine_map<(d0, d1) -> (0, 0)>
module attributes {stable_mosaic.version = 14 : i64} {
  func.func @_agg_body(%arg0: i32, %arg1: i32, %arg2: memref<2560x128xi32, #tpu.memory_space<hbm>>, %arg3: memref<2560x128xi32, #tpu.memory_space<hbm>>, %arg4: memref<10240x128xf32, #tpu.memory_space<hbm>>, %arg5: memref<640x128xf32, #tpu.memory_space<hbm>>, %arg6: memref<20480x128xf32, #tpu.memory_space<hbm>>, %arg7: memref<40x128xi32, #tpu.memory_space<vmem>>, %arg8: memref<40x128xi32, #tpu.memory_space<vmem>>, %arg9: memref<128x128xf32, #tpu.memory_space<vmem>>, %arg10: memref<128x128xf32, #tpu.memory_space<vmem>>, %arg11: memref<10240x128xf32, #tpu.memory_space<vmem_shared>>, %arg12: memref<!tpu.dma_semaphore, #tpu.memory_space<semaphore_mem>>, %arg13: memref<!tpu.dma_semaphore, #tpu.memory_space<semaphore_mem>>) attributes {dimension_semantics = [#tpu.dimension_semantics<core_parallel>, #tpu.dimension_semantics<subcore_parallel>], iteration_bounds = array<i64: 2, 16>, scalar_prefetch = 0 : i64, scratch_operands = 7 : i64, tpu.core_type = #tpu.core_type<sc_vector_subcore>, window_params = [{transform_indices = #map}, {transform_indices = #map}, {transform_indices = #map}, {transform_indices = #map}, {transform_indices = #map}]} {
    %mul3A = arith.constant 2 : i32
    %mul3A_0 = arith.muli %arg1, %mul3A : i32
    %add3A = arith.addi %mul3A_0, %arg0 : i32
    %mul3A_1 = arith.constant 640 : i32
    %mul3A_2 = arith.muli %arg1, %mul3A_1 : i32
    "tpu.region"() ({
      %run_scoped3A = tpu.sem_alloc : memref<!tpu.dma_semaphore, #tpu.memory_space<semaphore_mem>>
      %dma_start3A_43 = arith.constant 0 : i32
      %dma_start3A_44 = tpu.memref_slice %arg11[%mul3A_2, %dma_start3A_43] : memref<10240x128xf32, #tpu.memory_space<vmem_shared>> -> memref<640x128xf32, #tpu.memory_space<vmem_shared>>
      tpu.enqueue_dma source(%arg5 : memref<640x128xf32, #tpu.memory_space<hbm>>) target(%dma_start3A_44 : memref<640x128xf32, #tpu.memory_space<vmem_shared>>) target_semaphore(%run_scoped3A : memref<!tpu.dma_semaphore, #tpu.memory_space<semaphore_mem>>)
      %dma_wait3A = arith.constant 0 : i32
      %dma_wait3A_45 = tpu.memref_slice %arg11[%mul3A_2, %dma_wait3A] : memref<10240x128xf32, #tpu.memory_space<vmem_shared>> -> memref<640x128xf32, #tpu.memory_space<vmem_shared>>
      tpu.wait_dma2 semaphore(%run_scoped3A : memref<!tpu.dma_semaphore, #tpu.memory_space<semaphore_mem>>) src(%arg5 : memref<640x128xf32, #tpu.memory_space<hbm>>) dst(%dma_wait3A_45 : memref<640x128xf32, #tpu.memory_space<vmem_shared>>)
      tpu.yield
    }) : () -> ()
    %barrier3A = arith.constant 0 : index
    tpu.barrier barrier_id(%barrier3A)
    %mul3A_3 = arith.constant 80 : i32
    %mul3A_4 = arith.muli %add3A, %mul3A_3 : i32
    %add3A_5 = arith.constant 0 : i32
    %add3A_6 = arith.addi %mul3A_4, %add3A_5 : i32
    "tpu.region"() ({
      %run_scoped3A = tpu.sem_alloc : memref<!tpu.dma_semaphore, #tpu.memory_space<semaphore_mem>>
      %dma_start3A_43 = arith.constant 0 : i32
      %dma_start3A_44 = tpu.memref_slice %arg2[%add3A_6, %dma_start3A_43] : memref<2560x128xi32, #tpu.memory_space<hbm>> -> memref<40x128xi32, #tpu.memory_space<hbm>>
      %dma_start3A_45 = arith.constant 0 : i32
      %dma_start3A_46 = tpu.memref_slice %arg2[%add3A_6, %dma_start3A_45] : memref<2560x128xi32, #tpu.memory_space<hbm>> -> memref<40x128xi32, #tpu.memory_space<hbm>>
      tpu.enqueue_dma source(%dma_start3A_46 : memref<40x128xi32, #tpu.memory_space<hbm>>) target(%arg7 : memref<40x128xi32, #tpu.memory_space<vmem>>) target_semaphore(%run_scoped3A : memref<!tpu.dma_semaphore, #tpu.memory_space<semaphore_mem>>)
      %dma_wait3A = arith.constant 0 : i32
      %dma_wait3A_47 = tpu.memref_slice %arg2[%add3A_6, %dma_wait3A] : memref<2560x128xi32, #tpu.memory_space<hbm>> -> memref<40x128xi32, #tpu.memory_space<hbm>>
      %dma_wait3A_48 = arith.constant 0 : i32
      %dma_wait3A_49 = tpu.memref_slice %arg2[%add3A_6, %dma_wait3A_48] : memref<2560x128xi32, #tpu.memory_space<hbm>> -> memref<40x128xi32, #tpu.memory_space<hbm>>
      tpu.wait_dma2 semaphore(%run_scoped3A : memref<!tpu.dma_semaphore, #tpu.memory_space<semaphore_mem>>) src(%dma_wait3A_49 : memref<40x128xi32, #tpu.memory_space<hbm>>) dst(%arg7 : memref<40x128xi32, #tpu.memory_space<vmem>>)
      tpu.yield
    }) : () -> ()
    "tpu.region"() ({
      %run_scoped3A = tpu.sem_alloc : memref<!tpu.dma_semaphore, #tpu.memory_space<semaphore_mem>>
      %dma_start3A_43 = arith.constant 0 : i32
      %dma_start3A_44 = tpu.memref_slice %arg3[%add3A_6, %dma_start3A_43] : memref<2560x128xi32, #tpu.memory_space<hbm>> -> memref<40x128xi32, #tpu.memory_space<hbm>>
      %dma_start3A_45 = arith.constant 0 : i32
      %dma_start3A_46 = tpu.memref_slice %arg3[%add3A_6, %dma_start3A_45] : memref<2560x128xi32, #tpu.memory_space<hbm>> -> memref<40x128xi32, #tpu.memory_space<hbm>>
      tpu.enqueue_dma source(%dma_start3A_46 : memref<40x128xi32, #tpu.memory_space<hbm>>) target(%arg8 : memref<40x128xi32, #tpu.memory_space<vmem>>) target_semaphore(%run_scoped3A : memref<!tpu.dma_semaphore, #tpu.memory_space<semaphore_mem>>)
      %dma_wait3A = arith.constant 0 : i32
      %dma_wait3A_47 = tpu.memref_slice %arg3[%add3A_6, %dma_wait3A] : memref<2560x128xi32, #tpu.memory_space<hbm>> -> memref<40x128xi32, #tpu.memory_space<hbm>>
      %dma_wait3A_48 = arith.constant 0 : i32
      %dma_wait3A_49 = tpu.memref_slice %arg3[%add3A_6, %dma_wait3A_48] : memref<2560x128xi32, #tpu.memory_space<hbm>> -> memref<40x128xi32, #tpu.memory_space<hbm>>
      tpu.wait_dma2 semaphore(%run_scoped3A : memref<!tpu.dma_semaphore, #tpu.memory_space<semaphore_mem>>) src(%dma_wait3A_49 : memref<40x128xi32, #tpu.memory_space<hbm>>) dst(%arg8 : memref<40x128xi32, #tpu.memory_space<vmem>>)
      tpu.yield
    }) : () -> ()
    %dma_start3A = arith.constant 0 : i32
    %dma_start3A_7 = arith.constant 0 : i32
    %dma_start3A_8 = tpu.memref_slice %arg7[%dma_start3A, %dma_start3A_7] : memref<40x128xi32, #tpu.memory_space<vmem>> -> memref<1x128xi32, #tpu.memory_space<vmem>>
    %dma_start3A_9 = tpu.memref_squeeze %dma_start3A_8 : memref<1x128xi32, #tpu.memory_space<vmem>> -> memref<128xi32, #tpu.memory_space<vmem>>
    %dma_start3A_10 = arith.constant 0 : i32
    %dma_start3A_11 = arith.constant 0 : i32
    %dma_start3A_12 = tpu.memref_slice %arg4[%dma_start3A_10, %dma_start3A_11] : memref<10240x128xf32, #tpu.memory_space<hbm>> -> memref<10240x128xf32, #tpu.memory_space<hbm>>
    tpu.enqueue_indirect_dma source(%dma_start3A_12 : memref<10240x128xf32, #tpu.memory_space<hbm>>) target(%arg9 : memref<128x128xf32, #tpu.memory_space<vmem>>) offsets(%dma_start3A_9 : memref<128xi32, #tpu.memory_space<vmem>>) semaphore(%arg12 : memref<!tpu.dma_semaphore, #tpu.memory_space<semaphore_mem>>)
    %scan3A = arith.constant 0 : i32
    %scan3A_13 = arith.constant 0 : i32
    %scan3A_14 = arith.constant 10 : i32
    %scan3A_15 = arith.addi %scan3A_13, %scan3A_14 : i32
    %scan3A_16 = arith.constant 1 : i32
    scf.for %scan3A_43 = %scan3A_13 to %scan3A_15 step %scan3A_16  : i32 {
      %mul3A_44 = arith.constant 4 : i32
      %mul3A_45 = arith.muli %mul3A_44, %scan3A_43 : i32
      %add3A_46 = arith.constant 1 : i32
      %add3A_47 = arith.addi %mul3A_45, %add3A_46 : i32
      %dma_start3A_48 = arith.constant 0 : i32
      %dma_start3A_49 = tpu.memref_slice %arg7[%add3A_47, %dma_start3A_48] : memref<40x128xi32, #tpu.memory_space<vmem>> -> memref<1x128xi32, #tpu.memory_space<vmem>>
      %dma_start3A_50 = tpu.memref_squeeze %dma_start3A_49 : memref<1x128xi32, #tpu.memory_space<vmem>> -> memref<128xi32, #tpu.memory_space<vmem>>
      %dma_start3A_51 = arith.constant 0 : i32
      %dma_start3A_52 = arith.constant 0 : i32
      %dma_start3A_53 = tpu.memref_slice %arg4[%dma_start3A_51, %dma_start3A_52] : memref<10240x128xf32, #tpu.memory_space<hbm>> -> memref<10240x128xf32, #tpu.memory_space<hbm>>
      tpu.enqueue_indirect_dma source(%dma_start3A_53 : memref<10240x128xf32, #tpu.memory_space<hbm>>) target(%arg10 : memref<128x128xf32, #tpu.memory_space<vmem>>) offsets(%dma_start3A_50 : memref<128xi32, #tpu.memory_space<vmem>>) semaphore(%arg13 : memref<!tpu.dma_semaphore, #tpu.memory_space<semaphore_mem>>)
      %dma_wait3A = arith.constant 0 : i32
      %dma_wait3A_54 = tpu.memref_slice %arg7[%mul3A_45, %dma_wait3A] : memref<40x128xi32, #tpu.memory_space<vmem>> -> memref<1x128xi32, #tpu.memory_space<vmem>>
      %dma_wait3A_55 = tpu.memref_squeeze %dma_wait3A_54 : memref<1x128xi32, #tpu.memory_space<vmem>> -> memref<128xi32, #tpu.memory_space<vmem>>
      %dma_wait3A_56 = arith.constant 0 : i32
      %dma_wait3A_57 = arith.constant 0 : i32
      %dma_wait3A_58 = tpu.memref_slice %arg4[%dma_wait3A_56, %dma_wait3A_57] : memref<10240x128xf32, #tpu.memory_space<hbm>> -> memref<10240x128xf32, #tpu.memory_space<hbm>>
      tpu.wait_indirect_dma semaphore(%arg12 : memref<!tpu.dma_semaphore, #tpu.memory_space<semaphore_mem>>) src(%dma_wait3A_58 : memref<10240x128xf32, #tpu.memory_space<hbm>>) dst(%arg9 : memref<128x128xf32, #tpu.memory_space<vmem>>)
      "tpu.region"() ({
        %run_scoped3A = tpu.sem_alloc : memref<!tpu.dma_semaphore, #tpu.memory_space<semaphore_mem>>
        %dma_start3A_107 = arith.constant 0 : i32
        %dma_start3A_108 = tpu.memref_slice %arg8[%mul3A_45, %dma_start3A_107] : memref<40x128xi32, #tpu.memory_space<vmem>> -> memref<1x128xi32, #tpu.memory_space<vmem>>
        %dma_start3A_109 = tpu.memref_squeeze %dma_start3A_108 : memref<1x128xi32, #tpu.memory_space<vmem>> -> memref<128xi32, #tpu.memory_space<vmem>>
        %dma_start3A_110 = arith.constant 0 : i32
        %dma_start3A_111 = arith.constant 0 : i32
        %dma_start3A_112 = tpu.memref_slice %arg11[%dma_start3A_110, %dma_start3A_111] : memref<10240x128xf32, #tpu.memory_space<vmem_shared>> -> memref<10240x128xf32, #tpu.memory_space<vmem_shared>>
        tpu.enqueue_indirect_dma source(%arg9 : memref<128x128xf32, #tpu.memory_space<vmem>>) target(%dma_start3A_112 : memref<10240x128xf32, #tpu.memory_space<vmem_shared>>) offsets(%dma_start3A_109 : memref<128xi32, #tpu.memory_space<vmem>>) semaphore(%run_scoped3A : memref<!tpu.dma_semaphore, #tpu.memory_space<semaphore_mem>>) {add = true}
        %dma_wait3A_113 = arith.constant 0 : i32
        %dma_wait3A_114 = tpu.memref_slice %arg8[%mul3A_45, %dma_wait3A_113] : memref<40x128xi32, #tpu.memory_space<vmem>> -> memref<1x128xi32, #tpu.memory_space<vmem>>
        %dma_wait3A_115 = tpu.memref_squeeze %dma_wait3A_114 : memref<1x128xi32, #tpu.memory_space<vmem>> -> memref<128xi32, #tpu.memory_space<vmem>>
        %dma_wait3A_116 = arith.constant 0 : i32
        %dma_wait3A_117 = arith.constant 0 : i32
        %dma_wait3A_118 = tpu.memref_slice %arg11[%dma_wait3A_116, %dma_wait3A_117] : memref<10240x128xf32, #tpu.memory_space<vmem_shared>> -> memref<10240x128xf32, #tpu.memory_space<vmem_shared>>
        tpu.wait_indirect_dma semaphore(%run_scoped3A : memref<!tpu.dma_semaphore, #tpu.memory_space<semaphore_mem>>) src(%arg9 : memref<128x128xf32, #tpu.memory_space<vmem>>) dst(%dma_wait3A_118 : memref<10240x128xf32, #tpu.memory_space<vmem_shared>>)
        tpu.yield
      }) : () -> ()
      %add3A_59 = arith.constant 2 : i32
      %add3A_60 = arith.addi %mul3A_45, %add3A_59 : i32
      %dma_start3A_61 = arith.constant 0 : i32
      %dma_start3A_62 = tpu.memref_slice %arg7[%add3A_60, %dma_start3A_61] : memref<40x128xi32, #tpu.memory_space<vmem>> -> memref<1x128xi32, #tpu.memory_space<vmem>>
      %dma_start3A_63 = tpu.memref_squeeze %dma_start3A_62 : memref<1x128xi32, #tpu.memory_space<vmem>> -> memref<128xi32, #tpu.memory_space<vmem>>
      %dma_start3A_64 = arith.constant 0 : i32
      %dma_start3A_65 = arith.constant 0 : i32
      %dma_start3A_66 = tpu.memref_slice %arg4[%dma_start3A_64, %dma_start3A_65] : memref<10240x128xf32, #tpu.memory_space<hbm>> -> memref<10240x128xf32, #tpu.memory_space<hbm>>
      tpu.enqueue_indirect_dma source(%dma_start3A_66 : memref<10240x128xf32, #tpu.memory_space<hbm>>) target(%arg9 : memref<128x128xf32, #tpu.memory_space<vmem>>) offsets(%dma_start3A_63 : memref<128xi32, #tpu.memory_space<vmem>>) semaphore(%arg12 : memref<!tpu.dma_semaphore, #tpu.memory_space<semaphore_mem>>)
      %add3A_67 = arith.constant 1 : i32
      %add3A_68 = arith.addi %mul3A_45, %add3A_67 : i32
      %dma_wait3A_69 = arith.constant 0 : i32
      %dma_wait3A_70 = tpu.memref_slice %arg7[%add3A_68, %dma_wait3A_69] : memref<40x128xi32, #tpu.memory_space<vmem>> -> memref<1x128xi32, #tpu.memory_space<vmem>>
      %dma_wait3A_71 = tpu.memref_squeeze %dma_wait3A_70 : memref<1x128xi32, #tpu.memory_space<vmem>> -> memref<128xi32, #tpu.memory_space<vmem>>
      %dma_wait3A_72 = arith.constant 0 : i32
      %dma_wait3A_73 = arith.constant 0 : i32
      %dma_wait3A_74 = tpu.memref_slice %arg4[%dma_wait3A_72, %dma_wait3A_73] : memref<10240x128xf32, #tpu.memory_space<hbm>> -> memref<10240x128xf32, #tpu.memory_space<hbm>>
      tpu.wait_indirect_dma semaphore(%arg13 : memref<!tpu.dma_semaphore, #tpu.memory_space<semaphore_mem>>) src(%dma_wait3A_74 : memref<10240x128xf32, #tpu.memory_space<hbm>>) dst(%arg10 : memref<128x128xf32, #tpu.memory_space<vmem>>)
      %add3A_75 = arith.constant 1 : i32
      %add3A_76 = arith.addi %mul3A_45, %add3A_75 : i32
      "tpu.region"() ({
        %run_scoped3A = tpu.sem_alloc : memref<!tpu.dma_semaphore, #tpu.memory_space<semaphore_mem>>
        %dma_start3A_107 = arith.constant 0 : i32
        %dma_start3A_108 = tpu.memref_slice %arg8[%add3A_76, %dma_start3A_107] : memref<40x128xi32, #tpu.memory_space<vmem>> -> memref<1x128xi32, #tpu.memory_space<vmem>>
        %dma_start3A_109 = tpu.memref_squeeze %dma_start3A_108 : memref<1x128xi32, #tpu.memory_space<vmem>> -> memref<128xi32, #tpu.memory_space<vmem>>
        %dma_start3A_110 = arith.constant 0 : i32
        %dma_start3A_111 = arith.constant 0 : i32
        %dma_start3A_112 = tpu.memref_slice %arg11[%dma_start3A_110, %dma_start3A_111] : memref<10240x128xf32, #tpu.memory_space<vmem_shared>> -> memref<10240x128xf32, #tpu.memory_space<vmem_shared>>
        tpu.enqueue_indirect_dma source(%arg10 : memref<128x128xf32, #tpu.memory_space<vmem>>) target(%dma_start3A_112 : memref<10240x128xf32, #tpu.memory_space<vmem_shared>>) offsets(%dma_start3A_109 : memref<128xi32, #tpu.memory_space<vmem>>) semaphore(%run_scoped3A : memref<!tpu.dma_semaphore, #tpu.memory_space<semaphore_mem>>) {add = true}
        %dma_wait3A_113 = arith.constant 0 : i32
        %dma_wait3A_114 = tpu.memref_slice %arg8[%add3A_76, %dma_wait3A_113] : memref<40x128xi32, #tpu.memory_space<vmem>> -> memref<1x128xi32, #tpu.memory_space<vmem>>
        %dma_wait3A_115 = tpu.memref_squeeze %dma_wait3A_114 : memref<1x128xi32, #tpu.memory_space<vmem>> -> memref<128xi32, #tpu.memory_space<vmem>>
        %dma_wait3A_116 = arith.constant 0 : i32
        %dma_wait3A_117 = arith.constant 0 : i32
        %dma_wait3A_118 = tpu.memref_slice %arg11[%dma_wait3A_116, %dma_wait3A_117] : memref<10240x128xf32, #tpu.memory_space<vmem_shared>> -> memref<10240x128xf32, #tpu.memory_space<vmem_shared>>
        tpu.wait_indirect_dma semaphore(%run_scoped3A : memref<!tpu.dma_semaphore, #tpu.memory_space<semaphore_mem>>) src(%arg10 : memref<128x128xf32, #tpu.memory_space<vmem>>) dst(%dma_wait3A_118 : memref<10240x128xf32, #tpu.memory_space<vmem_shared>>)
        tpu.yield
      }) : () -> ()
      %add3A_77 = arith.constant 3 : i32
      %add3A_78 = arith.addi %mul3A_45, %add3A_77 : i32
      %dma_start3A_79 = arith.constant 0 : i32
      %dma_start3A_80 = tpu.memref_slice %arg7[%add3A_78, %dma_start3A_79] : memref<40x128xi32, #tpu.memory_space<vmem>> -> memref<1x128xi32, #tpu.memory_space<vmem>>
      %dma_start3A_81 = tpu.memref_squeeze %dma_start3A_80 : memref<1x128xi32, #tpu.memory_space<vmem>> -> memref<128xi32, #tpu.memory_space<vmem>>
      %dma_start3A_82 = arith.constant 0 : i32
      %dma_start3A_83 = arith.constant 0 : i32
      %dma_start3A_84 = tpu.memref_slice %arg4[%dma_start3A_82, %dma_start3A_83] : memref<10240x128xf32, #tpu.memory_space<hbm>> -> memref<10240x128xf32, #tpu.memory_space<hbm>>
      tpu.enqueue_indirect_dma source(%dma_start3A_84 : memref<10240x128xf32, #tpu.memory_space<hbm>>) target(%arg10 : memref<128x128xf32, #tpu.memory_space<vmem>>) offsets(%dma_start3A_81 : memref<128xi32, #tpu.memory_space<vmem>>) semaphore(%arg13 : memref<!tpu.dma_semaphore, #tpu.memory_space<semaphore_mem>>)
      %add3A_85 = arith.constant 2 : i32
      %add3A_86 = arith.addi %mul3A_45, %add3A_85 : i32
      %dma_wait3A_87 = arith.constant 0 : i32
      %dma_wait3A_88 = tpu.memref_slice %arg7[%add3A_86, %dma_wait3A_87] : memref<40x128xi32, #tpu.memory_space<vmem>> -> memref<1x128xi32, #tpu.memory_space<vmem>>
      %dma_wait3A_89 = tpu.memref_squeeze %dma_wait3A_88 : memref<1x128xi32, #tpu.memory_space<vmem>> -> memref<128xi32, #tpu.memory_space<vmem>>
      %dma_wait3A_90 = arith.constant 0 : i32
      %dma_wait3A_91 = arith.constant 0 : i32
      %dma_wait3A_92 = tpu.memref_slice %arg4[%dma_wait3A_90, %dma_wait3A_91] : memref<10240x128xf32, #tpu.memory_space<hbm>> -> memref<10240x128xf32, #tpu.memory_space<hbm>>
      tpu.wait_indirect_dma semaphore(%arg12 : memref<!tpu.dma_semaphore, #tpu.memory_space<semaphore_mem>>) src(%dma_wait3A_92 : memref<10240x128xf32, #tpu.memory_space<hbm>>) dst(%arg9 : memref<128x128xf32, #tpu.memory_space<vmem>>)
      %add3A_93 = arith.constant 2 : i32
      %add3A_94 = arith.addi %mul3A_45, %add3A_93 : i32
      "tpu.region"() ({
        %run_scoped3A = tpu.sem_alloc : memref<!tpu.dma_semaphore, #tpu.memory_space<semaphore_mem>>
        %dma_start3A_107 = arith.constant 0 : i32
        %dma_start3A_108 = tpu.memref_slice %arg8[%add3A_94, %dma_start3A_107] : memref<40x128xi32, #tpu.memory_space<vmem>> -> memref<1x128xi32, #tpu.memory_space<vmem>>
        %dma_start3A_109 = tpu.memref_squeeze %dma_start3A_108 : memref<1x128xi32, #tpu.memory_space<vmem>> -> memref<128xi32, #tpu.memory_space<vmem>>
        %dma_start3A_110 = arith.constant 0 : i32
        %dma_start3A_111 = arith.constant 0 : i32
        %dma_start3A_112 = tpu.memref_slice %arg11[%dma_start3A_110, %dma_start3A_111] : memref<10240x128xf32, #tpu.memory_space<vmem_shared>> -> memref<10240x128xf32, #tpu.memory_space<vmem_shared>>
        tpu.enqueue_indirect_dma source(%arg9 : memref<128x128xf32, #tpu.memory_space<vmem>>) target(%dma_start3A_112 : memref<10240x128xf32, #tpu.memory_space<vmem_shared>>) offsets(%dma_start3A_109 : memref<128xi32, #tpu.memory_space<vmem>>) semaphore(%run_scoped3A : memref<!tpu.dma_semaphore, #tpu.memory_space<semaphore_mem>>) {add = true}
        %dma_wait3A_113 = arith.constant 0 : i32
        %dma_wait3A_114 = tpu.memref_slice %arg8[%add3A_94, %dma_wait3A_113] : memref<40x128xi32, #tpu.memory_space<vmem>> -> memref<1x128xi32, #tpu.memory_space<vmem>>
        %dma_wait3A_115 = tpu.memref_squeeze %dma_wait3A_114 : memref<1x128xi32, #tpu.memory_space<vmem>> -> memref<128xi32, #tpu.memory_space<vmem>>
        %dma_wait3A_116 = arith.constant 0 : i32
        %dma_wait3A_117 = arith.constant 0 : i32
        %dma_wait3A_118 = tpu.memref_slice %arg11[%dma_wait3A_116, %dma_wait3A_117] : memref<10240x128xf32, #tpu.memory_space<vmem_shared>> -> memref<10240x128xf32, #tpu.memory_space<vmem_shared>>
        tpu.wait_indirect_dma semaphore(%run_scoped3A : memref<!tpu.dma_semaphore, #tpu.memory_space<semaphore_mem>>) src(%arg9 : memref<128x128xf32, #tpu.memory_space<vmem>>) dst(%dma_wait3A_118 : memref<10240x128xf32, #tpu.memory_space<vmem_shared>>)
        tpu.yield
      }) : () -> ()
      %lt3A = arith.constant 9 : i32
      %lt3A_95 = arith.cmpi slt, %scan3A_43, %lt3A : i32
      %convert_element_type3A = arith.extui %lt3A_95 : i1 to i32
      %cond3A = arith.constant 0 : i32
      %cond3A_96 = arith.cmpi ne, %convert_element_type3A, %cond3A : i32
      scf.if %cond3A_96 {
        %add3A_107 = arith.constant 4 : i32
        %add3A_108 = arith.addi %mul3A_45, %add3A_107 : i32
        %dma_start3A_109 = arith.constant 0 : i32
        %dma_start3A_110 = tpu.memref_slice %arg7[%add3A_108, %dma_start3A_109] : memref<40x128xi32, #tpu.memory_space<vmem>> -> memref<1x128xi32, #tpu.memory_space<vmem>>
        %dma_start3A_111 = tpu.memref_squeeze %dma_start3A_110 : memref<1x128xi32, #tpu.memory_space<vmem>> -> memref<128xi32, #tpu.memory_space<vmem>>
        %dma_start3A_112 = arith.constant 0 : i32
        %dma_start3A_113 = arith.constant 0 : i32
        %dma_start3A_114 = tpu.memref_slice %arg4[%dma_start3A_112, %dma_start3A_113] : memref<10240x128xf32, #tpu.memory_space<hbm>> -> memref<10240x128xf32, #tpu.memory_space<hbm>>
        tpu.enqueue_indirect_dma source(%dma_start3A_114 : memref<10240x128xf32, #tpu.memory_space<hbm>>) target(%arg9 : memref<128x128xf32, #tpu.memory_space<vmem>>) offsets(%dma_start3A_111 : memref<128xi32, #tpu.memory_space<vmem>>) semaphore(%arg12 : memref<!tpu.dma_semaphore, #tpu.memory_space<semaphore_mem>>)
      } else {
      }
      %add3A_97 = arith.constant 3 : i32
      %add3A_98 = arith.addi %mul3A_45, %add3A_97 : i32
      %dma_wait3A_99 = arith.constant 0 : i32
      %dma_wait3A_100 = tpu.memref_slice %arg7[%add3A_98, %dma_wait3A_99] : memref<40x128xi32, #tpu.memory_space<vmem>> -> memref<1x128xi32, #tpu.memory_space<vmem>>
      %dma_wait3A_101 = tpu.memref_squeeze %dma_wait3A_100 : memref<1x128xi32, #tpu.memory_space<vmem>> -> memref<128xi32, #tpu.memory_space<vmem>>
      %dma_wait3A_102 = arith.constant 0 : i32
      %dma_wait3A_103 = arith.constant 0 : i32
      %dma_wait3A_104 = tpu.memref_slice %arg4[%dma_wait3A_102, %dma_wait3A_103] : memref<10240x128xf32, #tpu.memory_space<hbm>> -> memref<10240x128xf32, #tpu.memory_space<hbm>>
      tpu.wait_indirect_dma semaphore(%arg13 : memref<!tpu.dma_semaphore, #tpu.memory_space<semaphore_mem>>) src(%dma_wait3A_104 : memref<10240x128xf32, #tpu.memory_space<hbm>>) dst(%arg10 : memref<128x128xf32, #tpu.memory_space<vmem>>)
      %add3A_105 = arith.constant 3 : i32
      %add3A_106 = arith.addi %mul3A_45, %add3A_105 : i32
      "tpu.region"() ({
        %run_scoped3A = tpu.sem_alloc : memref<!tpu.dma_semaphore, #tpu.memory_space<semaphore_mem>>
        %dma_start3A_107 = arith.constant 0 : i32
        %dma_start3A_108 = tpu.memref_slice %arg8[%add3A_106, %dma_start3A_107] : memref<40x128xi32, #tpu.memory_space<vmem>> -> memref<1x128xi32, #tpu.memory_space<vmem>>
        %dma_start3A_109 = tpu.memref_squeeze %dma_start3A_108 : memref<1x128xi32, #tpu.memory_space<vmem>> -> memref<128xi32, #tpu.memory_space<vmem>>
        %dma_start3A_110 = arith.constant 0 : i32
        %dma_start3A_111 = arith.constant 0 : i32
        %dma_start3A_112 = tpu.memref_slice %arg11[%dma_start3A_110, %dma_start3A_111] : memref<10240x128xf32, #tpu.memory_space<vmem_shared>> -> memref<10240x128xf32, #tpu.memory_space<vmem_shared>>
        tpu.enqueue_indirect_dma source(%arg10 : memref<128x128xf32, #tpu.memory_space<vmem>>) target(%dma_start3A_112 : memref<10240x128xf32, #tpu.memory_space<vmem_shared>>) offsets(%dma_start3A_109 : memref<128xi32, #tpu.memory_space<vmem>>) semaphore(%run_scoped3A : memref<!tpu.dma_semaphore, #tpu.memory_space<semaphore_mem>>) {add = true}
        %dma_wait3A_113 = arith.constant 0 : i32
        %dma_wait3A_114 = tpu.memref_slice %arg8[%add3A_106, %dma_wait3A_113] : memref<40x128xi32, #tpu.memory_space<vmem>> -> memref<1x128xi32, #tpu.memory_space<vmem>>
        %dma_wait3A_115 = tpu.memref_squeeze %dma_wait3A_114 : memref<1x128xi32, #tpu.memory_space<vmem>> -> memref<128xi32, #tpu.memory_space<vmem>>
        %dma_wait3A_116 = arith.constant 0 : i32
        %dma_wait3A_117 = arith.constant 0 : i32
        %dma_wait3A_118 = tpu.memref_slice %arg11[%dma_wait3A_116, %dma_wait3A_117] : memref<10240x128xf32, #tpu.memory_space<vmem_shared>> -> memref<10240x128xf32, #tpu.memory_space<vmem_shared>>
        tpu.wait_indirect_dma semaphore(%run_scoped3A : memref<!tpu.dma_semaphore, #tpu.memory_space<semaphore_mem>>) src(%arg10 : memref<128x128xf32, #tpu.memory_space<vmem>>) dst(%dma_wait3A_118 : memref<10240x128xf32, #tpu.memory_space<vmem_shared>>)
        tpu.yield
      }) : () -> ()
    }
    %scan3A_17 = arith.constant 10 : i32
    %mul3A_18 = arith.constant 80 : i32
    %mul3A_19 = arith.muli %add3A, %mul3A_18 : i32
    %add3A_20 = arith.constant 40 : i32
    %add3A_21 = arith.addi %mul3A_19, %add3A_20 : i32
    "tpu.region"() ({
      %run_scoped3A = tpu.sem_alloc : memref<!tpu.dma_semaphore, #tpu.memory_space<semaphore_mem>>
      %dma_start3A_43 = arith.constant 0 : i32
      %dma_start3A_44 = tpu.memref_slice %arg2[%add3A_21, %dma_start3A_43] : memref<2560x128xi32, #tpu.memory_space<hbm>> -> memref<40x128xi32, #tpu.memory_space<hbm>>
      %dma_start3A_45 = arith.constant 0 : i32
      %dma_start3A_46 = tpu.memref_slice %arg2[%add3A_21, %dma_start3A_45] : memref<2560x128xi32, #tpu.memory_space<hbm>> -> memref<40x128xi32, #tpu.memory_space<hbm>>
      tpu.enqueue_dma source(%dma_start3A_46 : memref<40x128xi32, #tpu.memory_space<hbm>>) target(%arg7 : memref<40x128xi32, #tpu.memory_space<vmem>>) target_semaphore(%run_scoped3A : memref<!tpu.dma_semaphore, #tpu.memory_space<semaphore_mem>>)
      %dma_wait3A = arith.constant 0 : i32
      %dma_wait3A_47 = tpu.memref_slice %arg2[%add3A_21, %dma_wait3A] : memref<2560x128xi32, #tpu.memory_space<hbm>> -> memref<40x128xi32, #tpu.memory_space<hbm>>
      %dma_wait3A_48 = arith.constant 0 : i32
      %dma_wait3A_49 = tpu.memref_slice %arg2[%add3A_21, %dma_wait3A_48] : memref<2560x128xi32, #tpu.memory_space<hbm>> -> memref<40x128xi32, #tpu.memory_space<hbm>>
      tpu.wait_dma2 semaphore(%run_scoped3A : memref<!tpu.dma_semaphore, #tpu.memory_space<semaphore_mem>>) src(%dma_wait3A_49 : memref<40x128xi32, #tpu.memory_space<hbm>>) dst(%arg7 : memref<40x128xi32, #tpu.memory_space<vmem>>)
      tpu.yield
    }) : () -> ()
    "tpu.region"() ({
      %run_scoped3A = tpu.sem_alloc : memref<!tpu.dma_semaphore, #tpu.memory_space<semaphore_mem>>
      %dma_start3A_43 = arith.constant 0 : i32
      %dma_start3A_44 = tpu.memref_slice %arg3[%add3A_21, %dma_start3A_43] : memref<2560x128xi32, #tpu.memory_space<hbm>> -> memref<40x128xi32, #tpu.memory_space<hbm>>
      %dma_start3A_45 = arith.constant 0 : i32
      %dma_start3A_46 = tpu.memref_slice %arg3[%add3A_21, %dma_start3A_45] : memref<2560x128xi32, #tpu.memory_space<hbm>> -> memref<40x128xi32, #tpu.memory_space<hbm>>
      tpu.enqueue_dma source(%dma_start3A_46 : memref<40x128xi32, #tpu.memory_space<hbm>>) target(%arg8 : memref<40x128xi32, #tpu.memory_space<vmem>>) target_semaphore(%run_scoped3A : memref<!tpu.dma_semaphore, #tpu.memory_space<semaphore_mem>>)
      %dma_wait3A = arith.constant 0 : i32
      %dma_wait3A_47 = tpu.memref_slice %arg3[%add3A_21, %dma_wait3A] : memref<2560x128xi32, #tpu.memory_space<hbm>> -> memref<40x128xi32, #tpu.memory_space<hbm>>
      %dma_wait3A_48 = arith.constant 0 : i32
      %dma_wait3A_49 = tpu.memref_slice %arg3[%add3A_21, %dma_wait3A_48] : memref<2560x128xi32, #tpu.memory_space<hbm>> -> memref<40x128xi32, #tpu.memory_space<hbm>>
      tpu.wait_dma2 semaphore(%run_scoped3A : memref<!tpu.dma_semaphore, #tpu.memory_space<semaphore_mem>>) src(%dma_wait3A_49 : memref<40x128xi32, #tpu.memory_space<hbm>>) dst(%arg8 : memref<40x128xi32, #tpu.memory_space<vmem>>)
      tpu.yield
    }) : () -> ()
    %dma_start3A_22 = arith.constant 0 : i32
    %dma_start3A_23 = arith.constant 0 : i32
    %dma_start3A_24 = tpu.memref_slice %arg7[%dma_start3A_22, %dma_start3A_23] : memref<40x128xi32, #tpu.memory_space<vmem>> -> memref<1x128xi32, #tpu.memory_space<vmem>>
    %dma_start3A_25 = tpu.memref_squeeze %dma_start3A_24 : memref<1x128xi32, #tpu.memory_space<vmem>> -> memref<128xi32, #tpu.memory_space<vmem>>
    %dma_start3A_26 = arith.constant 0 : i32
    %dma_start3A_27 = arith.constant 0 : i32
    %dma_start3A_28 = tpu.memref_slice %arg4[%dma_start3A_26, %dma_start3A_27] : memref<10240x128xf32, #tpu.memory_space<hbm>> -> memref<10240x128xf32, #tpu.memory_space<hbm>>
    tpu.enqueue_indirect_dma source(%dma_start3A_28 : memref<10240x128xf32, #tpu.memory_space<hbm>>) target(%arg9 : memref<128x128xf32, #tpu.memory_space<vmem>>) offsets(%dma_start3A_25 : memref<128xi32, #tpu.memory_space<vmem>>) semaphore(%arg12 : memref<!tpu.dma_semaphore, #tpu.memory_space<semaphore_mem>>)
    %scan3A_29 = arith.constant 0 : i32
    %scan3A_30 = arith.constant 0 : i32
    %scan3A_31 = arith.constant 10 : i32
    %scan3A_32 = arith.addi %scan3A_30, %scan3A_31 : i32
    %scan3A_33 = arith.constant 1 : i32
    scf.for %scan3A_43 = %scan3A_30 to %scan3A_32 step %scan3A_33  : i32 {
      %mul3A_44 = arith.constant 4 : i32
      %mul3A_45 = arith.muli %mul3A_44, %scan3A_43 : i32
      %add3A_46 = arith.constant 1 : i32
      %add3A_47 = arith.addi %mul3A_45, %add3A_46 : i32
      %dma_start3A_48 = arith.constant 0 : i32
      %dma_start3A_49 = tpu.memref_slice %arg7[%add3A_47, %dma_start3A_48] : memref<40x128xi32, #tpu.memory_space<vmem>> -> memref<1x128xi32, #tpu.memory_space<vmem>>
      %dma_start3A_50 = tpu.memref_squeeze %dma_start3A_49 : memref<1x128xi32, #tpu.memory_space<vmem>> -> memref<128xi32, #tpu.memory_space<vmem>>
      %dma_start3A_51 = arith.constant 0 : i32
      %dma_start3A_52 = arith.constant 0 : i32
      %dma_start3A_53 = tpu.memref_slice %arg4[%dma_start3A_51, %dma_start3A_52] : memref<10240x128xf32, #tpu.memory_space<hbm>> -> memref<10240x128xf32, #tpu.memory_space<hbm>>
      tpu.enqueue_indirect_dma source(%dma_start3A_53 : memref<10240x128xf32, #tpu.memory_space<hbm>>) target(%arg10 : memref<128x128xf32, #tpu.memory_space<vmem>>) offsets(%dma_start3A_50 : memref<128xi32, #tpu.memory_space<vmem>>) semaphore(%arg13 : memref<!tpu.dma_semaphore, #tpu.memory_space<semaphore_mem>>)
      %dma_wait3A = arith.constant 0 : i32
      %dma_wait3A_54 = tpu.memref_slice %arg7[%mul3A_45, %dma_wait3A] : memref<40x128xi32, #tpu.memory_space<vmem>> -> memref<1x128xi32, #tpu.memory_space<vmem>>
      %dma_wait3A_55 = tpu.memref_squeeze %dma_wait3A_54 : memref<1x128xi32, #tpu.memory_space<vmem>> -> memref<128xi32, #tpu.memory_space<vmem>>
      %dma_wait3A_56 = arith.constant 0 : i32
      %dma_wait3A_57 = arith.constant 0 : i32
      %dma_wait3A_58 = tpu.memref_slice %arg4[%dma_wait3A_56, %dma_wait3A_57] : memref<10240x128xf32, #tpu.memory_space<hbm>> -> memref<10240x128xf32, #tpu.memory_space<hbm>>
      tpu.wait_indirect_dma semaphore(%arg12 : memref<!tpu.dma_semaphore, #tpu.memory_space<semaphore_mem>>) src(%dma_wait3A_58 : memref<10240x128xf32, #tpu.memory_space<hbm>>) dst(%arg9 : memref<128x128xf32, #tpu.memory_space<vmem>>)
      "tpu.region"() ({
        %run_scoped3A = tpu.sem_alloc : memref<!tpu.dma_semaphore, #tpu.memory_space<semaphore_mem>>
        %dma_start3A_107 = arith.constant 0 : i32
        %dma_start3A_108 = tpu.memref_slice %arg8[%mul3A_45, %dma_start3A_107] : memref<40x128xi32, #tpu.memory_space<vmem>> -> memref<1x128xi32, #tpu.memory_space<vmem>>
        %dma_start3A_109 = tpu.memref_squeeze %dma_start3A_108 : memref<1x128xi32, #tpu.memory_space<vmem>> -> memref<128xi32, #tpu.memory_space<vmem>>
        %dma_start3A_110 = arith.constant 0 : i32
        %dma_start3A_111 = arith.constant 0 : i32
        %dma_start3A_112 = tpu.memref_slice %arg11[%dma_start3A_110, %dma_start3A_111] : memref<10240x128xf32, #tpu.memory_space<vmem_shared>> -> memref<10240x128xf32, #tpu.memory_space<vmem_shared>>
        tpu.enqueue_indirect_dma source(%arg9 : memref<128x128xf32, #tpu.memory_space<vmem>>) target(%dma_start3A_112 : memref<10240x128xf32, #tpu.memory_space<vmem_shared>>) offsets(%dma_start3A_109 : memref<128xi32, #tpu.memory_space<vmem>>) semaphore(%run_scoped3A : memref<!tpu.dma_semaphore, #tpu.memory_space<semaphore_mem>>) {add = true}
        %dma_wait3A_113 = arith.constant 0 : i32
        %dma_wait3A_114 = tpu.memref_slice %arg8[%mul3A_45, %dma_wait3A_113] : memref<40x128xi32, #tpu.memory_space<vmem>> -> memref<1x128xi32, #tpu.memory_space<vmem>>
        %dma_wait3A_115 = tpu.memref_squeeze %dma_wait3A_114 : memref<1x128xi32, #tpu.memory_space<vmem>> -> memref<128xi32, #tpu.memory_space<vmem>>
        %dma_wait3A_116 = arith.constant 0 : i32
        %dma_wait3A_117 = arith.constant 0 : i32
        %dma_wait3A_118 = tpu.memref_slice %arg11[%dma_wait3A_116, %dma_wait3A_117] : memref<10240x128xf32, #tpu.memory_space<vmem_shared>> -> memref<10240x128xf32, #tpu.memory_space<vmem_shared>>
        tpu.wait_indirect_dma semaphore(%run_scoped3A : memref<!tpu.dma_semaphore, #tpu.memory_space<semaphore_mem>>) src(%arg9 : memref<128x128xf32, #tpu.memory_space<vmem>>) dst(%dma_wait3A_118 : memref<10240x128xf32, #tpu.memory_space<vmem_shared>>)
        tpu.yield
      }) : () -> ()
      %add3A_59 = arith.constant 2 : i32
      %add3A_60 = arith.addi %mul3A_45, %add3A_59 : i32
      %dma_start3A_61 = arith.constant 0 : i32
      %dma_start3A_62 = tpu.memref_slice %arg7[%add3A_60, %dma_start3A_61] : memref<40x128xi32, #tpu.memory_space<vmem>> -> memref<1x128xi32, #tpu.memory_space<vmem>>
      %dma_start3A_63 = tpu.memref_squeeze %dma_start3A_62 : memref<1x128xi32, #tpu.memory_space<vmem>> -> memref<128xi32, #tpu.memory_space<vmem>>
      %dma_start3A_64 = arith.constant 0 : i32
      %dma_start3A_65 = arith.constant 0 : i32
      %dma_start3A_66 = tpu.memref_slice %arg4[%dma_start3A_64, %dma_start3A_65] : memref<10240x128xf32, #tpu.memory_space<hbm>> -> memref<10240x128xf32, #tpu.memory_space<hbm>>
      tpu.enqueue_indirect_dma source(%dma_start3A_66 : memref<10240x128xf32, #tpu.memory_space<hbm>>) target(%arg9 : memref<128x128xf32, #tpu.memory_space<vmem>>) offsets(%dma_start3A_63 : memref<128xi32, #tpu.memory_space<vmem>>) semaphore(%arg12 : memref<!tpu.dma_semaphore, #tpu.memory_space<semaphore_mem>>)
      %add3A_67 = arith.constant 1 : i32
      %add3A_68 = arith.addi %mul3A_45, %add3A_67 : i32
      %dma_wait3A_69 = arith.constant 0 : i32
      %dma_wait3A_70 = tpu.memref_slice %arg7[%add3A_68, %dma_wait3A_69] : memref<40x128xi32, #tpu.memory_space<vmem>> -> memref<1x128xi32, #tpu.memory_space<vmem>>
      %dma_wait3A_71 = tpu.memref_squeeze %dma_wait3A_70 : memref<1x128xi32, #tpu.memory_space<vmem>> -> memref<128xi32, #tpu.memory_space<vmem>>
      %dma_wait3A_72 = arith.constant 0 : i32
      %dma_wait3A_73 = arith.constant 0 : i32
      %dma_wait3A_74 = tpu.memref_slice %arg4[%dma_wait3A_72, %dma_wait3A_73] : memref<10240x128xf32, #tpu.memory_space<hbm>> -> memref<10240x128xf32, #tpu.memory_space<hbm>>
      tpu.wait_indirect_dma semaphore(%arg13 : memref<!tpu.dma_semaphore, #tpu.memory_space<semaphore_mem>>) src(%dma_wait3A_74 : memref<10240x128xf32, #tpu.memory_space<hbm>>) dst(%arg10 : memref<128x128xf32, #tpu.memory_space<vmem>>)
      %add3A_75 = arith.constant 1 : i32
      %add3A_76 = arith.addi %mul3A_45, %add3A_75 : i32
      "tpu.region"() ({
        %run_scoped3A = tpu.sem_alloc : memref<!tpu.dma_semaphore, #tpu.memory_space<semaphore_mem>>
        %dma_start3A_107 = arith.constant 0 : i32
        %dma_start3A_108 = tpu.memref_slice %arg8[%add3A_76, %dma_start3A_107] : memref<40x128xi32, #tpu.memory_space<vmem>> -> memref<1x128xi32, #tpu.memory_space<vmem>>
        %dma_start3A_109 = tpu.memref_squeeze %dma_start3A_108 : memref<1x128xi32, #tpu.memory_space<vmem>> -> memref<128xi32, #tpu.memory_space<vmem>>
        %dma_start3A_110 = arith.constant 0 : i32
        %dma_start3A_111 = arith.constant 0 : i32
        %dma_start3A_112 = tpu.memref_slice %arg11[%dma_start3A_110, %dma_start3A_111] : memref<10240x128xf32, #tpu.memory_space<vmem_shared>> -> memref<10240x128xf32, #tpu.memory_space<vmem_shared>>
        tpu.enqueue_indirect_dma source(%arg10 : memref<128x128xf32, #tpu.memory_space<vmem>>) target(%dma_start3A_112 : memref<10240x128xf32, #tpu.memory_space<vmem_shared>>) offsets(%dma_start3A_109 : memref<128xi32, #tpu.memory_space<vmem>>) semaphore(%run_scoped3A : memref<!tpu.dma_semaphore, #tpu.memory_space<semaphore_mem>>) {add = true}
        %dma_wait3A_113 = arith.constant 0 : i32
        %dma_wait3A_114 = tpu.memref_slice %arg8[%add3A_76, %dma_wait3A_113] : memref<40x128xi32, #tpu.memory_space<vmem>> -> memref<1x128xi32, #tpu.memory_space<vmem>>
        %dma_wait3A_115 = tpu.memref_squeeze %dma_wait3A_114 : memref<1x128xi32, #tpu.memory_space<vmem>> -> memref<128xi32, #tpu.memory_space<vmem>>
        %dma_wait3A_116 = arith.constant 0 : i32
        %dma_wait3A_117 = arith.constant 0 : i32
        %dma_wait3A_118 = tpu.memref_slice %arg11[%dma_wait3A_116, %dma_wait3A_117] : memref<10240x128xf32, #tpu.memory_space<vmem_shared>> -> memref<10240x128xf32, #tpu.memory_space<vmem_shared>>
        tpu.wait_indirect_dma semaphore(%run_scoped3A : memref<!tpu.dma_semaphore, #tpu.memory_space<semaphore_mem>>) src(%arg10 : memref<128x128xf32, #tpu.memory_space<vmem>>) dst(%dma_wait3A_118 : memref<10240x128xf32, #tpu.memory_space<vmem_shared>>)
        tpu.yield
      }) : () -> ()
      %add3A_77 = arith.constant 3 : i32
      %add3A_78 = arith.addi %mul3A_45, %add3A_77 : i32
      %dma_start3A_79 = arith.constant 0 : i32
      %dma_start3A_80 = tpu.memref_slice %arg7[%add3A_78, %dma_start3A_79] : memref<40x128xi32, #tpu.memory_space<vmem>> -> memref<1x128xi32, #tpu.memory_space<vmem>>
      %dma_start3A_81 = tpu.memref_squeeze %dma_start3A_80 : memref<1x128xi32, #tpu.memory_space<vmem>> -> memref<128xi32, #tpu.memory_space<vmem>>
      %dma_start3A_82 = arith.constant 0 : i32
      %dma_start3A_83 = arith.constant 0 : i32
      %dma_start3A_84 = tpu.memref_slice %arg4[%dma_start3A_82, %dma_start3A_83] : memref<10240x128xf32, #tpu.memory_space<hbm>> -> memref<10240x128xf32, #tpu.memory_space<hbm>>
      tpu.enqueue_indirect_dma source(%dma_start3A_84 : memref<10240x128xf32, #tpu.memory_space<hbm>>) target(%arg10 : memref<128x128xf32, #tpu.memory_space<vmem>>) offsets(%dma_start3A_81 : memref<128xi32, #tpu.memory_space<vmem>>) semaphore(%arg13 : memref<!tpu.dma_semaphore, #tpu.memory_space<semaphore_mem>>)
      %add3A_85 = arith.constant 2 : i32
      %add3A_86 = arith.addi %mul3A_45, %add3A_85 : i32
      %dma_wait3A_87 = arith.constant 0 : i32
      %dma_wait3A_88 = tpu.memref_slice %arg7[%add3A_86, %dma_wait3A_87] : memref<40x128xi32, #tpu.memory_space<vmem>> -> memref<1x128xi32, #tpu.memory_space<vmem>>
      %dma_wait3A_89 = tpu.memref_squeeze %dma_wait3A_88 : memref<1x128xi32, #tpu.memory_space<vmem>> -> memref<128xi32, #tpu.memory_space<vmem>>
      %dma_wait3A_90 = arith.constant 0 : i32
      %dma_wait3A_91 = arith.constant 0 : i32
      %dma_wait3A_92 = tpu.memref_slice %arg4[%dma_wait3A_90, %dma_wait3A_91] : memref<10240x128xf32, #tpu.memory_space<hbm>> -> memref<10240x128xf32, #tpu.memory_space<hbm>>
      tpu.wait_indirect_dma semaphore(%arg12 : memref<!tpu.dma_semaphore, #tpu.memory_space<semaphore_mem>>) src(%dma_wait3A_92 : memref<10240x128xf32, #tpu.memory_space<hbm>>) dst(%arg9 : memref<128x128xf32, #tpu.memory_space<vmem>>)
      %add3A_93 = arith.constant 2 : i32
      %add3A_94 = arith.addi %mul3A_45, %add3A_93 : i32
      "tpu.region"() ({
        %run_scoped3A = tpu.sem_alloc : memref<!tpu.dma_semaphore, #tpu.memory_space<semaphore_mem>>
        %dma_start3A_107 = arith.constant 0 : i32
        %dma_start3A_108 = tpu.memref_slice %arg8[%add3A_94, %dma_start3A_107] : memref<40x128xi32, #tpu.memory_space<vmem>> -> memref<1x128xi32, #tpu.memory_space<vmem>>
        %dma_start3A_109 = tpu.memref_squeeze %dma_start3A_108 : memref<1x128xi32, #tpu.memory_space<vmem>> -> memref<128xi32, #tpu.memory_space<vmem>>
        %dma_start3A_110 = arith.constant 0 : i32
        %dma_start3A_111 = arith.constant 0 : i32
        %dma_start3A_112 = tpu.memref_slice %arg11[%dma_start3A_110, %dma_start3A_111] : memref<10240x128xf32, #tpu.memory_space<vmem_shared>> -> memref<10240x128xf32, #tpu.memory_space<vmem_shared>>
        tpu.enqueue_indirect_dma source(%arg9 : memref<128x128xf32, #tpu.memory_space<vmem>>) target(%dma_start3A_112 : memref<10240x128xf32, #tpu.memory_space<vmem_shared>>) offsets(%dma_start3A_109 : memref<128xi32, #tpu.memory_space<vmem>>) semaphore(%run_scoped3A : memref<!tpu.dma_semaphore, #tpu.memory_space<semaphore_mem>>) {add = true}
        %dma_wait3A_113 = arith.constant 0 : i32
        %dma_wait3A_114 = tpu.memref_slice %arg8[%add3A_94, %dma_wait3A_113] : memref<40x128xi32, #tpu.memory_space<vmem>> -> memref<1x128xi32, #tpu.memory_space<vmem>>
        %dma_wait3A_115 = tpu.memref_squeeze %dma_wait3A_114 : memref<1x128xi32, #tpu.memory_space<vmem>> -> memref<128xi32, #tpu.memory_space<vmem>>
        %dma_wait3A_116 = arith.constant 0 : i32
        %dma_wait3A_117 = arith.constant 0 : i32
        %dma_wait3A_118 = tpu.memref_slice %arg11[%dma_wait3A_116, %dma_wait3A_117] : memref<10240x128xf32, #tpu.memory_space<vmem_shared>> -> memref<10240x128xf32, #tpu.memory_space<vmem_shared>>
        tpu.wait_indirect_dma semaphore(%run_scoped3A : memref<!tpu.dma_semaphore, #tpu.memory_space<semaphore_mem>>) src(%arg9 : memref<128x128xf32, #tpu.memory_space<vmem>>) dst(%dma_wait3A_118 : memref<10240x128xf32, #tpu.memory_space<vmem_shared>>)
        tpu.yield
      }) : () -> ()
      %lt3A = arith.constant 9 : i32
      %lt3A_95 = arith.cmpi slt, %scan3A_43, %lt3A : i32
      %convert_element_type3A = arith.extui %lt3A_95 : i1 to i32
      %cond3A = arith.constant 0 : i32
      %cond3A_96 = arith.cmpi ne, %convert_element_type3A, %cond3A : i32
      scf.if %cond3A_96 {
        %add3A_107 = arith.constant 4 : i32
        %add3A_108 = arith.addi %mul3A_45, %add3A_107 : i32
        %dma_start3A_109 = arith.constant 0 : i32
        %dma_start3A_110 = tpu.memref_slice %arg7[%add3A_108, %dma_start3A_109] : memref<40x128xi32, #tpu.memory_space<vmem>> -> memref<1x128xi32, #tpu.memory_space<vmem>>
        %dma_start3A_111 = tpu.memref_squeeze %dma_start3A_110 : memref<1x128xi32, #tpu.memory_space<vmem>> -> memref<128xi32, #tpu.memory_space<vmem>>
        %dma_start3A_112 = arith.constant 0 : i32
        %dma_start3A_113 = arith.constant 0 : i32
        %dma_start3A_114 = tpu.memref_slice %arg4[%dma_start3A_112, %dma_start3A_113] : memref<10240x128xf32, #tpu.memory_space<hbm>> -> memref<10240x128xf32, #tpu.memory_space<hbm>>
        tpu.enqueue_indirect_dma source(%dma_start3A_114 : memref<10240x128xf32, #tpu.memory_space<hbm>>) target(%arg9 : memref<128x128xf32, #tpu.memory_space<vmem>>) offsets(%dma_start3A_111 : memref<128xi32, #tpu.memory_space<vmem>>) semaphore(%arg12 : memref<!tpu.dma_semaphore, #tpu.memory_space<semaphore_mem>>)
      } else {
      }
      %add3A_97 = arith.constant 3 : i32
      %add3A_98 = arith.addi %mul3A_45, %add3A_97 : i32
      %dma_wait3A_99 = arith.constant 0 : i32
      %dma_wait3A_100 = tpu.memref_slice %arg7[%add3A_98, %dma_wait3A_99] : memref<40x128xi32, #tpu.memory_space<vmem>> -> memref<1x128xi32, #tpu.memory_space<vmem>>
      %dma_wait3A_101 = tpu.memref_squeeze %dma_wait3A_100 : memref<1x128xi32, #tpu.memory_space<vmem>> -> memref<128xi32, #tpu.memory_space<vmem>>
      %dma_wait3A_102 = arith.constant 0 : i32
      %dma_wait3A_103 = arith.constant 0 : i32
      %dma_wait3A_104 = tpu.memref_slice %arg4[%dma_wait3A_102, %dma_wait3A_103] : memref<10240x128xf32, #tpu.memory_space<hbm>> -> memref<10240x128xf32, #tpu.memory_space<hbm>>
      tpu.wait_indirect_dma semaphore(%arg13 : memref<!tpu.dma_semaphore, #tpu.memory_space<semaphore_mem>>) src(%dma_wait3A_104 : memref<10240x128xf32, #tpu.memory_space<hbm>>) dst(%arg10 : memref<128x128xf32, #tpu.memory_space<vmem>>)
      %add3A_105 = arith.constant 3 : i32
      %add3A_106 = arith.addi %mul3A_45, %add3A_105 : i32
      "tpu.region"() ({
        %run_scoped3A = tpu.sem_alloc : memref<!tpu.dma_semaphore, #tpu.memory_space<semaphore_mem>>
        %dma_start3A_107 = arith.constant 0 : i32
        %dma_start3A_108 = tpu.memref_slice %arg8[%add3A_106, %dma_start3A_107] : memref<40x128xi32, #tpu.memory_space<vmem>> -> memref<1x128xi32, #tpu.memory_space<vmem>>
        %dma_start3A_109 = tpu.memref_squeeze %dma_start3A_108 : memref<1x128xi32, #tpu.memory_space<vmem>> -> memref<128xi32, #tpu.memory_space<vmem>>
        %dma_start3A_110 = arith.constant 0 : i32
        %dma_start3A_111 = arith.constant 0 : i32
        %dma_start3A_112 = tpu.memref_slice %arg11[%dma_start3A_110, %dma_start3A_111] : memref<10240x128xf32, #tpu.memory_space<vmem_shared>> -> memref<10240x128xf32, #tpu.memory_space<vmem_shared>>
        tpu.enqueue_indirect_dma source(%arg10 : memref<128x128xf32, #tpu.memory_space<vmem>>) target(%dma_start3A_112 : memref<10240x128xf32, #tpu.memory_space<vmem_shared>>) offsets(%dma_start3A_109 : memref<128xi32, #tpu.memory_space<vmem>>) semaphore(%run_scoped3A : memref<!tpu.dma_semaphore, #tpu.memory_space<semaphore_mem>>) {add = true}
        %dma_wait3A_113 = arith.constant 0 : i32
        %dma_wait3A_114 = tpu.memref_slice %arg8[%add3A_106, %dma_wait3A_113] : memref<40x128xi32, #tpu.memory_space<vmem>> -> memref<1x128xi32, #tpu.memory_space<vmem>>
        %dma_wait3A_115 = tpu.memref_squeeze %dma_wait3A_114 : memref<1x128xi32, #tpu.memory_space<vmem>> -> memref<128xi32, #tpu.memory_space<vmem>>
        %dma_wait3A_116 = arith.constant 0 : i32
        %dma_wait3A_117 = arith.constant 0 : i32
        %dma_wait3A_118 = tpu.memref_slice %arg11[%dma_wait3A_116, %dma_wait3A_117] : memref<10240x128xf32, #tpu.memory_space<vmem_shared>> -> memref<10240x128xf32, #tpu.memory_space<vmem_shared>>
        tpu.wait_indirect_dma semaphore(%run_scoped3A : memref<!tpu.dma_semaphore, #tpu.memory_space<semaphore_mem>>) src(%arg10 : memref<128x128xf32, #tpu.memory_space<vmem>>) dst(%dma_wait3A_118 : memref<10240x128xf32, #tpu.memory_space<vmem_shared>>)
        tpu.yield
      }) : () -> ()
    }
    %scan3A_34 = arith.constant 10 : i32
    %barrier3A_35 = arith.constant 0 : index
    tpu.barrier barrier_id(%barrier3A_35)
    %mul3A_36 = arith.constant 640 : i32
    %mul3A_37 = arith.muli %arg1, %mul3A_36 : i32
    %mul3A_38 = arith.constant 10240 : i32
    %mul3A_39 = arith.muli %arg0, %mul3A_38 : i32
    %mul3A_40 = arith.constant 640 : i32
    %mul3A_41 = arith.muli %arg1, %mul3A_40 : i32
    %add3A_42 = arith.addi %mul3A_39, %mul3A_41 : i32
    "tpu.region"() ({
      %run_scoped3A = tpu.sem_alloc : memref<!tpu.dma_semaphore, #tpu.memory_space<semaphore_mem>>
      %dma_start3A_43 = arith.constant 0 : i32
      %dma_start3A_44 = tpu.memref_slice %arg6[%add3A_42, %dma_start3A_43] : memref<20480x128xf32, #tpu.memory_space<hbm>> -> memref<640x128xf32, #tpu.memory_space<hbm>>
      %dma_start3A_45 = arith.constant 0 : i32
      %dma_start3A_46 = tpu.memref_slice %arg11[%mul3A_37, %dma_start3A_45] : memref<10240x128xf32, #tpu.memory_space<vmem_shared>> -> memref<640x128xf32, #tpu.memory_space<vmem_shared>>
      tpu.enqueue_dma source(%dma_start3A_46 : memref<640x128xf32, #tpu.memory_space<vmem_shared>>) target(%dma_start3A_44 : memref<640x128xf32, #tpu.memory_space<hbm>>) target_semaphore(%run_scoped3A : memref<!tpu.dma_semaphore, #tpu.memory_space<semaphore_mem>>)
      %dma_wait3A = arith.constant 0 : i32
      %dma_wait3A_47 = tpu.memref_slice %arg6[%add3A_42, %dma_wait3A] : memref<20480x128xf32, #tpu.memory_space<hbm>> -> memref<640x128xf32, #tpu.memory_space<hbm>>
      %dma_wait3A_48 = arith.constant 0 : i32
      %dma_wait3A_49 = tpu.memref_slice %arg11[%mul3A_37, %dma_wait3A_48] : memref<10240x128xf32, #tpu.memory_space<vmem_shared>> -> memref<640x128xf32, #tpu.memory_space<vmem_shared>>
      tpu.wait_dma2 semaphore(%run_scoped3A : memref<!tpu.dma_semaphore, #tpu.memory_space<semaphore_mem>>) src(%dma_wait3A_49 : memref<640x128xf32, #tpu.memory_space<vmem_shared>>) dst(%dma_wait3A_47 : memref<640x128xf32, #tpu.memory_space<hbm>>)
      tpu.yield
    }) : () -> ()
    return
  }
}

#map = affine_map<(d0, d1) -> (0, 0)>
module attributes {stable_mosaic.version = 14 : i64} {
  func.func @_agg_body(%arg0: i32, %arg1: i32, %arg2: memref<2560x128xi32, #tpu.memory_space<hbm>>, %arg3: memref<2560x128xi32, #tpu.memory_space<hbm>>, %arg4: memref<10240x128xf32, #tpu.memory_space<hbm>>, %arg5: memref<640x128xf32, #tpu.memory_space<hbm>>, %arg6: memref<20480x128xf32, #tpu.memory_space<hbm>>, %arg7: memref<40x128xi32, #tpu.memory_space<vmem>>, %arg8: memref<40x128xi32, #tpu.memory_space<vmem>>, %arg9: memref<128x128xf32, #tpu.memory_space<vmem>>, %arg10: memref<128x128xf32, #tpu.memory_space<vmem>>, %arg11: memref<10240x128xf32, #tpu.memory_space<vmem_shared>>, %arg12: memref<!tpu.dma_semaphore, #tpu.memory_space<semaphore_mem>>, %arg13: memref<!tpu.dma_semaphore, #tpu.memory_space<semaphore_mem>>) attributes {dimension_semantics = [#tpu.dimension_semantics<core_parallel>, #tpu.dimension_semantics<subcore_parallel>], iteration_bounds = array<i64: 2, 16>, scalar_prefetch = 0 : i64, scratch_operands = 7 : i64, tpu.core_type = #tpu.core_type<sc_vector_subcore>, window_params = [{transform_indices = #map}, {transform_indices = #map}, {transform_indices = #map}, {transform_indices = #map}, {transform_indices = #map}]} {
    %mul3A = arith.constant 2 : i32
    %mul3A_0 = arith.muli %arg1, %mul3A : i32
    %add3A = arith.addi %mul3A_0, %arg0 : i32
    %mul3A_1 = arith.constant 640 : i32
    %mul3A_2 = arith.muli %arg1, %mul3A_1 : i32
    "tpu.region"() ({
      %run_scoped3A = tpu.sem_alloc : memref<!tpu.dma_semaphore, #tpu.memory_space<semaphore_mem>>
      %dma_start3A_43 = arith.constant 0 : i32
      %dma_start3A_44 = tpu.memref_slice %arg11[%mul3A_2, %dma_start3A_43] : memref<10240x128xf32, #tpu.memory_space<vmem_shared>> -> memref<640x128xf32, #tpu.memory_space<vmem_shared>>
      tpu.enqueue_dma source(%arg5 : memref<640x128xf32, #tpu.memory_space<hbm>>) target(%dma_start3A_44 : memref<640x128xf32, #tpu.memory_space<vmem_shared>>) target_semaphore(%run_scoped3A : memref<!tpu.dma_semaphore, #tpu.memory_space<semaphore_mem>>)
      %dma_wait3A = arith.constant 0 : i32
      %dma_wait3A_45 = tpu.memref_slice %arg11[%mul3A_2, %dma_wait3A] : memref<10240x128xf32, #tpu.memory_space<vmem_shared>> -> memref<640x128xf32, #tpu.memory_space<vmem_shared>>
      tpu.wait_dma2 semaphore(%run_scoped3A : memref<!tpu.dma_semaphore, #tpu.memory_space<semaphore_mem>>) src(%arg5 : memref<640x128xf32, #tpu.memory_space<hbm>>) dst(%dma_wait3A_45 : memref<640x128xf32, #tpu.memory_space<vmem_shared>>)
      tpu.yield
    }) : () -> ()
    %barrier3A = arith.constant 0 : index
    tpu.barrier barrier_id(%barrier3A)
    %mul3A_3 = arith.constant 80 : i32
    %mul3A_4 = arith.muli %add3A, %mul3A_3 : i32
    %add3A_5 = arith.constant 0 : i32
    %add3A_6 = arith.addi %mul3A_4, %add3A_5 : i32
    "tpu.region"() ({
      %run_scoped3A = tpu.sem_alloc : memref<!tpu.dma_semaphore, #tpu.memory_space<semaphore_mem>>
      %dma_start3A_43 = arith.constant 0 : i32
      %dma_start3A_44 = tpu.memref_slice %arg2[%add3A_6, %dma_start3A_43] : memref<2560x128xi32, #tpu.memory_space<hbm>> -> memref<40x128xi32, #tpu.memory_space<hbm>>
      %dma_start3A_45 = arith.constant 0 : i32
      %dma_start3A_46 = tpu.memref_slice %arg2[%add3A_6, %dma_start3A_45] : memref<2560x128xi32, #tpu.memory_space<hbm>> -> memref<40x128xi32, #tpu.memory_space<hbm>>
      tpu.enqueue_dma source(%dma_start3A_46 : memref<40x128xi32, #tpu.memory_space<hbm>>) target(%arg7 : memref<40x128xi32, #tpu.memory_space<vmem>>) target_semaphore(%run_scoped3A : memref<!tpu.dma_semaphore, #tpu.memory_space<semaphore_mem>>)
      %dma_wait3A = arith.constant 0 : i32
      %dma_wait3A_47 = tpu.memref_slice %arg2[%add3A_6, %dma_wait3A] : memref<2560x128xi32, #tpu.memory_space<hbm>> -> memref<40x128xi32, #tpu.memory_space<hbm>>
      %dma_wait3A_48 = arith.constant 0 : i32
      %dma_wait3A_49 = tpu.memref_slice %arg2[%add3A_6, %dma_wait3A_48] : memref<2560x128xi32, #tpu.memory_space<hbm>> -> memref<40x128xi32, #tpu.memory_space<hbm>>
      tpu.wait_dma2 semaphore(%run_scoped3A : memref<!tpu.dma_semaphore, #tpu.memory_space<semaphore_mem>>) src(%dma_wait3A_49 : memref<40x128xi32, #tpu.memory_space<hbm>>) dst(%arg7 : memref<40x128xi32, #tpu.memory_space<vmem>>)
      tpu.yield
    }) : () -> ()
    "tpu.region"() ({
      %run_scoped3A = tpu.sem_alloc : memref<!tpu.dma_semaphore, #tpu.memory_space<semaphore_mem>>
      %dma_start3A_43 = arith.constant 0 : i32
      %dma_start3A_44 = tpu.memref_slice %arg3[%add3A_6, %dma_start3A_43] : memref<2560x128xi32, #tpu.memory_space<hbm>> -> memref<40x128xi32, #tpu.memory_space<hbm>>
      %dma_start3A_45 = arith.constant 0 : i32
      %dma_start3A_46 = tpu.memref_slice %arg3[%add3A_6, %dma_start3A_45] : memref<2560x128xi32, #tpu.memory_space<hbm>> -> memref<40x128xi32, #tpu.memory_space<hbm>>
      tpu.enqueue_dma source(%dma_start3A_46 : memref<40x128xi32, #tpu.memory_space<hbm>>) target(%arg8 : memref<40x128xi32, #tpu.memory_space<vmem>>) target_semaphore(%run_scoped3A : memref<!tpu.dma_semaphore, #tpu.memory_space<semaphore_mem>>)
      %dma_wait3A = arith.constant 0 : i32
      %dma_wait3A_47 = tpu.memref_slice %arg3[%add3A_6, %dma_wait3A] : memref<2560x128xi32, #tpu.memory_space<hbm>> -> memref<40x128xi32, #tpu.memory_space<hbm>>
      %dma_wait3A_48 = arith.constant 0 : i32
      %dma_wait3A_49 = tpu.memref_slice %arg3[%add3A_6, %dma_wait3A_48] : memref<2560x128xi32, #tpu.memory_space<hbm>> -> memref<40x128xi32, #tpu.memory_space<hbm>>
      tpu.wait_dma2 semaphore(%run_scoped3A : memref<!tpu.dma_semaphore, #tpu.memory_space<semaphore_mem>>) src(%dma_wait3A_49 : memref<40x128xi32, #tpu.memory_space<hbm>>) dst(%arg8 : memref<40x128xi32, #tpu.memory_space<vmem>>)
      tpu.yield
    }) : () -> ()
    %dma_start3A = arith.constant 0 : i32
    %dma_start3A_7 = arith.constant 0 : i32
    %dma_start3A_8 = tpu.memref_slice %arg7[%dma_start3A, %dma_start3A_7] : memref<40x128xi32, #tpu.memory_space<vmem>> -> memref<1x128xi32, #tpu.memory_space<vmem>>
    %dma_start3A_9 = tpu.memref_squeeze %dma_start3A_8 : memref<1x128xi32, #tpu.memory_space<vmem>> -> memref<128xi32, #tpu.memory_space<vmem>>
    %dma_start3A_10 = arith.constant 0 : i32
    %dma_start3A_11 = arith.constant 0 : i32
    %dma_start3A_12 = tpu.memref_slice %arg4[%dma_start3A_10, %dma_start3A_11] : memref<10240x128xf32, #tpu.memory_space<hbm>> -> memref<10240x128xf32, #tpu.memory_space<hbm>>
    tpu.enqueue_indirect_dma source(%dma_start3A_12 : memref<10240x128xf32, #tpu.memory_space<hbm>>) target(%arg9 : memref<128x128xf32, #tpu.memory_space<vmem>>) offsets(%dma_start3A_9 : memref<128xi32, #tpu.memory_space<vmem>>) semaphore(%arg12 : memref<!tpu.dma_semaphore, #tpu.memory_space<semaphore_mem>>)
    %scan3A = arith.constant 0 : i32
    %scan3A_13 = arith.constant 0 : i32
    %scan3A_14 = arith.constant 10 : i32
    %scan3A_15 = arith.addi %scan3A_13, %scan3A_14 : i32
    %scan3A_16 = arith.constant 1 : i32
    scf.for %scan3A_43 = %scan3A_13 to %scan3A_15 step %scan3A_16  : i32 {
      %mul3A_44 = arith.constant 4 : i32
      %mul3A_45 = arith.muli %mul3A_44, %scan3A_43 : i32
      %add3A_46 = arith.constant 1 : i32
      %add3A_47 = arith.addi %mul3A_45, %add3A_46 : i32
      %dma_start3A_48 = arith.constant 0 : i32
      %dma_start3A_49 = tpu.memref_slice %arg7[%add3A_47, %dma_start3A_48] : memref<40x128xi32, #tpu.memory_space<vmem>> -> memref<1x128xi32, #tpu.memory_space<vmem>>
      %dma_start3A_50 = tpu.memref_squeeze %dma_start3A_49 : memref<1x128xi32, #tpu.memory_space<vmem>> -> memref<128xi32, #tpu.memory_space<vmem>>
      %dma_start3A_51 = arith.constant 0 : i32
      %dma_start3A_52 = arith.constant 0 : i32
      %dma_start3A_53 = tpu.memref_slice %arg4[%dma_start3A_51, %dma_start3A_52] : memref<10240x128xf32, #tpu.memory_space<hbm>> -> memref<10240x128xf32, #tpu.memory_space<hbm>>
      tpu.enqueue_indirect_dma source(%dma_start3A_53 : memref<10240x128xf32, #tpu.memory_space<hbm>>) target(%arg10 : memref<128x128xf32, #tpu.memory_space<vmem>>) offsets(%dma_start3A_50 : memref<128xi32, #tpu.memory_space<vmem>>) semaphore(%arg13 : memref<!tpu.dma_semaphore, #tpu.memory_space<semaphore_mem>>)
      %dma_wait3A = arith.constant 0 : i32
      %dma_wait3A_54 = tpu.memref_slice %arg7[%mul3A_45, %dma_wait3A] : memref<40x128xi32, #tpu.memory_space<vmem>> -> memref<1x128xi32, #tpu.memory_space<vmem>>
      %dma_wait3A_55 = tpu.memref_squeeze %dma_wait3A_54 : memref<1x128xi32, #tpu.memory_space<vmem>> -> memref<128xi32, #tpu.memory_space<vmem>>
      %dma_wait3A_56 = arith.constant 0 : i32
      %dma_wait3A_57 = arith.constant 0 : i32
      %dma_wait3A_58 = tpu.memref_slice %arg4[%dma_wait3A_56, %dma_wait3A_57] : memref<10240x128xf32, #tpu.memory_space<hbm>> -> memref<10240x128xf32, #tpu.memory_space<hbm>>
      tpu.wait_indirect_dma semaphore(%arg12 : memref<!tpu.dma_semaphore, #tpu.memory_space<semaphore_mem>>) src(%dma_wait3A_58 : memref<10240x128xf32, #tpu.memory_space<hbm>>) dst(%arg9 : memref<128x128xf32, #tpu.memory_space<vmem>>)
      "tpu.region"() ({
        %run_scoped3A = tpu.sem_alloc : memref<!tpu.dma_semaphore, #tpu.memory_space<semaphore_mem>>
        %dma_start3A_107 = arith.constant 0 : i32
        %dma_start3A_108 = tpu.memref_slice %arg8[%mul3A_45, %dma_start3A_107] : memref<40x128xi32, #tpu.memory_space<vmem>> -> memref<1x128xi32, #tpu.memory_space<vmem>>
        %dma_start3A_109 = tpu.memref_squeeze %dma_start3A_108 : memref<1x128xi32, #tpu.memory_space<vmem>> -> memref<128xi32, #tpu.memory_space<vmem>>
        %dma_start3A_110 = arith.constant 0 : i32
        %dma_start3A_111 = arith.constant 0 : i32
        %dma_start3A_112 = tpu.memref_slice %arg11[%dma_start3A_110, %dma_start3A_111] : memref<10240x128xf32, #tpu.memory_space<vmem_shared>> -> memref<10240x128xf32, #tpu.memory_space<vmem_shared>>
        tpu.enqueue_indirect_dma source(%arg9 : memref<128x128xf32, #tpu.memory_space<vmem>>) target(%dma_start3A_112 : memref<10240x128xf32, #tpu.memory_space<vmem_shared>>) offsets(%dma_start3A_109 : memref<128xi32, #tpu.memory_space<vmem>>) semaphore(%run_scoped3A : memref<!tpu.dma_semaphore, #tpu.memory_space<semaphore_mem>>) {add = true}
        %dma_wait3A_113 = arith.constant 0 : i32
        %dma_wait3A_114 = tpu.memref_slice %arg8[%mul3A_45, %dma_wait3A_113] : memref<40x128xi32, #tpu.memory_space<vmem>> -> memref<1x128xi32, #tpu.memory_space<vmem>>
        %dma_wait3A_115 = tpu.memref_squeeze %dma_wait3A_114 : memref<1x128xi32, #tpu.memory_space<vmem>> -> memref<128xi32, #tpu.memory_space<vmem>>
        %dma_wait3A_116 = arith.constant 0 : i32
        %dma_wait3A_117 = arith.constant 0 : i32
        %dma_wait3A_118 = tpu.memref_slice %arg11[%dma_wait3A_116, %dma_wait3A_117] : memref<10240x128xf32, #tpu.memory_space<vmem_shared>> -> memref<10240x128xf32, #tpu.memory_space<vmem_shared>>
        tpu.wait_indirect_dma semaphore(%run_scoped3A : memref<!tpu.dma_semaphore, #tpu.memory_space<semaphore_mem>>) src(%arg9 : memref<128x128xf32, #tpu.memory_space<vmem>>) dst(%dma_wait3A_118 : memref<10240x128xf32, #tpu.memory_space<vmem_shared>>)
        tpu.yield
      }) : () -> ()
      %add3A_59 = arith.constant 2 : i32
      %add3A_60 = arith.addi %mul3A_45, %add3A_59 : i32
      %dma_start3A_61 = arith.constant 0 : i32
      %dma_start3A_62 = tpu.memref_slice %arg7[%add3A_60, %dma_start3A_61] : memref<40x128xi32, #tpu.memory_space<vmem>> -> memref<1x128xi32, #tpu.memory_space<vmem>>
      %dma_start3A_63 = tpu.memref_squeeze %dma_start3A_62 : memref<1x128xi32, #tpu.memory_space<vmem>> -> memref<128xi32, #tpu.memory_space<vmem>>
      %dma_start3A_64 = arith.constant 0 : i32
      %dma_start3A_65 = arith.constant 0 : i32
      %dma_start3A_66 = tpu.memref_slice %arg4[%dma_start3A_64, %dma_start3A_65] : memref<10240x128xf32, #tpu.memory_space<hbm>> -> memref<10240x128xf32, #tpu.memory_space<hbm>>
      tpu.enqueue_indirect_dma source(%dma_start3A_66 : memref<10240x128xf32, #tpu.memory_space<hbm>>) target(%arg9 : memref<128x128xf32, #tpu.memory_space<vmem>>) offsets(%dma_start3A_63 : memref<128xi32, #tpu.memory_space<vmem>>) semaphore(%arg12 : memref<!tpu.dma_semaphore, #tpu.memory_space<semaphore_mem>>)
      %add3A_67 = arith.constant 1 : i32
      %add3A_68 = arith.addi %mul3A_45, %add3A_67 : i32
      %dma_wait3A_69 = arith.constant 0 : i32
      %dma_wait3A_70 = tpu.memref_slice %arg7[%add3A_68, %dma_wait3A_69] : memref<40x128xi32, #tpu.memory_space<vmem>> -> memref<1x128xi32, #tpu.memory_space<vmem>>
      %dma_wait3A_71 = tpu.memref_squeeze %dma_wait3A_70 : memref<1x128xi32, #tpu.memory_space<vmem>> -> memref<128xi32, #tpu.memory_space<vmem>>
      %dma_wait3A_72 = arith.constant 0 : i32
      %dma_wait3A_73 = arith.constant 0 : i32
      %dma_wait3A_74 = tpu.memref_slice %arg4[%dma_wait3A_72, %dma_wait3A_73] : memref<10240x128xf32, #tpu.memory_space<hbm>> -> memref<10240x128xf32, #tpu.memory_space<hbm>>
      tpu.wait_indirect_dma semaphore(%arg13 : memref<!tpu.dma_semaphore, #tpu.memory_space<semaphore_mem>>) src(%dma_wait3A_74 : memref<10240x128xf32, #tpu.memory_space<hbm>>) dst(%arg10 : memref<128x128xf32, #tpu.memory_space<vmem>>)
      %add3A_75 = arith.constant 1 : i32
      %add3A_76 = arith.addi %mul3A_45, %add3A_75 : i32
      "tpu.region"() ({
        %run_scoped3A = tpu.sem_alloc : memref<!tpu.dma_semaphore, #tpu.memory_space<semaphore_mem>>
        %dma_start3A_107 = arith.constant 0 : i32
        %dma_start3A_108 = tpu.memref_slice %arg8[%add3A_76, %dma_start3A_107] : memref<40x128xi32, #tpu.memory_space<vmem>> -> memref<1x128xi32, #tpu.memory_space<vmem>>
        %dma_start3A_109 = tpu.memref_squeeze %dma_start3A_108 : memref<1x128xi32, #tpu.memory_space<vmem>> -> memref<128xi32, #tpu.memory_space<vmem>>
        %dma_start3A_110 = arith.constant 0 : i32
        %dma_start3A_111 = arith.constant 0 : i32
        %dma_start3A_112 = tpu.memref_slice %arg11[%dma_start3A_110, %dma_start3A_111] : memref<10240x128xf32, #tpu.memory_space<vmem_shared>> -> memref<10240x128xf32, #tpu.memory_space<vmem_shared>>
        tpu.enqueue_indirect_dma source(%arg10 : memref<128x128xf32, #tpu.memory_space<vmem>>) target(%dma_start3A_112 : memref<10240x128xf32, #tpu.memory_space<vmem_shared>>) offsets(%dma_start3A_109 : memref<128xi32, #tpu.memory_space<vmem>>) semaphore(%run_scoped3A : memref<!tpu.dma_semaphore, #tpu.memory_space<semaphore_mem>>) {add = true}
        %dma_wait3A_113 = arith.constant 0 : i32
        %dma_wait3A_114 = tpu.memref_slice %arg8[%add3A_76, %dma_wait3A_113] : memref<40x128xi32, #tpu.memory_space<vmem>> -> memref<1x128xi32, #tpu.memory_space<vmem>>
        %dma_wait3A_115 = tpu.memref_squeeze %dma_wait3A_114 : memref<1x128xi32, #tpu.memory_space<vmem>> -> memref<128xi32, #tpu.memory_space<vmem>>
        %dma_wait3A_116 = arith.constant 0 : i32
        %dma_wait3A_117 = arith.constant 0 : i32
        %dma_wait3A_118 = tpu.memref_slice %arg11[%dma_wait3A_116, %dma_wait3A_117] : memref<10240x128xf32, #tpu.memory_space<vmem_shared>> -> memref<10240x128xf32, #tpu.memory_space<vmem_shared>>
        tpu.wait_indirect_dma semaphore(%run_scoped3A : memref<!tpu.dma_semaphore, #tpu.memory_space<semaphore_mem>>) src(%arg10 : memref<128x128xf32, #tpu.memory_space<vmem>>) dst(%dma_wait3A_118 : memref<10240x128xf32, #tpu.memory_space<vmem_shared>>)
        tpu.yield
      }) : () -> ()
      %add3A_77 = arith.constant 3 : i32
      %add3A_78 = arith.addi %mul3A_45, %add3A_77 : i32
      %dma_start3A_79 = arith.constant 0 : i32
      %dma_start3A_80 = tpu.memref_slice %arg7[%add3A_78, %dma_start3A_79] : memref<40x128xi32, #tpu.memory_space<vmem>> -> memref<1x128xi32, #tpu.memory_space<vmem>>
      %dma_start3A_81 = tpu.memref_squeeze %dma_start3A_80 : memref<1x128xi32, #tpu.memory_space<vmem>> -> memref<128xi32, #tpu.memory_space<vmem>>
      %dma_start3A_82 = arith.constant 0 : i32
      %dma_start3A_83 = arith.constant 0 : i32
      %dma_start3A_84 = tpu.memref_slice %arg4[%dma_start3A_82, %dma_start3A_83] : memref<10240x128xf32, #tpu.memory_space<hbm>> -> memref<10240x128xf32, #tpu.memory_space<hbm>>
      tpu.enqueue_indirect_dma source(%dma_start3A_84 : memref<10240x128xf32, #tpu.memory_space<hbm>>) target(%arg10 : memref<128x128xf32, #tpu.memory_space<vmem>>) offsets(%dma_start3A_81 : memref<128xi32, #tpu.memory_space<vmem>>) semaphore(%arg13 : memref<!tpu.dma_semaphore, #tpu.memory_space<semaphore_mem>>)
      %add3A_85 = arith.constant 2 : i32
      %add3A_86 = arith.addi %mul3A_45, %add3A_85 : i32
      %dma_wait3A_87 = arith.constant 0 : i32
      %dma_wait3A_88 = tpu.memref_slice %arg7[%add3A_86, %dma_wait3A_87] : memref<40x128xi32, #tpu.memory_space<vmem>> -> memref<1x128xi32, #tpu.memory_space<vmem>>
      %dma_wait3A_89 = tpu.memref_squeeze %dma_wait3A_88 : memref<1x128xi32, #tpu.memory_space<vmem>> -> memref<128xi32, #tpu.memory_space<vmem>>
      %dma_wait3A_90 = arith.constant 0 : i32
      %dma_wait3A_91 = arith.constant 0 : i32
      %dma_wait3A_92 = tpu.memref_slice %arg4[%dma_wait3A_90, %dma_wait3A_91] : memref<10240x128xf32, #tpu.memory_space<hbm>> -> memref<10240x128xf32, #tpu.memory_space<hbm>>
      tpu.wait_indirect_dma semaphore(%arg12 : memref<!tpu.dma_semaphore, #tpu.memory_space<semaphore_mem>>) src(%dma_wait3A_92 : memref<10240x128xf32, #tpu.memory_space<hbm>>) dst(%arg9 : memref<128x128xf32, #tpu.memory_space<vmem>>)
      %add3A_93 = arith.constant 2 : i32
      %add3A_94 = arith.addi %mul3A_45, %add3A_93 : i32
      "tpu.region"() ({
        %run_scoped3A = tpu.sem_alloc : memref<!tpu.dma_semaphore, #tpu.memory_space<semaphore_mem>>
        %dma_start3A_107 = arith.constant 0 : i32
        %dma_start3A_108 = tpu.memref_slice %arg8[%add3A_94, %dma_start3A_107] : memref<40x128xi32, #tpu.memory_space<vmem>> -> memref<1x128xi32, #tpu.memory_space<vmem>>
        %dma_start3A_109 = tpu.memref_squeeze %dma_start3A_108 : memref<1x128xi32, #tpu.memory_space<vmem>> -> memref<128xi32, #tpu.memory_space<vmem>>
        %dma_start3A_110 = arith.constant 0 : i32
        %dma_start3A_111 = arith.constant 0 : i32
        %dma_start3A_112 = tpu.memref_slice %arg11[%dma_start3A_110, %dma_start3A_111] : memref<10240x128xf32, #tpu.memory_space<vmem_shared>> -> memref<10240x128xf32, #tpu.memory_space<vmem_shared>>
        tpu.enqueue_indirect_dma source(%arg9 : memref<128x128xf32, #tpu.memory_space<vmem>>) target(%dma_start3A_112 : memref<10240x128xf32, #tpu.memory_space<vmem_shared>>) offsets(%dma_start3A_109 : memref<128xi32, #tpu.memory_space<vmem>>) semaphore(%run_scoped3A : memref<!tpu.dma_semaphore, #tpu.memory_space<semaphore_mem>>) {add = true}
        %dma_wait3A_113 = arith.constant 0 : i32
        %dma_wait3A_114 = tpu.memref_slice %arg8[%add3A_94, %dma_wait3A_113] : memref<40x128xi32, #tpu.memory_space<vmem>> -> memref<1x128xi32, #tpu.memory_space<vmem>>
        %dma_wait3A_115 = tpu.memref_squeeze %dma_wait3A_114 : memref<1x128xi32, #tpu.memory_space<vmem>> -> memref<128xi32, #tpu.memory_space<vmem>>
        %dma_wait3A_116 = arith.constant 0 : i32
        %dma_wait3A_117 = arith.constant 0 : i32
        %dma_wait3A_118 = tpu.memref_slice %arg11[%dma_wait3A_116, %dma_wait3A_117] : memref<10240x128xf32, #tpu.memory_space<vmem_shared>> -> memref<10240x128xf32, #tpu.memory_space<vmem_shared>>
        tpu.wait_indirect_dma semaphore(%run_scoped3A : memref<!tpu.dma_semaphore, #tpu.memory_space<semaphore_mem>>) src(%arg9 : memref<128x128xf32, #tpu.memory_space<vmem>>) dst(%dma_wait3A_118 : memref<10240x128xf32, #tpu.memory_space<vmem_shared>>)
        tpu.yield
      }) : () -> ()
      %lt3A = arith.constant 9 : i32
      %lt3A_95 = arith.cmpi slt, %scan3A_43, %lt3A : i32
      %convert_element_type3A = arith.extui %lt3A_95 : i1 to i32
      %cond3A = arith.constant 0 : i32
      %cond3A_96 = arith.cmpi ne, %convert_element_type3A, %cond3A : i32
      scf.if %cond3A_96 {
        %add3A_107 = arith.constant 4 : i32
        %add3A_108 = arith.addi %mul3A_45, %add3A_107 : i32
        %dma_start3A_109 = arith.constant 0 : i32
        %dma_start3A_110 = tpu.memref_slice %arg7[%add3A_108, %dma_start3A_109] : memref<40x128xi32, #tpu.memory_space<vmem>> -> memref<1x128xi32, #tpu.memory_space<vmem>>
        %dma_start3A_111 = tpu.memref_squeeze %dma_start3A_110 : memref<1x128xi32, #tpu.memory_space<vmem>> -> memref<128xi32, #tpu.memory_space<vmem>>
        %dma_start3A_112 = arith.constant 0 : i32
        %dma_start3A_113 = arith.constant 0 : i32
        %dma_start3A_114 = tpu.memref_slice %arg4[%dma_start3A_112, %dma_start3A_113] : memref<10240x128xf32, #tpu.memory_space<hbm>> -> memref<10240x128xf32, #tpu.memory_space<hbm>>
        tpu.enqueue_indirect_dma source(%dma_start3A_114 : memref<10240x128xf32, #tpu.memory_space<hbm>>) target(%arg9 : memref<128x128xf32, #tpu.memory_space<vmem>>) offsets(%dma_start3A_111 : memref<128xi32, #tpu.memory_space<vmem>>) semaphore(%arg12 : memref<!tpu.dma_semaphore, #tpu.memory_space<semaphore_mem>>)
      } else {
      }
      %add3A_97 = arith.constant 3 : i32
      %add3A_98 = arith.addi %mul3A_45, %add3A_97 : i32
      %dma_wait3A_99 = arith.constant 0 : i32
      %dma_wait3A_100 = tpu.memref_slice %arg7[%add3A_98, %dma_wait3A_99] : memref<40x128xi32, #tpu.memory_space<vmem>> -> memref<1x128xi32, #tpu.memory_space<vmem>>
      %dma_wait3A_101 = tpu.memref_squeeze %dma_wait3A_100 : memref<1x128xi32, #tpu.memory_space<vmem>> -> memref<128xi32, #tpu.memory_space<vmem>>
      %dma_wait3A_102 = arith.constant 0 : i32
      %dma_wait3A_103 = arith.constant 0 : i32
      %dma_wait3A_104 = tpu.memref_slice %arg4[%dma_wait3A_102, %dma_wait3A_103] : memref<10240x128xf32, #tpu.memory_space<hbm>> -> memref<10240x128xf32, #tpu.memory_space<hbm>>
      tpu.wait_indirect_dma semaphore(%arg13 : memref<!tpu.dma_semaphore, #tpu.memory_space<semaphore_mem>>) src(%dma_wait3A_104 : memref<10240x128xf32, #tpu.memory_space<hbm>>) dst(%arg10 : memref<128x128xf32, #tpu.memory_space<vmem>>)
      %add3A_105 = arith.constant 3 : i32
      %add3A_106 = arith.addi %mul3A_45, %add3A_105 : i32
      "tpu.region"() ({
        %run_scoped3A = tpu.sem_alloc : memref<!tpu.dma_semaphore, #tpu.memory_space<semaphore_mem>>
        %dma_start3A_107 = arith.constant 0 : i32
        %dma_start3A_108 = tpu.memref_slice %arg8[%add3A_106, %dma_start3A_107] : memref<40x128xi32, #tpu.memory_space<vmem>> -> memref<1x128xi32, #tpu.memory_space<vmem>>
        %dma_start3A_109 = tpu.memref_squeeze %dma_start3A_108 : memref<1x128xi32, #tpu.memory_space<vmem>> -> memref<128xi32, #tpu.memory_space<vmem>>
        %dma_start3A_110 = arith.constant 0 : i32
        %dma_start3A_111 = arith.constant 0 : i32
        %dma_start3A_112 = tpu.memref_slice %arg11[%dma_start3A_110, %dma_start3A_111] : memref<10240x128xf32, #tpu.memory_space<vmem_shared>> -> memref<10240x128xf32, #tpu.memory_space<vmem_shared>>
        tpu.enqueue_indirect_dma source(%arg10 : memref<128x128xf32, #tpu.memory_space<vmem>>) target(%dma_start3A_112 : memref<10240x128xf32, #tpu.memory_space<vmem_shared>>) offsets(%dma_start3A_109 : memref<128xi32, #tpu.memory_space<vmem>>) semaphore(%run_scoped3A : memref<!tpu.dma_semaphore, #tpu.memory_space<semaphore_mem>>) {add = true}
        %dma_wait3A_113 = arith.constant 0 : i32
        %dma_wait3A_114 = tpu.memref_slice %arg8[%add3A_106, %dma_wait3A_113] : memref<40x128xi32, #tpu.memory_space<vmem>> -> memref<1x128xi32, #tpu.memory_space<vmem>>
        %dma_wait3A_115 = tpu.memref_squeeze %dma_wait3A_114 : memref<1x128xi32, #tpu.memory_space<vmem>> -> memref<128xi32, #tpu.memory_space<vmem>>
        %dma_wait3A_116 = arith.constant 0 : i32
        %dma_wait3A_117 = arith.constant 0 : i32
        %dma_wait3A_118 = tpu.memref_slice %arg11[%dma_wait3A_116, %dma_wait3A_117] : memref<10240x128xf32, #tpu.memory_space<vmem_shared>> -> memref<10240x128xf32, #tpu.memory_space<vmem_shared>>
        tpu.wait_indirect_dma semaphore(%run_scoped3A : memref<!tpu.dma_semaphore, #tpu.memory_space<semaphore_mem>>) src(%arg10 : memref<128x128xf32, #tpu.memory_space<vmem>>) dst(%dma_wait3A_118 : memref<10240x128xf32, #tpu.memory_space<vmem_shared>>)
        tpu.yield
      }) : () -> ()
    }
    %scan3A_17 = arith.constant 10 : i32
    %mul3A_18 = arith.constant 80 : i32
    %mul3A_19 = arith.muli %add3A, %mul3A_18 : i32
    %add3A_20 = arith.constant 40 : i32
    %add3A_21 = arith.addi %mul3A_19, %add3A_20 : i32
    "tpu.region"() ({
      %run_scoped3A = tpu.sem_alloc : memref<!tpu.dma_semaphore, #tpu.memory_space<semaphore_mem>>
      %dma_start3A_43 = arith.constant 0 : i32
      %dma_start3A_44 = tpu.memref_slice %arg2[%add3A_21, %dma_start3A_43] : memref<2560x128xi32, #tpu.memory_space<hbm>> -> memref<40x128xi32, #tpu.memory_space<hbm>>
      %dma_start3A_45 = arith.constant 0 : i32
      %dma_start3A_46 = tpu.memref_slice %arg2[%add3A_21, %dma_start3A_45] : memref<2560x128xi32, #tpu.memory_space<hbm>> -> memref<40x128xi32, #tpu.memory_space<hbm>>
      tpu.enqueue_dma source(%dma_start3A_46 : memref<40x128xi32, #tpu.memory_space<hbm>>) target(%arg7 : memref<40x128xi32, #tpu.memory_space<vmem>>) target_semaphore(%run_scoped3A : memref<!tpu.dma_semaphore, #tpu.memory_space<semaphore_mem>>)
      %dma_wait3A = arith.constant 0 : i32
      %dma_wait3A_47 = tpu.memref_slice %arg2[%add3A_21, %dma_wait3A] : memref<2560x128xi32, #tpu.memory_space<hbm>> -> memref<40x128xi32, #tpu.memory_space<hbm>>
      %dma_wait3A_48 = arith.constant 0 : i32
      %dma_wait3A_49 = tpu.memref_slice %arg2[%add3A_21, %dma_wait3A_48] : memref<2560x128xi32, #tpu.memory_space<hbm>> -> memref<40x128xi32, #tpu.memory_space<hbm>>
      tpu.wait_dma2 semaphore(%run_scoped3A : memref<!tpu.dma_semaphore, #tpu.memory_space<semaphore_mem>>) src(%dma_wait3A_49 : memref<40x128xi32, #tpu.memory_space<hbm>>) dst(%arg7 : memref<40x128xi32, #tpu.memory_space<vmem>>)
      tpu.yield
    }) : () -> ()
    "tpu.region"() ({
      %run_scoped3A = tpu.sem_alloc : memref<!tpu.dma_semaphore, #tpu.memory_space<semaphore_mem>>
      %dma_start3A_43 = arith.constant 0 : i32
      %dma_start3A_44 = tpu.memref_slice %arg3[%add3A_21, %dma_start3A_43] : memref<2560x128xi32, #tpu.memory_space<hbm>> -> memref<40x128xi32, #tpu.memory_space<hbm>>
      %dma_start3A_45 = arith.constant 0 : i32
      %dma_start3A_46 = tpu.memref_slice %arg3[%add3A_21, %dma_start3A_45] : memref<2560x128xi32, #tpu.memory_space<hbm>> -> memref<40x128xi32, #tpu.memory_space<hbm>>
      tpu.enqueue_dma source(%dma_start3A_46 : memref<40x128xi32, #tpu.memory_space<hbm>>) target(%arg8 : memref<40x128xi32, #tpu.memory_space<vmem>>) target_semaphore(%run_scoped3A : memref<!tpu.dma_semaphore, #tpu.memory_space<semaphore_mem>>)
      %dma_wait3A = arith.constant 0 : i32
      %dma_wait3A_47 = tpu.memref_slice %arg3[%add3A_21, %dma_wait3A] : memref<2560x128xi32, #tpu.memory_space<hbm>> -> memref<40x128xi32, #tpu.memory_space<hbm>>
      %dma_wait3A_48 = arith.constant 0 : i32
      %dma_wait3A_49 = tpu.memref_slice %arg3[%add3A_21, %dma_wait3A_48] : memref<2560x128xi32, #tpu.memory_space<hbm>> -> memref<40x128xi32, #tpu.memory_space<hbm>>
      tpu.wait_dma2 semaphore(%run_scoped3A : memref<!tpu.dma_semaphore, #tpu.memory_space<semaphore_mem>>) src(%dma_wait3A_49 : memref<40x128xi32, #tpu.memory_space<hbm>>) dst(%arg8 : memref<40x128xi32, #tpu.memory_space<vmem>>)
      tpu.yield
    }) : () -> ()
    %dma_start3A_22 = arith.constant 0 : i32
    %dma_start3A_23 = arith.constant 0 : i32
    %dma_start3A_24 = tpu.memref_slice %arg7[%dma_start3A_22, %dma_start3A_23] : memref<40x128xi32, #tpu.memory_space<vmem>> -> memref<1x128xi32, #tpu.memory_space<vmem>>
    %dma_start3A_25 = tpu.memref_squeeze %dma_start3A_24 : memref<1x128xi32, #tpu.memory_space<vmem>> -> memref<128xi32, #tpu.memory_space<vmem>>
    %dma_start3A_26 = arith.constant 0 : i32
    %dma_start3A_27 = arith.constant 0 : i32
    %dma_start3A_28 = tpu.memref_slice %arg4[%dma_start3A_26, %dma_start3A_27] : memref<10240x128xf32, #tpu.memory_space<hbm>> -> memref<10240x128xf32, #tpu.memory_space<hbm>>
    tpu.enqueue_indirect_dma source(%dma_start3A_28 : memref<10240x128xf32, #tpu.memory_space<hbm>>) target(%arg9 : memref<128x128xf32, #tpu.memory_space<vmem>>) offsets(%dma_start3A_25 : memref<128xi32, #tpu.memory_space<vmem>>) semaphore(%arg12 : memref<!tpu.dma_semaphore, #tpu.memory_space<semaphore_mem>>)
    %scan3A_29 = arith.constant 0 : i32
    %scan3A_30 = arith.constant 0 : i32
    %scan3A_31 = arith.constant 10 : i32
    %scan3A_32 = arith.addi %scan3A_30, %scan3A_31 : i32
    %scan3A_33 = arith.constant 1 : i32
    scf.for %scan3A_43 = %scan3A_30 to %scan3A_32 step %scan3A_33  : i32 {
      %mul3A_44 = arith.constant 4 : i32
      %mul3A_45 = arith.muli %mul3A_44, %scan3A_43 : i32
      %add3A_46 = arith.constant 1 : i32
      %add3A_47 = arith.addi %mul3A_45, %add3A_46 : i32
      %dma_start3A_48 = arith.constant 0 : i32
      %dma_start3A_49 = tpu.memref_slice %arg7[%add3A_47, %dma_start3A_48] : memref<40x128xi32, #tpu.memory_space<vmem>> -> memref<1x128xi32, #tpu.memory_space<vmem>>
      %dma_start3A_50 = tpu.memref_squeeze %dma_start3A_49 : memref<1x128xi32, #tpu.memory_space<vmem>> -> memref<128xi32, #tpu.memory_space<vmem>>
      %dma_start3A_51 = arith.constant 0 : i32
      %dma_start3A_52 = arith.constant 0 : i32
      %dma_start3A_53 = tpu.memref_slice %arg4[%dma_start3A_51, %dma_start3A_52] : memref<10240x128xf32, #tpu.memory_space<hbm>> -> memref<10240x128xf32, #tpu.memory_space<hbm>>
      tpu.enqueue_indirect_dma source(%dma_start3A_53 : memref<10240x128xf32, #tpu.memory_space<hbm>>) target(%arg10 : memref<128x128xf32, #tpu.memory_space<vmem>>) offsets(%dma_start3A_50 : memref<128xi32, #tpu.memory_space<vmem>>) semaphore(%arg13 : memref<!tpu.dma_semaphore, #tpu.memory_space<semaphore_mem>>)
      %dma_wait3A = arith.constant 0 : i32
      %dma_wait3A_54 = tpu.memref_slice %arg7[%mul3A_45, %dma_wait3A] : memref<40x128xi32, #tpu.memory_space<vmem>> -> memref<1x128xi32, #tpu.memory_space<vmem>>
      %dma_wait3A_55 = tpu.memref_squeeze %dma_wait3A_54 : memref<1x128xi32, #tpu.memory_space<vmem>> -> memref<128xi32, #tpu.memory_space<vmem>>
      %dma_wait3A_56 = arith.constant 0 : i32
      %dma_wait3A_57 = arith.constant 0 : i32
      %dma_wait3A_58 = tpu.memref_slice %arg4[%dma_wait3A_56, %dma_wait3A_57] : memref<10240x128xf32, #tpu.memory_space<hbm>> -> memref<10240x128xf32, #tpu.memory_space<hbm>>
      tpu.wait_indirect_dma semaphore(%arg12 : memref<!tpu.dma_semaphore, #tpu.memory_space<semaphore_mem>>) src(%dma_wait3A_58 : memref<10240x128xf32, #tpu.memory_space<hbm>>) dst(%arg9 : memref<128x128xf32, #tpu.memory_space<vmem>>)
      "tpu.region"() ({
        %run_scoped3A = tpu.sem_alloc : memref<!tpu.dma_semaphore, #tpu.memory_space<semaphore_mem>>
        %dma_start3A_107 = arith.constant 0 : i32
        %dma_start3A_108 = tpu.memref_slice %arg8[%mul3A_45, %dma_start3A_107] : memref<40x128xi32, #tpu.memory_space<vmem>> -> memref<1x128xi32, #tpu.memory_space<vmem>>
        %dma_start3A_109 = tpu.memref_squeeze %dma_start3A_108 : memref<1x128xi32, #tpu.memory_space<vmem>> -> memref<128xi32, #tpu.memory_space<vmem>>
        %dma_start3A_110 = arith.constant 0 : i32
        %dma_start3A_111 = arith.constant 0 : i32
        %dma_start3A_112 = tpu.memref_slice %arg11[%dma_start3A_110, %dma_start3A_111] : memref<10240x128xf32, #tpu.memory_space<vmem_shared>> -> memref<10240x128xf32, #tpu.memory_space<vmem_shared>>
        tpu.enqueue_indirect_dma source(%arg9 : memref<128x128xf32, #tpu.memory_space<vmem>>) target(%dma_start3A_112 : memref<10240x128xf32, #tpu.memory_space<vmem_shared>>) offsets(%dma_start3A_109 : memref<128xi32, #tpu.memory_space<vmem>>) semaphore(%run_scoped3A : memref<!tpu.dma_semaphore, #tpu.memory_space<semaphore_mem>>) {add = true}
        %dma_wait3A_113 = arith.constant 0 : i32
        %dma_wait3A_114 = tpu.memref_slice %arg8[%mul3A_45, %dma_wait3A_113] : memref<40x128xi32, #tpu.memory_space<vmem>> -> memref<1x128xi32, #tpu.memory_space<vmem>>
        %dma_wait3A_115 = tpu.memref_squeeze %dma_wait3A_114 : memref<1x128xi32, #tpu.memory_space<vmem>> -> memref<128xi32, #tpu.memory_space<vmem>>
        %dma_wait3A_116 = arith.constant 0 : i32
        %dma_wait3A_117 = arith.constant 0 : i32
        %dma_wait3A_118 = tpu.memref_slice %arg11[%dma_wait3A_116, %dma_wait3A_117] : memref<10240x128xf32, #tpu.memory_space<vmem_shared>> -> memref<10240x128xf32, #tpu.memory_space<vmem_shared>>
        tpu.wait_indirect_dma semaphore(%run_scoped3A : memref<!tpu.dma_semaphore, #tpu.memory_space<semaphore_mem>>) src(%arg9 : memref<128x128xf32, #tpu.memory_space<vmem>>) dst(%dma_wait3A_118 : memref<10240x128xf32, #tpu.memory_space<vmem_shared>>)
        tpu.yield
      }) : () -> ()
      %add3A_59 = arith.constant 2 : i32
      %add3A_60 = arith.addi %mul3A_45, %add3A_59 : i32
      %dma_start3A_61 = arith.constant 0 : i32
      %dma_start3A_62 = tpu.memref_slice %arg7[%add3A_60, %dma_start3A_61] : memref<40x128xi32, #tpu.memory_space<vmem>> -> memref<1x128xi32, #tpu.memory_space<vmem>>
      %dma_start3A_63 = tpu.memref_squeeze %dma_start3A_62 : memref<1x128xi32, #tpu.memory_space<vmem>> -> memref<128xi32, #tpu.memory_space<vmem>>
      %dma_start3A_64 = arith.constant 0 : i32
      %dma_start3A_65 = arith.constant 0 : i32
      %dma_start3A_66 = tpu.memref_slice %arg4[%dma_start3A_64, %dma_start3A_65] : memref<10240x128xf32, #tpu.memory_space<hbm>> -> memref<10240x128xf32, #tpu.memory_space<hbm>>
      tpu.enqueue_indirect_dma source(%dma_start3A_66 : memref<10240x128xf32, #tpu.memory_space<hbm>>) target(%arg9 : memref<128x128xf32, #tpu.memory_space<vmem>>) offsets(%dma_start3A_63 : memref<128xi32, #tpu.memory_space<vmem>>) semaphore(%arg12 : memref<!tpu.dma_semaphore, #tpu.memory_space<semaphore_mem>>)
      %add3A_67 = arith.constant 1 : i32
      %add3A_68 = arith.addi %mul3A_45, %add3A_67 : i32
      %dma_wait3A_69 = arith.constant 0 : i32
      %dma_wait3A_70 = tpu.memref_slice %arg7[%add3A_68, %dma_wait3A_69] : memref<40x128xi32, #tpu.memory_space<vmem>> -> memref<1x128xi32, #tpu.memory_space<vmem>>
      %dma_wait3A_71 = tpu.memref_squeeze %dma_wait3A_70 : memref<1x128xi32, #tpu.memory_space<vmem>> -> memref<128xi32, #tpu.memory_space<vmem>>
      %dma_wait3A_72 = arith.constant 0 : i32
      %dma_wait3A_73 = arith.constant 0 : i32
      %dma_wait3A_74 = tpu.memref_slice %arg4[%dma_wait3A_72, %dma_wait3A_73] : memref<10240x128xf32, #tpu.memory_space<hbm>> -> memref<10240x128xf32, #tpu.memory_space<hbm>>
      tpu.wait_indirect_dma semaphore(%arg13 : memref<!tpu.dma_semaphore, #tpu.memory_space<semaphore_mem>>) src(%dma_wait3A_74 : memref<10240x128xf32, #tpu.memory_space<hbm>>) dst(%arg10 : memref<128x128xf32, #tpu.memory_space<vmem>>)
      %add3A_75 = arith.constant 1 : i32
      %add3A_76 = arith.addi %mul3A_45, %add3A_75 : i32
      "tpu.region"() ({
        %run_scoped3A = tpu.sem_alloc : memref<!tpu.dma_semaphore, #tpu.memory_space<semaphore_mem>>
        %dma_start3A_107 = arith.constant 0 : i32
        %dma_start3A_108 = tpu.memref_slice %arg8[%add3A_76, %dma_start3A_107] : memref<40x128xi32, #tpu.memory_space<vmem>> -> memref<1x128xi32, #tpu.memory_space<vmem>>
        %dma_start3A_109 = tpu.memref_squeeze %dma_start3A_108 : memref<1x128xi32, #tpu.memory_space<vmem>> -> memref<128xi32, #tpu.memory_space<vmem>>
        %dma_start3A_110 = arith.constant 0 : i32
        %dma_start3A_111 = arith.constant 0 : i32
        %dma_start3A_112 = tpu.memref_slice %arg11[%dma_start3A_110, %dma_start3A_111] : memref<10240x128xf32, #tpu.memory_space<vmem_shared>> -> memref<10240x128xf32, #tpu.memory_space<vmem_shared>>
        tpu.enqueue_indirect_dma source(%arg10 : memref<128x128xf32, #tpu.memory_space<vmem>>) target(%dma_start3A_112 : memref<10240x128xf32, #tpu.memory_space<vmem_shared>>) offsets(%dma_start3A_109 : memref<128xi32, #tpu.memory_space<vmem>>) semaphore(%run_scoped3A : memref<!tpu.dma_semaphore, #tpu.memory_space<semaphore_mem>>) {add = true}
        %dma_wait3A_113 = arith.constant 0 : i32
        %dma_wait3A_114 = tpu.memref_slice %arg8[%add3A_76, %dma_wait3A_113] : memref<40x128xi32, #tpu.memory_space<vmem>> -> memref<1x128xi32, #tpu.memory_space<vmem>>
        %dma_wait3A_115 = tpu.memref_squeeze %dma_wait3A_114 : memref<1x128xi32, #tpu.memory_space<vmem>> -> memref<128xi32, #tpu.memory_space<vmem>>
        %dma_wait3A_116 = arith.constant 0 : i32
        %dma_wait3A_117 = arith.constant 0 : i32
        %dma_wait3A_118 = tpu.memref_slice %arg11[%dma_wait3A_116, %dma_wait3A_117] : memref<10240x128xf32, #tpu.memory_space<vmem_shared>> -> memref<10240x128xf32, #tpu.memory_space<vmem_shared>>
        tpu.wait_indirect_dma semaphore(%run_scoped3A : memref<!tpu.dma_semaphore, #tpu.memory_space<semaphore_mem>>) src(%arg10 : memref<128x128xf32, #tpu.memory_space<vmem>>) dst(%dma_wait3A_118 : memref<10240x128xf32, #tpu.memory_space<vmem_shared>>)
        tpu.yield
      }) : () -> ()
      %add3A_77 = arith.constant 3 : i32
      %add3A_78 = arith.addi %mul3A_45, %add3A_77 : i32
      %dma_start3A_79 = arith.constant 0 : i32
      %dma_start3A_80 = tpu.memref_slice %arg7[%add3A_78, %dma_start3A_79] : memref<40x128xi32, #tpu.memory_space<vmem>> -> memref<1x128xi32, #tpu.memory_space<vmem>>
      %dma_start3A_81 = tpu.memref_squeeze %dma_start3A_80 : memref<1x128xi32, #tpu.memory_space<vmem>> -> memref<128xi32, #tpu.memory_space<vmem>>
      %dma_start3A_82 = arith.constant 0 : i32
      %dma_start3A_83 = arith.constant 0 : i32
      %dma_start3A_84 = tpu.memref_slice %arg4[%dma_start3A_82, %dma_start3A_83] : memref<10240x128xf32, #tpu.memory_space<hbm>> -> memref<10240x128xf32, #tpu.memory_space<hbm>>
      tpu.enqueue_indirect_dma source(%dma_start3A_84 : memref<10240x128xf32, #tpu.memory_space<hbm>>) target(%arg10 : memref<128x128xf32, #tpu.memory_space<vmem>>) offsets(%dma_start3A_81 : memref<128xi32, #tpu.memory_space<vmem>>) semaphore(%arg13 : memref<!tpu.dma_semaphore, #tpu.memory_space<semaphore_mem>>)
      %add3A_85 = arith.constant 2 : i32
      %add3A_86 = arith.addi %mul3A_45, %add3A_85 : i32
      %dma_wait3A_87 = arith.constant 0 : i32
      %dma_wait3A_88 = tpu.memref_slice %arg7[%add3A_86, %dma_wait3A_87] : memref<40x128xi32, #tpu.memory_space<vmem>> -> memref<1x128xi32, #tpu.memory_space<vmem>>
      %dma_wait3A_89 = tpu.memref_squeeze %dma_wait3A_88 : memref<1x128xi32, #tpu.memory_space<vmem>> -> memref<128xi32, #tpu.memory_space<vmem>>
      %dma_wait3A_90 = arith.constant 0 : i32
      %dma_wait3A_91 = arith.constant 0 : i32
      %dma_wait3A_92 = tpu.memref_slice %arg4[%dma_wait3A_90, %dma_wait3A_91] : memref<10240x128xf32, #tpu.memory_space<hbm>> -> memref<10240x128xf32, #tpu.memory_space<hbm>>
      tpu.wait_indirect_dma semaphore(%arg12 : memref<!tpu.dma_semaphore, #tpu.memory_space<semaphore_mem>>) src(%dma_wait3A_92 : memref<10240x128xf32, #tpu.memory_space<hbm>>) dst(%arg9 : memref<128x128xf32, #tpu.memory_space<vmem>>)
      %add3A_93 = arith.constant 2 : i32
      %add3A_94 = arith.addi %mul3A_45, %add3A_93 : i32
      "tpu.region"() ({
        %run_scoped3A = tpu.sem_alloc : memref<!tpu.dma_semaphore, #tpu.memory_space<semaphore_mem>>
        %dma_start3A_107 = arith.constant 0 : i32
        %dma_start3A_108 = tpu.memref_slice %arg8[%add3A_94, %dma_start3A_107] : memref<40x128xi32, #tpu.memory_space<vmem>> -> memref<1x128xi32, #tpu.memory_space<vmem>>
        %dma_start3A_109 = tpu.memref_squeeze %dma_start3A_108 : memref<1x128xi32, #tpu.memory_space<vmem>> -> memref<128xi32, #tpu.memory_space<vmem>>
        %dma_start3A_110 = arith.constant 0 : i32
        %dma_start3A_111 = arith.constant 0 : i32
        %dma_start3A_112 = tpu.memref_slice %arg11[%dma_start3A_110, %dma_start3A_111] : memref<10240x128xf32, #tpu.memory_space<vmem_shared>> -> memref<10240x128xf32, #tpu.memory_space<vmem_shared>>
        tpu.enqueue_indirect_dma source(%arg9 : memref<128x128xf32, #tpu.memory_space<vmem>>) target(%dma_start3A_112 : memref<10240x128xf32, #tpu.memory_space<vmem_shared>>) offsets(%dma_start3A_109 : memref<128xi32, #tpu.memory_space<vmem>>) semaphore(%run_scoped3A : memref<!tpu.dma_semaphore, #tpu.memory_space<semaphore_mem>>) {add = true}
        %dma_wait3A_113 = arith.constant 0 : i32
        %dma_wait3A_114 = tpu.memref_slice %arg8[%add3A_94, %dma_wait3A_113] : memref<40x128xi32, #tpu.memory_space<vmem>> -> memref<1x128xi32, #tpu.memory_space<vmem>>
        %dma_wait3A_115 = tpu.memref_squeeze %dma_wait3A_114 : memref<1x128xi32, #tpu.memory_space<vmem>> -> memref<128xi32, #tpu.memory_space<vmem>>
        %dma_wait3A_116 = arith.constant 0 : i32
        %dma_wait3A_117 = arith.constant 0 : i32
        %dma_wait3A_118 = tpu.memref_slice %arg11[%dma_wait3A_116, %dma_wait3A_117] : memref<10240x128xf32, #tpu.memory_space<vmem_shared>> -> memref<10240x128xf32, #tpu.memory_space<vmem_shared>>
        tpu.wait_indirect_dma semaphore(%run_scoped3A : memref<!tpu.dma_semaphore, #tpu.memory_space<semaphore_mem>>) src(%arg9 : memref<128x128xf32, #tpu.memory_space<vmem>>) dst(%dma_wait3A_118 : memref<10240x128xf32, #tpu.memory_space<vmem_shared>>)
        tpu.yield
      }) : () -> ()
      %lt3A = arith.constant 9 : i32
      %lt3A_95 = arith.cmpi slt, %scan3A_43, %lt3A : i32
      %convert_element_type3A = arith.extui %lt3A_95 : i1 to i32
      %cond3A = arith.constant 0 : i32
      %cond3A_96 = arith.cmpi ne, %convert_element_type3A, %cond3A : i32
      scf.if %cond3A_96 {
        %add3A_107 = arith.constant 4 : i32
        %add3A_108 = arith.addi %mul3A_45, %add3A_107 : i32
        %dma_start3A_109 = arith.constant 0 : i32
        %dma_start3A_110 = tpu.memref_slice %arg7[%add3A_108, %dma_start3A_109] : memref<40x128xi32, #tpu.memory_space<vmem>> -> memref<1x128xi32, #tpu.memory_space<vmem>>
        %dma_start3A_111 = tpu.memref_squeeze %dma_start3A_110 : memref<1x128xi32, #tpu.memory_space<vmem>> -> memref<128xi32, #tpu.memory_space<vmem>>
        %dma_start3A_112 = arith.constant 0 : i32
        %dma_start3A_113 = arith.constant 0 : i32
        %dma_start3A_114 = tpu.memref_slice %arg4[%dma_start3A_112, %dma_start3A_113] : memref<10240x128xf32, #tpu.memory_space<hbm>> -> memref<10240x128xf32, #tpu.memory_space<hbm>>
        tpu.enqueue_indirect_dma source(%dma_start3A_114 : memref<10240x128xf32, #tpu.memory_space<hbm>>) target(%arg9 : memref<128x128xf32, #tpu.memory_space<vmem>>) offsets(%dma_start3A_111 : memref<128xi32, #tpu.memory_space<vmem>>) semaphore(%arg12 : memref<!tpu.dma_semaphore, #tpu.memory_space<semaphore_mem>>)
      } else {
      }
      %add3A_97 = arith.constant 3 : i32
      %add3A_98 = arith.addi %mul3A_45, %add3A_97 : i32
      %dma_wait3A_99 = arith.constant 0 : i32
      %dma_wait3A_100 = tpu.memref_slice %arg7[%add3A_98, %dma_wait3A_99] : memref<40x128xi32, #tpu.memory_space<vmem>> -> memref<1x128xi32, #tpu.memory_space<vmem>>
      %dma_wait3A_101 = tpu.memref_squeeze %dma_wait3A_100 : memref<1x128xi32, #tpu.memory_space<vmem>> -> memref<128xi32, #tpu.memory_space<vmem>>
      %dma_wait3A_102 = arith.constant 0 : i32
      %dma_wait3A_103 = arith.constant 0 : i32
      %dma_wait3A_104 = tpu.memref_slice %arg4[%dma_wait3A_102, %dma_wait3A_103] : memref<10240x128xf32, #tpu.memory_space<hbm>> -> memref<10240x128xf32, #tpu.memory_space<hbm>>
      tpu.wait_indirect_dma semaphore(%arg13 : memref<!tpu.dma_semaphore, #tpu.memory_space<semaphore_mem>>) src(%dma_wait3A_104 : memref<10240x128xf32, #tpu.memory_space<hbm>>) dst(%arg10 : memref<128x128xf32, #tpu.memory_space<vmem>>)
      %add3A_105 = arith.constant 3 : i32
      %add3A_106 = arith.addi %mul3A_45, %add3A_105 : i32
      "tpu.region"() ({
        %run_scoped3A = tpu.sem_alloc : memref<!tpu.dma_semaphore, #tpu.memory_space<semaphore_mem>>
        %dma_start3A_107 = arith.constant 0 : i32
        %dma_start3A_108 = tpu.memref_slice %arg8[%add3A_106, %dma_start3A_107] : memref<40x128xi32, #tpu.memory_space<vmem>> -> memref<1x128xi32, #tpu.memory_space<vmem>>
        %dma_start3A_109 = tpu.memref_squeeze %dma_start3A_108 : memref<1x128xi32, #tpu.memory_space<vmem>> -> memref<128xi32, #tpu.memory_space<vmem>>
        %dma_start3A_110 = arith.constant 0 : i32
        %dma_start3A_111 = arith.constant 0 : i32
        %dma_start3A_112 = tpu.memref_slice %arg11[%dma_start3A_110, %dma_start3A_111] : memref<10240x128xf32, #tpu.memory_space<vmem_shared>> -> memref<10240x128xf32, #tpu.memory_space<vmem_shared>>
        tpu.enqueue_indirect_dma source(%arg10 : memref<128x128xf32, #tpu.memory_space<vmem>>) target(%dma_start3A_112 : memref<10240x128xf32, #tpu.memory_space<vmem_shared>>) offsets(%dma_start3A_109 : memref<128xi32, #tpu.memory_space<vmem>>) semaphore(%run_scoped3A : memref<!tpu.dma_semaphore, #tpu.memory_space<semaphore_mem>>) {add = true}
        %dma_wait3A_113 = arith.constant 0 : i32
        %dma_wait3A_114 = tpu.memref_slice %arg8[%add3A_106, %dma_wait3A_113] : memref<40x128xi32, #tpu.memory_space<vmem>> -> memref<1x128xi32, #tpu.memory_space<vmem>>
        %dma_wait3A_115 = tpu.memref_squeeze %dma_wait3A_114 : memref<1x128xi32, #tpu.memory_space<vmem>> -> memref<128xi32, #tpu.memory_space<vmem>>
        %dma_wait3A_116 = arith.constant 0 : i32
        %dma_wait3A_117 = arith.constant 0 : i32
        %dma_wait3A_118 = tpu.memref_slice %arg11[%dma_wait3A_116, %dma_wait3A_117] : memref<10240x128xf32, #tpu.memory_space<vmem_shared>> -> memref<10240x128xf32, #tpu.memory_space<vmem_shared>>
        tpu.wait_indirect_dma semaphore(%run_scoped3A : memref<!tpu.dma_semaphore, #tpu.memory_space<semaphore_mem>>) src(%arg10 : memref<128x128xf32, #tpu.memory_space<vmem>>) dst(%dma_wait3A_118 : memref<10240x128xf32, #tpu.memory_space<vmem_shared>>)
        tpu.yield
      }) : () -> ()
    }
    %scan3A_34 = arith.constant 10 : i32
    %barrier3A_35 = arith.constant 0 : index
    tpu.barrier barrier_id(%barrier3A_35)
    %mul3A_36 = arith.constant 640 : i32
    %mul3A_37 = arith.muli %arg1, %mul3A_36 : i32
    %mul3A_38 = arith.constant 10240 : i32
    %mul3A_39 = arith.muli %arg0, %mul3A_38 : i32
    %mul3A_40 = arith.constant 640 : i32
    %mul3A_41 = arith.muli %arg1, %mul3A_40 : i32
    %add3A_42 = arith.addi %mul3A_39, %mul3A_41 : i32
    "tpu.region"() ({
      %run_scoped3A = tpu.sem_alloc : memref<!tpu.dma_semaphore, #tpu.memory_space<semaphore_mem>>
      %dma_start3A_43 = arith.constant 0 : i32
      %dma_start3A_44 = tpu.memref_slice %arg6[%add3A_42, %dma_start3A_43] : memref<20480x128xf32, #tpu.memory_space<hbm>> -> memref<640x128xf32, #tpu.memory_space<hbm>>
      %dma_start3A_45 = arith.constant 0 : i32
      %dma_start3A_46 = tpu.memref_slice %arg11[%mul3A_37, %dma_start3A_45] : memref<10240x128xf32, #tpu.memory_space<vmem_shared>> -> memref<640x128xf32, #tpu.memory_space<vmem_shared>>
      tpu.enqueue_dma source(%dma_start3A_46 : memref<640x128xf32, #tpu.memory_space<vmem_shared>>) target(%dma_start3A_44 : memref<640x128xf32, #tpu.memory_space<hbm>>) target_semaphore(%run_scoped3A : memref<!tpu.dma_semaphore, #tpu.memory_space<semaphore_mem>>)
      %dma_wait3A = arith.constant 0 : i32
      %dma_wait3A_47 = tpu.memref_slice %arg6[%add3A_42, %dma_wait3A] : memref<20480x128xf32, #tpu.memory_space<hbm>> -> memref<640x128xf32, #tpu.memory_space<hbm>>
      %dma_wait3A_48 = arith.constant 0 : i32
      %dma_wait3A_49 = tpu.memref_slice %arg11[%mul3A_37, %dma_wait3A_48] : memref<10240x128xf32, #tpu.memory_space<vmem_shared>> -> memref<640x128xf32, #tpu.memory_space<vmem_shared>>
      tpu.wait_dma2 semaphore(%run_scoped3A : memref<!tpu.dma_semaphore, #tpu.memory_space<semaphore_mem>>) src(%dma_wait3A_49 : memref<640x128xf32, #tpu.memory_space<vmem_shared>>) dst(%dma_wait3A_47 : memref<640x128xf32, #tpu.memory_space<hbm>>)
      tpu.yield
    }) : () -> ()
    return
  }
}

#map = affine_map<(d0, d1) -> (0)>
module attributes {stable_mosaic.version = 14 : i64} {
  func.func @_deg_body(%arg0: i32, %arg1: i32, %arg2: memref<640000xi32, #tpu.memory_space<hbm>>, %arg3: memref<20480xf32, #tpu.memory_space<hbm>>, %arg4: memref<10000xi32, #tpu.memory_space<vmem>>, %arg5: memref<10240xf32, #tpu.memory_space<vmem>>, %arg6: memref<16x640xf32, #tpu.memory_space<vmem>>, %arg7: memref<16x10240xf32, #tpu.memory_space<vmem_shared>>) attributes {dimension_semantics = [#tpu.dimension_semantics<core_parallel>, #tpu.dimension_semantics<subcore_parallel>], iteration_bounds = array<i64: 2, 16>, scalar_prefetch = 0 : i64, scratch_operands = 4 : i64, tpu.core_type = #tpu.core_type<sc_vector_subcore>, window_params = [{transform_indices = #map}, {transform_indices = #map}]} {
    %mul3A = arith.constant 2 : i32
    %mul3A_0 = arith.muli %arg1, %mul3A : i32
    %add3A = arith.addi %mul3A_0, %arg0 : i32
    %broadcast_in_dim3A = arith.constant 0.000000e+00 : f32
    %broadcast_in_dim3A_1 = vector.broadcast %broadcast_in_dim3A : f32 to vector<16xf32>
    %scan3A = arith.constant 0 : i32
    %scan3A_2 = arith.constant 0 : i32
    %scan3A_3 = arith.constant 640 : i32
    %scan3A_4 = arith.addi %scan3A_2, %scan3A_3 : i32
    %scan3A_5 = arith.constant 1 : i32
    scf.for %scan3A_93 = %scan3A_2 to %scan3A_4 step %scan3A_5  : i32 {
      %mul3A_94 = arith.constant 16 : i32
      %mul3A_95 = arith.muli %scan3A_93, %mul3A_94 : i32
      %swap3A = arith.index_cast %mul3A_95 : i32 to index
      %swap3A_96 = tpu.vector_load %arg5[%swap3A] {strides = array<i32>} : memref<10240xf32, #tpu.memory_space<vmem>>, vector<16xf32>,
      tpu.vector_store %arg5[%swap3A], %broadcast_in_dim3A_1 {strides = array<i32>} : memref<10240xf32, #tpu.memory_space<vmem>>, vector<16xf32>,
    }
    %scan3A_6 = arith.constant 640 : i32
    %mul3A_7 = arith.constant 10000 : i32
    %mul3A_8 = arith.muli %add3A, %mul3A_7 : i32
    %add3A_9 = arith.constant 320000 : i32
    %add3A_10 = arith.addi %add3A_9, %mul3A_8 : i32
    "tpu.region"() ({
      %run_scoped3A_93 = tpu.sem_alloc : memref<!tpu.dma_semaphore, #tpu.memory_space<semaphore_mem>>
      %dma_start3A = tpu.memref_slice %arg2[%add3A_10] : memref<640000xi32, #tpu.memory_space<hbm>> -> memref<10000xi32, #tpu.memory_space<hbm>>
      %dma_start3A_94 = tpu.memref_slice %arg2[%add3A_10] : memref<640000xi32, #tpu.memory_space<hbm>> -> memref<10000xi32, #tpu.memory_space<hbm>>
      tpu.enqueue_dma source(%dma_start3A_94 : memref<10000xi32, #tpu.memory_space<hbm>>) target(%arg4 : memref<10000xi32, #tpu.memory_space<vmem>>) target_semaphore(%run_scoped3A_93 : memref<!tpu.dma_semaphore, #tpu.memory_space<semaphore_mem>>)
      %dma_wait3A = tpu.memref_slice %arg2[%add3A_10] : memref<640000xi32, #tpu.memory_space<hbm>> -> memref<10000xi32, #tpu.memory_space<hbm>>
      %dma_wait3A_95 = tpu.memref_slice %arg2[%add3A_10] : memref<640000xi32, #tpu.memory_space<hbm>> -> memref<10000xi32, #tpu.memory_space<hbm>>
      tpu.wait_dma2 semaphore(%run_scoped3A_93 : memref<!tpu.dma_semaphore, #tpu.memory_space<semaphore_mem>>) src(%dma_wait3A_95 : memref<10000xi32, #tpu.memory_space<hbm>>) dst(%arg4 : memref<10000xi32, #tpu.memory_space<vmem>>)
      tpu.yield
    }) : () -> ()
    %broadcast_in_dim3A_11 = arith.constant 1.000000e+00 : f32
    %broadcast_in_dim3A_12 = vector.broadcast %broadcast_in_dim3A_11 : f32 to vector<16xf32>
    %scan3A_13 = arith.constant 0 : i32
    %scan3A_14 = arith.constant 0 : i32
    %scan3A_15 = arith.constant 625 : i32
    %scan3A_16 = arith.addi %scan3A_14, %scan3A_15 : i32
    %scan3A_17 = arith.constant 1 : i32
    scf.for %scan3A_93 = %scan3A_14 to %scan3A_16 step %scan3A_17  : i32 {
      %mul3A_94 = arith.constant 16 : i32
      %mul3A_95 = arith.muli %scan3A_93, %mul3A_94 : i32
      %get3A = arith.index_cast %mul3A_95 : i32 to index
      %get3A_96 = tpu.vector_load %arg4[%get3A] {strides = array<i32>} : memref<10000xi32, #tpu.memory_space<vmem>>, vector<16xi32>,
      tpu.vector_store_idx %arg5[%get3A_96], %broadcast_in_dim3A_12 {add = true} : memref<10240xf32, #tpu.memory_space<vmem>>[vector<16xi32>], vector<16xf32>,
    }
    %scan3A_18 = arith.constant 625 : i32
    "tpu.region"() ({
      %run_scoped3A_93 = tpu.sem_alloc : memref<!tpu.dma_semaphore, #tpu.memory_space<semaphore_mem>>
      %dma_start3A = arith.constant 0 : i32
      %dma_start3A_94 = tpu.memref_slice %arg7[%arg1, %dma_start3A] : memref<16x10240xf32, #tpu.memory_space<vmem_shared>> -> memref<1x10240xf32, #tpu.memory_space<vmem_shared>>
      %dma_start3A_95 = tpu.memref_squeeze %dma_start3A_94 : memref<1x10240xf32, #tpu.memory_space<vmem_shared>> -> memref<10240xf32, #tpu.memory_space<vmem_shared>>
      %dma_start3A_96 = arith.constant 0 : i32
      %dma_start3A_97 = tpu.memref_slice %arg7[%arg1, %dma_start3A_96] : memref<16x10240xf32, #tpu.memory_space<vmem_shared>> -> memref<1x10240xf32, #tpu.memory_space<vmem_shared>>
      %dma_start3A_98 = tpu.memref_squeeze %dma_start3A_97 : memref<1x10240xf32, #tpu.memory_space<vmem_shared>> -> memref<10240xf32, #tpu.memory_space<vmem_shared>>
      tpu.enqueue_dma source(%arg5 : memref<10240xf32, #tpu.memory_space<vmem>>) target(%dma_start3A_98 : memref<10240xf32, #tpu.memory_space<vmem_shared>>) target_semaphore(%run_scoped3A_93 : memref<!tpu.dma_semaphore, #tpu.memory_space<semaphore_mem>>)
      %dma_wait3A = arith.constant 0 : i32
      %dma_wait3A_99 = tpu.memref_slice %arg7[%arg1, %dma_wait3A] : memref<16x10240xf32, #tpu.memory_space<vmem_shared>> -> memref<1x10240xf32, #tpu.memory_space<vmem_shared>>
      %dma_wait3A_100 = tpu.memref_squeeze %dma_wait3A_99 : memref<1x10240xf32, #tpu.memory_space<vmem_shared>> -> memref<10240xf32, #tpu.memory_space<vmem_shared>>
      %dma_wait3A_101 = arith.constant 0 : i32
      %dma_wait3A_102 = tpu.memref_slice %arg7[%arg1, %dma_wait3A_101] : memref<16x10240xf32, #tpu.memory_space<vmem_shared>> -> memref<1x10240xf32, #tpu.memory_space<vmem_shared>>
      %dma_wait3A_103 = tpu.memref_squeeze %dma_wait3A_102 : memref<1x10240xf32, #tpu.memory_space<vmem_shared>> -> memref<10240xf32, #tpu.memory_space<vmem_shared>>
      tpu.wait_dma2 semaphore(%run_scoped3A_93 : memref<!tpu.dma_semaphore, #tpu.memory_space<semaphore_mem>>) src(%arg5 : memref<10240xf32, #tpu.memory_space<vmem>>) dst(%dma_wait3A_103 : memref<10240xf32, #tpu.memory_space<vmem_shared>>)
      tpu.yield
    }) : () -> ()
    %barrier3A = arith.constant 0 : index
    tpu.barrier barrier_id(%barrier3A)
    %mul3A_19 = arith.constant 640 : i32
    %mul3A_20 = arith.muli %arg1, %mul3A_19 : i32
    %run_scoped3A = arith.constant 0 : i32
    %run_scoped3A_21 = arith.constant 0 : i32
    "tpu.region"() ({
      %run_scoped3A_93 = tpu.sem_alloc : memref<!tpu.dma_semaphore, #tpu.memory_space<semaphore_mem>>
      %dma_start3A = arith.constant 0 : i32
      %dma_start3A_94 = tpu.memref_slice %arg6[%run_scoped3A_21, %dma_start3A] : memref<16x640xf32, #tpu.memory_space<vmem>> -> memref<1x640xf32, #tpu.memory_space<vmem>>
      %dma_start3A_95 = tpu.memref_squeeze %dma_start3A_94 : memref<1x640xf32, #tpu.memory_space<vmem>> -> memref<640xf32, #tpu.memory_space<vmem>>
      %dma_start3A_96 = tpu.memref_slice %arg7[%run_scoped3A, %mul3A_20] : memref<16x10240xf32, #tpu.memory_space<vmem_shared>> -> memref<1x640xf32, #tpu.memory_space<vmem_shared>>
      %dma_start3A_97 = tpu.memref_squeeze %dma_start3A_96 : memref<1x640xf32, #tpu.memory_space<vmem_shared>> -> memref<640xf32, #tpu.memory_space<vmem_shared>>
      %dma_start3A_98 = arith.constant 0 : i32
      %dma_start3A_99 = tpu.memref_slice %arg6[%run_scoped3A_21, %dma_start3A_98] : memref<16x640xf32, #tpu.memory_space<vmem>> -> memref<1x640xf32, #tpu.memory_space<vmem>>
      %dma_start3A_100 = tpu.memref_squeeze %dma_start3A_99 : memref<1x640xf32, #tpu.memory_space<vmem>> -> memref<640xf32, #tpu.memory_space<vmem>>
      %dma_start3A_101 = tpu.memref_slice %arg7[%run_scoped3A, %mul3A_20] : memref<16x10240xf32, #tpu.memory_space<vmem_shared>> -> memref<1x640xf32, #tpu.memory_space<vmem_shared>>
      %dma_start3A_102 = tpu.memref_squeeze %dma_start3A_101 : memref<1x640xf32, #tpu.memory_space<vmem_shared>> -> memref<640xf32, #tpu.memory_space<vmem_shared>>
      tpu.enqueue_dma source(%dma_start3A_102 : memref<640xf32, #tpu.memory_space<vmem_shared>>) target(%dma_start3A_100 : memref<640xf32, #tpu.memory_space<vmem>>) target_semaphore(%run_scoped3A_93 : memref<!tpu.dma_semaphore, #tpu.memory_space<semaphore_mem>>)
      %dma_wait3A = arith.constant 0 : i32
      %dma_wait3A_103 = tpu.memref_slice %arg6[%run_scoped3A_21, %dma_wait3A] : memref<16x640xf32, #tpu.memory_space<vmem>> -> memref<1x640xf32, #tpu.memory_space<vmem>>
      %dma_wait3A_104 = tpu.memref_squeeze %dma_wait3A_103 : memref<1x640xf32, #tpu.memory_space<vmem>> -> memref<640xf32, #tpu.memory_space<vmem>>
      %dma_wait3A_105 = tpu.memref_slice %arg7[%run_scoped3A, %mul3A_20] : memref<16x10240xf32, #tpu.memory_space<vmem_shared>> -> memref<1x640xf32, #tpu.memory_space<vmem_shared>>
      %dma_wait3A_106 = tpu.memref_squeeze %dma_wait3A_105 : memref<1x640xf32, #tpu.memory_space<vmem_shared>> -> memref<640xf32, #tpu.memory_space<vmem_shared>>
      %dma_wait3A_107 = arith.constant 0 : i32
      %dma_wait3A_108 = tpu.memref_slice %arg6[%run_scoped3A_21, %dma_wait3A_107] : memref<16x640xf32, #tpu.memory_space<vmem>> -> memref<1x640xf32, #tpu.memory_space<vmem>>
      %dma_wait3A_109 = tpu.memref_squeeze %dma_wait3A_108 : memref<1x640xf32, #tpu.memory_space<vmem>> -> memref<640xf32, #tpu.memory_space<vmem>>
      %dma_wait3A_110 = tpu.memref_slice %arg7[%run_scoped3A, %mul3A_20] : memref<16x10240xf32, #tpu.memory_space<vmem_shared>> -> memref<1x640xf32, #tpu.memory_space<vmem_shared>>
      %dma_wait3A_111 = tpu.memref_squeeze %dma_wait3A_110 : memref<1x640xf32, #tpu.memory_space<vmem_shared>> -> memref<640xf32, #tpu.memory_space<vmem_shared>>
      tpu.wait_dma2 semaphore(%run_scoped3A_93 : memref<!tpu.dma_semaphore, #tpu.memory_space<semaphore_mem>>) src(%dma_wait3A_111 : memref<640xf32, #tpu.memory_space<vmem_shared>>) dst(%dma_wait3A_109 : memref<640xf32, #tpu.memory_space<vmem>>)
      tpu.yield
    }) : () -> ()
    %mul3A_22 = arith.constant 640 : i32
    %mul3A_23 = arith.muli %arg1, %mul3A_22 : i32
    %run_scoped3A_24 = arith.constant 1 : i32
    %run_scoped3A_25 = arith.constant 1 : i32
    "tpu.region"() ({
      %run_scoped3A_93 = tpu.sem_alloc : memref<!tpu.dma_semaphore, #tpu.memory_space<semaphore_mem>>
      %dma_start3A = arith.constant 0 : i32
      %dma_start3A_94 = tpu.memref_slice %arg6[%run_scoped3A_25, %dma_start3A] : memref<16x640xf32, #tpu.memory_space<vmem>> -> memref<1x640xf32, #tpu.memory_space<vmem>>
      %dma_start3A_95 = tpu.memref_squeeze %dma_start3A_94 : memref<1x640xf32, #tpu.memory_space<vmem>> -> memref<640xf32, #tpu.memory_space<vmem>>
      %dma_start3A_96 = tpu.memref_slice %arg7[%run_scoped3A_24, %mul3A_23] : memref<16x10240xf32, #tpu.memory_space<vmem_shared>> -> memref<1x640xf32, #tpu.memory_space<vmem_shared>>
      %dma_start3A_97 = tpu.memref_squeeze %dma_start3A_96 : memref<1x640xf32, #tpu.memory_space<vmem_shared>> -> memref<640xf32, #tpu.memory_space<vmem_shared>>
      %dma_start3A_98 = arith.constant 0 : i32
      %dma_start3A_99 = tpu.memref_slice %arg6[%run_scoped3A_25, %dma_start3A_98] : memref<16x640xf32, #tpu.memory_space<vmem>> -> memref<1x640xf32, #tpu.memory_space<vmem>>
      %dma_start3A_100 = tpu.memref_squeeze %dma_start3A_99 : memref<1x640xf32, #tpu.memory_space<vmem>> -> memref<640xf32, #tpu.memory_space<vmem>>
      %dma_start3A_101 = tpu.memref_slice %arg7[%run_scoped3A_24, %mul3A_23] : memref<16x10240xf32, #tpu.memory_space<vmem_shared>> -> memref<1x640xf32, #tpu.memory_space<vmem_shared>>
      %dma_start3A_102 = tpu.memref_squeeze %dma_start3A_101 : memref<1x640xf32, #tpu.memory_space<vmem_shared>> -> memref<640xf32, #tpu.memory_space<vmem_shared>>
      tpu.enqueue_dma source(%dma_start3A_102 : memref<640xf32, #tpu.memory_space<vmem_shared>>) target(%dma_start3A_100 : memref<640xf32, #tpu.memory_space<vmem>>) target_semaphore(%run_scoped3A_93 : memref<!tpu.dma_semaphore, #tpu.memory_space<semaphore_mem>>)
      %dma_wait3A = arith.constant 0 : i32
      %dma_wait3A_103 = tpu.memref_slice %arg6[%run_scoped3A_25, %dma_wait3A] : memref<16x640xf32, #tpu.memory_space<vmem>> -> memref<1x640xf32, #tpu.memory_space<vmem>>
      %dma_wait3A_104 = tpu.memref_squeeze %dma_wait3A_103 : memref<1x640xf32, #tpu.memory_space<vmem>> -> memref<640xf32, #tpu.memory_space<vmem>>
      %dma_wait3A_105 = tpu.memref_slice %arg7[%run_scoped3A_24, %mul3A_23] : memref<16x10240xf32, #tpu.memory_space<vmem_shared>> -> memref<1x640xf32, #tpu.memory_space<vmem_shared>>
      %dma_wait3A_106 = tpu.memref_squeeze %dma_wait3A_105 : memref<1x640xf32, #tpu.memory_space<vmem_shared>> -> memref<640xf32, #tpu.memory_space<vmem_shared>>
      %dma_wait3A_107 = arith.constant 0 : i32
      %dma_wait3A_108 = tpu.memref_slice %arg6[%run_scoped3A_25, %dma_wait3A_107] : memref<16x640xf32, #tpu.memory_space<vmem>> -> memref<1x640xf32, #tpu.memory_space<vmem>>
      %dma_wait3A_109 = tpu.memref_squeeze %dma_wait3A_108 : memref<1x640xf32, #tpu.memory_space<vmem>> -> memref<640xf32, #tpu.memory_space<vmem>>
      %dma_wait3A_110 = tpu.memref_slice %arg7[%run_scoped3A_24, %mul3A_23] : memref<16x10240xf32, #tpu.memory_space<vmem_shared>> -> memref<1x640xf32, #tpu.memory_space<vmem_shared>>
      %dma_wait3A_111 = tpu.memref_squeeze %dma_wait3A_110 : memref<1x640xf32, #tpu.memory_space<vmem_shared>> -> memref<640xf32, #tpu.memory_space<vmem_shared>>
      tpu.wait_dma2 semaphore(%run_scoped3A_93 : memref<!tpu.dma_semaphore, #tpu.memory_space<semaphore_mem>>) src(%dma_wait3A_111 : memref<640xf32, #tpu.memory_space<vmem_shared>>) dst(%dma_wait3A_109 : memref<640xf32, #tpu.memory_space<vmem>>)
      tpu.yield
    }) : () -> ()
    %mul3A_26 = arith.constant 640 : i32
    %mul3A_27 = arith.muli %arg1, %mul3A_26 : i32
    %run_scoped3A_28 = arith.constant 2 : i32
    %run_scoped3A_29 = arith.constant 2 : i32
    "tpu.region"() ({
      %run_scoped3A_93 = tpu.sem_alloc : memref<!tpu.dma_semaphore, #tpu.memory_space<semaphore_mem>>
      %dma_start3A = arith.constant 0 : i32
      %dma_start3A_94 = tpu.memref_slice %arg6[%run_scoped3A_29, %dma_start3A] : memref<16x640xf32, #tpu.memory_space<vmem>> -> memref<1x640xf32, #tpu.memory_space<vmem>>
      %dma_start3A_95 = tpu.memref_squeeze %dma_start3A_94 : memref<1x640xf32, #tpu.memory_space<vmem>> -> memref<640xf32, #tpu.memory_space<vmem>>
      %dma_start3A_96 = tpu.memref_slice %arg7[%run_scoped3A_28, %mul3A_27] : memref<16x10240xf32, #tpu.memory_space<vmem_shared>> -> memref<1x640xf32, #tpu.memory_space<vmem_shared>>
      %dma_start3A_97 = tpu.memref_squeeze %dma_start3A_96 : memref<1x640xf32, #tpu.memory_space<vmem_shared>> -> memref<640xf32, #tpu.memory_space<vmem_shared>>
      %dma_start3A_98 = arith.constant 0 : i32
      %dma_start3A_99 = tpu.memref_slice %arg6[%run_scoped3A_29, %dma_start3A_98] : memref<16x640xf32, #tpu.memory_space<vmem>> -> memref<1x640xf32, #tpu.memory_space<vmem>>
      %dma_start3A_100 = tpu.memref_squeeze %dma_start3A_99 : memref<1x640xf32, #tpu.memory_space<vmem>> -> memref<640xf32, #tpu.memory_space<vmem>>
      %dma_start3A_101 = tpu.memref_slice %arg7[%run_scoped3A_28, %mul3A_27] : memref<16x10240xf32, #tpu.memory_space<vmem_shared>> -> memref<1x640xf32, #tpu.memory_space<vmem_shared>>
      %dma_start3A_102 = tpu.memref_squeeze %dma_start3A_101 : memref<1x640xf32, #tpu.memory_space<vmem_shared>> -> memref<640xf32, #tpu.memory_space<vmem_shared>>
      tpu.enqueue_dma source(%dma_start3A_102 : memref<640xf32, #tpu.memory_space<vmem_shared>>) target(%dma_start3A_100 : memref<640xf32, #tpu.memory_space<vmem>>) target_semaphore(%run_scoped3A_93 : memref<!tpu.dma_semaphore, #tpu.memory_space<semaphore_mem>>)
      %dma_wait3A = arith.constant 0 : i32
      %dma_wait3A_103 = tpu.memref_slice %arg6[%run_scoped3A_29, %dma_wait3A] : memref<16x640xf32, #tpu.memory_space<vmem>> -> memref<1x640xf32, #tpu.memory_space<vmem>>
      %dma_wait3A_104 = tpu.memref_squeeze %dma_wait3A_103 : memref<1x640xf32, #tpu.memory_space<vmem>> -> memref<640xf32, #tpu.memory_space<vmem>>
      %dma_wait3A_105 = tpu.memref_slice %arg7[%run_scoped3A_28, %mul3A_27] : memref<16x10240xf32, #tpu.memory_space<vmem_shared>> -> memref<1x640xf32, #tpu.memory_space<vmem_shared>>
      %dma_wait3A_106 = tpu.memref_squeeze %dma_wait3A_105 : memref<1x640xf32, #tpu.memory_space<vmem_shared>> -> memref<640xf32, #tpu.memory_space<vmem_shared>>
      %dma_wait3A_107 = arith.constant 0 : i32
      %dma_wait3A_108 = tpu.memref_slice %arg6[%run_scoped3A_29, %dma_wait3A_107] : memref<16x640xf32, #tpu.memory_space<vmem>> -> memref<1x640xf32, #tpu.memory_space<vmem>>
      %dma_wait3A_109 = tpu.memref_squeeze %dma_wait3A_108 : memref<1x640xf32, #tpu.memory_space<vmem>> -> memref<640xf32, #tpu.memory_space<vmem>>
      %dma_wait3A_110 = tpu.memref_slice %arg7[%run_scoped3A_28, %mul3A_27] : memref<16x10240xf32, #tpu.memory_space<vmem_shared>> -> memref<1x640xf32, #tpu.memory_space<vmem_shared>>
      %dma_wait3A_111 = tpu.memref_squeeze %dma_wait3A_110 : memref<1x640xf32, #tpu.memory_space<vmem_shared>> -> memref<640xf32, #tpu.memory_space<vmem_shared>>
      tpu.wait_dma2 semaphore(%run_scoped3A_93 : memref<!tpu.dma_semaphore, #tpu.memory_space<semaphore_mem>>) src(%dma_wait3A_111 : memref<640xf32, #tpu.memory_space<vmem_shared>>) dst(%dma_wait3A_109 : memref<640xf32, #tpu.memory_space<vmem>>)
      tpu.yield
    }) : () -> ()
    %mul3A_30 = arith.constant 640 : i32
    %mul3A_31 = arith.muli %arg1, %mul3A_30 : i32
    %run_scoped3A_32 = arith.constant 3 : i32
    %run_scoped3A_33 = arith.constant 3 : i32
    "tpu.region"() ({
      %run_scoped3A_93 = tpu.sem_alloc : memref<!tpu.dma_semaphore, #tpu.memory_space<semaphore_mem>>
      %dma_start3A = arith.constant 0 : i32
      %dma_start3A_94 = tpu.memref_slice %arg6[%run_scoped3A_33, %dma_start3A] : memref<16x640xf32, #tpu.memory_space<vmem>> -> memref<1x640xf32, #tpu.memory_space<vmem>>
      %dma_start3A_95 = tpu.memref_squeeze %dma_start3A_94 : memref<1x640xf32, #tpu.memory_space<vmem>> -> memref<640xf32, #tpu.memory_space<vmem>>
      %dma_start3A_96 = tpu.memref_slice %arg7[%run_scoped3A_32, %mul3A_31] : memref<16x10240xf32, #tpu.memory_space<vmem_shared>> -> memref<1x640xf32, #tpu.memory_space<vmem_shared>>
      %dma_start3A_97 = tpu.memref_squeeze %dma_start3A_96 : memref<1x640xf32, #tpu.memory_space<vmem_shared>> -> memref<640xf32, #tpu.memory_space<vmem_shared>>
      %dma_start3A_98 = arith.constant 0 : i32
      %dma_start3A_99 = tpu.memref_slice %arg6[%run_scoped3A_33, %dma_start3A_98] : memref<16x640xf32, #tpu.memory_space<vmem>> -> memref<1x640xf32, #tpu.memory_space<vmem>>
      %dma_start3A_100 = tpu.memref_squeeze %dma_start3A_99 : memref<1x640xf32, #tpu.memory_space<vmem>> -> memref<640xf32, #tpu.memory_space<vmem>>
      %dma_start3A_101 = tpu.memref_slice %arg7[%run_scoped3A_32, %mul3A_31] : memref<16x10240xf32, #tpu.memory_space<vmem_shared>> -> memref<1x640xf32, #tpu.memory_space<vmem_shared>>
      %dma_start3A_102 = tpu.memref_squeeze %dma_start3A_101 : memref<1x640xf32, #tpu.memory_space<vmem_shared>> -> memref<640xf32, #tpu.memory_space<vmem_shared>>
      tpu.enqueue_dma source(%dma_start3A_102 : memref<640xf32, #tpu.memory_space<vmem_shared>>) target(%dma_start3A_100 : memref<640xf32, #tpu.memory_space<vmem>>) target_semaphore(%run_scoped3A_93 : memref<!tpu.dma_semaphore, #tpu.memory_space<semaphore_mem>>)
      %dma_wait3A = arith.constant 0 : i32
      %dma_wait3A_103 = tpu.memref_slice %arg6[%run_scoped3A_33, %dma_wait3A] : memref<16x640xf32, #tpu.memory_space<vmem>> -> memref<1x640xf32, #tpu.memory_space<vmem>>
      %dma_wait3A_104 = tpu.memref_squeeze %dma_wait3A_103 : memref<1x640xf32, #tpu.memory_space<vmem>> -> memref<640xf32, #tpu.memory_space<vmem>>
      %dma_wait3A_105 = tpu.memref_slice %arg7[%run_scoped3A_32, %mul3A_31] : memref<16x10240xf32, #tpu.memory_space<vmem_shared>> -> memref<1x640xf32, #tpu.memory_space<vmem_shared>>
      %dma_wait3A_106 = tpu.memref_squeeze %dma_wait3A_105 : memref<1x640xf32, #tpu.memory_space<vmem_shared>> -> memref<640xf32, #tpu.memory_space<vmem_shared>>
      %dma_wait3A_107 = arith.constant 0 : i32
      %dma_wait3A_108 = tpu.memref_slice %arg6[%run_scoped3A_33, %dma_wait3A_107] : memref<16x640xf32, #tpu.memory_space<vmem>> -> memref<1x640xf32, #tpu.memory_space<vmem>>
      %dma_wait3A_109 = tpu.memref_squeeze %dma_wait3A_108 : memref<1x640xf32, #tpu.memory_space<vmem>> -> memref<640xf32, #tpu.memory_space<vmem>>
      %dma_wait3A_110 = tpu.memref_slice %arg7[%run_scoped3A_32, %mul3A_31] : memref<16x10240xf32, #tpu.memory_space<vmem_shared>> -> memref<1x640xf32, #tpu.memory_space<vmem_shared>>
      %dma_wait3A_111 = tpu.memref_squeeze %dma_wait3A_110 : memref<1x640xf32, #tpu.memory_space<vmem_shared>> -> memref<640xf32, #tpu.memory_space<vmem_shared>>
      tpu.wait_dma2 semaphore(%run_scoped3A_93 : memref<!tpu.dma_semaphore, #tpu.memory_space<semaphore_mem>>) src(%dma_wait3A_111 : memref<640xf32, #tpu.memory_space<vmem_shared>>) dst(%dma_wait3A_109 : memref<640xf32, #tpu.memory_space<vmem>>)
      tpu.yield
    }) : () -> ()
    %mul3A_34 = arith.constant 640 : i32
    %mul3A_35 = arith.muli %arg1, %mul3A_34 : i32
    %run_scoped3A_36 = arith.constant 4 : i32
    %run_scoped3A_37 = arith.constant 4 : i32
    "tpu.region"() ({
      %run_scoped3A_93 = tpu.sem_alloc : memref<!tpu.dma_semaphore, #tpu.memory_space<semaphore_mem>>
      %dma_start3A = arith.constant 0 : i32
      %dma_start3A_94 = tpu.memref_slice %arg6[%run_scoped3A_37, %dma_start3A] : memref<16x640xf32, #tpu.memory_space<vmem>> -> memref<1x640xf32, #tpu.memory_space<vmem>>
      %dma_start3A_95 = tpu.memref_squeeze %dma_start3A_94 : memref<1x640xf32, #tpu.memory_space<vmem>> -> memref<640xf32, #tpu.memory_space<vmem>>
      %dma_start3A_96 = tpu.memref_slice %arg7[%run_scoped3A_36, %mul3A_35] : memref<16x10240xf32, #tpu.memory_space<vmem_shared>> -> memref<1x640xf32, #tpu.memory_space<vmem_shared>>
      %dma_start3A_97 = tpu.memref_squeeze %dma_start3A_96 : memref<1x640xf32, #tpu.memory_space<vmem_shared>> -> memref<640xf32, #tpu.memory_space<vmem_shared>>
      %dma_start3A_98 = arith.constant 0 : i32
      %dma_start3A_99 = tpu.memref_slice %arg6[%run_scoped3A_37, %dma_start3A_98] : memref<16x640xf32, #tpu.memory_space<vmem>> -> memref<1x640xf32, #tpu.memory_space<vmem>>
      %dma_start3A_100 = tpu.memref_squeeze %dma_start3A_99 : memref<1x640xf32, #tpu.memory_space<vmem>> -> memref<640xf32, #tpu.memory_space<vmem>>
      %dma_start3A_101 = tpu.memref_slice %arg7[%run_scoped3A_36, %mul3A_35] : memref<16x10240xf32, #tpu.memory_space<vmem_shared>> -> memref<1x640xf32, #tpu.memory_space<vmem_shared>>
      %dma_start3A_102 = tpu.memref_squeeze %dma_start3A_101 : memref<1x640xf32, #tpu.memory_space<vmem_shared>> -> memref<640xf32, #tpu.memory_space<vmem_shared>>
      tpu.enqueue_dma source(%dma_start3A_102 : memref<640xf32, #tpu.memory_space<vmem_shared>>) target(%dma_start3A_100 : memref<640xf32, #tpu.memory_space<vmem>>) target_semaphore(%run_scoped3A_93 : memref<!tpu.dma_semaphore, #tpu.memory_space<semaphore_mem>>)
      %dma_wait3A = arith.constant 0 : i32
      %dma_wait3A_103 = tpu.memref_slice %arg6[%run_scoped3A_37, %dma_wait3A] : memref<16x640xf32, #tpu.memory_space<vmem>> -> memref<1x640xf32, #tpu.memory_space<vmem>>
      %dma_wait3A_104 = tpu.memref_squeeze %dma_wait3A_103 : memref<1x640xf32, #tpu.memory_space<vmem>> -> memref<640xf32, #tpu.memory_space<vmem>>
      %dma_wait3A_105 = tpu.memref_slice %arg7[%run_scoped3A_36, %mul3A_35] : memref<16x10240xf32, #tpu.memory_space<vmem_shared>> -> memref<1x640xf32, #tpu.memory_space<vmem_shared>>
      %dma_wait3A_106 = tpu.memref_squeeze %dma_wait3A_105 : memref<1x640xf32, #tpu.memory_space<vmem_shared>> -> memref<640xf32, #tpu.memory_space<vmem_shared>>
      %dma_wait3A_107 = arith.constant 0 : i32
      %dma_wait3A_108 = tpu.memref_slice %arg6[%run_scoped3A_37, %dma_wait3A_107] : memref<16x640xf32, #tpu.memory_space<vmem>> -> memref<1x640xf32, #tpu.memory_space<vmem>>
      %dma_wait3A_109 = tpu.memref_squeeze %dma_wait3A_108 : memref<1x640xf32, #tpu.memory_space<vmem>> -> memref<640xf32, #tpu.memory_space<vmem>>
      %dma_wait3A_110 = tpu.memref_slice %arg7[%run_scoped3A_36, %mul3A_35] : memref<16x10240xf32, #tpu.memory_space<vmem_shared>> -> memref<1x640xf32, #tpu.memory_space<vmem_shared>>
      %dma_wait3A_111 = tpu.memref_squeeze %dma_wait3A_110 : memref<1x640xf32, #tpu.memory_space<vmem_shared>> -> memref<640xf32, #tpu.memory_space<vmem_shared>>
      tpu.wait_dma2 semaphore(%run_scoped3A_93 : memref<!tpu.dma_semaphore, #tpu.memory_space<semaphore_mem>>) src(%dma_wait3A_111 : memref<640xf32, #tpu.memory_space<vmem_shared>>) dst(%dma_wait3A_109 : memref<640xf32, #tpu.memory_space<vmem>>)
      tpu.yield
    }) : () -> ()
    %mul3A_38 = arith.constant 640 : i32
    %mul3A_39 = arith.muli %arg1, %mul3A_38 : i32
    %run_scoped3A_40 = arith.constant 5 : i32
    %run_scoped3A_41 = arith.constant 5 : i32
    "tpu.region"() ({
      %run_scoped3A_93 = tpu.sem_alloc : memref<!tpu.dma_semaphore, #tpu.memory_space<semaphore_mem>>
      %dma_start3A = arith.constant 0 : i32
      %dma_start3A_94 = tpu.memref_slice %arg6[%run_scoped3A_41, %dma_start3A] : memref<16x640xf32, #tpu.memory_space<vmem>> -> memref<1x640xf32, #tpu.memory_space<vmem>>
      %dma_start3A_95 = tpu.memref_squeeze %dma_start3A_94 : memref<1x640xf32, #tpu.memory_space<vmem>> -> memref<640xf32, #tpu.memory_space<vmem>>
      %dma_start3A_96 = tpu.memref_slice %arg7[%run_scoped3A_40, %mul3A_39] : memref<16x10240xf32, #tpu.memory_space<vmem_shared>> -> memref<1x640xf32, #tpu.memory_space<vmem_shared>>
      %dma_start3A_97 = tpu.memref_squeeze %dma_start3A_96 : memref<1x640xf32, #tpu.memory_space<vmem_shared>> -> memref<640xf32, #tpu.memory_space<vmem_shared>>
      %dma_start3A_98 = arith.constant 0 : i32
      %dma_start3A_99 = tpu.memref_slice %arg6[%run_scoped3A_41, %dma_start3A_98] : memref<16x640xf32, #tpu.memory_space<vmem>> -> memref<1x640xf32, #tpu.memory_space<vmem>>
      %dma_start3A_100 = tpu.memref_squeeze %dma_start3A_99 : memref<1x640xf32, #tpu.memory_space<vmem>> -> memref<640xf32, #tpu.memory_space<vmem>>
      %dma_start3A_101 = tpu.memref_slice %arg7[%run_scoped3A_40, %mul3A_39] : memref<16x10240xf32, #tpu.memory_space<vmem_shared>> -> memref<1x640xf32, #tpu.memory_space<vmem_shared>>
      %dma_start3A_102 = tpu.memref_squeeze %dma_start3A_101 : memref<1x640xf32, #tpu.memory_space<vmem_shared>> -> memref<640xf32, #tpu.memory_space<vmem_shared>>
      tpu.enqueue_dma source(%dma_start3A_102 : memref<640xf32, #tpu.memory_space<vmem_shared>>) target(%dma_start3A_100 : memref<640xf32, #tpu.memory_space<vmem>>) target_semaphore(%run_scoped3A_93 : memref<!tpu.dma_semaphore, #tpu.memory_space<semaphore_mem>>)
      %dma_wait3A = arith.constant 0 : i32
      %dma_wait3A_103 = tpu.memref_slice %arg6[%run_scoped3A_41, %dma_wait3A] : memref<16x640xf32, #tpu.memory_space<vmem>> -> memref<1x640xf32, #tpu.memory_space<vmem>>
      %dma_wait3A_104 = tpu.memref_squeeze %dma_wait3A_103 : memref<1x640xf32, #tpu.memory_space<vmem>> -> memref<640xf32, #tpu.memory_space<vmem>>
      %dma_wait3A_105 = tpu.memref_slice %arg7[%run_scoped3A_40, %mul3A_39] : memref<16x10240xf32, #tpu.memory_space<vmem_shared>> -> memref<1x640xf32, #tpu.memory_space<vmem_shared>>
      %dma_wait3A_106 = tpu.memref_squeeze %dma_wait3A_105 : memref<1x640xf32, #tpu.memory_space<vmem_shared>> -> memref<640xf32, #tpu.memory_space<vmem_shared>>
      %dma_wait3A_107 = arith.constant 0 : i32
      %dma_wait3A_108 = tpu.memref_slice %arg6[%run_scoped3A_41, %dma_wait3A_107] : memref<16x640xf32, #tpu.memory_space<vmem>> -> memref<1x640xf32, #tpu.memory_space<vmem>>
      %dma_wait3A_109 = tpu.memref_squeeze %dma_wait3A_108 : memref<1x640xf32, #tpu.memory_space<vmem>> -> memref<640xf32, #tpu.memory_space<vmem>>
      %dma_wait3A_110 = tpu.memref_slice %arg7[%run_scoped3A_40, %mul3A_39] : memref<16x10240xf32, #tpu.memory_space<vmem_shared>> -> memref<1x640xf32, #tpu.memory_space<vmem_shared>>
      %dma_wait3A_111 = tpu.memref_squeeze %dma_wait3A_110 : memref<1x640xf32, #tpu.memory_space<vmem_shared>> -> memref<640xf32, #tpu.memory_space<vmem_shared>>
      tpu.wait_dma2 semaphore(%run_scoped3A_93 : memref<!tpu.dma_semaphore, #tpu.memory_space<semaphore_mem>>) src(%dma_wait3A_111 : memref<640xf32, #tpu.memory_space<vmem_shared>>) dst(%dma_wait3A_109 : memref<640xf32, #tpu.memory_space<vmem>>)
      tpu.yield
    }) : () -> ()
    %mul3A_42 = arith.constant 640 : i32
    %mul3A_43 = arith.muli %arg1, %mul3A_42 : i32
    %run_scoped3A_44 = arith.constant 6 : i32
    %run_scoped3A_45 = arith.constant 6 : i32
    "tpu.region"() ({
      %run_scoped3A_93 = tpu.sem_alloc : memref<!tpu.dma_semaphore, #tpu.memory_space<semaphore_mem>>
      %dma_start3A = arith.constant 0 : i32
      %dma_start3A_94 = tpu.memref_slice %arg6[%run_scoped3A_45, %dma_start3A] : memref<16x640xf32, #tpu.memory_space<vmem>> -> memref<1x640xf32, #tpu.memory_space<vmem>>
      %dma_start3A_95 = tpu.memref_squeeze %dma_start3A_94 : memref<1x640xf32, #tpu.memory_space<vmem>> -> memref<640xf32, #tpu.memory_space<vmem>>
      %dma_start3A_96 = tpu.memref_slice %arg7[%run_scoped3A_44, %mul3A_43] : memref<16x10240xf32, #tpu.memory_space<vmem_shared>> -> memref<1x640xf32, #tpu.memory_space<vmem_shared>>
      %dma_start3A_97 = tpu.memref_squeeze %dma_start3A_96 : memref<1x640xf32, #tpu.memory_space<vmem_shared>> -> memref<640xf32, #tpu.memory_space<vmem_shared>>
      %dma_start3A_98 = arith.constant 0 : i32
      %dma_start3A_99 = tpu.memref_slice %arg6[%run_scoped3A_45, %dma_start3A_98] : memref<16x640xf32, #tpu.memory_space<vmem>> -> memref<1x640xf32, #tpu.memory_space<vmem>>
      %dma_start3A_100 = tpu.memref_squeeze %dma_start3A_99 : memref<1x640xf32, #tpu.memory_space<vmem>> -> memref<640xf32, #tpu.memory_space<vmem>>
      %dma_start3A_101 = tpu.memref_slice %arg7[%run_scoped3A_44, %mul3A_43] : memref<16x10240xf32, #tpu.memory_space<vmem_shared>> -> memref<1x640xf32, #tpu.memory_space<vmem_shared>>
      %dma_start3A_102 = tpu.memref_squeeze %dma_start3A_101 : memref<1x640xf32, #tpu.memory_space<vmem_shared>> -> memref<640xf32, #tpu.memory_space<vmem_shared>>
      tpu.enqueue_dma source(%dma_start3A_102 : memref<640xf32, #tpu.memory_space<vmem_shared>>) target(%dma_start3A_100 : memref<640xf32, #tpu.memory_space<vmem>>) target_semaphore(%run_scoped3A_93 : memref<!tpu.dma_semaphore, #tpu.memory_space<semaphore_mem>>)
      %dma_wait3A = arith.constant 0 : i32
      %dma_wait3A_103 = tpu.memref_slice %arg6[%run_scoped3A_45, %dma_wait3A] : memref<16x640xf32, #tpu.memory_space<vmem>> -> memref<1x640xf32, #tpu.memory_space<vmem>>
      %dma_wait3A_104 = tpu.memref_squeeze %dma_wait3A_103 : memref<1x640xf32, #tpu.memory_space<vmem>> -> memref<640xf32, #tpu.memory_space<vmem>>
      %dma_wait3A_105 = tpu.memref_slice %arg7[%run_scoped3A_44, %mul3A_43] : memref<16x10240xf32, #tpu.memory_space<vmem_shared>> -> memref<1x640xf32, #tpu.memory_space<vmem_shared>>
      %dma_wait3A_106 = tpu.memref_squeeze %dma_wait3A_105 : memref<1x640xf32, #tpu.memory_space<vmem_shared>> -> memref<640xf32, #tpu.memory_space<vmem_shared>>
      %dma_wait3A_107 = arith.constant 0 : i32
      %dma_wait3A_108 = tpu.memref_slice %arg6[%run_scoped3A_45, %dma_wait3A_107] : memref<16x640xf32, #tpu.memory_space<vmem>> -> memref<1x640xf32, #tpu.memory_space<vmem>>
      %dma_wait3A_109 = tpu.memref_squeeze %dma_wait3A_108 : memref<1x640xf32, #tpu.memory_space<vmem>> -> memref<640xf32, #tpu.memory_space<vmem>>
      %dma_wait3A_110 = tpu.memref_slice %arg7[%run_scoped3A_44, %mul3A_43] : memref<16x10240xf32, #tpu.memory_space<vmem_shared>> -> memref<1x640xf32, #tpu.memory_space<vmem_shared>>
      %dma_wait3A_111 = tpu.memref_squeeze %dma_wait3A_110 : memref<1x640xf32, #tpu.memory_space<vmem_shared>> -> memref<640xf32, #tpu.memory_space<vmem_shared>>
      tpu.wait_dma2 semaphore(%run_scoped3A_93 : memref<!tpu.dma_semaphore, #tpu.memory_space<semaphore_mem>>) src(%dma_wait3A_111 : memref<640xf32, #tpu.memory_space<vmem_shared>>) dst(%dma_wait3A_109 : memref<640xf32, #tpu.memory_space<vmem>>)
      tpu.yield
    }) : () -> ()
    %mul3A_46 = arith.constant 640 : i32
    %mul3A_47 = arith.muli %arg1, %mul3A_46 : i32
    %run_scoped3A_48 = arith.constant 7 : i32
    %run_scoped3A_49 = arith.constant 7 : i32
    "tpu.region"() ({
      %run_scoped3A_93 = tpu.sem_alloc : memref<!tpu.dma_semaphore, #tpu.memory_space<semaphore_mem>>
      %dma_start3A = arith.constant 0 : i32
      %dma_start3A_94 = tpu.memref_slice %arg6[%run_scoped3A_49, %dma_start3A] : memref<16x640xf32, #tpu.memory_space<vmem>> -> memref<1x640xf32, #tpu.memory_space<vmem>>
      %dma_start3A_95 = tpu.memref_squeeze %dma_start3A_94 : memref<1x640xf32, #tpu.memory_space<vmem>> -> memref<640xf32, #tpu.memory_space<vmem>>
      %dma_start3A_96 = tpu.memref_slice %arg7[%run_scoped3A_48, %mul3A_47] : memref<16x10240xf32, #tpu.memory_space<vmem_shared>> -> memref<1x640xf32, #tpu.memory_space<vmem_shared>>
      %dma_start3A_97 = tpu.memref_squeeze %dma_start3A_96 : memref<1x640xf32, #tpu.memory_space<vmem_shared>> -> memref<640xf32, #tpu.memory_space<vmem_shared>>
      %dma_start3A_98 = arith.constant 0 : i32
      %dma_start3A_99 = tpu.memref_slice %arg6[%run_scoped3A_49, %dma_start3A_98] : memref<16x640xf32, #tpu.memory_space<vmem>> -> memref<1x640xf32, #tpu.memory_space<vmem>>
      %dma_start3A_100 = tpu.memref_squeeze %dma_start3A_99 : memref<1x640xf32, #tpu.memory_space<vmem>> -> memref<640xf32, #tpu.memory_space<vmem>>
      %dma_start3A_101 = tpu.memref_slice %arg7[%run_scoped3A_48, %mul3A_47] : memref<16x10240xf32, #tpu.memory_space<vmem_shared>> -> memref<1x640xf32, #tpu.memory_space<vmem_shared>>
      %dma_start3A_102 = tpu.memref_squeeze %dma_start3A_101 : memref<1x640xf32, #tpu.memory_space<vmem_shared>> -> memref<640xf32, #tpu.memory_space<vmem_shared>>
      tpu.enqueue_dma source(%dma_start3A_102 : memref<640xf32, #tpu.memory_space<vmem_shared>>) target(%dma_start3A_100 : memref<640xf32, #tpu.memory_space<vmem>>) target_semaphore(%run_scoped3A_93 : memref<!tpu.dma_semaphore, #tpu.memory_space<semaphore_mem>>)
      %dma_wait3A = arith.constant 0 : i32
      %dma_wait3A_103 = tpu.memref_slice %arg6[%run_scoped3A_49, %dma_wait3A] : memref<16x640xf32, #tpu.memory_space<vmem>> -> memref<1x640xf32, #tpu.memory_space<vmem>>
      %dma_wait3A_104 = tpu.memref_squeeze %dma_wait3A_103 : memref<1x640xf32, #tpu.memory_space<vmem>> -> memref<640xf32, #tpu.memory_space<vmem>>
      %dma_wait3A_105 = tpu.memref_slice %arg7[%run_scoped3A_48, %mul3A_47] : memref<16x10240xf32, #tpu.memory_space<vmem_shared>> -> memref<1x640xf32, #tpu.memory_space<vmem_shared>>
      %dma_wait3A_106 = tpu.memref_squeeze %dma_wait3A_105 : memref<1x640xf32, #tpu.memory_space<vmem_shared>> -> memref<640xf32, #tpu.memory_space<vmem_shared>>
      %dma_wait3A_107 = arith.constant 0 : i32
      %dma_wait3A_108 = tpu.memref_slice %arg6[%run_scoped3A_49, %dma_wait3A_107] : memref<16x640xf32, #tpu.memory_space<vmem>> -> memref<1x640xf32, #tpu.memory_space<vmem>>
      %dma_wait3A_109 = tpu.memref_squeeze %dma_wait3A_108 : memref<1x640xf32, #tpu.memory_space<vmem>> -> memref<640xf32, #tpu.memory_space<vmem>>
      %dma_wait3A_110 = tpu.memref_slice %arg7[%run_scoped3A_48, %mul3A_47] : memref<16x10240xf32, #tpu.memory_space<vmem_shared>> -> memref<1x640xf32, #tpu.memory_space<vmem_shared>>
      %dma_wait3A_111 = tpu.memref_squeeze %dma_wait3A_110 : memref<1x640xf32, #tpu.memory_space<vmem_shared>> -> memref<640xf32, #tpu.memory_space<vmem_shared>>
      tpu.wait_dma2 semaphore(%run_scoped3A_93 : memref<!tpu.dma_semaphore, #tpu.memory_space<semaphore_mem>>) src(%dma_wait3A_111 : memref<640xf32, #tpu.memory_space<vmem_shared>>) dst(%dma_wait3A_109 : memref<640xf32, #tpu.memory_space<vmem>>)
      tpu.yield
    }) : () -> ()
    %mul3A_50 = arith.constant 640 : i32
    %mul3A_51 = arith.muli %arg1, %mul3A_50 : i32
    %run_scoped3A_52 = arith.constant 8 : i32
    %run_scoped3A_53 = arith.constant 8 : i32
    "tpu.region"() ({
      %run_scoped3A_93 = tpu.sem_alloc : memref<!tpu.dma_semaphore, #tpu.memory_space<semaphore_mem>>
      %dma_start3A = arith.constant 0 : i32
      %dma_start3A_94 = tpu.memref_slice %arg6[%run_scoped3A_53, %dma_start3A] : memref<16x640xf32, #tpu.memory_space<vmem>> -> memref<1x640xf32, #tpu.memory_space<vmem>>
      %dma_start3A_95 = tpu.memref_squeeze %dma_start3A_94 : memref<1x640xf32, #tpu.memory_space<vmem>> -> memref<640xf32, #tpu.memory_space<vmem>>
      %dma_start3A_96 = tpu.memref_slice %arg7[%run_scoped3A_52, %mul3A_51] : memref<16x10240xf32, #tpu.memory_space<vmem_shared>> -> memref<1x640xf32, #tpu.memory_space<vmem_shared>>
      %dma_start3A_97 = tpu.memref_squeeze %dma_start3A_96 : memref<1x640xf32, #tpu.memory_space<vmem_shared>> -> memref<640xf32, #tpu.memory_space<vmem_shared>>
      %dma_start3A_98 = arith.constant 0 : i32
      %dma_start3A_99 = tpu.memref_slice %arg6[%run_scoped3A_53, %dma_start3A_98] : memref<16x640xf32, #tpu.memory_space<vmem>> -> memref<1x640xf32, #tpu.memory_space<vmem>>
      %dma_start3A_100 = tpu.memref_squeeze %dma_start3A_99 : memref<1x640xf32, #tpu.memory_space<vmem>> -> memref<640xf32, #tpu.memory_space<vmem>>
      %dma_start3A_101 = tpu.memref_slice %arg7[%run_scoped3A_52, %mul3A_51] : memref<16x10240xf32, #tpu.memory_space<vmem_shared>> -> memref<1x640xf32, #tpu.memory_space<vmem_shared>>
      %dma_start3A_102 = tpu.memref_squeeze %dma_start3A_101 : memref<1x640xf32, #tpu.memory_space<vmem_shared>> -> memref<640xf32, #tpu.memory_space<vmem_shared>>
      tpu.enqueue_dma source(%dma_start3A_102 : memref<640xf32, #tpu.memory_space<vmem_shared>>) target(%dma_start3A_100 : memref<640xf32, #tpu.memory_space<vmem>>) target_semaphore(%run_scoped3A_93 : memref<!tpu.dma_semaphore, #tpu.memory_space<semaphore_mem>>)
      %dma_wait3A = arith.constant 0 : i32
      %dma_wait3A_103 = tpu.memref_slice %arg6[%run_scoped3A_53, %dma_wait3A] : memref<16x640xf32, #tpu.memory_space<vmem>> -> memref<1x640xf32, #tpu.memory_space<vmem>>
      %dma_wait3A_104 = tpu.memref_squeeze %dma_wait3A_103 : memref<1x640xf32, #tpu.memory_space<vmem>> -> memref<640xf32, #tpu.memory_space<vmem>>
      %dma_wait3A_105 = tpu.memref_slice %arg7[%run_scoped3A_52, %mul3A_51] : memref<16x10240xf32, #tpu.memory_space<vmem_shared>> -> memref<1x640xf32, #tpu.memory_space<vmem_shared>>
      %dma_wait3A_106 = tpu.memref_squeeze %dma_wait3A_105 : memref<1x640xf32, #tpu.memory_space<vmem_shared>> -> memref<640xf32, #tpu.memory_space<vmem_shared>>
      %dma_wait3A_107 = arith.constant 0 : i32
      %dma_wait3A_108 = tpu.memref_slice %arg6[%run_scoped3A_53, %dma_wait3A_107] : memref<16x640xf32, #tpu.memory_space<vmem>> -> memref<1x640xf32, #tpu.memory_space<vmem>>
      %dma_wait3A_109 = tpu.memref_squeeze %dma_wait3A_108 : memref<1x640xf32, #tpu.memory_space<vmem>> -> memref<640xf32, #tpu.memory_space<vmem>>
      %dma_wait3A_110 = tpu.memref_slice %arg7[%run_scoped3A_52, %mul3A_51] : memref<16x10240xf32, #tpu.memory_space<vmem_shared>> -> memref<1x640xf32, #tpu.memory_space<vmem_shared>>
      %dma_wait3A_111 = tpu.memref_squeeze %dma_wait3A_110 : memref<1x640xf32, #tpu.memory_space<vmem_shared>> -> memref<640xf32, #tpu.memory_space<vmem_shared>>
      tpu.wait_dma2 semaphore(%run_scoped3A_93 : memref<!tpu.dma_semaphore, #tpu.memory_space<semaphore_mem>>) src(%dma_wait3A_111 : memref<640xf32, #tpu.memory_space<vmem_shared>>) dst(%dma_wait3A_109 : memref<640xf32, #tpu.memory_space<vmem>>)
      tpu.yield
    }) : () -> ()
    %mul3A_54 = arith.constant 640 : i32
    %mul3A_55 = arith.muli %arg1, %mul3A_54 : i32
    %run_scoped3A_56 = arith.constant 9 : i32
    %run_scoped3A_57 = arith.constant 9 : i32
    "tpu.region"() ({
      %run_scoped3A_93 = tpu.sem_alloc : memref<!tpu.dma_semaphore, #tpu.memory_space<semaphore_mem>>
      %dma_start3A = arith.constant 0 : i32
      %dma_start3A_94 = tpu.memref_slice %arg6[%run_scoped3A_57, %dma_start3A] : memref<16x640xf32, #tpu.memory_space<vmem>> -> memref<1x640xf32, #tpu.memory_space<vmem>>
      %dma_start3A_95 = tpu.memref_squeeze %dma_start3A_94 : memref<1x640xf32, #tpu.memory_space<vmem>> -> memref<640xf32, #tpu.memory_space<vmem>>
      %dma_start3A_96 = tpu.memref_slice %arg7[%run_scoped3A_56, %mul3A_55] : memref<16x10240xf32, #tpu.memory_space<vmem_shared>> -> memref<1x640xf32, #tpu.memory_space<vmem_shared>>
      %dma_start3A_97 = tpu.memref_squeeze %dma_start3A_96 : memref<1x640xf32, #tpu.memory_space<vmem_shared>> -> memref<640xf32, #tpu.memory_space<vmem_shared>>
      %dma_start3A_98 = arith.constant 0 : i32
      %dma_start3A_99 = tpu.memref_slice %arg6[%run_scoped3A_57, %dma_start3A_98] : memref<16x640xf32, #tpu.memory_space<vmem>> -> memref<1x640xf32, #tpu.memory_space<vmem>>
      %dma_start3A_100 = tpu.memref_squeeze %dma_start3A_99 : memref<1x640xf32, #tpu.memory_space<vmem>> -> memref<640xf32, #tpu.memory_space<vmem>>
      %dma_start3A_101 = tpu.memref_slice %arg7[%run_scoped3A_56, %mul3A_55] : memref<16x10240xf32, #tpu.memory_space<vmem_shared>> -> memref<1x640xf32, #tpu.memory_space<vmem_shared>>
      %dma_start3A_102 = tpu.memref_squeeze %dma_start3A_101 : memref<1x640xf32, #tpu.memory_space<vmem_shared>> -> memref<640xf32, #tpu.memory_space<vmem_shared>>
      tpu.enqueue_dma source(%dma_start3A_102 : memref<640xf32, #tpu.memory_space<vmem_shared>>) target(%dma_start3A_100 : memref<640xf32, #tpu.memory_space<vmem>>) target_semaphore(%run_scoped3A_93 : memref<!tpu.dma_semaphore, #tpu.memory_space<semaphore_mem>>)
      %dma_wait3A = arith.constant 0 : i32
      %dma_wait3A_103 = tpu.memref_slice %arg6[%run_scoped3A_57, %dma_wait3A] : memref<16x640xf32, #tpu.memory_space<vmem>> -> memref<1x640xf32, #tpu.memory_space<vmem>>
      %dma_wait3A_104 = tpu.memref_squeeze %dma_wait3A_103 : memref<1x640xf32, #tpu.memory_space<vmem>> -> memref<640xf32, #tpu.memory_space<vmem>>
      %dma_wait3A_105 = tpu.memref_slice %arg7[%run_scoped3A_56, %mul3A_55] : memref<16x10240xf32, #tpu.memory_space<vmem_shared>> -> memref<1x640xf32, #tpu.memory_space<vmem_shared>>
      %dma_wait3A_106 = tpu.memref_squeeze %dma_wait3A_105 : memref<1x640xf32, #tpu.memory_space<vmem_shared>> -> memref<640xf32, #tpu.memory_space<vmem_shared>>
      %dma_wait3A_107 = arith.constant 0 : i32
      %dma_wait3A_108 = tpu.memref_slice %arg6[%run_scoped3A_57, %dma_wait3A_107] : memref<16x640xf32, #tpu.memory_space<vmem>> -> memref<1x640xf32, #tpu.memory_space<vmem>>
      %dma_wait3A_109 = tpu.memref_squeeze %dma_wait3A_108 : memref<1x640xf32, #tpu.memory_space<vmem>> -> memref<640xf32, #tpu.memory_space<vmem>>
      %dma_wait3A_110 = tpu.memref_slice %arg7[%run_scoped3A_56, %mul3A_55] : memref<16x10240xf32, #tpu.memory_space<vmem_shared>> -> memref<1x640xf32, #tpu.memory_space<vmem_shared>>
      %dma_wait3A_111 = tpu.memref_squeeze %dma_wait3A_110 : memref<1x640xf32, #tpu.memory_space<vmem_shared>> -> memref<640xf32, #tpu.memory_space<vmem_shared>>
      tpu.wait_dma2 semaphore(%run_scoped3A_93 : memref<!tpu.dma_semaphore, #tpu.memory_space<semaphore_mem>>) src(%dma_wait3A_111 : memref<640xf32, #tpu.memory_space<vmem_shared>>) dst(%dma_wait3A_109 : memref<640xf32, #tpu.memory_space<vmem>>)
      tpu.yield
    }) : () -> ()
    %mul3A_58 = arith.constant 640 : i32
    %mul3A_59 = arith.muli %arg1, %mul3A_58 : i32
    %run_scoped3A_60 = arith.constant 10 : i32
    %run_scoped3A_61 = arith.constant 10 : i32
    "tpu.region"() ({
      %run_scoped3A_93 = tpu.sem_alloc : memref<!tpu.dma_semaphore, #tpu.memory_space<semaphore_mem>>
      %dma_start3A = arith.constant 0 : i32
      %dma_start3A_94 = tpu.memref_slice %arg6[%run_scoped3A_61, %dma_start3A] : memref<16x640xf32, #tpu.memory_space<vmem>> -> memref<1x640xf32, #tpu.memory_space<vmem>>
      %dma_start3A_95 = tpu.memref_squeeze %dma_start3A_94 : memref<1x640xf32, #tpu.memory_space<vmem>> -> memref<640xf32, #tpu.memory_space<vmem>>
      %dma_start3A_96 = tpu.memref_slice %arg7[%run_scoped3A_60, %mul3A_59] : memref<16x10240xf32, #tpu.memory_space<vmem_shared>> -> memref<1x640xf32, #tpu.memory_space<vmem_shared>>
      %dma_start3A_97 = tpu.memref_squeeze %dma_start3A_96 : memref<1x640xf32, #tpu.memory_space<vmem_shared>> -> memref<640xf32, #tpu.memory_space<vmem_shared>>
      %dma_start3A_98 = arith.constant 0 : i32
      %dma_start3A_99 = tpu.memref_slice %arg6[%run_scoped3A_61, %dma_start3A_98] : memref<16x640xf32, #tpu.memory_space<vmem>> -> memref<1x640xf32, #tpu.memory_space<vmem>>
      %dma_start3A_100 = tpu.memref_squeeze %dma_start3A_99 : memref<1x640xf32, #tpu.memory_space<vmem>> -> memref<640xf32, #tpu.memory_space<vmem>>
      %dma_start3A_101 = tpu.memref_slice %arg7[%run_scoped3A_60, %mul3A_59] : memref<16x10240xf32, #tpu.memory_space<vmem_shared>> -> memref<1x640xf32, #tpu.memory_space<vmem_shared>>
      %dma_start3A_102 = tpu.memref_squeeze %dma_start3A_101 : memref<1x640xf32, #tpu.memory_space<vmem_shared>> -> memref<640xf32, #tpu.memory_space<vmem_shared>>
      tpu.enqueue_dma source(%dma_start3A_102 : memref<640xf32, #tpu.memory_space<vmem_shared>>) target(%dma_start3A_100 : memref<640xf32, #tpu.memory_space<vmem>>) target_semaphore(%run_scoped3A_93 : memref<!tpu.dma_semaphore, #tpu.memory_space<semaphore_mem>>)
      %dma_wait3A = arith.constant 0 : i32
      %dma_wait3A_103 = tpu.memref_slice %arg6[%run_scoped3A_61, %dma_wait3A] : memref<16x640xf32, #tpu.memory_space<vmem>> -> memref<1x640xf32, #tpu.memory_space<vmem>>
      %dma_wait3A_104 = tpu.memref_squeeze %dma_wait3A_103 : memref<1x640xf32, #tpu.memory_space<vmem>> -> memref<640xf32, #tpu.memory_space<vmem>>
      %dma_wait3A_105 = tpu.memref_slice %arg7[%run_scoped3A_60, %mul3A_59] : memref<16x10240xf32, #tpu.memory_space<vmem_shared>> -> memref<1x640xf32, #tpu.memory_space<vmem_shared>>
      %dma_wait3A_106 = tpu.memref_squeeze %dma_wait3A_105 : memref<1x640xf32, #tpu.memory_space<vmem_shared>> -> memref<640xf32, #tpu.memory_space<vmem_shared>>
      %dma_wait3A_107 = arith.constant 0 : i32
      %dma_wait3A_108 = tpu.memref_slice %arg6[%run_scoped3A_61, %dma_wait3A_107] : memref<16x640xf32, #tpu.memory_space<vmem>> -> memref<1x640xf32, #tpu.memory_space<vmem>>
      %dma_wait3A_109 = tpu.memref_squeeze %dma_wait3A_108 : memref<1x640xf32, #tpu.memory_space<vmem>> -> memref<640xf32, #tpu.memory_space<vmem>>
      %dma_wait3A_110 = tpu.memref_slice %arg7[%run_scoped3A_60, %mul3A_59] : memref<16x10240xf32, #tpu.memory_space<vmem_shared>> -> memref<1x640xf32, #tpu.memory_space<vmem_shared>>
      %dma_wait3A_111 = tpu.memref_squeeze %dma_wait3A_110 : memref<1x640xf32, #tpu.memory_space<vmem_shared>> -> memref<640xf32, #tpu.memory_space<vmem_shared>>
      tpu.wait_dma2 semaphore(%run_scoped3A_93 : memref<!tpu.dma_semaphore, #tpu.memory_space<semaphore_mem>>) src(%dma_wait3A_111 : memref<640xf32, #tpu.memory_space<vmem_shared>>) dst(%dma_wait3A_109 : memref<640xf32, #tpu.memory_space<vmem>>)
      tpu.yield
    }) : () -> ()
    %mul3A_62 = arith.constant 640 : i32
    %mul3A_63 = arith.muli %arg1, %mul3A_62 : i32
    %run_scoped3A_64 = arith.constant 11 : i32
    %run_scoped3A_65 = arith.constant 11 : i32
    "tpu.region"() ({
      %run_scoped3A_93 = tpu.sem_alloc : memref<!tpu.dma_semaphore, #tpu.memory_space<semaphore_mem>>
      %dma_start3A = arith.constant 0 : i32
      %dma_start3A_94 = tpu.memref_slice %arg6[%run_scoped3A_65, %dma_start3A] : memref<16x640xf32, #tpu.memory_space<vmem>> -> memref<1x640xf32, #tpu.memory_space<vmem>>
      %dma_start3A_95 = tpu.memref_squeeze %dma_start3A_94 : memref<1x640xf32, #tpu.memory_space<vmem>> -> memref<640xf32, #tpu.memory_space<vmem>>
      %dma_start3A_96 = tpu.memref_slice %arg7[%run_scoped3A_64, %mul3A_63] : memref<16x10240xf32, #tpu.memory_space<vmem_shared>> -> memref<1x640xf32, #tpu.memory_space<vmem_shared>>
      %dma_start3A_97 = tpu.memref_squeeze %dma_start3A_96 : memref<1x640xf32, #tpu.memory_space<vmem_shared>> -> memref<640xf32, #tpu.memory_space<vmem_shared>>
      %dma_start3A_98 = arith.constant 0 : i32
      %dma_start3A_99 = tpu.memref_slice %arg6[%run_scoped3A_65, %dma_start3A_98] : memref<16x640xf32, #tpu.memory_space<vmem>> -> memref<1x640xf32, #tpu.memory_space<vmem>>
      %dma_start3A_100 = tpu.memref_squeeze %dma_start3A_99 : memref<1x640xf32, #tpu.memory_space<vmem>> -> memref<640xf32, #tpu.memory_space<vmem>>
      %dma_start3A_101 = tpu.memref_slice %arg7[%run_scoped3A_64, %mul3A_63] : memref<16x10240xf32, #tpu.memory_space<vmem_shared>> -> memref<1x640xf32, #tpu.memory_space<vmem_shared>>
      %dma_start3A_102 = tpu.memref_squeeze %dma_start3A_101 : memref<1x640xf32, #tpu.memory_space<vmem_shared>> -> memref<640xf32, #tpu.memory_space<vmem_shared>>
      tpu.enqueue_dma source(%dma_start3A_102 : memref<640xf32, #tpu.memory_space<vmem_shared>>) target(%dma_start3A_100 : memref<640xf32, #tpu.memory_space<vmem>>) target_semaphore(%run_scoped3A_93 : memref<!tpu.dma_semaphore, #tpu.memory_space<semaphore_mem>>)
      %dma_wait3A = arith.constant 0 : i32
      %dma_wait3A_103 = tpu.memref_slice %arg6[%run_scoped3A_65, %dma_wait3A] : memref<16x640xf32, #tpu.memory_space<vmem>> -> memref<1x640xf32, #tpu.memory_space<vmem>>
      %dma_wait3A_104 = tpu.memref_squeeze %dma_wait3A_103 : memref<1x640xf32, #tpu.memory_space<vmem>> -> memref<640xf32, #tpu.memory_space<vmem>>
      %dma_wait3A_105 = tpu.memref_slice %arg7[%run_scoped3A_64, %mul3A_63] : memref<16x10240xf32, #tpu.memory_space<vmem_shared>> -> memref<1x640xf32, #tpu.memory_space<vmem_shared>>
      %dma_wait3A_106 = tpu.memref_squeeze %dma_wait3A_105 : memref<1x640xf32, #tpu.memory_space<vmem_shared>> -> memref<640xf32, #tpu.memory_space<vmem_shared>>
      %dma_wait3A_107 = arith.constant 0 : i32
      %dma_wait3A_108 = tpu.memref_slice %arg6[%run_scoped3A_65, %dma_wait3A_107] : memref<16x640xf32, #tpu.memory_space<vmem>> -> memref<1x640xf32, #tpu.memory_space<vmem>>
      %dma_wait3A_109 = tpu.memref_squeeze %dma_wait3A_108 : memref<1x640xf32, #tpu.memory_space<vmem>> -> memref<640xf32, #tpu.memory_space<vmem>>
      %dma_wait3A_110 = tpu.memref_slice %arg7[%run_scoped3A_64, %mul3A_63] : memref<16x10240xf32, #tpu.memory_space<vmem_shared>> -> memref<1x640xf32, #tpu.memory_space<vmem_shared>>
      %dma_wait3A_111 = tpu.memref_squeeze %dma_wait3A_110 : memref<1x640xf32, #tpu.memory_space<vmem_shared>> -> memref<640xf32, #tpu.memory_space<vmem_shared>>
      tpu.wait_dma2 semaphore(%run_scoped3A_93 : memref<!tpu.dma_semaphore, #tpu.memory_space<semaphore_mem>>) src(%dma_wait3A_111 : memref<640xf32, #tpu.memory_space<vmem_shared>>) dst(%dma_wait3A_109 : memref<640xf32, #tpu.memory_space<vmem>>)
      tpu.yield
    }) : () -> ()
    %mul3A_66 = arith.constant 640 : i32
    %mul3A_67 = arith.muli %arg1, %mul3A_66 : i32
    %run_scoped3A_68 = arith.constant 12 : i32
    %run_scoped3A_69 = arith.constant 12 : i32
    "tpu.region"() ({
      %run_scoped3A_93 = tpu.sem_alloc : memref<!tpu.dma_semaphore, #tpu.memory_space<semaphore_mem>>
      %dma_start3A = arith.constant 0 : i32
      %dma_start3A_94 = tpu.memref_slice %arg6[%run_scoped3A_69, %dma_start3A] : memref<16x640xf32, #tpu.memory_space<vmem>> -> memref<1x640xf32, #tpu.memory_space<vmem>>
      %dma_start3A_95 = tpu.memref_squeeze %dma_start3A_94 : memref<1x640xf32, #tpu.memory_space<vmem>> -> memref<640xf32, #tpu.memory_space<vmem>>
      %dma_start3A_96 = tpu.memref_slice %arg7[%run_scoped3A_68, %mul3A_67] : memref<16x10240xf32, #tpu.memory_space<vmem_shared>> -> memref<1x640xf32, #tpu.memory_space<vmem_shared>>
      %dma_start3A_97 = tpu.memref_squeeze %dma_start3A_96 : memref<1x640xf32, #tpu.memory_space<vmem_shared>> -> memref<640xf32, #tpu.memory_space<vmem_shared>>
      %dma_start3A_98 = arith.constant 0 : i32
      %dma_start3A_99 = tpu.memref_slice %arg6[%run_scoped3A_69, %dma_start3A_98] : memref<16x640xf32, #tpu.memory_space<vmem>> -> memref<1x640xf32, #tpu.memory_space<vmem>>
      %dma_start3A_100 = tpu.memref_squeeze %dma_start3A_99 : memref<1x640xf32, #tpu.memory_space<vmem>> -> memref<640xf32, #tpu.memory_space<vmem>>
      %dma_start3A_101 = tpu.memref_slice %arg7[%run_scoped3A_68, %mul3A_67] : memref<16x10240xf32, #tpu.memory_space<vmem_shared>> -> memref<1x640xf32, #tpu.memory_space<vmem_shared>>
      %dma_start3A_102 = tpu.memref_squeeze %dma_start3A_101 : memref<1x640xf32, #tpu.memory_space<vmem_shared>> -> memref<640xf32, #tpu.memory_space<vmem_shared>>
      tpu.enqueue_dma source(%dma_start3A_102 : memref<640xf32, #tpu.memory_space<vmem_shared>>) target(%dma_start3A_100 : memref<640xf32, #tpu.memory_space<vmem>>) target_semaphore(%run_scoped3A_93 : memref<!tpu.dma_semaphore, #tpu.memory_space<semaphore_mem>>)
      %dma_wait3A = arith.constant 0 : i32
      %dma_wait3A_103 = tpu.memref_slice %arg6[%run_scoped3A_69, %dma_wait3A] : memref<16x640xf32, #tpu.memory_space<vmem>> -> memref<1x640xf32, #tpu.memory_space<vmem>>
      %dma_wait3A_104 = tpu.memref_squeeze %dma_wait3A_103 : memref<1x640xf32, #tpu.memory_space<vmem>> -> memref<640xf32, #tpu.memory_space<vmem>>
      %dma_wait3A_105 = tpu.memref_slice %arg7[%run_scoped3A_68, %mul3A_67] : memref<16x10240xf32, #tpu.memory_space<vmem_shared>> -> memref<1x640xf32, #tpu.memory_space<vmem_shared>>
      %dma_wait3A_106 = tpu.memref_squeeze %dma_wait3A_105 : memref<1x640xf32, #tpu.memory_space<vmem_shared>> -> memref<640xf32, #tpu.memory_space<vmem_shared>>
      %dma_wait3A_107 = arith.constant 0 : i32
      %dma_wait3A_108 = tpu.memref_slice %arg6[%run_scoped3A_69, %dma_wait3A_107] : memref<16x640xf32, #tpu.memory_space<vmem>> -> memref<1x640xf32, #tpu.memory_space<vmem>>
      %dma_wait3A_109 = tpu.memref_squeeze %dma_wait3A_108 : memref<1x640xf32, #tpu.memory_space<vmem>> -> memref<640xf32, #tpu.memory_space<vmem>>
      %dma_wait3A_110 = tpu.memref_slice %arg7[%run_scoped3A_68, %mul3A_67] : memref<16x10240xf32, #tpu.memory_space<vmem_shared>> -> memref<1x640xf32, #tpu.memory_space<vmem_shared>>
      %dma_wait3A_111 = tpu.memref_squeeze %dma_wait3A_110 : memref<1x640xf32, #tpu.memory_space<vmem_shared>> -> memref<640xf32, #tpu.memory_space<vmem_shared>>
      tpu.wait_dma2 semaphore(%run_scoped3A_93 : memref<!tpu.dma_semaphore, #tpu.memory_space<semaphore_mem>>) src(%dma_wait3A_111 : memref<640xf32, #tpu.memory_space<vmem_shared>>) dst(%dma_wait3A_109 : memref<640xf32, #tpu.memory_space<vmem>>)
      tpu.yield
    }) : () -> ()
    %mul3A_70 = arith.constant 640 : i32
    %mul3A_71 = arith.muli %arg1, %mul3A_70 : i32
    %run_scoped3A_72 = arith.constant 13 : i32
    %run_scoped3A_73 = arith.constant 13 : i32
    "tpu.region"() ({
      %run_scoped3A_93 = tpu.sem_alloc : memref<!tpu.dma_semaphore, #tpu.memory_space<semaphore_mem>>
      %dma_start3A = arith.constant 0 : i32
      %dma_start3A_94 = tpu.memref_slice %arg6[%run_scoped3A_73, %dma_start3A] : memref<16x640xf32, #tpu.memory_space<vmem>> -> memref<1x640xf32, #tpu.memory_space<vmem>>
      %dma_start3A_95 = tpu.memref_squeeze %dma_start3A_94 : memref<1x640xf32, #tpu.memory_space<vmem>> -> memref<640xf32, #tpu.memory_space<vmem>>
      %dma_start3A_96 = tpu.memref_slice %arg7[%run_scoped3A_72, %mul3A_71] : memref<16x10240xf32, #tpu.memory_space<vmem_shared>> -> memref<1x640xf32, #tpu.memory_space<vmem_shared>>
      %dma_start3A_97 = tpu.memref_squeeze %dma_start3A_96 : memref<1x640xf32, #tpu.memory_space<vmem_shared>> -> memref<640xf32, #tpu.memory_space<vmem_shared>>
      %dma_start3A_98 = arith.constant 0 : i32
      %dma_start3A_99 = tpu.memref_slice %arg6[%run_scoped3A_73, %dma_start3A_98] : memref<16x640xf32, #tpu.memory_space<vmem>> -> memref<1x640xf32, #tpu.memory_space<vmem>>
      %dma_start3A_100 = tpu.memref_squeeze %dma_start3A_99 : memref<1x640xf32, #tpu.memory_space<vmem>> -> memref<640xf32, #tpu.memory_space<vmem>>
      %dma_start3A_101 = tpu.memref_slice %arg7[%run_scoped3A_72, %mul3A_71] : memref<16x10240xf32, #tpu.memory_space<vmem_shared>> -> memref<1x640xf32, #tpu.memory_space<vmem_shared>>
      %dma_start3A_102 = tpu.memref_squeeze %dma_start3A_101 : memref<1x640xf32, #tpu.memory_space<vmem_shared>> -> memref<640xf32, #tpu.memory_space<vmem_shared>>
      tpu.enqueue_dma source(%dma_start3A_102 : memref<640xf32, #tpu.memory_space<vmem_shared>>) target(%dma_start3A_100 : memref<640xf32, #tpu.memory_space<vmem>>) target_semaphore(%run_scoped3A_93 : memref<!tpu.dma_semaphore, #tpu.memory_space<semaphore_mem>>)
      %dma_wait3A = arith.constant 0 : i32
      %dma_wait3A_103 = tpu.memref_slice %arg6[%run_scoped3A_73, %dma_wait3A] : memref<16x640xf32, #tpu.memory_space<vmem>> -> memref<1x640xf32, #tpu.memory_space<vmem>>
      %dma_wait3A_104 = tpu.memref_squeeze %dma_wait3A_103 : memref<1x640xf32, #tpu.memory_space<vmem>> -> memref<640xf32, #tpu.memory_space<vmem>>
      %dma_wait3A_105 = tpu.memref_slice %arg7[%run_scoped3A_72, %mul3A_71] : memref<16x10240xf32, #tpu.memory_space<vmem_shared>> -> memref<1x640xf32, #tpu.memory_space<vmem_shared>>
      %dma_wait3A_106 = tpu.memref_squeeze %dma_wait3A_105 : memref<1x640xf32, #tpu.memory_space<vmem_shared>> -> memref<640xf32, #tpu.memory_space<vmem_shared>>
      %dma_wait3A_107 = arith.constant 0 : i32
      %dma_wait3A_108 = tpu.memref_slice %arg6[%run_scoped3A_73, %dma_wait3A_107] : memref<16x640xf32, #tpu.memory_space<vmem>> -> memref<1x640xf32, #tpu.memory_space<vmem>>
      %dma_wait3A_109 = tpu.memref_squeeze %dma_wait3A_108 : memref<1x640xf32, #tpu.memory_space<vmem>> -> memref<640xf32, #tpu.memory_space<vmem>>
      %dma_wait3A_110 = tpu.memref_slice %arg7[%run_scoped3A_72, %mul3A_71] : memref<16x10240xf32, #tpu.memory_space<vmem_shared>> -> memref<1x640xf32, #tpu.memory_space<vmem_shared>>
      %dma_wait3A_111 = tpu.memref_squeeze %dma_wait3A_110 : memref<1x640xf32, #tpu.memory_space<vmem_shared>> -> memref<640xf32, #tpu.memory_space<vmem_shared>>
      tpu.wait_dma2 semaphore(%run_scoped3A_93 : memref<!tpu.dma_semaphore, #tpu.memory_space<semaphore_mem>>) src(%dma_wait3A_111 : memref<640xf32, #tpu.memory_space<vmem_shared>>) dst(%dma_wait3A_109 : memref<640xf32, #tpu.memory_space<vmem>>)
      tpu.yield
    }) : () -> ()
    %mul3A_74 = arith.constant 640 : i32
    %mul3A_75 = arith.muli %arg1, %mul3A_74 : i32
    %run_scoped3A_76 = arith.constant 14 : i32
    %run_scoped3A_77 = arith.constant 14 : i32
    "tpu.region"() ({
      %run_scoped3A_93 = tpu.sem_alloc : memref<!tpu.dma_semaphore, #tpu.memory_space<semaphore_mem>>
      %dma_start3A = arith.constant 0 : i32
      %dma_start3A_94 = tpu.memref_slice %arg6[%run_scoped3A_77, %dma_start3A] : memref<16x640xf32, #tpu.memory_space<vmem>> -> memref<1x640xf32, #tpu.memory_space<vmem>>
      %dma_start3A_95 = tpu.memref_squeeze %dma_start3A_94 : memref<1x640xf32, #tpu.memory_space<vmem>> -> memref<640xf32, #tpu.memory_space<vmem>>
      %dma_start3A_96 = tpu.memref_slice %arg7[%run_scoped3A_76, %mul3A_75] : memref<16x10240xf32, #tpu.memory_space<vmem_shared>> -> memref<1x640xf32, #tpu.memory_space<vmem_shared>>
      %dma_start3A_97 = tpu.memref_squeeze %dma_start3A_96 : memref<1x640xf32, #tpu.memory_space<vmem_shared>> -> memref<640xf32, #tpu.memory_space<vmem_shared>>
      %dma_start3A_98 = arith.constant 0 : i32
      %dma_start3A_99 = tpu.memref_slice %arg6[%run_scoped3A_77, %dma_start3A_98] : memref<16x640xf32, #tpu.memory_space<vmem>> -> memref<1x640xf32, #tpu.memory_space<vmem>>
      %dma_start3A_100 = tpu.memref_squeeze %dma_start3A_99 : memref<1x640xf32, #tpu.memory_space<vmem>> -> memref<640xf32, #tpu.memory_space<vmem>>
      %dma_start3A_101 = tpu.memref_slice %arg7[%run_scoped3A_76, %mul3A_75] : memref<16x10240xf32, #tpu.memory_space<vmem_shared>> -> memref<1x640xf32, #tpu.memory_space<vmem_shared>>
      %dma_start3A_102 = tpu.memref_squeeze %dma_start3A_101 : memref<1x640xf32, #tpu.memory_space<vmem_shared>> -> memref<640xf32, #tpu.memory_space<vmem_shared>>
      tpu.enqueue_dma source(%dma_start3A_102 : memref<640xf32, #tpu.memory_space<vmem_shared>>) target(%dma_start3A_100 : memref<640xf32, #tpu.memory_space<vmem>>) target_semaphore(%run_scoped3A_93 : memref<!tpu.dma_semaphore, #tpu.memory_space<semaphore_mem>>)
      %dma_wait3A = arith.constant 0 : i32
      %dma_wait3A_103 = tpu.memref_slice %arg6[%run_scoped3A_77, %dma_wait3A] : memref<16x640xf32, #tpu.memory_space<vmem>> -> memref<1x640xf32, #tpu.memory_space<vmem>>
      %dma_wait3A_104 = tpu.memref_squeeze %dma_wait3A_103 : memref<1x640xf32, #tpu.memory_space<vmem>> -> memref<640xf32, #tpu.memory_space<vmem>>
      %dma_wait3A_105 = tpu.memref_slice %arg7[%run_scoped3A_76, %mul3A_75] : memref<16x10240xf32, #tpu.memory_space<vmem_shared>> -> memref<1x640xf32, #tpu.memory_space<vmem_shared>>
      %dma_wait3A_106 = tpu.memref_squeeze %dma_wait3A_105 : memref<1x640xf32, #tpu.memory_space<vmem_shared>> -> memref<640xf32, #tpu.memory_space<vmem_shared>>
      %dma_wait3A_107 = arith.constant 0 : i32
      %dma_wait3A_108 = tpu.memref_slice %arg6[%run_scoped3A_77, %dma_wait3A_107] : memref<16x640xf32, #tpu.memory_space<vmem>> -> memref<1x640xf32, #tpu.memory_space<vmem>>
      %dma_wait3A_109 = tpu.memref_squeeze %dma_wait3A_108 : memref<1x640xf32, #tpu.memory_space<vmem>> -> memref<640xf32, #tpu.memory_space<vmem>>
      %dma_wait3A_110 = tpu.memref_slice %arg7[%run_scoped3A_76, %mul3A_75] : memref<16x10240xf32, #tpu.memory_space<vmem_shared>> -> memref<1x640xf32, #tpu.memory_space<vmem_shared>>
      %dma_wait3A_111 = tpu.memref_squeeze %dma_wait3A_110 : memref<1x640xf32, #tpu.memory_space<vmem_shared>> -> memref<640xf32, #tpu.memory_space<vmem_shared>>
      tpu.wait_dma2 semaphore(%run_scoped3A_93 : memref<!tpu.dma_semaphore, #tpu.memory_space<semaphore_mem>>) src(%dma_wait3A_111 : memref<640xf32, #tpu.memory_space<vmem_shared>>) dst(%dma_wait3A_109 : memref<640xf32, #tpu.memory_space<vmem>>)
      tpu.yield
    }) : () -> ()
    %mul3A_78 = arith.constant 640 : i32
    %mul3A_79 = arith.muli %arg1, %mul3A_78 : i32
    %run_scoped3A_80 = arith.constant 15 : i32
    %run_scoped3A_81 = arith.constant 15 : i32
    "tpu.region"() ({
      %run_scoped3A_93 = tpu.sem_alloc : memref<!tpu.dma_semaphore, #tpu.memory_space<semaphore_mem>>
      %dma_start3A = arith.constant 0 : i32
      %dma_start3A_94 = tpu.memref_slice %arg6[%run_scoped3A_81, %dma_start3A] : memref<16x640xf32, #tpu.memory_space<vmem>> -> memref<1x640xf32, #tpu.memory_space<vmem>>
      %dma_start3A_95 = tpu.memref_squeeze %dma_start3A_94 : memref<1x640xf32, #tpu.memory_space<vmem>> -> memref<640xf32, #tpu.memory_space<vmem>>
      %dma_start3A_96 = tpu.memref_slice %arg7[%run_scoped3A_80, %mul3A_79] : memref<16x10240xf32, #tpu.memory_space<vmem_shared>> -> memref<1x640xf32, #tpu.memory_space<vmem_shared>>
      %dma_start3A_97 = tpu.memref_squeeze %dma_start3A_96 : memref<1x640xf32, #tpu.memory_space<vmem_shared>> -> memref<640xf32, #tpu.memory_space<vmem_shared>>
      %dma_start3A_98 = arith.constant 0 : i32
      %dma_start3A_99 = tpu.memref_slice %arg6[%run_scoped3A_81, %dma_start3A_98] : memref<16x640xf32, #tpu.memory_space<vmem>> -> memref<1x640xf32, #tpu.memory_space<vmem>>
      %dma_start3A_100 = tpu.memref_squeeze %dma_start3A_99 : memref<1x640xf32, #tpu.memory_space<vmem>> -> memref<640xf32, #tpu.memory_space<vmem>>
      %dma_start3A_101 = tpu.memref_slice %arg7[%run_scoped3A_80, %mul3A_79] : memref<16x10240xf32, #tpu.memory_space<vmem_shared>> -> memref<1x640xf32, #tpu.memory_space<vmem_shared>>
      %dma_start3A_102 = tpu.memref_squeeze %dma_start3A_101 : memref<1x640xf32, #tpu.memory_space<vmem_shared>> -> memref<640xf32, #tpu.memory_space<vmem_shared>>
      tpu.enqueue_dma source(%dma_start3A_102 : memref<640xf32, #tpu.memory_space<vmem_shared>>) target(%dma_start3A_100 : memref<640xf32, #tpu.memory_space<vmem>>) target_semaphore(%run_scoped3A_93 : memref<!tpu.dma_semaphore, #tpu.memory_space<semaphore_mem>>)
      %dma_wait3A = arith.constant 0 : i32
      %dma_wait3A_103 = tpu.memref_slice %arg6[%run_scoped3A_81, %dma_wait3A] : memref<16x640xf32, #tpu.memory_space<vmem>> -> memref<1x640xf32, #tpu.memory_space<vmem>>
      %dma_wait3A_104 = tpu.memref_squeeze %dma_wait3A_103 : memref<1x640xf32, #tpu.memory_space<vmem>> -> memref<640xf32, #tpu.memory_space<vmem>>
      %dma_wait3A_105 = tpu.memref_slice %arg7[%run_scoped3A_80, %mul3A_79] : memref<16x10240xf32, #tpu.memory_space<vmem_shared>> -> memref<1x640xf32, #tpu.memory_space<vmem_shared>>
      %dma_wait3A_106 = tpu.memref_squeeze %dma_wait3A_105 : memref<1x640xf32, #tpu.memory_space<vmem_shared>> -> memref<640xf32, #tpu.memory_space<vmem_shared>>
      %dma_wait3A_107 = arith.constant 0 : i32
      %dma_wait3A_108 = tpu.memref_slice %arg6[%run_scoped3A_81, %dma_wait3A_107] : memref<16x640xf32, #tpu.memory_space<vmem>> -> memref<1x640xf32, #tpu.memory_space<vmem>>
      %dma_wait3A_109 = tpu.memref_squeeze %dma_wait3A_108 : memref<1x640xf32, #tpu.memory_space<vmem>> -> memref<640xf32, #tpu.memory_space<vmem>>
      %dma_wait3A_110 = tpu.memref_slice %arg7[%run_scoped3A_80, %mul3A_79] : memref<16x10240xf32, #tpu.memory_space<vmem_shared>> -> memref<1x640xf32, #tpu.memory_space<vmem_shared>>
      %dma_wait3A_111 = tpu.memref_squeeze %dma_wait3A_110 : memref<1x640xf32, #tpu.memory_space<vmem_shared>> -> memref<640xf32, #tpu.memory_space<vmem_shared>>
      tpu.wait_dma2 semaphore(%run_scoped3A_93 : memref<!tpu.dma_semaphore, #tpu.memory_space<semaphore_mem>>) src(%dma_wait3A_111 : memref<640xf32, #tpu.memory_space<vmem_shared>>) dst(%dma_wait3A_109 : memref<640xf32, #tpu.memory_space<vmem>>)
      tpu.yield
    }) : () -> ()
    %scan3A_82 = arith.constant 0 : i32
    %scan3A_83 = arith.constant 0 : i32
    %scan3A_84 = arith.constant 40 : i32
    %scan3A_85 = arith.addi %scan3A_83, %scan3A_84 : i32
    %scan3A_86 = arith.constant 1 : i32
    scf.for %scan3A_93 = %scan3A_83 to %scan3A_85 step %scan3A_86  : i32 {
      %mul3A_94 = arith.constant 16 : i32
      %mul3A_95 = arith.muli %scan3A_93, %mul3A_94 : i32
      %get3A = arith.constant 0 : i32
      %get3A_96 = arith.index_cast %get3A : i32 to index
      %get3A_97 = arith.index_cast %mul3A_95 : i32 to index
      %get3A_98 = tpu.vector_load %arg6[%get3A_96, %get3A_97] {strides = array<i32>} : memref<16x640xf32, #tpu.memory_space<vmem>>, vector<16xf32>,
      %mul3A_99 = arith.constant 16 : i32
      %mul3A_100 = arith.muli %scan3A_93, %mul3A_99 : i32
      %get3A_101 = arith.constant 1 : i32
      %get3A_102 = arith.index_cast %get3A_101 : i32 to index
      %get3A_103 = arith.index_cast %mul3A_100 : i32 to index
      %get3A_104 = tpu.vector_load %arg6[%get3A_102, %get3A_103] {strides = array<i32>} : memref<16x640xf32, #tpu.memory_space<vmem>>, vector<16xf32>,
      %add3A_105 = arith.addf %get3A_98, %get3A_104 : vector<16xf32>
      %mul3A_106 = arith.constant 16 : i32
      %mul3A_107 = arith.muli %scan3A_93, %mul3A_106 : i32
      %get3A_108 = arith.constant 2 : i32
      %get3A_109 = arith.index_cast %get3A_108 : i32 to index
      %get3A_110 = arith.index_cast %mul3A_107 : i32 to index
      %get3A_111 = tpu.vector_load %arg6[%get3A_109, %get3A_110] {strides = array<i32>} : memref<16x640xf32, #tpu.memory_space<vmem>>, vector<16xf32>,
      %add3A_112 = arith.addf %add3A_105, %get3A_111 : vector<16xf32>
      %mul3A_113 = arith.constant 16 : i32
      %mul3A_114 = arith.muli %scan3A_93, %mul3A_113 : i32
      %get3A_115 = arith.constant 3 : i32
      %get3A_116 = arith.index_cast %get3A_115 : i32 to index
      %get3A_117 = arith.index_cast %mul3A_114 : i32 to index
      %get3A_118 = tpu.vector_load %arg6[%get3A_116, %get3A_117] {strides = array<i32>} : memref<16x640xf32, #tpu.memory_space<vmem>>, vector<16xf32>,
      %add3A_119 = arith.addf %add3A_112, %get3A_118 : vector<16xf32>
      %mul3A_120 = arith.constant 16 : i32
      %mul3A_121 = arith.muli %scan3A_93, %mul3A_120 : i32
      %get3A_122 = arith.constant 4 : i32
      %get3A_123 = arith.index_cast %get3A_122 : i32 to index
      %get3A_124 = arith.index_cast %mul3A_121 : i32 to index
      %get3A_125 = tpu.vector_load %arg6[%get3A_123, %get3A_124] {strides = array<i32>} : memref<16x640xf32, #tpu.memory_space<vmem>>, vector<16xf32>,
      %add3A_126 = arith.addf %add3A_119, %get3A_125 : vector<16xf32>
      %mul3A_127 = arith.constant 16 : i32
      %mul3A_128 = arith.muli %scan3A_93, %mul3A_127 : i32
      %get3A_129 = arith.constant 5 : i32
      %get3A_130 = arith.index_cast %get3A_129 : i32 to index
      %get3A_131 = arith.index_cast %mul3A_128 : i32 to index
      %get3A_132 = tpu.vector_load %arg6[%get3A_130, %get3A_131] {strides = array<i32>} : memref<16x640xf32, #tpu.memory_space<vmem>>, vector<16xf32>,
      %add3A_133 = arith.addf %add3A_126, %get3A_132 : vector<16xf32>
      %mul3A_134 = arith.constant 16 : i32
      %mul3A_135 = arith.muli %scan3A_93, %mul3A_134 : i32
      %get3A_136 = arith.constant 6 : i32
      %get3A_137 = arith.index_cast %get3A_136 : i32 to index
      %get3A_138 = arith.index_cast %mul3A_135 : i32 to index
      %get3A_139 = tpu.vector_load %arg6[%get3A_137, %get3A_138] {strides = array<i32>} : memref<16x640xf32, #tpu.memory_space<vmem>>, vector<16xf32>,
      %add3A_140 = arith.addf %add3A_133, %get3A_139 : vector<16xf32>
      %mul3A_141 = arith.constant 16 : i32
      %mul3A_142 = arith.muli %scan3A_93, %mul3A_141 : i32
      %get3A_143 = arith.constant 7 : i32
      %get3A_144 = arith.index_cast %get3A_143 : i32 to index
      %get3A_145 = arith.index_cast %mul3A_142 : i32 to index
      %get3A_146 = tpu.vector_load %arg6[%get3A_144, %get3A_145] {strides = array<i32>} : memref<16x640xf32, #tpu.memory_space<vmem>>, vector<16xf32>,
      %add3A_147 = arith.addf %add3A_140, %get3A_146 : vector<16xf32>
      %mul3A_148 = arith.constant 16 : i32
      %mul3A_149 = arith.muli %scan3A_93, %mul3A_148 : i32
      %get3A_150 = arith.constant 8 : i32
      %get3A_151 = arith.index_cast %get3A_150 : i32 to index
      %get3A_152 = arith.index_cast %mul3A_149 : i32 to index
      %get3A_153 = tpu.vector_load %arg6[%get3A_151, %get3A_152] {strides = array<i32>} : memref<16x640xf32, #tpu.memory_space<vmem>>, vector<16xf32>,
      %add3A_154 = arith.addf %add3A_147, %get3A_153 : vector<16xf32>
      %mul3A_155 = arith.constant 16 : i32
      %mul3A_156 = arith.muli %scan3A_93, %mul3A_155 : i32
      %get3A_157 = arith.constant 9 : i32
      %get3A_158 = arith.index_cast %get3A_157 : i32 to index
      %get3A_159 = arith.index_cast %mul3A_156 : i32 to index
      %get3A_160 = tpu.vector_load %arg6[%get3A_158, %get3A_159] {strides = array<i32>} : memref<16x640xf32, #tpu.memory_space<vmem>>, vector<16xf32>,
      %add3A_161 = arith.addf %add3A_154, %get3A_160 : vector<16xf32>
      %mul3A_162 = arith.constant 16 : i32
      %mul3A_163 = arith.muli %scan3A_93, %mul3A_162 : i32
      %get3A_164 = arith.constant 10 : i32
      %get3A_165 = arith.index_cast %get3A_164 : i32 to index
      %get3A_166 = arith.index_cast %mul3A_163 : i32 to index
      %get3A_167 = tpu.vector_load %arg6[%get3A_165, %get3A_166] {strides = array<i32>} : memref<16x640xf32, #tpu.memory_space<vmem>>, vector<16xf32>,
      %add3A_168 = arith.addf %add3A_161, %get3A_167 : vector<16xf32>
      %mul3A_169 = arith.constant 16 : i32
      %mul3A_170 = arith.muli %scan3A_93, %mul3A_169 : i32
      %get3A_171 = arith.constant 11 : i32
      %get3A_172 = arith.index_cast %get3A_171 : i32 to index
      %get3A_173 = arith.index_cast %mul3A_170 : i32 to index
      %get3A_174 = tpu.vector_load %arg6[%get3A_172, %get3A_173] {strides = array<i32>} : memref<16x640xf32, #tpu.memory_space<vmem>>, vector<16xf32>,
      %add3A_175 = arith.addf %add3A_168, %get3A_174 : vector<16xf32>
      %mul3A_176 = arith.constant 16 : i32
      %mul3A_177 = arith.muli %scan3A_93, %mul3A_176 : i32
      %get3A_178 = arith.constant 12 : i32
      %get3A_179 = arith.index_cast %get3A_178 : i32 to index
      %get3A_180 = arith.index_cast %mul3A_177 : i32 to index
      %get3A_181 = tpu.vector_load %arg6[%get3A_179, %get3A_180] {strides = array<i32>} : memref<16x640xf32, #tpu.memory_space<vmem>>, vector<16xf32>,
      %add3A_182 = arith.addf %add3A_175, %get3A_181 : vector<16xf32>
      %mul3A_183 = arith.constant 16 : i32
      %mul3A_184 = arith.muli %scan3A_93, %mul3A_183 : i32
      %get3A_185 = arith.constant 13 : i32
      %get3A_186 = arith.index_cast %get3A_185 : i32 to index
      %get3A_187 = arith.index_cast %mul3A_184 : i32 to index
      %get3A_188 = tpu.vector_load %arg6[%get3A_186, %get3A_187] {strides = array<i32>} : memref<16x640xf32, #tpu.memory_space<vmem>>, vector<16xf32>,
      %add3A_189 = arith.addf %add3A_182, %get3A_188 : vector<16xf32>
      %mul3A_190 = arith.constant 16 : i32
      %mul3A_191 = arith.muli %scan3A_93, %mul3A_190 : i32
      %get3A_192 = arith.constant 14 : i32
      %get3A_193 = arith.index_cast %get3A_192 : i32 to index
      %get3A_194 = arith.index_cast %mul3A_191 : i32 to index
      %get3A_195 = tpu.vector_load %arg6[%get3A_193, %get3A_194] {strides = array<i32>} : memref<16x640xf32, #tpu.memory_space<vmem>>, vector<16xf32>,
      %add3A_196 = arith.addf %add3A_189, %get3A_195 : vector<16xf32>
      %mul3A_197 = arith.constant 16 : i32
      %mul3A_198 = arith.muli %scan3A_93, %mul3A_197 : i32
      %get3A_199 = arith.constant 15 : i32
      %get3A_200 = arith.index_cast %get3A_199 : i32 to index
      %get3A_201 = arith.index_cast %mul3A_198 : i32 to index
      %get3A_202 = tpu.vector_load %arg6[%get3A_200, %get3A_201] {strides = array<i32>} : memref<16x640xf32, #tpu.memory_space<vmem>>, vector<16xf32>,
      %add3A_203 = arith.addf %add3A_196, %get3A_202 : vector<16xf32>
      %mul3A_204 = arith.constant 16 : i32
      %mul3A_205 = arith.muli %scan3A_93, %mul3A_204 : i32
      %swap3A = arith.index_cast %mul3A_205 : i32 to index
      %swap3A_206 = tpu.vector_load %arg5[%swap3A] {strides = array<i32>} : memref<10240xf32, #tpu.memory_space<vmem>>, vector<16xf32>,
      tpu.vector_store %arg5[%swap3A], %add3A_203 {strides = array<i32>} : memref<10240xf32, #tpu.memory_space<vmem>>, vector<16xf32>,
    }
    %scan3A_87 = arith.constant 40 : i32
    %mul3A_88 = arith.constant 10240 : i32
    %mul3A_89 = arith.muli %arg0, %mul3A_88 : i32
    %mul3A_90 = arith.constant 640 : i32
    %mul3A_91 = arith.muli %arg1, %mul3A_90 : i32
    %add3A_92 = arith.addi %mul3A_89, %mul3A_91 : i32
    "tpu.region"() ({
      %run_scoped3A_93 = tpu.sem_alloc : memref<!tpu.dma_semaphore, #tpu.memory_space<semaphore_mem>>
      %dma_start3A = arith.constant 0 : i32
      %dma_start3A_94 = tpu.memref_slice %arg5[%dma_start3A] : memref<10240xf32, #tpu.memory_space<vmem>> -> memref<640xf32, #tpu.memory_space<vmem>>
      %dma_start3A_95 = tpu.memref_slice %arg3[%add3A_92] : memref<20480xf32, #tpu.memory_space<hbm>> -> memref<640xf32, #tpu.memory_space<hbm>>
      %dma_start3A_96 = tpu.memref_slice %arg3[%add3A_92] : memref<20480xf32, #tpu.memory_space<hbm>> -> memref<640xf32, #tpu.memory_space<hbm>>
      %dma_start3A_97 = arith.constant 0 : i32
      %dma_start3A_98 = tpu.memref_slice %arg5[%dma_start3A_97] : memref<10240xf32, #tpu.memory_space<vmem>> -> memref<640xf32, #tpu.memory_space<vmem>>
      tpu.enqueue_dma source(%dma_start3A_98 : memref<640xf32, #tpu.memory_space<vmem>>) target(%dma_start3A_96 : memref<640xf32, #tpu.memory_space<hbm>>) target_semaphore(%run_scoped3A_93 : memref<!tpu.dma_semaphore, #tpu.memory_space<semaphore_mem>>)
      %dma_wait3A = arith.constant 0 : i32
      %dma_wait3A_99 = tpu.memref_slice %arg5[%dma_wait3A] : memref<10240xf32, #tpu.memory_space<vmem>> -> memref<640xf32, #tpu.memory_space<vmem>>
      %dma_wait3A_100 = tpu.memref_slice %arg3[%add3A_92] : memref<20480xf32, #tpu.memory_space<hbm>> -> memref<640xf32, #tpu.memory_space<hbm>>
      %dma_wait3A_101 = tpu.memref_slice %arg3[%add3A_92] : memref<20480xf32, #tpu.memory_space<hbm>> -> memref<640xf32, #tpu.memory_space<hbm>>
      %dma_wait3A_102 = arith.constant 0 : i32
      %dma_wait3A_103 = tpu.memref_slice %arg5[%dma_wait3A_102] : memref<10240xf32, #tpu.memory_space<vmem>> -> memref<640xf32, #tpu.memory_space<vmem>>
      tpu.wait_dma2 semaphore(%run_scoped3A_93 : memref<!tpu.dma_semaphore, #tpu.memory_space<semaphore_mem>>) src(%dma_wait3A_103 : memref<640xf32, #tpu.memory_space<vmem>>) dst(%dma_wait3A_101 : memref<640xf32, #tpu.memory_space<hbm>>)
      tpu.yield
    }) : () -> ()
    return
  }
}

module attributes {stable_mosaic.version = 14 : i64} {
  func.func @_prep_body(%arg0: i32, %arg1: memref<2x16x128xf32, #tpu.memory_space<vmem>>, %arg2: memref<2048x128xf32, #tpu.memory_space<vmem>>, %arg3: memref<2048x1xf32, #tpu.memory_space<vmem>>, %arg4: memref<2048x128xf32, #tpu.memory_space<vmem>>) attributes {dimension_semantics = [#tpu.dimension_semantics<arbitrary>], iteration_bounds = array<i64: 5>, scalar_prefetch = 0 : i64, scratch_operands = 0 : i64, tpu.core_type = #tpu.core_type<tc>, window_params = [{transform_indices = @transform_0, window_bounds = array<i64: 2, 16, 128>}, {transform_indices = @transform_1, window_bounds = array<i64: 2048, 128>}, {transform_indices = @transform_2, window_bounds = array<i64: 2048, 1>}, {transform_indices = @transform_3, window_bounds = array<i64: 2048, 128>}]} {
    %get3A = arith.constant 0 : index
    %get3A_0 = arith.constant 0 : index
    %get3A_1 = arith.constant 0 : index
    %get3A_2 = vector.load %arg1[%get3A, %get3A_0, %get3A_1] : memref<2x16x128xf32, #tpu.memory_space<vmem>>, vector<1x16x128xf32>
    %get3A_3 = vector.shape_cast %get3A_2 : vector<1x16x128xf32> to vector<16x128xf32>
    %get3A_4 = arith.constant 1 : index
    %get3A_5 = arith.constant 0 : index
    %get3A_6 = arith.constant 0 : index
    %get3A_7 = vector.load %arg1[%get3A_4, %get3A_5, %get3A_6] : memref<2x16x128xf32, #tpu.memory_space<vmem>>, vector<1x16x128xf32>
    %get3A_8 = vector.shape_cast %get3A_7 : vector<1x16x128xf32> to vector<16x128xf32>
    %add3A = arith.addf %get3A_3, %get3A_8 : vector<16x128xf32>
    %add3A_9 = arith.constant 1.000000e+00 : f32
    %add3A_10 = vector.broadcast %add3A_9 : f32 to vector<16x128xf32>
    %add3A_11 = arith.addf %add3A, %add3A_10 : vector<16x128xf32>
    %max3A = arith.constant 1.000000e+00 : f32
    %max3A_12 = vector.broadcast %max3A : f32 to vector<16x128xf32>
    %max3A_13 = arith.maximumf %add3A_11, %max3A_12 : vector<16x128xf32>
    %rsqrt3A = math.rsqrt %max3A_13 : vector<16x128xf32>
    %broadcast_in_dim3A = vector.shape_cast %rsqrt3A : vector<16x128xf32> to vector<16x1x128xf32>
    %broadcast_in_dim3A_14 = vector.shape_cast %broadcast_in_dim3A : vector<16x1x128xf32> to vector<16x1x128xf32>
    %broadcast_in_dim3A_15 = vector.broadcast %broadcast_in_dim3A_14 : vector<16x1x128xf32> to vector<16x128x128xf32>
    %reshape3A = vector.shape_cast %broadcast_in_dim3A_15 : vector<16x128x128xf32> to vector<2048x128xf32>
    %iota3A = tpu.iota {dimensions = array<i32: 1>} : vector<2048x128xi32>
    %iota3A_16 = tpu.iota {dimensions = array<i32: 0>} : vector<2048x128xi32>
    %jit3A = arith.constant 128 : i32
    %eq3A = arith.constant 0 : i32
    %eq3A_17 = arith.cmpi eq, %jit3A, %eq3A : i32
    %jit3A_18 = arith.constant 1 : i32
    %select_n3A = arith.select %eq3A_17, %jit3A_18, %jit3A : i32
    %rem3A = vector.broadcast %select_n3A : i32 to vector<2048x128xi32>
    %rem3A_19 = arith.remsi %iota3A_16, %rem3A : vector<2048x128xi32>
    %ne3A = arith.constant 0 : i32
    %ne3A_20 = vector.broadcast %ne3A : i32 to vector<2048x128xi32>
    %ne3A_21 = arith.cmpi ne, %rem3A_19, %ne3A_20 : vector<2048x128xi32>
    %lt3A = arith.constant 0 : i32
    %lt3A_22 = vector.broadcast %lt3A : i32 to vector<2048x128xi32>
    %lt3A_23 = arith.cmpi slt, %rem3A_19, %lt3A_22 : vector<2048x128xi32>
    %lt3A_24 = arith.constant 0 : i32
    %lt3A_25 = arith.cmpi slt, %select_n3A, %lt3A_24 : i32
    %ne3A_26 = vector.broadcast %lt3A_25 : i1 to vector<2048x128xi1>
    %ne3A_27 = vector.broadcast %ne3A_26 : vector<2048x128xi1> to vector<2048x128xi1>
    %ne3A_28 = arith.xori %lt3A_23, %ne3A_27 : vector<2048x128xi1>
    %and3A = arith.andi %ne3A_28, %ne3A_21 : vector<2048x128xi1>
    %add3A_29 = vector.broadcast %select_n3A : i32 to vector<2048x128xi32>
    %add3A_30 = arith.addi %rem3A_19, %add3A_29 : vector<2048x128xi32>
    %select_n3A_31 = arith.select %and3A, %add3A_30, %rem3A_19 : vector<2048x128xi1>, vector<2048x128xi32>
    %eq3A_32 = arith.cmpi eq, %iota3A, %select_n3A_31 : vector<2048x128xi32>
    %jit3A_33 = arith.constant 0.000000e+00 : f32
    %broadcast_in_dim3A_34 = vector.broadcast %jit3A_33 : f32 to vector<2048x128xf32>
    %select_n3A_35 = arith.select %eq3A_32, %reshape3A, %broadcast_in_dim3A_34 : vector<2048x128xi1>, vector<2048x128xf32>
    %reduce_sum3A = arith.constant dense<0.000000e+00> : vector<2048xf32>
    %reduce_sum3A_36 = vector.multi_reduction <add>, %select_n3A_35, %reduce_sum3A [1] : vector<2048x128xf32> to vector<2048xf32>
    %broadcast_in_dim3A_37 = vector.shape_cast %reduce_sum3A_36 : vector<2048xf32> to vector<2048x1xf32>
    %swap3A = arith.constant 0 : index
    %swap3A_38 = arith.constant 0 : index
    %swap3A_39 = vector.load %arg3[%swap3A, %swap3A_38] : memref<2048x1xf32, #tpu.memory_space<vmem>>, vector<2048x1xf32>
    tpu.vector_store %arg3[%swap3A, %swap3A_38], %broadcast_in_dim3A_37 {strides = array<i32>} : memref<2048x1xf32, #tpu.memory_space<vmem>>, vector<2048x1xf32>,
    %get3A_40 = arith.constant 0 : index
    %get3A_41 = arith.constant 0 : index
    %get3A_42 = vector.load %arg2[%get3A_40, %get3A_41] : memref<2048x128xf32, #tpu.memory_space<vmem>>, vector<2048x128xf32>
    %broadcast_in_dim3A_43 = vector.shape_cast %broadcast_in_dim3A_37 : vector<2048x1xf32> to vector<2048x1xf32>
    %broadcast_in_dim3A_44 = vector.broadcast %broadcast_in_dim3A_43 : vector<2048x1xf32> to vector<2048x128xf32>
    %mul3A = arith.mulf %get3A_42, %broadcast_in_dim3A_44 : vector<2048x128xf32>
    %swap3A_45 = arith.constant 0 : index
    %swap3A_46 = arith.constant 0 : index
    %swap3A_47 = vector.load %arg4[%swap3A_45, %swap3A_46] : memref<2048x128xf32, #tpu.memory_space<vmem>>, vector<2048x128xf32>
    tpu.vector_store %arg4[%swap3A_45, %swap3A_46], %mul3A {strides = array<i32>} : memref<2048x128xf32, #tpu.memory_space<vmem>>, vector<2048x128xf32>,
    return
  }
  func.func @transform_0(%arg0: i32) -> (i32, i32, i32) {
    %c0_i32 = arith.constant 0 : i32
    %c0_i32_0 = arith.constant 0 : i32
    %c0_i32_1 = arith.constant 0 : i32
    return %c0_i32, %arg0, %c0_i32_0 : i32, i32, i32
  }
  func.func @transform_1(%arg0: i32) -> (i32, i32) {
    %c0_i32 = arith.constant 0 : i32
    %c0_i32_0 = arith.constant 0 : i32
    return %arg0, %c0_i32 : i32, i32
  }
  func.func @transform_2(%arg0: i32) -> (i32, i32) {
    %c0_i32 = arith.constant 0 : i32
    %c0_i32_0 = arith.constant 0 : i32
    return %arg0, %c0_i32 : i32, i32
  }
  func.func @transform_3(%arg0: i32) -> (i32, i32) {
    %c0_i32 = arith.constant 0 : i32
    %c0_i32_0 = arith.constant 0 : i32
    return %arg0, %c0_i32 : i32, i32
  }
}

module attributes {stable_mosaic.version = 14 : i64} {
  func.func @_mid_body(%arg0: i32, %arg1: memref<2x2048x128xf32, #tpu.memory_space<vmem>>, %arg2: memref<2048x128xf32, #tpu.memory_space<vmem>>, %arg3: memref<2048x1xf32, #tpu.memory_space<vmem>>, %arg4: memref<128x256xf32, #tpu.memory_space<vmem>>, %arg5: memref<1x256xf32, #tpu.memory_space<vmem>>, %arg6: memref<256x128xf32, #tpu.memory_space<vmem>>, %arg7: memref<2048x128xf32, #tpu.memory_space<vmem>>) attributes {dimension_semantics = [#tpu.dimension_semantics<arbitrary>], iteration_bounds = array<i64: 5>, scalar_prefetch = 0 : i64, scratch_operands = 0 : i64, tpu.core_type = #tpu.core_type<tc>, window_params = [{transform_indices = @transform_0, window_bounds = array<i64: 2, 2048, 128>}, {transform_indices = @transform_1, window_bounds = array<i64: 2048, 128>}, {transform_indices = @transform_2, window_bounds = array<i64: 2048, 1>}, {pipeline_mode = #tpu.pipeline_mode<synchronous>, transform_indices = @transform_3, window_bounds = array<i64: 128, 256>}, {pipeline_mode = #tpu.pipeline_mode<synchronous>, transform_indices = @transform_4, window_bounds = array<i64: 1, 256>}, {pipeline_mode = #tpu.pipeline_mode<synchronous>, transform_indices = @transform_5, window_bounds = array<i64: 256, 128>}, {transform_indices = @transform_6, window_bounds = array<i64: 2048, 128>}]} {
    %get3A = arith.constant 0 : index
    %get3A_0 = arith.constant 0 : index
    %get3A_1 = vector.load %arg3[%get3A, %get3A_0] : memref<2048x1xf32, #tpu.memory_space<vmem>>, vector<2048x1xf32>
    %broadcast_in_dim3A = vector.shape_cast %get3A_1 : vector<2048x1xf32> to vector<2048x1xf32>
    %broadcast_in_dim3A_2 = vector.broadcast %broadcast_in_dim3A : vector<2048x1xf32> to vector<2048x128xf32>
    %get3A_3 = arith.constant 0 : index
    %get3A_4 = arith.constant 0 : index
    %get3A_5 = arith.constant 0 : index
    %get3A_6 = vector.load %arg1[%get3A_3, %get3A_4, %get3A_5] : memref<2x2048x128xf32, #tpu.memory_space<vmem>>, vector<1x2048x128xf32>
    %get3A_7 = vector.shape_cast %get3A_6 : vector<1x2048x128xf32> to vector<2048x128xf32>
    %get3A_8 = arith.constant 1 : index
    %get3A_9 = arith.constant 0 : index
    %get3A_10 = arith.constant 0 : index
    %get3A_11 = vector.load %arg1[%get3A_8, %get3A_9, %get3A_10] : memref<2x2048x128xf32, #tpu.memory_space<vmem>>, vector<1x2048x128xf32>
    %get3A_12 = vector.shape_cast %get3A_11 : vector<1x2048x128xf32> to vector<2048x128xf32>
    %add3A = arith.addf %get3A_7, %get3A_12 : vector<2048x128xf32>
    %get3A_13 = arith.constant 0 : index
    %get3A_14 = arith.constant 0 : index
    %get3A_15 = vector.load %arg2[%get3A_13, %get3A_14] : memref<2048x128xf32, #tpu.memory_space<vmem>>, vector<2048x128xf32>
    %add3A_16 = arith.addf %add3A, %get3A_15 : vector<2048x128xf32>
    %mul3A = arith.mulf %broadcast_in_dim3A_2, %add3A_16 : vector<2048x128xf32>
    %get3A_17 = arith.constant 0 : index
    %get3A_18 = arith.constant 0 : index
    %get3A_19 = vector.load %arg4[%get3A_17, %get3A_18] : memref<128x256xf32, #tpu.memory_space<vmem>>, vector<128x256xf32>
    %dot_general3A = arith.constant dense<0.000000e+00> : vector<2048x256xf32>
    %dot_general3A_20 = tpu.matmul %mul3A, %get3A_19, %dot_general3A {dimension_numbers = #tpu.dot_dimension_numbers<[1], [0], [0], [1], [0, 0, 1, 1], [], []>, transpose_lhs_hint = false} : vector<2048x128xf32>, vector<128x256xf32>, vector<2048x256xf32> -> vector<2048x256xf32>
    %get3A_21 = arith.constant 0 : index
    %get3A_22 = arith.constant 0 : index
    %get3A_23 = vector.load %arg5[%get3A_21, %get3A_22] : memref<1x256xf32, #tpu.memory_space<vmem>>, vector<1x256xf32>
    %add3A_24 = vector.broadcast %get3A_23 : vector<1x256xf32> to vector<2048x256xf32>
    %add3A_25 = arith.addf %dot_general3A_20, %add3A_24 : vector<2048x256xf32>
    %max3A = arith.constant 0.000000e+00 : f32
    %max3A_26 = vector.broadcast %max3A : f32 to vector<2048x256xf32>
    %max3A_27 = arith.maximumf %add3A_25, %max3A_26 : vector<2048x256xf32>
    %get3A_28 = arith.constant 0 : index
    %get3A_29 = arith.constant 0 : index
    %get3A_30 = vector.load %arg6[%get3A_28, %get3A_29] : memref<256x128xf32, #tpu.memory_space<vmem>>, vector<256x128xf32>
    %dot_general3A_31 = arith.constant dense<0.000000e+00> : vector<2048x128xf32>
    %dot_general3A_32 = tpu.matmul %max3A_27, %get3A_30, %dot_general3A_31 {dimension_numbers = #tpu.dot_dimension_numbers<[1], [0], [0], [1], [0, 0, 1, 1], [], []>, transpose_lhs_hint = false} : vector<2048x256xf32>, vector<256x128xf32>, vector<2048x128xf32> -> vector<2048x128xf32>
    %mul3A_33 = arith.mulf %dot_general3A_32, %broadcast_in_dim3A_2 : vector<2048x128xf32>
    %swap3A = arith.constant 0 : index
    %swap3A_34 = arith.constant 0 : index
    %swap3A_35 = vector.load %arg7[%swap3A, %swap3A_34] : memref<2048x128xf32, #tpu.memory_space<vmem>>, vector<2048x128xf32>
    tpu.vector_store %arg7[%swap3A, %swap3A_34], %mul3A_33 {strides = array<i32>} : memref<2048x128xf32, #tpu.memory_space<vmem>>, vector<2048x128xf32>,
    return
  }
  func.func @transform_0(%arg0: i32) -> (i32, i32, i32) {
    %c0_i32 = arith.constant 0 : i32
    %c0_i32_0 = arith.constant 0 : i32
    %c0_i32_1 = arith.constant 0 : i32
    return %c0_i32, %arg0, %c0_i32_0 : i32, i32, i32
  }
  func.func @transform_1(%arg0: i32) -> (i32, i32) {
    %c0_i32 = arith.constant 0 : i32
    %c0_i32_0 = arith.constant 0 : i32
    return %arg0, %c0_i32 : i32, i32
  }
  func.func @transform_2(%arg0: i32) -> (i32, i32) {
    %c0_i32 = arith.constant 0 : i32
    %c0_i32_0 = arith.constant 0 : i32
    return %arg0, %c0_i32 : i32, i32
  }
  func.func @transform_3(%arg0: i32) -> (i32, i32) {
    %c0_i32 = arith.constant 0 : i32
    %c0_i32_0 = arith.constant 0 : i32
    %c0_i32_1 = arith.constant 0 : i32
    return %c0_i32, %c0_i32_0 : i32, i32
  }
  func.func @transform_4(%arg0: i32) -> (i32, i32) {
    %c0_i32 = arith.constant 0 : i32
    %c0_i32_0 = arith.constant 0 : i32
    %c0_i32_1 = arith.constant 0 : i32
    return %c0_i32, %c0_i32_0 : i32, i32
  }
  func.func @transform_5(%arg0: i32) -> (i32, i32) {
    %c0_i32 = arith.constant 0 : i32
    %c0_i32_0 = arith.constant 0 : i32
    %c0_i32_1 = arith.constant 0 : i32
    return %c0_i32, %c0_i32_0 : i32, i32
  }
  func.func @transform_6(%arg0: i32) -> (i32, i32) {
    %c0_i32 = arith.constant 0 : i32
    %c0_i32_0 = arith.constant 0 : i32
    return %arg0, %c0_i32 : i32, i32
  }
}

module attributes {stable_mosaic.version = 14 : i64} {
  func.func @_fin_body(%arg0: i32, %arg1: memref<2x2000x128xf32, #tpu.memory_space<vmem>>, %arg2: memref<2000x128xf32, #tpu.memory_space<vmem>>, %arg3: memref<2000x1xf32, #tpu.memory_space<vmem>>, %arg4: memref<1x128xf32, #tpu.memory_space<vmem>>, %arg5: memref<2000x128xf32, #tpu.memory_space<vmem>>) attributes {dimension_semantics = [#tpu.dimension_semantics<arbitrary>], iteration_bounds = array<i64: 5>, scalar_prefetch = 0 : i64, scratch_operands = 0 : i64, tpu.core_type = #tpu.core_type<tc>, window_params = [{transform_indices = @transform_0, window_bounds = array<i64: 2, 2000, 128>}, {transform_indices = @transform_1, window_bounds = array<i64: 2000, 128>}, {transform_indices = @transform_2, window_bounds = array<i64: 2000, 1>}, {pipeline_mode = #tpu.pipeline_mode<synchronous>, transform_indices = @transform_3, window_bounds = array<i64: 1, 128>}, {transform_indices = @transform_4, window_bounds = array<i64: 2000, 128>}]} {
    %get3A = arith.constant 0 : index
    %get3A_0 = arith.constant 0 : index
    %get3A_1 = vector.load %arg3[%get3A, %get3A_0] : memref<2000x1xf32, #tpu.memory_space<vmem>>, vector<2000x1xf32>
    %broadcast_in_dim3A = vector.shape_cast %get3A_1 : vector<2000x1xf32> to vector<2000x1xf32>
    %broadcast_in_dim3A_2 = vector.broadcast %broadcast_in_dim3A : vector<2000x1xf32> to vector<2000x128xf32>
    %get3A_3 = arith.constant 0 : index
    %get3A_4 = arith.constant 0 : index
    %get3A_5 = arith.constant 0 : index
    %get3A_6 = vector.load %arg1[%get3A_3, %get3A_4, %get3A_5] : memref<2x2000x128xf32, #tpu.memory_space<vmem>>, vector<1x2000x128xf32>
    %get3A_7 = vector.shape_cast %get3A_6 : vector<1x2000x128xf32> to vector<2000x128xf32>
    %get3A_8 = arith.constant 1 : index
    %get3A_9 = arith.constant 0 : index
    %get3A_10 = arith.constant 0 : index
    %get3A_11 = vector.load %arg1[%get3A_8, %get3A_9, %get3A_10] : memref<2x2000x128xf32, #tpu.memory_space<vmem>>, vector<1x2000x128xf32>
    %get3A_12 = vector.shape_cast %get3A_11 : vector<1x2000x128xf32> to vector<2000x128xf32>
    %add3A = arith.addf %get3A_7, %get3A_12 : vector<2000x128xf32>
    %get3A_13 = arith.constant 0 : index
    %get3A_14 = arith.constant 0 : index
    %get3A_15 = vector.load %arg2[%get3A_13, %get3A_14] : memref<2000x128xf32, #tpu.memory_space<vmem>>, vector<2000x128xf32>
    %add3A_16 = arith.addf %add3A, %get3A_15 : vector<2000x128xf32>
    %mul3A = arith.mulf %broadcast_in_dim3A_2, %add3A_16 : vector<2000x128xf32>
    %get3A_17 = arith.constant 0 : index
    %get3A_18 = arith.constant 0 : index
    %get3A_19 = vector.load %arg4[%get3A_17, %get3A_18] : memref<1x128xf32, #tpu.memory_space<vmem>>, vector<1x128xf32>
    %add3A_20 = vector.broadcast %get3A_19 : vector<1x128xf32> to vector<2000x128xf32>
    %add3A_21 = arith.addf %mul3A, %add3A_20 : vector<2000x128xf32>
    %swap3A = arith.constant 0 : index
    %swap3A_22 = arith.constant 0 : index
    %swap3A_23 = vector.load %arg5[%swap3A, %swap3A_22] : memref<2000x128xf32, #tpu.memory_space<vmem>>, vector<2000x128xf32>
    tpu.vector_store %arg5[%swap3A, %swap3A_22], %add3A_21 {strides = array<i32>} : memref<2000x128xf32, #tpu.memory_space<vmem>>, vector<2000x128xf32>,
    return
  }
  func.func @transform_0(%arg0: i32) -> (i32, i32, i32) {
    %c0_i32 = arith.constant 0 : i32
    %c0_i32_0 = arith.constant 0 : i32
    %c0_i32_1 = arith.constant 0 : i32
    return %c0_i32, %arg0, %c0_i32_0 : i32, i32, i32
  }
  func.func @transform_1(%arg0: i32) -> (i32, i32) {
    %c0_i32 = arith.constant 0 : i32
    %c0_i32_0 = arith.constant 0 : i32
    return %arg0, %c0_i32 : i32, i32
  }
  func.func @transform_2(%arg0: i32) -> (i32, i32) {
    %c0_i32 = arith.constant 0 : i32
    %c0_i32_0 = arith.constant 0 : i32
    return %arg0, %c0_i32 : i32, i32
  }
  func.func @transform_3(%arg0: i32) -> (i32, i32) {
    %c0_i32 = arith.constant 0 : i32
    %c0_i32_0 = arith.constant 0 : i32
    %c0_i32_1 = arith.constant 0 : i32
    return %c0_i32, %c0_i32_0 : i32, i32
  }
  func.func @transform_4(%arg0: i32) -> (i32, i32) {
    %c0_i32 = arith.constant 0 : i32
    %c0_i32_0 = arith.constant 0 : i32
    return %arg0, %c0_i32 : i32, i32
  }
}

</mosaic_0001>

<sc_bundles>
// kernel: kernel.11.cloned.1.call-start
scs
__scs_entry_jumppad:
0x0: {  	(pc) =	sbr.rel $0x88, $3  }
0x1: {  	(tag) =	ssettag $0x0;
	lr =	simm.s32 $0x1  }
0x2: {  	[smem:$0x3F9B] =	sst lr;
	_ =	strace $0xD0000000  }
0x3: {  	_ = 	snop  }
0x4: {  	_ = 	snop  }
0x5: {  	_ = 	snop  }
0x6: {  	_ = 	snop  }
0x7: {  	_ = 	snop  }
__scs_overlays_trampoline_lowered:
0x8: {  	[smem:$0x3FAA] =	sst s0  }
0x9: {  	[smem:$0x3FAB] =	sst s1  }
0xa: {  	[smem:$0x3FAC] =	sst s2  }
0xb: {  	[smem:$0x3FAD] =	sst s3  }
0xc: {  	[smem:$0x3FAE] =	sst s4  }
0xd: {  	[smem:$0x3FAF] =	sst s5  }
0xe: {  	[smem:$0x3FB0] =	sst s6  }
0xf: {  	[smem:$0x3FB1] =	sst s7  }
0x10: {  	[smem:$0x3FB2] =	sst s8  }
0x11: {  	[smem:$0x3FB3] =	sst s9;
	s0 =	simm.s32 @!p0 $0x0  }
0x12: {  	s1 =	sld [smem:$0x3F99];
	s0 =	simm.s32 @p0 $0x1  }
0x13: {  	[smem:$0x3FB4] =	sst s0;
	s0 =	simm.s32 @!p1 $0x0  }
0x14: {  	s2 =	sld [smem:$0x3F98];
	s0 =	simm.s32 @p1 $0x1  }
0x15: {  	[smem:$0x3FB5] =	sst s0;
	s0 =	simm.s32 @!p2 $0x0  }
0x16: {  	s3 =	sld [smem:$0x3FDB];
	s0 =	simm.s32 @p2 $0x1  }
0x17: {  	s4 =	simm.s32 $0x1BF5;
	[smem:$0x3FB7] =	sst s0  }
0x18: {  	s0 =	sld [smem:$0x3F9A];
	_ =	swait.ge [sflag:s4], $0x0  }
0x19: {  	s7 =	sld [smem:$0x3F9B]  }
0x1a: {  	s8 =	sadd.s32 $0xFFFFE003, lr  }
0x1b: {  	s9 =	sadd.s32 $0xFFFFFEF7, lr;
	s5 =	simm.s32 $0xFFFFFFFF;
	p2 =	slt.u32 s8, $0xFFFFF086  }
0x1c: {  	p1 =	slt.u32 s9, $0xF7A;
	s5 =	simm.s32 @!p2 $0x0  }
0x1d: {  	s5 =	simm.s32 @p1 $0x1;
	p0 =	seq.s32 s7, s2  }
0x1e: {  	s7 =	smul.u32 @!p0 $0xF7A, s2;
	p2 =	seq.s32 @!p0 s5, $0x0  }
0x1f: {  	s9 =	smul.u32 $0xF7A, s1;
	s8 =	simm.s32 @!p0 $0x1BF5;
	p2 =	por !p2, p0  }
0x20: {  	[sflag:s8] =	ssyncset.s32 @!p0 $0xFFFFF086;
	s6 =	sadd.s32 @!p0 s3, s7;
	s7 =	simm.s32 @!p0 $0x108  }
0x21: {  	s3 =	sadd.s32 s3, s9;
	s6 =	sadd.s32 @!p0 $0x88, s6;
	s7 =	simm.s32 @p2 $0x1082  }
0x22: {  	[simem:s7], [sflag:s8] =	dma.local @!p0 [hbm:s6], $0xF7A  }
0x23: {  	s9 =	sor.u32 $0xD0000000, s2;
	s6 =	simm.s32 $0x108;
	_ =	swait.ge @!p0 [sflag:s8], $0x0  }
0x24: {  	s3 =	sadd.s32 $0x88, s3;
	s6 =	simm.s32 @!p1 $0x1082;
	[sflag:s4] =	ssyncset.s32 $0xFFFFF086  }
0x25: {  	[simem:s6], [sflag:s4] =	dma.local [hbm:s3], $0xF7A  }
0x26: {  	[smem:$0x3F9B] =	sst s1;
	(tag) =	ssettag s2;
	_ =	strace s9  }
0x27: {  	s1 =	sld [smem:$0x3FAB]  }
0x28: {  	s2 =	sld [smem:$0x3FAC]  }
0x29: {  	s4 =	sld [smem:$0x3FAE]  }
0x2a: {  	p0 =	seq.s32 s5, $0x0;
	s5 =	sld [smem:$0x3FAF]  }
0x2b: {  	s6 =	sld [smem:$0x3FB0]  }
0x2c: {  	s7 =	sld [smem:$0x3FB1]  }
0x2d: {  	s3 =	simm.s32 $0x108;
	s8 =	sld [smem:$0x3FB2]  }
0x2e: {  	s3 =	simm.s32 @!p0 $0x1082;
	s9 =	sld [smem:$0x3FB3]  }
0x2f: {  	lr =	sadd.s32 s0, s3;
	s0 =	sld [smem:$0x3FAA]  }
0x30: {  	s3 =	sld [smem:$0x3FAD]  }
0x31: {  	[smem:$0x3FB6] =	sst s10  }
0x32: {  	s10 =	sld [smem:$0x3FB4];
	_ =	sdelay $0x3  }
0x33: {  	p0 =	seq.s32 s10, $0x1;
	s10 =	sld [smem:$0x3FB6];
	_ =	sdelay $0x3  }
0x34: {  	[smem:$0x3FB6] =	sst s10  }
0x35: {  	s10 =	sld [smem:$0x3FB5];
	_ =	sdelay $0x3  }
0x36: {  	p1 =	seq.s32 s10, $0x1;
	s10 =	sld [smem:$0x3FB6];
	_ =	sdelay $0x3  }
0x37: {  	[smem:$0x3FB6] =	sst s10  }
0x38: {  	s10 =	sld [smem:$0x3FB7]  }
0x39: {  	_ = 	snop;
	(pc) =	sbr.ind lr, $3  }
0x3a: {  	_ = 	snop  }
0x3b: {  	_ = 	snop  }
0x3c: {  	p2 =	seq.s32 s10, $0x1;
	s10 =	sld [smem:$0x3FB6]  }
0x3d: {  	_ =	shalt  }
0x3e: {  	_ =	shalt  }
0x3f: {  	_ =	shalt  }
0x40: {  	_ =	shalt  }
0x41: {  	_ =	shalt  }
0x42: {  	_ =	shalt  }
0x43: {  	_ =	shalt  }
0x44: {  	_ =	shalt  }
0x45: {  	_ =	shalt  }
0x46: {  	_ =	shalt  }
0x47: {  	_ =	shalt  }
0x48: {  	_ =	shalt  }
0x49: {  	_ =	shalt  }
0x4a: {  	_ =	shalt  }
0x4b: {  	_ =	shalt  }
0x4c: {  	_ =	shalt  }
0x4d: {  	_ =	shalt  }
0x4e: {  	_ =	shalt  }
0x4f: {  	_ =	shalt  }
0x50: {  	_ =	shalt  }
0x51: {  	_ =	shalt  }
0x52: {  	_ =	shalt  }
0x53: {  	_ =	shalt  }
0x54: {  	_ =	shalt  }
0x55: {  	_ =	shalt  }
0x56: {  	_ =	shalt  }
0x57: {  	_ =	shalt  }
0x58: {  	_ =	shalt  }
0x59: {  	_ =	shalt  }
0x5a: {  	_ =	shalt  }
0x5b: {  	_ =	shalt  }
0x5c: {  	_ =	shalt  }
0x5d: {  	_ =	shalt  }
0x5e: {  	_ =	shalt  }
0x5f: {  	_ =	shalt  }
0x60: {  	_ =	shalt  }
0x61: {  	_ =	shalt  }
0x62: {  	_ =	shalt  }
0x63: {  	_ =	shalt  }
0x64: {  	_ =	shalt  }
0x65: {  	_ =	shalt  }
0x66: {  	_ =	shalt  }
0x67: {  	_ =	shalt  }
0x68: {  	_ =	shalt  }
0x69: {  	_ =	shalt  }
0x6a: {  	_ =	shalt  }
0x6b: {  	_ =	shalt  }
0x6c: {  	_ =	shalt  }
0x6d: {  	_ =	shalt  }
0x6e: {  	_ =	shalt  }
0x6f: {  	_ =	shalt  }
0x70: {  	_ =	shalt  }
0x71: {  	_ =	shalt  }
0x72: {  	_ =	shalt  }
0x73: {  	_ =	shalt  }
0x74: {  	_ =	shalt  }
0x75: {  	_ =	shalt  }
0x76: {  	_ =	shalt  }
0x77: {  	_ =	shalt  }
0x78: {  	_ =	shalt  }
0x79: {  	_ =	shalt  }
0x7a: {  	_ =	shalt  }
0x7b: {  	_ =	shalt  }
0x7c: {  	_ =	shalt  }
0x7d: {  	_ =	shalt  }
0x7e: {  	_ =	shalt  }
0x7f: {  	_ =	shalt  }
0x80: {  	_ =	shalt  }
0x81: {  	_ =	shalt  }
0x82: {  	_ =	shalt  }
0x83: {  	_ =	shalt  }
0x84: {  	_ =	shalt  }
0x85: {  	_ =	shalt  }
0x86: {  	_ =	shalt  }
0x87: {  	_ =	shalt  }
.Lfunc_end0:
.L_simem_size_0:
called_computation.1_lowered:
.L_overlay_start_0:
0x88: {  	s2 =	sld [smem:$0x3FD9]  }
0x89: {  	s3 =	sld [smem:$0x3FFE];
	_ =	sdelay $0x1  }
0x8a: {  	s1 =	srdreg.scid  }
0x8b: {  	s0 =	sand.u32 $0x1, s1  }
0x8c: {  	s17 =	sshll.u32 s0, $0xA;
	s2 =	sadd.s32 s3, s2  }
0x8d: {  	s2 =	sadd.s32 s2, s17  }
0x8e: {  	[smem:$0x3FC2] =	sst s2  }
0x8f: {  	_ = 	snop  }
0x90: {  	s2 =	sld [smem:$0x3FD0];
	(tm) =	ssettm $0x1  }
0x91: {  	s18 =	sld [smem:$0x3FFB];
	_ =	sdelay $0x3  }
0x92: {  	_ =	strace s18  }
0x93: {  	s3 =	sld [smem:$0x3FFC];
	_ =	sdelay $0x3  }
0x94: {  	_ =	strace s3  }
0x95: {  	s3 =	sld [smem:$0x3FFD];
	_ =	sdelay $0x3  }
0x96: {  	_ =	strace s3  }
0x97: {  	_ =	strace $0x8FFFFFFF  }
0x98: {  	s19 =	sld [smem:$0x3FDB];
	_ =	sdelay $0x1  }
0x99: {  	s4 =	simm.s32 $_scs_section_size  }
0x9a: {  	s5 =	simm.s32 $_size__tile_overlayer_lowered;
	s6 =	simm.s32 $_tile_overlayer_lowered  }
0x9b: {  	s22 =	simm.s32 $0x1BFF;
	s21 =	sshll.u32 s6, $0x1;
	s3 =	sadd.s32 s4, s19  }
0x9c: {  	s7 =	simm.s32 $0x0;
	s20 =	sshll.u32 s5, $0x1;
	s5 =	sadd.s32 s21, s3  }
0x9d: {  	[timem:s7], [sflag:s22] =	dma.local [hbm:s5], s20  }
0x9e: {  	_ =	swait.ge [sflag:s22], s20  }
0x9f: {  	s4 =	ssub.s32 $0x0, s20;
	[sflag:s22] =	ssyncset.done $0x0  }
0xa0: {  	[sflag:s22] =	ssyncadd.s32 s4;
	_ =	sdelay $0x1  }
0xa1: {  	s23 =	simm.s32 $0x1B8B  }
0xa2: {  	_ =	swait.ge [sflag:s23], $0x1  }
0xa3: {  	[sflag:s23] =	ssyncset.done $0x0  }
0xa4: {  	s25 =	simm.s32 $0x1B8E;
	s24 =	sld [smem:$0x3FFE];
	[sflag:s23] =	ssyncadd.s32 $0xFFFFFFFF  }
0xa5: {  	s26 =	simm.s32 $execute0_lowered;
	[smem:$0x3FD2] =	sst s25  }
0xa6: {  	s5 =	sshll.u32 s26, $0x1;
	_ =	strace $0x80000049;
	[dreg:$0x1] =	wrdreg $0xFFFFFFFF  }
0xa7: {  	s28 =	simm.s32 $_size_execute0_lowered;
	s3 =	sadd.s32 s3, s5;
	[dreg:$0x0] =	wrdreg $0x0  }
0xa8: {  	s5 =	sshll.u32 s28, $0x1;
	[dreg:$0x2] =	wrdreg s3  }
0xa9: {  	[dreg:$0x3] =	wrdreg s5  }
0xaa: {  	[dreg:$0x4] =	wrdreg $0xC0  }
0xab: {  	_ =	task [dreg:s7], $0x5FFFF  }
0xac: {  	[dreg:$0x1] =	wrdreg $0xFFFFFFFF  }
0xad: {  	[dreg:$0x0] =	wrdreg $0x60  }
0xae: {  	[dreg:$0x2] =	wrdreg s24  }
0xaf: {  	[dreg:$0x3] =	wrdreg s2  }
0xb0: {  	[dreg:$0x4] =	wrdreg $0xA8000  }
0xb1: {  	[dreg:$0x5] =	wrdreg $0x9  }
0xb2: {  	_ =	task.clear_ibuf [dreg:s7], $0x6FFFF;
	_ =	strace $0x90000049  }
0xb3: {  	s29 =	simm.s32 $0x9;
	_ =	strace $0x8000004B  }
0xb4: {  	_ =	swait.ge [sflag:s29], $0x1  }
0xb5: {  	[sflag:s29] =	ssyncadd.s32 $0xFFFFFFFF  }
0xb6: {  	_ =	strace $0x9000004B  }
0xb7: {  	_ =	sfence  }
0xb8: {  	s30 =	sld [smem:$0x0];
	_ =	sdelay $0x2  }
0xb9: {  	s31 =	sshll.u32 s1, $0xD;
	s1 =	sshrl.u32 s1, $0x2  }
0xba: {  	s3 =	sand.u32 $0x4000, s31;
	s1 =	sadd.s32 s1, s30  }
0xbb: {  	s0 =	sor.u32 s3, s0;
	s1 =	sshll.u32 s1, $0x11  }
0xbc: {  	s0 =	sor.u32 s1, s0  }
0xbd: {  	s0 =	sadd.s32 $0x8F2B, s0  }
0xbe: {  	[sflag:s0] =	ssyncadd.remote.s32 $0x1  }
0xbf: {  	_ =	sfence.sel $0xFFFF  }
0xc0: {  	[dreg:$0x0] =	wrdreg $0xFFFFFFFF;
	(pc) =	sbr.abs _section_cstart, $3  }
0xc1: {  	[dreg:$0x1] =	wrdreg $0xFFFFFFFF  }
0xc2: {  	_ =	task.clear_ibuf [dreg:s7], $0x2FFFF;
	_ =	strace $0x9FFFFFFF  }
0xc3: {  	(tm) =	ssettm $0x7FFFFFFF  }
tec
execute0_lowered:
.L_overlay_start_1:
0x0: {  	(tag) =	ssettag $0x1  }
0x1: {  	s0 =	rddreg [dreg:$0x0]  }
0x2: {  	s3 =	rddreg [dreg:$0x2];
	s1 =	srdreg.scid  }
0x3: {  	s2 =	stileid.u32;
	s4 =	simm.s32 $0x0;
	s14 =	simm.s32 $0x3  }
0x4: {  	s15 =	simm.s32 $0x1400;
	s16 =	simm.s32 $0x80;
	s17 =	simm.s32 $0x2800  }
0x5: {  	s18 =	simm.s32 $0x6800;
	s19 =	simm.s32 $0x1;
	s20 =	simm.s32 $0x2  }
0x6: {  	s21 =	simm.s32 $0x1280;
	s22 =	simm.s32 $0x2600;
	s28 =	simm.s32 $0x2780  }
0x7: {  	s29 =	simm.s32 $0x0;
	s1 =	sand.u32 $0x1, s1;
	s6 =	smul.u32 $0x2800, s2  }
0x8: {  	[smem:$0x7FF] =	sst s4;
	s9 =	sadd.s32 $0x3600, s0;
	s10 =	sadd.s32 $0xD600, s0  }
0x9: {  	s5 =	sadd.s32 $0x17600, s0;
	s23 =	sshll.u32 s2, $0x1;
	s24 =	smul.u32 $0x50000, s2  }
0xa: {  	s30 =	sshll.u32 s2, $0x6;
	s7 =	smul.u32 $0x28000, s1;
	_ =	strace $0x8000004A  }
0xb: {  	s8 =	ssub.s32 $0x2, s1;
	s1 =	sor.u32 s1, s23;
	s23 =	simm.s32 $0x1300  }
0xc: {  	s25 =	sshrl.u32 s8, $0x1;
	s11 =	smul.u32 $0x2800, s1;
	s26 =	sshrl.u32 s24, $0x2  }
0xd: {  	s1 =	smul.u32 $0x500, s1;
	s24 =	simm.s32 $0x2680;
	s6 =	sadd.s32 s6, s7  }
0xe: {  	s12 =	ssub.s32 s8, s25;
	s13 =	sadd.s32 s26, s3;
	s25 =	simm.s32 $0x1380  }
0xf: {  	s26 =	simm.s32 $0x2700;
	s0 =	sadd.s32 s6, s0;
	s31 =	sshrl.u32 s11, $0x3  }
0x10: {  	s6 =	sor.u32 $0x1C03, s30;
	s7 =	sadd.s32 s9, s1;
	s8 =	sadd.s32 s10, s1  }
0x11: {  	s12 =	smax.u32 s12, $0x1;
	s13 =	sshrl.u32 s13, $0x3;
	s11 =	sadd.s32 $0x280, s31  }
0x12: {  	s9 =	sadd.s32 s9, s11;
	s10 =	sadd.s32 s10, s11;
	s11 =	sadd.s32 $0x3F600, s0  }
.LBB2_1:
0x13: {  	s0 =	rddreg [dreg:$0x1]  }
0x14: {  	[spmem:s13], [sflag:s6] =	dma.local [hbm:s0], $0x2800  }
0x15: {  	_ =	swait.ge [sflag:s14], $0x2800  }
0x16: {  	[sflag:s14] =	ssyncset.done $0x0  }
0x17: {  	[sflag:s14] =	ssyncadd.s32 $0xFFFFD800  }
0x18: {  	[bflag:$0x0] =	sbarrier.arrive $0xFFFF  }
0x19: {  	[tilespmem:s4], [sflag:$0x3] =	stream.linear.gather [hbm4b:s7+s4], $0x1400, $0x38;
	[tilespmem:$0x1E800] =	vst v63  }
0x1a: {  	_ =	swait.ge [sflag:s14], $0x1400  }
0x1b: {  	[sflag:s14] =	ssyncset.done $0x0  }
0x1c: {  	[sflag:s14] =	ssyncadd.s32 $0xFFFFEC00  }
0x1d: {  	[tilespmem:s15], [sflag:$0x3] =	stream.linear.gather [hbm4b:s8+s4], $0x1400, $0x38;
	[tilespmem:$0x1E800] =	vst v63  }
0x1e: {  	_ =	swait.ge [sflag:s14], $0x1400  }
0x1f: {  	[sflag:s14] =	ssyncset.done $0x0  }
0x20: {  	[sflag:s14] =	ssyncadd.s32 $0xFFFFEC00  }
0x21: {  	[tilespmem:s17], [sflag:$0x1] =	stream.indirect.gather [hbm4b:s5+s16], $0x80, s4, s16, $0xb8;
	[tilespmem:$0x1E800] =	vst v63  }
0x22: {  	s1 =	simm.s32 $0x80  }
0x23: {  	[tilespmem:s18], [sflag:$0x2] =	stream.indirect.gather [hbm4b:s5+s16], $0x80, s1, s16, $0xb8;
	[tilespmem:$0x1E800] =	vst v63  }
0x24: {  	_ =	swait.ge [sflag:s19], $0x4000  }
0x25: {  	[sflag:s19] =	ssyncset.done $0x0  }
0x26: {  	s2 =	simm.s32 $0x1400;
	[sflag:s19] =	ssyncadd.s32 $0xFFFFC000  }
0x27: {  	[spmem:s3] =	stream.indirect.scatter.add.f32 [tilespmem:s17], [sflag:$0x3], $0x80, s2, s16, $0xb8;
	[tilespmem:$0x1E800] =	vst v63  }
0x28: {  	_ =	swait.ge [sflag:s14], $0x4000  }
0x29: {  	[sflag:s14] =	ssyncset.done $0x0  }
0x2a: {  	s1 =	simm.s32 $0x100;
	[sflag:s14] =	ssyncadd.s32 $0xFFFFC000  }
0x2b: {  	[tilespmem:s17], [sflag:$0x1] =	stream.indirect.gather [hbm4b:s5+s16], $0x80, s1, s16, $0xb8;
	[tilespmem:$0x1E800] =	vst v63  }
0x2c: {  	_ =	swait.ge [sflag:s20], $0x4000  }
0x2d: {  	[sflag:s20] =	ssyncset.done $0x0  }
0x2e: {  	s2 =	simm.s32 $0x1480;
	[sflag:s20] =	ssyncadd.s32 $0xFFFFC000  }
0x2f: {  	[spmem:s3] =	stream.indirect.scatter.add.f32 [tilespmem:s18], [sflag:$0x3], $0x80, s2, s16, $0xb8;
	[tilespmem:$0x1E800] =	vst v63  }
0x30: {  	_ =	swait.ge [sflag:s14], $0x4000  }
0x31: {  	[sflag:s14] =	ssyncset.done $0x0  }
0x32: {  	s1 =	simm.s32 $0x180;
	[sflag:s14] =	ssyncadd.s32 $0xFFFFC000  }
0x33: {  	[tilespmem:s18], [sflag:$0x2] =	stream.indirect.gather [hbm4b:s5+s16], $0x80, s1, s16, $0xb8;
	[tilespmem:$0x1E800] =	vst v63  }
0x34: {  	_ =	swait.ge [sflag:s19], $0x4000  }
0x35: {  	[sflag:s19] =	ssyncset.done $0x0  }
0x36: {  	s2 =	simm.s32 $0x1500;
	[sflag:s19] =	ssyncadd.s32 $0xFFFFC000  }
0x37: {  	[spmem:s3] =	stream.indirect.scatter.add.f32 [tilespmem:s17], [sflag:$0x3], $0x80, s2, s16, $0xb8;
	[tilespmem:$0x1E800] =	vst v63  }
0x38: {  	_ =	swait.ge [sflag:s14], $0x4000  }
0x39: {  	[sflag:s14] =	ssyncset.done $0x0  }
0x3a: {  	s1 =	simm.s32 $0x200;
	[sflag:s14] =	ssyncadd.s32 $0xFFFFC000  }
0x3b: {  	[tilespmem:s17], [sflag:$0x1] =	stream.indirect.gather [hbm4b:s5+s16], $0x80, s1, s16, $0xb8;
	[tilespmem:$0x1E800] =	vst v63  }
0x3c: {  	_ =	swait.ge [sflag:s20], $0x4000  }
0x3d: {  	[sflag:s20] =	ssyncset.done $0x0  }
0x3e: {  	s2 =	simm.s32 $0x1580;
	[sflag:s20] =	ssyncadd.s32 $0xFFFFC000  }
0x3f: {  	[spmem:s3] =	stream.indirect.scatter.add.f32 [tilespmem:s18], [sflag:$0x3], $0x80, s2, s16, $0xb8;
	[tilespmem:$0x1E800] =	vst v63  }
0x40: {  	_ =	swait.ge [sflag:s14], $0x4000  }
0x41: {  	s31 =	simm.s32 $0x1000;
	s30 =	simm.s32 $0x200;
	[sflag:s14] =	ssyncset.done $0x0  }
.LBB2_2:
0x42: {  	s2 =	sadd.s32 $0x80, s30  }
0x43: {  	[sflag:s14] =	ssyncadd.s32 $0xFFFFC000;
	s0 =	smov.u32 s31;
	s1 =	sadd.s32 $0x800, s31  }
0x44: {  	[tilespmem:s18], [sflag:$0x2] =	stream.indirect.gather [hbm4b:s5+s16], $0x80, s2, s16, $0xb8;
	[tilespmem:$0x1E800] =	vst v63  }
0x45: {  	p0 =	sne.s32 s31, $0x4000;
	_ =	swait.ge [sflag:s19], $0x4000  }
0x46: {  	[sflag:s19] =	ssyncset.done $0x0  }
0x47: {  	s2 =	sadd.s32 $0x1400, s30;
	[sflag:s19] =	ssyncadd.s32 $0xFFFFC000  }
0x48: {  	[spmem:s3] =	stream.indirect.scatter.add.f32 [tilespmem:s17], [sflag:$0x3], $0x80, s2, s16, $0xb8;
	[tilespmem:$0x1E800] =	vst v63  }
0x49: {  	_ =	swait.ge [sflag:s14], $0x4000  }
0x4a: {  	[sflag:s14] =	ssyncset.done $0x0  }
0x4b: {  	s2 =	sadd.s32 $0x100, s30;
	[sflag:s14] =	ssyncadd.s32 $0xFFFFC000  }
0x4c: {  	[tilespmem:s17], [sflag:$0x1] =	stream.indirect.gather [hbm4b:s5+s16], $0x80, s2, s16, $0xb8;
	[tilespmem:$0x1E800] =	vst v63  }
0x4d: {  	_ =	swait.ge [sflag:s20], $0x4000  }
0x4e: {  	[sflag:s20] =	ssyncset.done $0x0  }
0x4f: {  	s2 =	sadd.s32 $0x1480, s30;
	[sflag:s20] =	ssyncadd.s32 $0xFFFFC000  }
0x50: {  	[spmem:s3] =	stream.indirect.scatter.add.f32 [tilespmem:s18], [sflag:$0x3], $0x80, s2, s16, $0xb8;
	[tilespmem:$0x1E800] =	vst v63  }
0x51: {  	_ =	swait.ge [sflag:s14], $0x4000  }
0x52: {  	[sflag:s14] =	ssyncset.done $0x0  }
0x53: {  	s2 =	sadd.s32 $0x180, s30;
	[sflag:s14] =	ssyncadd.s32 $0xFFFFC000  }
0x54: {  	[tilespmem:s18], [sflag:$0x2] =	stream.indirect.gather [hbm4b:s5+s16], $0x80, s2, s16, $0xb8;
	[tilespmem:$0x1E800] =	vst v63  }
0x55: {  	_ =	swait.ge [sflag:s19], $0x4000  }
0x56: {  	[sflag:s19] =	ssyncset.done $0x0  }
0x57: {  	s2 =	sadd.s32 $0x1500, s30;
	[sflag:s19] =	ssyncadd.s32 $0xFFFFC000  }
0x58: {  	[spmem:s3] =	stream.indirect.scatter.add.f32 [tilespmem:s17], [sflag:$0x3], $0x80, s2, s16, $0xb8;
	[tilespmem:$0x1E800] =	vst v63  }
0x59: {  	_ =	swait.ge [sflag:s14], $0x4000  }
0x5a: {  	[sflag:s14] =	ssyncset.done $0x0  }
0x5b: {  	s2 =	sadd.s32 $0x200, s30;
	[sflag:s14] =	ssyncadd.s32 $0xFFFFC000  }
0x5c: {  	[tilespmem:s17], [sflag:$0x1] =	stream.indirect.gather [hbm4b:s5+s16], $0x80, s2, s16, $0xb8;
	[tilespmem:$0x1E800] =	vst v63  }
0x5d: {  	_ =	swait.ge [sflag:s20], $0x4000  }
.Ltmp0:
0x5e: {  	[sflag:s20] =	ssyncset.done $0x0;
	(pc) =	sbr.rel @p0 .LBB2_2-.Ltmp0, $4  }
0x5f: {  	s2 =	sadd.s32 $0x1580, s30;
	[sflag:s20] =	ssyncadd.s32 $0xFFFFC000  }
0x60: {  	[spmem:s3] =	stream.indirect.scatter.add.f32 [tilespmem:s18], [sflag:$0x3], $0x80, s2, s16, $0xb8;
	[tilespmem:$0x1E800] =	vst v63  }
0x61: {  	_ =	swait.ge [sflag:s14], $0x4000  }
0x62: {  	s31 =	smov.u32 s1;
	s30 =	sshra.s32 s0, $0x2;
	[sflag:s14] =	ssyncset.done $0x0  }
0x63: {  	s0 =	sadd.s32 $0x80, s30;
	[sflag:s14] =	ssyncadd.s32 $0xFFFFC000  }
0x64: {  	[tilespmem:s18], [sflag:$0x2] =	stream.indirect.gather [hbm4b:s5+s16], $0x80, s0, s16, $0xb8;
	[tilespmem:$0x1E800] =	vst v63  }
0x65: {  	_ =	swait.ge [sflag:s19], $0x4000  }
0x66: {  	[sflag:s19] =	ssyncset.done $0x0  }
0x67: {  	s31 =	sadd.s32 $0x1400, s30;
	[sflag:s19] =	ssyncadd.s32 $0xFFFFC000  }
0x68: {  	[spmem:s3] =	stream.indirect.scatter.add.f32 [tilespmem:s17], [sflag:$0x3], $0x80, s31, s16, $0xb8;
	[tilespmem:$0x1E800] =	vst v63  }
0x69: {  	_ =	swait.ge [sflag:s14], $0x4000  }
0x6a: {  	[sflag:s14] =	ssyncset.done $0x0  }
0x6b: {  	s1 =	sadd.s32 $0x100, s30;
	[sflag:s14] =	ssyncadd.s32 $0xFFFFC000  }
0x6c: {  	[tilespmem:s17], [sflag:$0x1] =	stream.indirect.gather [hbm4b:s5+s16], $0x80, s1, s16, $0xb8;
	[tilespmem:$0x1E800] =	vst v63  }
0x6d: {  	_ =	swait.ge [sflag:s20], $0x4000  }
0x6e: {  	[sflag:s20] =	ssyncset.done $0x0  }
0x6f: {  	s2 =	sadd.s32 $0x1480, s30;
	[sflag:s20] =	ssyncadd.s32 $0xFFFFC000  }
0x70: {  	[spmem:s3] =	stream.indirect.scatter.add.f32 [tilespmem:s18], [sflag:$0x3], $0x80, s2, s16, $0xb8;
	[tilespmem:$0x1E800] =	vst v63  }
0x71: {  	_ =	swait.ge [sflag:s14], $0x4000  }
0x72: {  	[sflag:s14] =	ssyncset.done $0x0  }
0x73: {  	s31 =	sadd.s32 $0x180, s30;
	[sflag:s14] =	ssyncadd.s32 $0xFFFFC000  }
0x74: {  	[tilespmem:s18], [sflag:$0x2] =	stream.indirect.gather [hbm4b:s5+s16], $0x80, s31, s16, $0xb8;
	[tilespmem:$0x1E800] =	vst v63  }
0x75: {  	_ =	swait.ge [sflag:s19], $0x4000  }
0x76: {  	[sflag:s19] =	ssyncset.done $0x0  }
0x77: {  	s1 =	sadd.s32 $0x1500, s30;
	[sflag:s19] =	ssyncadd.s32 $0xFFFFC000  }
0x78: {  	[spmem:s3] =	stream.indirect.scatter.add.f32 [tilespmem:s17], [sflag:$0x3], $0x80, s1, s16, $0xb8;
	[tilespmem:$0x1E800] =	vst v63  }
0x79: {  	_ =	swait.ge [sflag:s14], $0x4000  }
0x7a: {  	[sflag:s14] =	ssyncset.done $0x0  }
0x7b: {  	s2 =	sadd.s32 $0x200, s30;
	[sflag:s14] =	ssyncadd.s32 $0xFFFFC000  }
0x7c: {  	[tilespmem:s17], [sflag:$0x1] =	stream.indirect.gather [hbm4b:s5+s16], $0x80, s2, s16, $0xb8;
	[tilespmem:$0x1E800] =	vst v63  }
0x7d: {  	_ =	swait.ge [sflag:s20], $0x4000  }
0x7e: {  	[sflag:s20] =	ssyncset.done $0x0  }
0x7f: {  	s31 =	sadd.s32 $0x1580, s30;
	[sflag:s20] =	ssyncadd.s32 $0xFFFFC000  }
0x80: {  	[spmem:s3] =	stream.indirect.scatter.add.f32 [tilespmem:s18], [sflag:$0x3], $0x80, s31, s16, $0xb8;
	[tilespmem:$0x1E800] =	vst v63  }
0x81: {  	_ =	swait.ge [sflag:s14], $0x4000  }
0x82: {  	[sflag:s14] =	ssyncset.done $0x0  }
0x83: {  	[sflag:s14] =	ssyncadd.s32 $0xFFFFC000  }
0x84: {  	[tilespmem:s18], [sflag:$0x2] =	stream.indirect.gather [hbm4b:s5+s16], $0x80, s21, s16, $0xb8;
	[tilespmem:$0x1E800] =	vst v63  }
0x85: {  	_ =	swait.ge [sflag:s19], $0x4000  }
0x86: {  	[sflag:s19] =	ssyncset.done $0x0  }
0x87: {  	[sflag:s19] =	ssyncadd.s32 $0xFFFFC000  }
0x88: {  	[spmem:s3] =	stream.indirect.scatter.add.f32 [tilespmem:s17], [sflag:$0x3], $0x80, s22, s16, $0xb8;
	[tilespmem:$0x1E800] =	vst v63  }
0x89: {  	_ =	swait.ge [sflag:s14], $0x4000  }
0x8a: {  	[sflag:s14] =	ssyncset.done $0x0  }
0x8b: {  	[sflag:s14] =	ssyncadd.s32 $0xFFFFC000  }
0x8c: {  	[tilespmem:s17], [sflag:$0x1] =	stream.indirect.gather [hbm4b:s5+s16], $0x80, s23, s16, $0xb8;
	[tilespmem:$0x1E800] =	vst v63  }
0x8d: {  	_ =	swait.ge [sflag:s20], $0x4000  }
0x8e: {  	[sflag:s20] =	ssyncset.done $0x0  }
0x8f: {  	[sflag:s20] =	ssyncadd.s32 $0xFFFFC000  }
0x90: {  	[spmem:s3] =	stream.indirect.scatter.add.f32 [tilespmem:s18], [sflag:$0x3], $0x80, s24, s16, $0xb8;
	[tilespmem:$0x1E800] =	vst v63  }
0x91: {  	_ =	swait.ge [sflag:s14], $0x4000  }
0x92: {  	[sflag:s14] =	ssyncset.done $0x0  }
0x93: {  	[sflag:s14] =	ssyncadd.s32 $0xFFFFC000  }
0x94: {  	[tilespmem:s18], [sflag:$0x2] =	stream.indirect.gather [hbm4b:s5+s16], $0x80, s25, s16, $0xb8;
	[tilespmem:$0x1E800] =	vst v63  }
0x95: {  	_ =	swait.ge [sflag:s19], $0x4000  }
0x96: {  	[sflag:s19] =	ssyncset.done $0x0  }
0x97: {  	[sflag:s19] =	ssyncadd.s32 $0xFFFFC000  }
0x98: {  	[spmem:s3] =	stream.indirect.scatter.add.f32 [tilespmem:s17], [sflag:$0x3], $0x80, s26, s16, $0xb8;
	[tilespmem:$0x1E800] =	vst v63  }
0x99: {  	_ =	swait.ge [sflag:s14], $0x4000  }
0x9a: {  	[sflag:s14] =	ssyncset.done $0x0  }
0x9b: {  	[sflag:s14] =	ssyncadd.s32 $0xFFFFC000  }
0x9c: {  	_ =	swait.ge [sflag:s20], $0x4000  }
0x9d: {  	[sflag:s20] =	ssyncset.done $0x0  }
0x9e: {  	[sflag:s20] =	ssyncadd.s32 $0xFFFFC000  }
0x9f: {  	[spmem:s3] =	stream.indirect.scatter.add.f32 [tilespmem:s18], [sflag:$0x3], $0x80, s28, s16, $0xb8;
	[tilespmem:$0x1E800] =	vst v63  }
0xa0: {  	_ =	swait.ge [sflag:s14], $0x4000  }
0xa1: {  	[sflag:s14] =	ssyncset.done $0x0  }
0xa2: {  	s1 =	simm.s32 $0x0;
	[sflag:s14] =	ssyncadd.s32 $0xFFFFC000  }
0xa3: {  	[tilespmem:s1], [sflag:$0x3] =	stream.linear.gather [hbm4b:s9+s1], $0x1400, $0x38;
	[tilespmem:$0x1E800] =	vst v63  }
0xa4: {  	_ =	swait.ge [sflag:s14], $0x1400  }
0xa5: {  	[sflag:s14] =	ssyncset.done $0x0  }
0xa6: {  	[sflag:s14] =	ssyncadd.s32 $0xFFFFEC00  }
0xa7: {  	[tilespmem:s15], [sflag:$0x3] =	stream.linear.gather [hbm4b:s10+s1], $0x1400, $0x38;
	[tilespmem:$0x1E800] =	vst v63  }
0xa8: {  	_ =	swait.ge [sflag:s14], $0x1400  }
0xa9: {  	[sflag:s14] =	ssyncset.done $0x0  }
0xaa: {  	[sflag:s14] =	ssyncadd.s32 $0xFFFFEC00  }
0xab: {  	[tilespmem:s17], [sflag:$0x1] =	stream.indirect.gather [hbm4b:s5+s16], $0x80, s1, s16, $0xb8;
	[tilespmem:$0x1E800] =	vst v63  }
0xac: {  	s2 =	simm.s32 $0x80  }
0xad: {  	[tilespmem:s18], [sflag:$0x2] =	stream.indirect.gather [hbm4b:s5+s16], $0x80, s2, s16, $0xb8;
	[tilespmem:$0x1E800] =	vst v63  }
0xae: {  	_ =	swait.ge [sflag:s19], $0x4000  }
0xaf: {  	[sflag:s19] =	ssyncset.done $0x0  }
0xb0: {  	s31 =	simm.s32 $0x1400;
	[sflag:s19] =	ssyncadd.s32 $0xFFFFC000  }
0xb1: {  	[spmem:s3] =	stream.indirect.scatter.add.f32 [tilespmem:s17], [sflag:$0x3], $0x80, s31, s16, $0xb8;
	[tilespmem:$0x1E800] =	vst v63  }
0xb2: {  	_ =	swait.ge [sflag:s14], $0x4000  }
0xb3: {  	[sflag:s14] =	ssyncset.done $0x0  }
0xb4: {  	s1 =	simm.s32 $0x100;
	[sflag:s14] =	ssyncadd.s32 $0xFFFFC000  }
0xb5: {  	[tilespmem:s17], [sflag:$0x1] =	stream.indirect.gather [hbm4b:s5+s16], $0x80, s1, s16, $0xb8;
	[tilespmem:$0x1E800] =	vst v63  }
0xb6: {  	_ =	swait.ge [sflag:s20], $0x4000  }
0xb7: {  	[sflag:s20] =	ssyncset.done $0x0  }
0xb8: {  	s2 =	simm.s32 $0x1480;
	[sflag:s20] =	ssyncadd.s32 $0xFFFFC000  }
0xb9: {  	[spmem:s3] =	stream.indirect.scatter.add.f32 [tilespmem:s18], [sflag:$0x3], $0x80, s2, s16, $0xb8;
	[tilespmem:$0x1E800] =	vst v63  }
0xba: {  	_ =	swait.ge [sflag:s14], $0x4000  }
0xbb: {  	[sflag:s14] =	ssyncset.done $0x0  }
0xbc: {  	s31 =	simm.s32 $0x180;
	[sflag:s14] =	ssyncadd.s32 $0xFFFFC000  }
0xbd: {  	[tilespmem:s18], [sflag:$0x2] =	stream.indirect.gather [hbm4b:s5+s16], $0x80, s31, s16, $0xb8;
	[tilespmem:$0x1E800] =	vst v63  }
0xbe: {  	_ =	swait.ge [sflag:s19], $0x4000  }
0xbf: {  	[sflag:s19] =	ssyncset.done $0x0  }
0xc0: {  	s1 =	simm.s32 $0x1500;
	[sflag:s19] =	ssyncadd.s32 $0xFFFFC000  }
0xc1: {  	[spmem:s3] =	stream.indirect.scatter.add.f32 [tilespmem:s17], [sflag:$0x3], $0x80, s1, s16, $0xb8;
	[tilespmem:$0x1E800] =	vst v63  }
0xc2: {  	_ =	swait.ge [sflag:s14], $0x4000  }
0xc3: {  	[sflag:s14] =	ssyncset.done $0x0  }
0xc4: {  	s2 =	simm.s32 $0x200;
	[sflag:s14] =	ssyncadd.s32 $0xFFFFC000  }
0xc5: {  	[tilespmem:s17], [sflag:$0x1] =	stream.indirect.gather [hbm4b:s5+s16], $0x80, s2, s16, $0xb8;
	[tilespmem:$0x1E800] =	vst v63  }
0xc6: {  	_ =	swait.ge [sflag:s20], $0x4000  }
0xc7: {  	[sflag:s20] =	ssyncset.done $0x0  }
0xc8: {  	s31 =	simm.s32 $0x1580;
	[sflag:s20] =	ssyncadd.s32 $0xFFFFC000  }
0xc9: {  	[spmem:s3] =	stream.indirect.scatter.add.f32 [tilespmem:s18], [sflag:$0x3], $0x80, s31, s16, $0xb8;
	[tilespmem:$0x1E800] =	vst v63  }
0xca: {  	_ =	swait.ge [sflag:s14], $0x4000  }
0xcb: {  	s30 =	simm.s32 $0x200;
	s1 =	simm.s32 $0x1000;
	[sflag:s14] =	ssyncset.done $0x0  }
.LBB2_4:
0xcc: {  	s2 =	sadd.s32 $0x80, s30  }
0xcd: {  	[sflag:s14] =	ssyncadd.s32 $0xFFFFC000;
	s0 =	smov.u32 s1;
	s31 =	sadd.s32 $0x800, s1  }
0xce: {  	[tilespmem:s18], [sflag:$0x2] =	stream.indirect.gather [hbm4b:s5+s16], $0x80, s2, s16, $0xb8;
	[tilespmem:$0x1E800] =	vst v63  }
0xcf: {  	p0 =	sne.s32 s1, $0x4000;
	_ =	swait.ge [sflag:s19], $0x4000  }
0xd0: {  	[sflag:s19] =	ssyncset.done $0x0  }
0xd1: {  	s1 =	sadd.s32 $0x1400, s30;
	[sflag:s19] =	ssyncadd.s32 $0xFFFFC000  }
0xd2: {  	[spmem:s3] =	stream.indirect.scatter.add.f32 [tilespmem:s17], [sflag:$0x3], $0x80, s1, s16, $0xb8;
	[tilespmem:$0x1E800] =	vst v63  }
0xd3: {  	_ =	swait.ge [sflag:s14], $0x4000  }
0xd4: {  	[sflag:s14] =	ssyncset.done $0x0  }
0xd5: {  	s1 =	sadd.s32 $0x100, s30;
	[sflag:s14] =	ssyncadd.s32 $0xFFFFC000  }
0xd6: {  	[tilespmem:s17], [sflag:$0x1] =	stream.indirect.gather [hbm4b:s5+s16], $0x80, s1, s16, $0xb8;
	[tilespmem:$0x1E800] =	vst v63  }
0xd7: {  	_ =	swait.ge [sflag:s20], $0x4000  }
0xd8: {  	[sflag:s20] =	ssyncset.done $0x0  }
0xd9: {  	s1 =	sadd.s32 $0x1480, s30;
	[sflag:s20] =	ssyncadd.s32 $0xFFFFC000  }
0xda: {  	[spmem:s3] =	stream.indirect.scatter.add.f32 [tilespmem:s18], [sflag:$0x3], $0x80, s1, s16, $0xb8;
	[tilespmem:$0x1E800] =	vst v63  }
0xdb: {  	_ =	swait.ge [sflag:s14], $0x4000  }
0xdc: {  	[sflag:s14] =	ssyncset.done $0x0  }
0xdd: {  	s1 =	sadd.s32 $0x180, s30;
	[sflag:s14] =	ssyncadd.s32 $0xFFFFC000  }
0xde: {  	[tilespmem:s18], [sflag:$0x2] =	stream.indirect.gather [hbm4b:s5+s16], $0x80, s1, s16, $0xb8;
	[tilespmem:$0x1E800] =	vst v63  }
0xdf: {  	_ =	swait.ge [sflag:s19], $0x4000  }
0xe0: {  	[sflag:s19] =	ssyncset.done $0x0  }
0xe1: {  	s1 =	sadd.s32 $0x1500, s30;
	[sflag:s19] =	ssyncadd.s32 $0xFFFFC000  }
0xe2: {  	[spmem:s3] =	stream.indirect.scatter.add.f32 [tilespmem:s17], [sflag:$0x3], $0x80, s1, s16, $0xb8;
	[tilespmem:$0x1E800] =	vst v63  }
0xe3: {  	_ =	swait.ge [sflag:s14], $0x4000  }
0xe4: {  	[sflag:s14] =	ssyncset.done $0x0  }
0xe5: {  	s1 =	sadd.s32 $0x200, s30;
	[sflag:s14] =	ssyncadd.s32 $0xFFFFC000  }
0xe6: {  	[tilespmem:s17], [sflag:$0x1] =	stream.indirect.gather [hbm4b:s5+s16], $0x80, s1, s16, $0xb8;
	[tilespmem:$0x1E800] =	vst v63  }
0xe7: {  	_ =	swait.ge [sflag:s20], $0x4000  }
.Ltmp1:
0xe8: {  	[sflag:s20] =	ssyncset.done $0x0;
	(pc) =	sbr.rel @p0 .LBB2_4-.Ltmp1, $4  }
0xe9: {  	s1 =	sadd.s32 $0x1580, s30;
	[sflag:s20] =	ssyncadd.s32 $0xFFFFC000  }
0xea: {  	[spmem:s3] =	stream.indirect.scatter.add.f32 [tilespmem:s18], [sflag:$0x3], $0x80, s1, s16, $0xb8;
	[tilespmem:$0x1E800] =	vst v63  }
0xeb: {  	_ =	swait.ge [sflag:s14], $0x4000  }
0xec: {  	s30 =	sshra.s32 s0, $0x2;
	s1 =	smov.u32 s31;
	[sflag:s14] =	ssyncset.done $0x0  }
0xed: {  	s0 =	sadd.s32 $0x80, s30;
	[sflag:s14] =	ssyncadd.s32 $0xFFFFC000  }
0xee: {  	[tilespmem:s18], [sflag:$0x2] =	stream.indirect.gather [hbm4b:s5+s16], $0x80, s0, s16, $0xb8;
	[tilespmem:$0x1E800] =	vst v63  }
0xef: {  	_ =	swait.ge [sflag:s19], $0x4000  }
0xf0: {  	[sflag:s19] =	ssyncset.done $0x0  }
0xf1: {  	s31 =	sadd.s32 $0x1400, s30;
	[sflag:s19] =	ssyncadd.s32 $0xFFFFC000  }
0xf2: {  	[spmem:s3] =	stream.indirect.scatter.add.f32 [tilespmem:s17], [sflag:$0x3], $0x80, s31, s16, $0xb8;
	[tilespmem:$0x1E800] =	vst v63  }
0xf3: {  	_ =	swait.ge [sflag:s14], $0x4000  }
0xf4: {  	[sflag:s14] =	ssyncset.done $0x0  }
0xf5: {  	s1 =	sadd.s32 $0x100, s30;
	[sflag:s14] =	ssyncadd.s32 $0xFFFFC000  }
0xf6: {  	[tilespmem:s17], [sflag:$0x1] =	stream.indirect.gather [hbm4b:s5+s16], $0x80, s1, s16, $0xb8;
	[tilespmem:$0x1E800] =	vst v63  }
0xf7: {  	_ =	swait.ge [sflag:s20], $0x4000  }
0xf8: {  	[sflag:s20] =	ssyncset.done $0x0  }
0xf9: {  	s2 =	sadd.s32 $0x1480, s30;
	[sflag:s20] =	ssyncadd.s32 $0xFFFFC000  }
0xfa: {  	[spmem:s3] =	stream.indirect.scatter.add.f32 [tilespmem:s18], [sflag:$0x3], $0x80, s2, s16, $0xb8;
	[tilespmem:$0x1E800] =	vst v63  }
0xfb: {  	_ =	swait.ge [sflag:s14], $0x4000  }
0xfc: {  	[sflag:s14] =	ssyncset.done $0x0  }
0xfd: {  	s31 =	sadd.s32 $0x180, s30;
	[sflag:s14] =	ssyncadd.s32 $0xFFFFC000  }
0xfe: {  	[tilespmem:s18], [sflag:$0x2] =	stream.indirect.gather [hbm4b:s5+s16], $0x80, s31, s16, $0xb8;
	[tilespmem:$0x1E800] =	vst v63  }
0xff: {  	_ =	swait.ge [sflag:s19], $0x4000  }
0x100: {  	[sflag:s19] =	ssyncset.done $0x0  }
0x101: {  	s1 =	sadd.s32 $0x1500, s30;
	[sflag:s19] =	ssyncadd.s32 $0xFFFFC000  }
0x102: {  	[spmem:s3] =	stream.indirect.scatter.add.f32 [tilespmem:s17], [sflag:$0x3], $0x80, s1, s16, $0xb8;
	[tilespmem:$0x1E800] =	vst v63  }
0x103: {  	_ =	swait.ge [sflag:s14], $0x4000  }
0x104: {  	[sflag:s14] =	ssyncset.done $0x0  }
0x105: {  	s2 =	sadd.s32 $0x200, s30;
	[sflag:s14] =	ssyncadd.s32 $0xFFFFC000  }
0x106: {  	[tilespmem:s17], [sflag:$0x1] =	stream.indirect.gather [hbm4b:s5+s16], $0x80, s2, s16, $0xb8;
	[tilespmem:$0x1E800] =	vst v63  }
0x107: {  	_ =	swait.ge [sflag:s20], $0x4000  }
0x108: {  	[sflag:s20] =	ssyncset.done $0x0  }
0x109: {  	s31 =	sadd.s32 $0x1580, s30;
	[sflag:s20] =	ssyncadd.s32 $0xFFFFC000  }
0x10a: {  	[spmem:s3] =	stream.indirect.scatter.add.f32 [tilespmem:s18], [sflag:$0x3], $0x80, s31, s16, $0xb8;
	[tilespmem:$0x1E800] =	vst v63  }
0x10b: {  	_ =	swait.ge [sflag:s14], $0x4000  }
0x10c: {  	[sflag:s14] =	ssyncset.done $0x0  }
0x10d: {  	[sflag:s14] =	ssyncadd.s32 $0xFFFFC000  }
0x10e: {  	[tilespmem:s18], [sflag:$0x2] =	stream.indirect.gather [hbm4b:s5+s16], $0x80, s21, s16, $0xb8;
	[tilespmem:$0x1E800] =	vst v63  }
0x10f: {  	_ =	swait.ge [sflag:s19], $0x4000  }
0x110: {  	[sflag:s19] =	ssyncset.done $0x0  }
0x111: {  	[sflag:s19] =	ssyncadd.s32 $0xFFFFC000  }
0x112: {  	[spmem:s3] =	stream.indirect.scatter.add.f32 [tilespmem:s17], [sflag:$0x3], $0x80, s22, s16, $0xb8;
	[tilespmem:$0x1E800] =	vst v63  }
0x113: {  	_ =	swait.ge [sflag:s14], $0x4000  }
0x114: {  	[sflag:s14] =	ssyncset.done $0x0  }
0x115: {  	[sflag:s14] =	ssyncadd.s32 $0xFFFFC000  }
0x116: {  	[tilespmem:s17], [sflag:$0x1] =	stream.indirect.gather [hbm4b:s5+s16], $0x80, s23, s16, $0xb8;
	[tilespmem:$0x1E800] =	vst v63  }
0x117: {  	_ =	swait.ge [sflag:s20], $0x4000  }
0x118: {  	[sflag:s20] =	ssyncset.done $0x0  }
0x119: {  	[sflag:s20] =	ssyncadd.s32 $0xFFFFC000  }
0x11a: {  	[spmem:s3] =	stream.indirect.scatter.add.f32 [tilespmem:s18], [sflag:$0x3], $0x80, s24, s16, $0xb8;
	[tilespmem:$0x1E800] =	vst v63  }
0x11b: {  	_ =	swait.ge [sflag:s14], $0x4000  }
0x11c: {  	[sflag:s14] =	ssyncset.done $0x0  }
0x11d: {  	[sflag:s14] =	ssyncadd.s32 $0xFFFFC000  }
0x11e: {  	[tilespmem:s18], [sflag:$0x2] =	stream.indirect.gather [hbm4b:s5+s16], $0x80, s25, s16, $0xb8;
	[tilespmem:$0x1E800] =	vst v63  }
0x11f: {  	_ =	swait.ge [sflag:s19], $0x4000  }
0x120: {  	[sflag:s19] =	ssyncset.done $0x0  }
0x121: {  	[sflag:s19] =	ssyncadd.s32 $0xFFFFC000  }
0x122: {  	[spmem:s3] =	stream.indirect.scatter.add.f32 [tilespmem:s17], [sflag:$0x3], $0x80, s26, s16, $0xb8;
	[tilespmem:$0x1E800] =	vst v63  }
0x123: {  	_ =	swait.ge [sflag:s14], $0x4000  }
0x124: {  	[sflag:s14] =	ssyncset.done $0x0  }
0x125: {  	[sflag:s14] =	ssyncadd.s32 $0xFFFFC000  }
0x126: {  	_ =	swait.ge [sflag:s20], $0x4000  }
0x127: {  	[sflag:s20] =	ssyncset.done $0x0  }
0x128: {  	[sflag:s20] =	ssyncadd.s32 $0xFFFFC000  }
0x129: {  	[spmem:s3] =	stream.indirect.scatter.add.f32 [tilespmem:s18], [sflag:$0x3], $0x80, s28, s16, $0xb8;
	[tilespmem:$0x1E800] =	vst v63  }
0x12a: {  	_ =	swait.ge [sflag:s14], $0x4000  }
0x12b: {  	s29 =	sadd.s32 $0x1, s29;
	[sflag:s14] =	ssyncset.done $0x0  }
0x12c: {  	p0 =	sne.s32 s29, s12;
	[sflag:s14] =	ssyncadd.s32 $0xFFFFC000  }
.Ltmp2:
0x12d: {  	[bflag:$0x0] =	sbarrier.arrive $0xFFFF;
	(pc) =	sbr.rel @p0 .LBB2_1-.Ltmp2, $4  }
0x12e: {  	[hbm:s11], [sflag:s6] =	dma.local [spmem:s13], $0x2800  }
0x12f: {  	_ =	swait.ge [sflag:s14], $0x2800  }
0x130: {  	[sflag:s14] =	ssyncset.done $0x0  }
0x131: {  	[sflag:s14] =	ssyncadd.s32 $0xFFFFD800  }
0x132: {  	_ =	sfence.sel $0x180000  }
0x133: {  	[bflag:$0x0] =	sbarrier.arrive $0xFFFF  }
0x134: {  	_ =	strace $0x9000004A  }
0x135: {  	s0 =	stileid.u32;
	[bflag:$0x2] =	sbarrier.arrive $0xFFFF  }
0x136: {  	p0 =	sne.s32 s0, $0x0;
	s0 =	rddreg [dreg:$0x3]  }
0x137: {  	s0 =	sadd.s32 @!p0 $0x100000, s0  }
0x138: {  	[sflag:s0] =	ssyncadd.tile.s32 @!p0 $0x1;
	_ =	shalt  }
.Lfunc_end2:
_tile_overlayer_lowered:
.L_overlay_start_2:
0x139: {  	(tag) =	ssettag $0x2  }
0x13a: {  	s0 =	rddreg [dreg:$0x0];
	s2 =	stileid.u32  }
0x13b: {  	s1 =	rddreg [dreg:$0x1];
	p0 =	sne.s32 s2, $0x0  }
0x13c: {  	s3 =	rddreg [dreg:$0x2];
	[bflag:$0x3] =	sbarrier.arrive $0xFFFF;
	s2 =	simm.s32 @!p0 $0x1C03  }
0x13d: {  	[timem:s3], [sflag:s2] =	dma.local @!p0 [hbm:s0], s1  }
0x13e: {  	s0 =	simm.s32 @!p0 $0x3  }
0x13f: {  	_ =	swait.ge @!p0 [sflag:s0], s1  }
0x140: {  	s1 =	ssub.s32 @!p0 $0x0, s1;
	[sflag:s0] =	ssyncset.done @!p0 $0x0  }
0x141: {  	[sflag:s0] =	ssyncadd.s32 @!p0 s1  }
0x142: {  	[bflag:$0x3] =	sbarrier.arrive $0xFFFF  }
0x143: {  	_ =	shalt  }

// kernel: kernel.14.cloned.1.call-start
scs
__scs_entry_jumppad:
0x0: {  	(pc) =	sbr.rel $0x88, $3  }
0x1: {  	(tag) =	ssettag $0x0;
	lr =	simm.s32 $0x1  }
0x2: {  	[smem:$0x3F9B] =	sst lr;
	_ =	strace $0xD0000000  }
0x3: {  	_ = 	snop  }
0x4: {  	_ = 	snop  }
0x5: {  	_ = 	snop  }
0x6: {  	_ = 	snop  }
0x7: {  	_ = 	snop  }
__scs_overlays_trampoline_lowered:
0x8: {  	[smem:$0x3FAA] =	sst s0  }
0x9: {  	[smem:$0x3FAB] =	sst s1  }
0xa: {  	[smem:$0x3FAC] =	sst s2  }
0xb: {  	[smem:$0x3FAD] =	sst s3  }
0xc: {  	[smem:$0x3FAE] =	sst s4  }
0xd: {  	[smem:$0x3FAF] =	sst s5  }
0xe: {  	[smem:$0x3FB0] =	sst s6  }
0xf: {  	[smem:$0x3FB1] =	sst s7  }
0x10: {  	[smem:$0x3FB2] =	sst s8  }
0x11: {  	[smem:$0x3FB3] =	sst s9;
	s0 =	simm.s32 @!p0 $0x0  }
0x12: {  	s1 =	sld [smem:$0x3F99];
	s0 =	simm.s32 @p0 $0x1  }
0x13: {  	[smem:$0x3FB4] =	sst s0;
	s0 =	simm.s32 @!p1 $0x0  }
0x14: {  	s2 =	sld [smem:$0x3F98];
	s0 =	simm.s32 @p1 $0x1  }
0x15: {  	[smem:$0x3FB5] =	sst s0;
	s0 =	simm.s32 @!p2 $0x0  }
0x16: {  	s3 =	sld [smem:$0x3FDB];
	s0 =	simm.s32 @p2 $0x1  }
0x17: {  	s4 =	simm.s32 $0x1BF5;
	[smem:$0x3FB7] =	sst s0  }
0x18: {  	s0 =	sld [smem:$0x3F9A];
	_ =	swait.ge [sflag:s4], $0x0  }
0x19: {  	s7 =	sld [smem:$0x3F9B]  }
0x1a: {  	s8 =	sadd.s32 $0xFFFFE003, lr  }
0x1b: {  	s9 =	sadd.s32 $0xFFFFFEF7, lr;
	s5 =	simm.s32 $0xFFFFFFFF;
	p2 =	slt.u32 s8, $0xFFFFF086  }
0x1c: {  	p1 =	slt.u32 s9, $0xF7A;
	s5 =	simm.s32 @!p2 $0x0  }
0x1d: {  	s5 =	simm.s32 @p1 $0x1;
	p0 =	seq.s32 s7, s2  }
0x1e: {  	s7 =	smul.u32 @!p0 $0xF7A, s2;
	p2 =	seq.s32 @!p0 s5, $0x0  }
0x1f: {  	s9 =	smul.u32 $0xF7A, s1;
	s8 =	simm.s32 @!p0 $0x1BF5;
	p2 =	por !p2, p0  }
0x20: {  	[sflag:s8] =	ssyncset.s32 @!p0 $0xFFFFF086;
	s6 =	sadd.s32 @!p0 s3, s7;
	s7 =	simm.s32 @!p0 $0x108  }
0x21: {  	s3 =	sadd.s32 s3, s9;
	s6 =	sadd.s32 @!p0 $0x88, s6;
	s7 =	simm.s32 @p2 $0x1082  }
0x22: {  	[simem:s7], [sflag:s8] =	dma.local @!p0 [hbm:s6], $0xF7A  }
0x23: {  	s9 =	sor.u32 $0xD0000000, s2;
	s6 =	simm.s32 $0x108;
	_ =	swait.ge @!p0 [sflag:s8], $0x0  }
0x24: {  	s3 =	sadd.s32 $0x88, s3;
	s6 =	simm.s32 @!p1 $0x1082;
	[sflag:s4] =	ssyncset.s32 $0xFFFFF086  }
0x25: {  	[simem:s6], [sflag:s4] =	dma.local [hbm:s3], $0xF7A  }
0x26: {  	[smem:$0x3F9B] =	sst s1;
	(tag) =	ssettag s2;
	_ =	strace s9  }
0x27: {  	s1 =	sld [smem:$0x3FAB]  }
0x28: {  	s2 =	sld [smem:$0x3FAC]  }
0x29: {  	s4 =	sld [smem:$0x3FAE]  }
0x2a: {  	p0 =	seq.s32 s5, $0x0;
	s5 =	sld [smem:$0x3FAF]  }
0x2b: {  	s6 =	sld [smem:$0x3FB0]  }
0x2c: {  	s7 =	sld [smem:$0x3FB1]  }
0x2d: {  	s3 =	simm.s32 $0x108;
	s8 =	sld [smem:$0x3FB2]  }
0x2e: {  	s3 =	simm.s32 @!p0 $0x1082;
	s9 =	sld [smem:$0x3FB3]  }
0x2f: {  	lr =	sadd.s32 s0, s3;
	s0 =	sld [smem:$0x3FAA]  }
0x30: {  	s3 =	sld [smem:$0x3FAD]  }
0x31: {  	[smem:$0x3FB6] =	sst s10  }
0x32: {  	s10 =	sld [smem:$0x3FB4];
	_ =	sdelay $0x3  }
0x33: {  	p0 =	seq.s32 s10, $0x1;
	s10 =	sld [smem:$0x3FB6];
	_ =	sdelay $0x3  }
0x34: {  	[smem:$0x3FB6] =	sst s10  }
0x35: {  	s10 =	sld [smem:$0x3FB5];
	_ =	sdelay $0x3  }
0x36: {  	p1 =	seq.s32 s10, $0x1;
	s10 =	sld [smem:$0x3FB6];
	_ =	sdelay $0x3  }
0x37: {  	[smem:$0x3FB6] =	sst s10  }
0x38: {  	s10 =	sld [smem:$0x3FB7]  }
0x39: {  	_ = 	snop;
	(pc) =	sbr.ind lr, $3  }
0x3a: {  	_ = 	snop  }
0x3b: {  	_ = 	snop  }
0x3c: {  	p2 =	seq.s32 s10, $0x1;
	s10 =	sld [smem:$0x3FB6]  }
0x3d: {  	_ =	shalt  }
0x3e: {  	_ =	shalt  }
0x3f: {  	_ =	shalt  }
0x40: {  	_ =	shalt  }
0x41: {  	_ =	shalt  }
0x42: {  	_ =	shalt  }
0x43: {  	_ =	shalt  }
0x44: {  	_ =	shalt  }
0x45: {  	_ =	shalt  }
0x46: {  	_ =	shalt  }
0x47: {  	_ =	shalt  }
0x48: {  	_ =	shalt  }
0x49: {  	_ =	shalt  }
0x4a: {  	_ =	shalt  }
0x4b: {  	_ =	shalt  }
0x4c: {  	_ =	shalt  }
0x4d: {  	_ =	shalt  }
0x4e: {  	_ =	shalt  }
0x4f: {  	_ =	shalt  }
0x50: {  	_ =	shalt  }
0x51: {  	_ =	shalt  }
0x52: {  	_ =	shalt  }
0x53: {  	_ =	shalt  }
0x54: {  	_ =	shalt  }
0x55: {  	_ =	shalt  }
0x56: {  	_ =	shalt  }
0x57: {  	_ =	shalt  }
0x58: {  	_ =	shalt  }
0x59: {  	_ =	shalt  }
0x5a: {  	_ =	shalt  }
0x5b: {  	_ =	shalt  }
0x5c: {  	_ =	shalt  }
0x5d: {  	_ =	shalt  }
0x5e: {  	_ =	shalt  }
0x5f: {  	_ =	shalt  }
0x60: {  	_ =	shalt  }
0x61: {  	_ =	shalt  }
0x62: {  	_ =	shalt  }
0x63: {  	_ =	shalt  }
0x64: {  	_ =	shalt  }
0x65: {  	_ =	shalt  }
0x66: {  	_ =	shalt  }
0x67: {  	_ =	shalt  }
0x68: {  	_ =	shalt  }
0x69: {  	_ =	shalt  }
0x6a: {  	_ =	shalt  }
0x6b: {  	_ =	shalt  }
0x6c: {  	_ =	shalt  }
0x6d: {  	_ =	shalt  }
0x6e: {  	_ =	shalt  }
0x6f: {  	_ =	shalt  }
0x70: {  	_ =	shalt  }
0x71: {  	_ =	shalt  }
0x72: {  	_ =	shalt  }
0x73: {  	_ =	shalt  }
0x74: {  	_ =	shalt  }
0x75: {  	_ =	shalt  }
0x76: {  	_ =	shalt  }
0x77: {  	_ =	shalt  }
0x78: {  	_ =	shalt  }
0x79: {  	_ =	shalt  }
0x7a: {  	_ =	shalt  }
0x7b: {  	_ =	shalt  }
0x7c: {  	_ =	shalt  }
0x7d: {  	_ =	shalt  }
0x7e: {  	_ =	shalt  }
0x7f: {  	_ =	shalt  }
0x80: {  	_ =	shalt  }
0x81: {  	_ =	shalt  }
0x82: {  	_ =	shalt  }
0x83: {  	_ =	shalt  }
0x84: {  	_ =	shalt  }
0x85: {  	_ =	shalt  }
0x86: {  	_ =	shalt  }
0x87: {  	_ =	shalt  }
.Lfunc_end0:
.L_simem_size_0:
called_computation.2_lowered:
.L_overlay_start_0:
0x88: {  	s2 =	sld [smem:$0x3FD9]  }
0x89: {  	s3 =	sld [smem:$0x3FFE];
	_ =	sdelay $0x1  }
0x8a: {  	s1 =	srdreg.scid  }
0x8b: {  	s0 =	sand.u32 $0x1, s1  }
0x8c: {  	s17 =	sshll.u32 s0, $0xA;
	s2 =	sadd.s32 s3, s2  }
0x8d: {  	s2 =	sadd.s32 s2, s17  }
0x8e: {  	[smem:$0x3FC2] =	sst s2  }
0x8f: {  	_ = 	snop  }
0x90: {  	s2 =	sld [smem:$0x3FD0];
	(tm) =	ssettm $0x1  }
0x91: {  	s18 =	sld [smem:$0x3FFB];
	_ =	sdelay $0x3  }
0x92: {  	_ =	strace s18  }
0x93: {  	s3 =	sld [smem:$0x3FFC];
	_ =	sdelay $0x3  }
0x94: {  	_ =	strace s3  }
0x95: {  	s3 =	sld [smem:$0x3FFD];
	_ =	sdelay $0x3  }
0x96: {  	_ =	strace s3  }
0x97: {  	_ =	strace $0x8FFFFFFF  }
0x98: {  	s19 =	sld [smem:$0x3FDB];
	_ =	sdelay $0x1  }
0x99: {  	s4 =	simm.s32 $_scs_section_size  }
0x9a: {  	s5 =	simm.s32 $_size__tile_overlayer_lowered;
	s6 =	simm.s32 $_tile_overlayer_lowered  }
0x9b: {  	s22 =	simm.s32 $0x1BFF;
	s21 =	sshll.u32 s6, $0x1;
	s3 =	sadd.s32 s4, s19  }
0x9c: {  	s7 =	simm.s32 $0x0;
	s20 =	sshll.u32 s5, $0x1;
	s5 =	sadd.s32 s21, s3  }
0x9d: {  	[timem:s7], [sflag:s22] =	dma.local [hbm:s5], s20  }
0x9e: {  	_ =	swait.ge [sflag:s22], s20  }
0x9f: {  	s4 =	ssub.s32 $0x0, s20;
	[sflag:s22] =	ssyncset.done $0x0  }
0xa0: {  	[sflag:s22] =	ssyncadd.s32 s4;
	_ =	sdelay $0x1  }
0xa1: {  	s23 =	simm.s32 $0x1B8B  }
0xa2: {  	_ =	swait.ge [sflag:s23], $0x1  }
0xa3: {  	[sflag:s23] =	ssyncset.done $0x0  }
0xa4: {  	s25 =	simm.s32 $0x1B8E;
	s24 =	sld [smem:$0x3FFE];
	[sflag:s23] =	ssyncadd.s32 $0xFFFFFFFF  }
0xa5: {  	s26 =	simm.s32 $execute0_lowered;
	[smem:$0x3FD2] =	sst s25  }
0xa6: {  	s5 =	sshll.u32 s26, $0x1;
	_ =	strace $0x8000004C;
	[dreg:$0x1] =	wrdreg $0xFFFFFFFF  }
0xa7: {  	s28 =	simm.s32 $_size_execute0_lowered;
	s3 =	sadd.s32 s3, s5;
	[dreg:$0x0] =	wrdreg $0x0  }
0xa8: {  	s5 =	sshll.u32 s28, $0x1;
	[dreg:$0x2] =	wrdreg s3  }
0xa9: {  	[dreg:$0x3] =	wrdreg s5  }
0xaa: {  	[dreg:$0x4] =	wrdreg $0xC0  }
0xab: {  	_ =	task [dreg:s7], $0x5FFFF  }
0xac: {  	[dreg:$0x1] =	wrdreg $0xFFFFFFFF  }
0xad: {  	[dreg:$0x0] =	wrdreg $0x60  }
0xae: {  	[dreg:$0x2] =	wrdreg s24  }
0xaf: {  	[dreg:$0x3] =	wrdreg s2  }
0xb0: {  	[dreg:$0x4] =	wrdreg $0xA8000  }
0xb1: {  	[dreg:$0x5] =	wrdreg $0x9  }
0xb2: {  	_ =	task.clear_ibuf [dreg:s7], $0x6FFFF;
	_ =	strace $0x9000004C  }
0xb3: {  	s29 =	simm.s32 $0x9;
	_ =	strace $0x8000004E  }
0xb4: {  	_ =	swait.ge [sflag:s29], $0x1  }
0xb5: {  	[sflag:s29] =	ssyncadd.s32 $0xFFFFFFFF  }
0xb6: {  	_ =	strace $0x9000004E  }
0xb7: {  	_ =	sfence  }
0xb8: {  	s30 =	sld [smem:$0x0];
	_ =	sdelay $0x2  }
0xb9: {  	s31 =	sshll.u32 s1, $0xD;
	s1 =	sshrl.u32 s1, $0x2  }
0xba: {  	s3 =	sand.u32 $0x4000, s31;
	s1 =	sadd.s32 s1, s30  }
0xbb: {  	s0 =	sor.u32 s3, s0;
	s1 =	sshll.u32 s1, $0x11  }
0xbc: {  	s0 =	sor.u32 s1, s0  }
0xbd: {  	s0 =	sadd.s32 $0x8F2B, s0  }
0xbe: {  	[sflag:s0] =	ssyncadd.remote.s32 $0x1  }
0xbf: {  	_ =	sfence.sel $0xFFFF  }
0xc0: {  	[dreg:$0x0] =	wrdreg $0xFFFFFFFF;
	(pc) =	sbr.abs _section_cstart, $3  }
0xc1: {  	[dreg:$0x1] =	wrdreg $0xFFFFFFFF  }
0xc2: {  	_ =	task.clear_ibuf [dreg:s7], $0x2FFFF;
	_ =	strace $0x9FFFFFFF  }
0xc3: {  	(tm) =	ssettm $0x7FFFFFFF  }
tec
execute0_lowered:
.L_overlay_start_1:
0x0: {  	(tag) =	ssettag $0x1  }
0x1: {  	s0 =	rddreg [dreg:$0x0]  }
0x2: {  	s3 =	rddreg [dreg:$0x2];
	s1 =	srdreg.scid  }
0x3: {  	s2 =	stileid.u32;
	s4 =	simm.s32 $0x0;
	s14 =	simm.s32 $0x3  }
0x4: {  	s15 =	simm.s32 $0x1400;
	s16 =	simm.s32 $0x80;
	s17 =	simm.s32 $0x2800  }
0x5: {  	s18 =	simm.s32 $0x6800;
	s19 =	simm.s32 $0x1;
	s20 =	simm.s32 $0x2  }
0x6: {  	s21 =	simm.s32 $0x1280;
	s22 =	simm.s32 $0x2600;
	s28 =	simm.s32 $0x2780  }
0x7: {  	s29 =	simm.s32 $0x0;
	s1 =	sand.u32 $0x1, s1;
	s6 =	smul.u32 $0x2800, s2  }
0x8: {  	[smem:$0x7FF] =	sst s4;
	s9 =	sadd.s32 $0x3600, s0;
	s10 =	sadd.s32 $0xD600, s0  }
0x9: {  	s5 =	sadd.s32 $0x17600, s0;
	s23 =	sshll.u32 s2, $0x1;
	s24 =	smul.u32 $0x50000, s2  }
0xa: {  	s30 =	sshll.u32 s2, $0x6;
	s7 =	smul.u32 $0x28000, s1;
	_ =	strace $0x8000004D  }
0xb: {  	s8 =	ssub.s32 $0x2, s1;
	s1 =	sor.u32 s1, s23;
	s23 =	simm.s32 $0x1300  }
0xc: {  	s25 =	sshrl.u32 s8, $0x1;
	s11 =	smul.u32 $0x2800, s1;
	s26 =	sshrl.u32 s24, $0x2  }
0xd: {  	s1 =	smul.u32 $0x500, s1;
	s24 =	simm.s32 $0x2680;
	s6 =	sadd.s32 s6, s7  }
0xe: {  	s12 =	ssub.s32 s8, s25;
	s13 =	sadd.s32 s26, s3;
	s25 =	simm.s32 $0x1380  }
0xf: {  	s26 =	simm.s32 $0x2700;
	s0 =	sadd.s32 s6, s0;
	s31 =	sshrl.u32 s11, $0x3  }
0x10: {  	s6 =	sor.u32 $0x1C03, s30;
	s7 =	sadd.s32 s9, s1;
	s8 =	sadd.s32 s10, s1  }
0x11: {  	s12 =	smax.u32 s12, $0x1;
	s13 =	sshrl.u32 s13, $0x3;
	s11 =	sadd.s32 $0x280, s31  }
0x12: {  	s9 =	sadd.s32 s9, s11;
	s10 =	sadd.s32 s10, s11;
	s11 =	sadd.s32 $0x3F600, s0  }
.LBB2_1:
0x13: {  	s0 =	rddreg [dreg:$0x1]  }
0x14: {  	[spmem:s13], [sflag:s6] =	dma.local [hbm:s0], $0x2800  }
0x15: {  	_ =	swait.ge [sflag:s14], $0x2800  }
0x16: {  	[sflag:s14] =	ssyncset.done $0x0  }
0x17: {  	[sflag:s14] =	ssyncadd.s32 $0xFFFFD800  }
0x18: {  	[bflag:$0x0] =	sbarrier.arrive $0xFFFF  }
0x19: {  	[tilespmem:s4], [sflag:$0x3] =	stream.linear.gather [hbm4b:s7+s4], $0x1400, $0x38;
	[tilespmem:$0x1E800] =	vst v63  }
0x1a: {  	_ =	swait.ge [sflag:s14], $0x1400  }
0x1b: {  	[sflag:s14] =	ssyncset.done $0x0  }
0x1c: {  	[sflag:s14] =	ssyncadd.s32 $0xFFFFEC00  }
0x1d: {  	[tilespmem:s15], [sflag:$0x3] =	stream.linear.gather [hbm4b:s8+s4], $0x1400, $0x38;
	[tilespmem:$0x1E800] =	vst v63  }
0x1e: {  	_ =	swait.ge [sflag:s14], $0x1400  }
0x1f: {  	[sflag:s14] =	ssyncset.done $0x0  }
0x20: {  	[sflag:s14] =	ssyncadd.s32 $0xFFFFEC00  }
0x21: {  	[tilespmem:s17], [sflag:$0x1] =	stream.indirect.gather [hbm4b:s5+s16], $0x80, s4, s16, $0xb8;
	[tilespmem:$0x1E800] =	vst v63  }
0x22: {  	s1 =	simm.s32 $0x80  }
0x23: {  	[tilespmem:s18], [sflag:$0x2] =	stream.indirect.gather [hbm4b:s5+s16], $0x80, s1, s16, $0xb8;
	[tilespmem:$0x1E800] =	vst v63  }
0x24: {  	_ =	swait.ge [sflag:s19], $0x4000  }
0x25: {  	[sflag:s19] =	ssyncset.done $0x0  }
0x26: {  	s2 =	simm.s32 $0x1400;
	[sflag:s19] =	ssyncadd.s32 $0xFFFFC000  }
0x27: {  	[spmem:s3] =	stream.indirect.scatter.add.f32 [tilespmem:s17], [sflag:$0x3], $0x80, s2, s16, $0xb8;
	[tilespmem:$0x1E800] =	vst v63  }
0x28: {  	_ =	swait.ge [sflag:s14], $0x4000  }
0x29: {  	[sflag:s14] =	ssyncset.done $0x0  }
0x2a: {  	s1 =	simm.s32 $0x100;
	[sflag:s14] =	ssyncadd.s32 $0xFFFFC000  }
0x2b: {  	[tilespmem:s17], [sflag:$0x1] =	stream.indirect.gather [hbm4b:s5+s16], $0x80, s1, s16, $0xb8;
	[tilespmem:$0x1E800] =	vst v63  }
0x2c: {  	_ =	swait.ge [sflag:s20], $0x4000  }
0x2d: {  	[sflag:s20] =	ssyncset.done $0x0  }
0x2e: {  	s2 =	simm.s32 $0x1480;
	[sflag:s20] =	ssyncadd.s32 $0xFFFFC000  }
0x2f: {  	[spmem:s3] =	stream.indirect.scatter.add.f32 [tilespmem:s18], [sflag:$0x3], $0x80, s2, s16, $0xb8;
	[tilespmem:$0x1E800] =	vst v63  }
0x30: {  	_ =	swait.ge [sflag:s14], $0x4000  }
0x31: {  	[sflag:s14] =	ssyncset.done $0x0  }
0x32: {  	s1 =	simm.s32 $0x180;
	[sflag:s14] =	ssyncadd.s32 $0xFFFFC000  }
0x33: {  	[tilespmem:s18], [sflag:$0x2] =	stream.indirect.gather [hbm4b:s5+s16], $0x80, s1, s16, $0xb8;
	[tilespmem:$0x1E800] =	vst v63  }
0x34: {  	_ =	swait.ge [sflag:s19], $0x4000  }
0x35: {  	[sflag:s19] =	ssyncset.done $0x0  }
0x36: {  	s2 =	simm.s32 $0x1500;
	[sflag:s19] =	ssyncadd.s32 $0xFFFFC000  }
0x37: {  	[spmem:s3] =	stream.indirect.scatter.add.f32 [tilespmem:s17], [sflag:$0x3], $0x80, s2, s16, $0xb8;
	[tilespmem:$0x1E800] =	vst v63  }
0x38: {  	_ =	swait.ge [sflag:s14], $0x4000  }
0x39: {  	[sflag:s14] =	ssyncset.done $0x0  }
0x3a: {  	s1 =	simm.s32 $0x200;
	[sflag:s14] =	ssyncadd.s32 $0xFFFFC000  }
0x3b: {  	[tilespmem:s17], [sflag:$0x1] =	stream.indirect.gather [hbm4b:s5+s16], $0x80, s1, s16, $0xb8;
	[tilespmem:$0x1E800] =	vst v63  }
0x3c: {  	_ =	swait.ge [sflag:s20], $0x4000  }
0x3d: {  	[sflag:s20] =	ssyncset.done $0x0  }
0x3e: {  	s2 =	simm.s32 $0x1580;
	[sflag:s20] =	ssyncadd.s32 $0xFFFFC000  }
0x3f: {  	[spmem:s3] =	stream.indirect.scatter.add.f32 [tilespmem:s18], [sflag:$0x3], $0x80, s2, s16, $0xb8;
	[tilespmem:$0x1E800] =	vst v63  }
0x40: {  	_ =	swait.ge [sflag:s14], $0x4000  }
0x41: {  	s31 =	simm.s32 $0x1000;
	s30 =	simm.s32 $0x200;
	[sflag:s14] =	ssyncset.done $0x0  }
.LBB2_2:
0x42: {  	s2 =	sadd.s32 $0x80, s30  }
0x43: {  	[sflag:s14] =	ssyncadd.s32 $0xFFFFC000;
	s0 =	smov.u32 s31;
	s1 =	sadd.s32 $0x800, s31  }
0x44: {  	[tilespmem:s18], [sflag:$0x2] =	stream.indirect.gather [hbm4b:s5+s16], $0x80, s2, s16, $0xb8;
	[tilespmem:$0x1E800] =	vst v63  }
0x45: {  	p0 =	sne.s32 s31, $0x4000;
	_ =	swait.ge [sflag:s19], $0x4000  }
0x46: {  	[sflag:s19] =	ssyncset.done $0x0  }
0x47: {  	s2 =	sadd.s32 $0x1400, s30;
	[sflag:s19] =	ssyncadd.s32 $0xFFFFC000  }
0x48: {  	[spmem:s3] =	stream.indirect.scatter.add.f32 [tilespmem:s17], [sflag:$0x3], $0x80, s2, s16, $0xb8;
	[tilespmem:$0x1E800] =	vst v63  }
0x49: {  	_ =	swait.ge [sflag:s14], $0x4000  }
0x4a: {  	[sflag:s14] =	ssyncset.done $0x0  }
0x4b: {  	s2 =	sadd.s32 $0x100, s30;
	[sflag:s14] =	ssyncadd.s32 $0xFFFFC000  }
0x4c: {  	[tilespmem:s17], [sflag:$0x1] =	stream.indirect.gather [hbm4b:s5+s16], $0x80, s2, s16, $0xb8;
	[tilespmem:$0x1E800] =	vst v63  }
0x4d: {  	_ =	swait.ge [sflag:s20], $0x4000  }
0x4e: {  	[sflag:s20] =	ssyncset.done $0x0  }
0x4f: {  	s2 =	sadd.s32 $0x1480, s30;
	[sflag:s20] =	ssyncadd.s32 $0xFFFFC000  }
0x50: {  	[spmem:s3] =	stream.indirect.scatter.add.f32 [tilespmem:s18], [sflag:$0x3], $0x80, s2, s16, $0xb8;
	[tilespmem:$0x1E800] =	vst v63  }
0x51: {  	_ =	swait.ge [sflag:s14], $0x4000  }
0x52: {  	[sflag:s14] =	ssyncset.done $0x0  }
0x53: {  	s2 =	sadd.s32 $0x180, s30;
	[sflag:s14] =	ssyncadd.s32 $0xFFFFC000  }
0x54: {  	[tilespmem:s18], [sflag:$0x2] =	stream.indirect.gather [hbm4b:s5+s16], $0x80, s2, s16, $0xb8;
	[tilespmem:$0x1E800] =	vst v63  }
0x55: {  	_ =	swait.ge [sflag:s19], $0x4000  }
0x56: {  	[sflag:s19] =	ssyncset.done $0x0  }
0x57: {  	s2 =	sadd.s32 $0x1500, s30;
	[sflag:s19] =	ssyncadd.s32 $0xFFFFC000  }
0x58: {  	[spmem:s3] =	stream.indirect.scatter.add.f32 [tilespmem:s17], [sflag:$0x3], $0x80, s2, s16, $0xb8;
	[tilespmem:$0x1E800] =	vst v63  }
0x59: {  	_ =	swait.ge [sflag:s14], $0x4000  }
0x5a: {  	[sflag:s14] =	ssyncset.done $0x0  }
0x5b: {  	s2 =	sadd.s32 $0x200, s30;
	[sflag:s14] =	ssyncadd.s32 $0xFFFFC000  }
0x5c: {  	[tilespmem:s17], [sflag:$0x1] =	stream.indirect.gather [hbm4b:s5+s16], $0x80, s2, s16, $0xb8;
	[tilespmem:$0x1E800] =	vst v63  }
0x5d: {  	_ =	swait.ge [sflag:s20], $0x4000  }
.Ltmp0:
0x5e: {  	[sflag:s20] =	ssyncset.done $0x0;
	(pc) =	sbr.rel @p0 .LBB2_2-.Ltmp0, $4  }
0x5f: {  	s2 =	sadd.s32 $0x1580, s30;
	[sflag:s20] =	ssyncadd.s32 $0xFFFFC000  }
0x60: {  	[spmem:s3] =	stream.indirect.scatter.add.f32 [tilespmem:s18], [sflag:$0x3], $0x80, s2, s16, $0xb8;
	[tilespmem:$0x1E800] =	vst v63  }
0x61: {  	_ =	swait.ge [sflag:s14], $0x4000  }
0x62: {  	s31 =	smov.u32 s1;
	s30 =	sshra.s32 s0, $0x2;
	[sflag:s14] =	ssyncset.done $0x0  }
0x63: {  	s0 =	sadd.s32 $0x80, s30;
	[sflag:s14] =	ssyncadd.s32 $0xFFFFC000  }
0x64: {  	[tilespmem:s18], [sflag:$0x2] =	stream.indirect.gather [hbm4b:s5+s16], $0x80, s0, s16, $0xb8;
	[tilespmem:$0x1E800] =	vst v63  }
0x65: {  	_ =	swait.ge [sflag:s19], $0x4000  }
0x66: {  	[sflag:s19] =	ssyncset.done $0x0  }
0x67: {  	s31 =	sadd.s32 $0x1400, s30;
	[sflag:s19] =	ssyncadd.s32 $0xFFFFC000  }
0x68: {  	[spmem:s3] =	stream.indirect.scatter.add.f32 [tilespmem:s17], [sflag:$0x3], $0x80, s31, s16, $0xb8;
	[tilespmem:$0x1E800] =	vst v63  }
0x69: {  	_ =	swait.ge [sflag:s14], $0x4000  }
0x6a: {  	[sflag:s14] =	ssyncset.done $0x0  }
0x6b: {  	s1 =	sadd.s32 $0x100, s30;
	[sflag:s14] =	ssyncadd.s32 $0xFFFFC000  }
0x6c: {  	[tilespmem:s17], [sflag:$0x1] =	stream.indirect.gather [hbm4b:s5+s16], $0x80, s1, s16, $0xb8;
	[tilespmem:$0x1E800] =	vst v63  }
0x6d: {  	_ =	swait.ge [sflag:s20], $0x4000  }
0x6e: {  	[sflag:s20] =	ssyncset.done $0x0  }
0x6f: {  	s2 =	sadd.s32 $0x1480, s30;
	[sflag:s20] =	ssyncadd.s32 $0xFFFFC000  }
0x70: {  	[spmem:s3] =	stream.indirect.scatter.add.f32 [tilespmem:s18], [sflag:$0x3], $0x80, s2, s16, $0xb8;
	[tilespmem:$0x1E800] =	vst v63  }
0x71: {  	_ =	swait.ge [sflag:s14], $0x4000  }
0x72: {  	[sflag:s14] =	ssyncset.done $0x0  }
0x73: {  	s31 =	sadd.s32 $0x180, s30;
	[sflag:s14] =	ssyncadd.s32 $0xFFFFC000  }
0x74: {  	[tilespmem:s18], [sflag:$0x2] =	stream.indirect.gather [hbm4b:s5+s16], $0x80, s31, s16, $0xb8;
	[tilespmem:$0x1E800] =	vst v63  }
0x75: {  	_ =	swait.ge [sflag:s19], $0x4000  }
0x76: {  	[sflag:s19] =	ssyncset.done $0x0  }
0x77: {  	s1 =	sadd.s32 $0x1500, s30;
	[sflag:s19] =	ssyncadd.s32 $0xFFFFC000  }
0x78: {  	[spmem:s3] =	stream.indirect.scatter.add.f32 [tilespmem:s17], [sflag:$0x3], $0x80, s1, s16, $0xb8;
	[tilespmem:$0x1E800] =	vst v63  }
0x79: {  	_ =	swait.ge [sflag:s14], $0x4000  }
0x7a: {  	[sflag:s14] =	ssyncset.done $0x0  }
0x7b: {  	s2 =	sadd.s32 $0x200, s30;
	[sflag:s14] =	ssyncadd.s32 $0xFFFFC000  }
0x7c: {  	[tilespmem:s17], [sflag:$0x1] =	stream.indirect.gather [hbm4b:s5+s16], $0x80, s2, s16, $0xb8;
	[tilespmem:$0x1E800] =	vst v63  }
0x7d: {  	_ =	swait.ge [sflag:s20], $0x4000  }
0x7e: {  	[sflag:s20] =	ssyncset.done $0x0  }
0x7f: {  	s31 =	sadd.s32 $0x1580, s30;
	[sflag:s20] =	ssyncadd.s32 $0xFFFFC000  }
0x80: {  	[spmem:s3] =	stream.indirect.scatter.add.f32 [tilespmem:s18], [sflag:$0x3], $0x80, s31, s16, $0xb8;
	[tilespmem:$0x1E800] =	vst v63  }
0x81: {  	_ =	swait.ge [sflag:s14], $0x4000  }
0x82: {  	[sflag:s14] =	ssyncset.done $0x0  }
0x83: {  	[sflag:s14] =	ssyncadd.s32 $0xFFFFC000  }
0x84: {  	[tilespmem:s18], [sflag:$0x2] =	stream.indirect.gather [hbm4b:s5+s16], $0x80, s21, s16, $0xb8;
	[tilespmem:$0x1E800] =	vst v63  }
0x85: {  	_ =	swait.ge [sflag:s19], $0x4000  }
0x86: {  	[sflag:s19] =	ssyncset.done $0x0  }
0x87: {  	[sflag:s19] =	ssyncadd.s32 $0xFFFFC000  }
0x88: {  	[spmem:s3] =	stream.indirect.scatter.add.f32 [tilespmem:s17], [sflag:$0x3], $0x80, s22, s16, $0xb8;
	[tilespmem:$0x1E800] =	vst v63  }
0x89: {  	_ =	swait.ge [sflag:s14], $0x4000  }
0x8a: {  	[sflag:s14] =	ssyncset.done $0x0  }
0x8b: {  	[sflag:s14] =	ssyncadd.s32 $0xFFFFC000  }
0x8c: {  	[tilespmem:s17], [sflag:$0x1] =	stream.indirect.gather [hbm4b:s5+s16], $0x80, s23, s16, $0xb8;
	[tilespmem:$0x1E800] =	vst v63  }
0x8d: {  	_ =	swait.ge [sflag:s20], $0x4000  }
0x8e: {  	[sflag:s20] =	ssyncset.done $0x0  }
0x8f: {  	[sflag:s20] =	ssyncadd.s32 $0xFFFFC000  }
0x90: {  	[spmem:s3] =	stream.indirect.scatter.add.f32 [tilespmem:s18], [sflag:$0x3], $0x80, s24, s16, $0xb8;
	[tilespmem:$0x1E800] =	vst v63  }
0x91: {  	_ =	swait.ge [sflag:s14], $0x4000  }
0x92: {  	[sflag:s14] =	ssyncset.done $0x0  }
0x93: {  	[sflag:s14] =	ssyncadd.s32 $0xFFFFC000  }
0x94: {  	[tilespmem:s18], [sflag:$0x2] =	stream.indirect.gather [hbm4b:s5+s16], $0x80, s25, s16, $0xb8;
	[tilespmem:$0x1E800] =	vst v63  }
0x95: {  	_ =	swait.ge [sflag:s19], $0x4000  }
0x96: {  	[sflag:s19] =	ssyncset.done $0x0  }
0x97: {  	[sflag:s19] =	ssyncadd.s32 $0xFFFFC000  }
0x98: {  	[spmem:s3] =	stream.indirect.scatter.add.f32 [tilespmem:s17], [sflag:$0x3], $0x80, s26, s16, $0xb8;
	[tilespmem:$0x1E800] =	vst v63  }
0x99: {  	_ =	swait.ge [sflag:s14], $0x4000  }
0x9a: {  	[sflag:s14] =	ssyncset.done $0x0  }
0x9b: {  	[sflag:s14] =	ssyncadd.s32 $0xFFFFC000  }
0x9c: {  	_ =	swait.ge [sflag:s20], $0x4000  }
0x9d: {  	[sflag:s20] =	ssyncset.done $0x0  }
0x9e: {  	[sflag:s20] =	ssyncadd.s32 $0xFFFFC000  }
0x9f: {  	[spmem:s3] =	stream.indirect.scatter.add.f32 [tilespmem:s18], [sflag:$0x3], $0x80, s28, s16, $0xb8;
	[tilespmem:$0x1E800] =	vst v63  }
0xa0: {  	_ =	swait.ge [sflag:s14], $0x4000  }
0xa1: {  	[sflag:s14] =	ssyncset.done $0x0  }
0xa2: {  	s1 =	simm.s32 $0x0;
	[sflag:s14] =	ssyncadd.s32 $0xFFFFC000  }
0xa3: {  	[tilespmem:s1], [sflag:$0x3] =	stream.linear.gather [hbm4b:s9+s1], $0x1400, $0x38;
	[tilespmem:$0x1E800] =	vst v63  }
0xa4: {  	_ =	swait.ge [sflag:s14], $0x1400  }
0xa5: {  	[sflag:s14] =	ssyncset.done $0x0  }
0xa6: {  	[sflag:s14] =	ssyncadd.s32 $0xFFFFEC00  }
0xa7: {  	[tilespmem:s15], [sflag:$0x3] =	stream.linear.gather [hbm4b:s10+s1], $0x1400, $0x38;
	[tilespmem:$0x1E800] =	vst v63  }
0xa8: {  	_ =	swait.ge [sflag:s14], $0x1400  }
0xa9: {  	[sflag:s14] =	ssyncset.done $0x0  }
0xaa: {  	[sflag:s14] =	ssyncadd.s32 $0xFFFFEC00  }
0xab: {  	[tilespmem:s17], [sflag:$0x1] =	stream.indirect.gather [hbm4b:s5+s16], $0x80, s1, s16, $0xb8;
	[tilespmem:$0x1E800] =	vst v63  }
0xac: {  	s2 =	simm.s32 $0x80  }
0xad: {  	[tilespmem:s18], [sflag:$0x2] =	stream.indirect.gather [hbm4b:s5+s16], $0x80, s2, s16, $0xb8;
	[tilespmem:$0x1E800] =	vst v63  }
0xae: {  	_ =	swait.ge [sflag:s19], $0x4000  }
0xaf: {  	[sflag:s19] =	ssyncset.done $0x0  }
0xb0: {  	s31 =	simm.s32 $0x1400;
	[sflag:s19] =	ssyncadd.s32 $0xFFFFC000  }
0xb1: {  	[spmem:s3] =	stream.indirect.scatter.add.f32 [tilespmem:s17], [sflag:$0x3], $0x80, s31, s16, $0xb8;
	[tilespmem:$0x1E800] =	vst v63  }
0xb2: {  	_ =	swait.ge [sflag:s14], $0x4000  }
0xb3: {  	[sflag:s14] =	ssyncset.done $0x0  }
0xb4: {  	s1 =	simm.s32 $0x100;
	[sflag:s14] =	ssyncadd.s32 $0xFFFFC000  }
0xb5: {  	[tilespmem:s17], [sflag:$0x1] =	stream.indirect.gather [hbm4b:s5+s16], $0x80, s1, s16, $0xb8;
	[tilespmem:$0x1E800] =	vst v63  }
0xb6: {  	_ =	swait.ge [sflag:s20], $0x4000  }
0xb7: {  	[sflag:s20] =	ssyncset.done $0x0  }
0xb8: {  	s2 =	simm.s32 $0x1480;
	[sflag:s20] =	ssyncadd.s32 $0xFFFFC000  }
0xb9: {  	[spmem:s3] =	stream.indirect.scatter.add.f32 [tilespmem:s18], [sflag:$0x3], $0x80, s2, s16, $0xb8;
	[tilespmem:$0x1E800] =	vst v63  }
0xba: {  	_ =	swait.ge [sflag:s14], $0x4000  }
0xbb: {  	[sflag:s14] =	ssyncset.done $0x0  }
0xbc: {  	s31 =	simm.s32 $0x180;
	[sflag:s14] =	ssyncadd.s32 $0xFFFFC000  }
0xbd: {  	[tilespmem:s18], [sflag:$0x2] =	stream.indirect.gather [hbm4b:s5+s16], $0x80, s31, s16, $0xb8;
	[tilespmem:$0x1E800] =	vst v63  }
0xbe: {  	_ =	swait.ge [sflag:s19], $0x4000  }
0xbf: {  	[sflag:s19] =	ssyncset.done $0x0  }
0xc0: {  	s1 =	simm.s32 $0x1500;
	[sflag:s19] =	ssyncadd.s32 $0xFFFFC000  }
0xc1: {  	[spmem:s3] =	stream.indirect.scatter.add.f32 [tilespmem:s17], [sflag:$0x3], $0x80, s1, s16, $0xb8;
	[tilespmem:$0x1E800] =	vst v63  }
0xc2: {  	_ =	swait.ge [sflag:s14], $0x4000  }
0xc3: {  	[sflag:s14] =	ssyncset.done $0x0  }
0xc4: {  	s2 =	simm.s32 $0x200;
	[sflag:s14] =	ssyncadd.s32 $0xFFFFC000  }
0xc5: {  	[tilespmem:s17], [sflag:$0x1] =	stream.indirect.gather [hbm4b:s5+s16], $0x80, s2, s16, $0xb8;
	[tilespmem:$0x1E800] =	vst v63  }
0xc6: {  	_ =	swait.ge [sflag:s20], $0x4000  }
0xc7: {  	[sflag:s20] =	ssyncset.done $0x0  }
0xc8: {  	s31 =	simm.s32 $0x1580;
	[sflag:s20] =	ssyncadd.s32 $0xFFFFC000  }
0xc9: {  	[spmem:s3] =	stream.indirect.scatter.add.f32 [tilespmem:s18], [sflag:$0x3], $0x80, s31, s16, $0xb8;
	[tilespmem:$0x1E800] =	vst v63  }
0xca: {  	_ =	swait.ge [sflag:s14], $0x4000  }
0xcb: {  	s30 =	simm.s32 $0x200;
	s1 =	simm.s32 $0x1000;
	[sflag:s14] =	ssyncset.done $0x0  }
.LBB2_4:
0xcc: {  	s2 =	sadd.s32 $0x80, s30  }
0xcd: {  	[sflag:s14] =	ssyncadd.s32 $0xFFFFC000;
	s0 =	smov.u32 s1;
	s31 =	sadd.s32 $0x800, s1  }
0xce: {  	[tilespmem:s18], [sflag:$0x2] =	stream.indirect.gather [hbm4b:s5+s16], $0x80, s2, s16, $0xb8;
	[tilespmem:$0x1E800] =	vst v63  }
0xcf: {  	p0 =	sne.s32 s1, $0x4000;
	_ =	swait.ge [sflag:s19], $0x4000  }
0xd0: {  	[sflag:s19] =	ssyncset.done $0x0  }
0xd1: {  	s1 =	sadd.s32 $0x1400, s30;
	[sflag:s19] =	ssyncadd.s32 $0xFFFFC000  }
0xd2: {  	[spmem:s3] =	stream.indirect.scatter.add.f32 [tilespmem:s17], [sflag:$0x3], $0x80, s1, s16, $0xb8;
	[tilespmem:$0x1E800] =	vst v63  }
0xd3: {  	_ =	swait.ge [sflag:s14], $0x4000  }
0xd4: {  	[sflag:s14] =	ssyncset.done $0x0  }
0xd5: {  	s1 =	sadd.s32 $0x100, s30;
	[sflag:s14] =	ssyncadd.s32 $0xFFFFC000  }
0xd6: {  	[tilespmem:s17], [sflag:$0x1] =	stream.indirect.gather [hbm4b:s5+s16], $0x80, s1, s16, $0xb8;
	[tilespmem:$0x1E800] =	vst v63  }
0xd7: {  	_ =	swait.ge [sflag:s20], $0x4000  }
0xd8: {  	[sflag:s20] =	ssyncset.done $0x0  }
0xd9: {  	s1 =	sadd.s32 $0x1480, s30;
	[sflag:s20] =	ssyncadd.s32 $0xFFFFC000  }
0xda: {  	[spmem:s3] =	stream.indirect.scatter.add.f32 [tilespmem:s18], [sflag:$0x3], $0x80, s1, s16, $0xb8;
	[tilespmem:$0x1E800] =	vst v63  }
0xdb: {  	_ =	swait.ge [sflag:s14], $0x4000  }
0xdc: {  	[sflag:s14] =	ssyncset.done $0x0  }
0xdd: {  	s1 =	sadd.s32 $0x180, s30;
	[sflag:s14] =	ssyncadd.s32 $0xFFFFC000  }
0xde: {  	[tilespmem:s18], [sflag:$0x2] =	stream.indirect.gather [hbm4b:s5+s16], $0x80, s1, s16, $0xb8;
	[tilespmem:$0x1E800] =	vst v63  }
0xdf: {  	_ =	swait.ge [sflag:s19], $0x4000  }
0xe0: {  	[sflag:s19] =	ssyncset.done $0x0  }
0xe1: {  	s1 =	sadd.s32 $0x1500, s30;
	[sflag:s19] =	ssyncadd.s32 $0xFFFFC000  }
0xe2: {  	[spmem:s3] =	stream.indirect.scatter.add.f32 [tilespmem:s17], [sflag:$0x3], $0x80, s1, s16, $0xb8;
	[tilespmem:$0x1E800] =	vst v63  }
0xe3: {  	_ =	swait.ge [sflag:s14], $0x4000  }
0xe4: {  	[sflag:s14] =	ssyncset.done $0x0  }
0xe5: {  	s1 =	sadd.s32 $0x200, s30;
	[sflag:s14] =	ssyncadd.s32 $0xFFFFC000  }
0xe6: {  	[tilespmem:s17], [sflag:$0x1] =	stream.indirect.gather [hbm4b:s5+s16], $0x80, s1, s16, $0xb8;
	[tilespmem:$0x1E800] =	vst v63  }
0xe7: {  	_ =	swait.ge [sflag:s20], $0x4000  }
.Ltmp1:
0xe8: {  	[sflag:s20] =	ssyncset.done $0x0;
	(pc) =	sbr.rel @p0 .LBB2_4-.Ltmp1, $4  }
0xe9: {  	s1 =	sadd.s32 $0x1580, s30;
	[sflag:s20] =	ssyncadd.s32 $0xFFFFC000  }
0xea: {  	[spmem:s3] =	stream.indirect.scatter.add.f32 [tilespmem:s18], [sflag:$0x3], $0x80, s1, s16, $0xb8;
	[tilespmem:$0x1E800] =	vst v63  }
0xeb: {  	_ =	swait.ge [sflag:s14], $0x4000  }
0xec: {  	s30 =	sshra.s32 s0, $0x2;
	s1 =	smov.u32 s31;
	[sflag:s14] =	ssyncset.done $0x0  }
0xed: {  	s0 =	sadd.s32 $0x80, s30;
	[sflag:s14] =	ssyncadd.s32 $0xFFFFC000  }
0xee: {  	[tilespmem:s18], [sflag:$0x2] =	stream.indirect.gather [hbm4b:s5+s16], $0x80, s0, s16, $0xb8;
	[tilespmem:$0x1E800] =	vst v63  }
0xef: {  	_ =	swait.ge [sflag:s19], $0x4000  }
0xf0: {  	[sflag:s19] =	ssyncset.done $0x0  }
0xf1: {  	s31 =	sadd.s32 $0x1400, s30;
	[sflag:s19] =	ssyncadd.s32 $0xFFFFC000  }
0xf2: {  	[spmem:s3] =	stream.indirect.scatter.add.f32 [tilespmem:s17], [sflag:$0x3], $0x80, s31, s16, $0xb8;
	[tilespmem:$0x1E800] =	vst v63  }
0xf3: {  	_ =	swait.ge [sflag:s14], $0x4000  }
0xf4: {  	[sflag:s14] =	ssyncset.done $0x0  }
0xf5: {  	s1 =	sadd.s32 $0x100, s30;
	[sflag:s14] =	ssyncadd.s32 $0xFFFFC000  }
0xf6: {  	[tilespmem:s17], [sflag:$0x1] =	stream.indirect.gather [hbm4b:s5+s16], $0x80, s1, s16, $0xb8;
	[tilespmem:$0x1E800] =	vst v63  }
0xf7: {  	_ =	swait.ge [sflag:s20], $0x4000  }
0xf8: {  	[sflag:s20] =	ssyncset.done $0x0  }
0xf9: {  	s2 =	sadd.s32 $0x1480, s30;
	[sflag:s20] =	ssyncadd.s32 $0xFFFFC000  }
0xfa: {  	[spmem:s3] =	stream.indirect.scatter.add.f32 [tilespmem:s18], [sflag:$0x3], $0x80, s2, s16, $0xb8;
	[tilespmem:$0x1E800] =	vst v63  }
0xfb: {  	_ =	swait.ge [sflag:s14], $0x4000  }
0xfc: {  	[sflag:s14] =	ssyncset.done $0x0  }
0xfd: {  	s31 =	sadd.s32 $0x180, s30;
	[sflag:s14] =	ssyncadd.s32 $0xFFFFC000  }
0xfe: {  	[tilespmem:s18], [sflag:$0x2] =	stream.indirect.gather [hbm4b:s5+s16], $0x80, s31, s16, $0xb8;
	[tilespmem:$0x1E800] =	vst v63  }
0xff: {  	_ =	swait.ge [sflag:s19], $0x4000  }
0x100: {  	[sflag:s19] =	ssyncset.done $0x0  }
0x101: {  	s1 =	sadd.s32 $0x1500, s30;
	[sflag:s19] =	ssyncadd.s32 $0xFFFFC000  }
0x102: {  	[spmem:s3] =	stream.indirect.scatter.add.f32 [tilespmem:s17], [sflag:$0x3], $0x80, s1, s16, $0xb8;
	[tilespmem:$0x1E800] =	vst v63  }
0x103: {  	_ =	swait.ge [sflag:s14], $0x4000  }
0x104: {  	[sflag:s14] =	ssyncset.done $0x0  }
0x105: {  	s2 =	sadd.s32 $0x200, s30;
	[sflag:s14] =	ssyncadd.s32 $0xFFFFC000  }
0x106: {  	[tilespmem:s17], [sflag:$0x1] =	stream.indirect.gather [hbm4b:s5+s16], $0x80, s2, s16, $0xb8;
	[tilespmem:$0x1E800] =	vst v63  }
0x107: {  	_ =	swait.ge [sflag:s20], $0x4000  }
0x108: {  	[sflag:s20] =	ssyncset.done $0x0  }
0x109: {  	s31 =	sadd.s32 $0x1580, s30;
	[sflag:s20] =	ssyncadd.s32 $0xFFFFC000  }
0x10a: {  	[spmem:s3] =	stream.indirect.scatter.add.f32 [tilespmem:s18], [sflag:$0x3], $0x80, s31, s16, $0xb8;
	[tilespmem:$0x1E800] =	vst v63  }
0x10b: {  	_ =	swait.ge [sflag:s14], $0x4000  }
0x10c: {  	[sflag:s14] =	ssyncset.done $0x0  }
0x10d: {  	[sflag:s14] =	ssyncadd.s32 $0xFFFFC000  }
0x10e: {  	[tilespmem:s18], [sflag:$0x2] =	stream.indirect.gather [hbm4b:s5+s16], $0x80, s21, s16, $0xb8;
	[tilespmem:$0x1E800] =	vst v63  }
0x10f: {  	_ =	swait.ge [sflag:s19], $0x4000  }
0x110: {  	[sflag:s19] =	ssyncset.done $0x0  }
0x111: {  	[sflag:s19] =	ssyncadd.s32 $0xFFFFC000  }
0x112: {  	[spmem:s3] =	stream.indirect.scatter.add.f32 [tilespmem:s17], [sflag:$0x3], $0x80, s22, s16, $0xb8;
	[tilespmem:$0x1E800] =	vst v63  }
0x113: {  	_ =	swait.ge [sflag:s14], $0x4000  }
0x114: {  	[sflag:s14] =	ssyncset.done $0x0  }
0x115: {  	[sflag:s14] =	ssyncadd.s32 $0xFFFFC000  }
0x116: {  	[tilespmem:s17], [sflag:$0x1] =	stream.indirect.gather [hbm4b:s5+s16], $0x80, s23, s16, $0xb8;
	[tilespmem:$0x1E800] =	vst v63  }
0x117: {  	_ =	swait.ge [sflag:s20], $0x4000  }
0x118: {  	[sflag:s20] =	ssyncset.done $0x0  }
0x119: {  	[sflag:s20] =	ssyncadd.s32 $0xFFFFC000  }
0x11a: {  	[spmem:s3] =	stream.indirect.scatter.add.f32 [tilespmem:s18], [sflag:$0x3], $0x80, s24, s16, $0xb8;
	[tilespmem:$0x1E800] =	vst v63  }
0x11b: {  	_ =	swait.ge [sflag:s14], $0x4000  }
0x11c: {  	[sflag:s14] =	ssyncset.done $0x0  }
0x11d: {  	[sflag:s14] =	ssyncadd.s32 $0xFFFFC000  }
0x11e: {  	[tilespmem:s18], [sflag:$0x2] =	stream.indirect.gather [hbm4b:s5+s16], $0x80, s25, s16, $0xb8;
	[tilespmem:$0x1E800] =	vst v63  }
0x11f: {  	_ =	swait.ge [sflag:s19], $0x4000  }
0x120: {  	[sflag:s19] =	ssyncset.done $0x0  }
0x121: {  	[sflag:s19] =	ssyncadd.s32 $0xFFFFC000  }
0x122: {  	[spmem:s3] =	stream.indirect.scatter.add.f32 [tilespmem:s17], [sflag:$0x3], $0x80, s26, s16, $0xb8;
	[tilespmem:$0x1E800] =	vst v63  }
0x123: {  	_ =	swait.ge [sflag:s14], $0x4000  }
0x124: {  	[sflag:s14] =	ssyncset.done $0x0  }
0x125: {  	[sflag:s14] =	ssyncadd.s32 $0xFFFFC000  }
0x126: {  	_ =	swait.ge [sflag:s20], $0x4000  }
0x127: {  	[sflag:s20] =	ssyncset.done $0x0  }
0x128: {  	[sflag:s20] =	ssyncadd.s32 $0xFFFFC000  }
0x129: {  	[spmem:s3] =	stream.indirect.scatter.add.f32 [tilespmem:s18], [sflag:$0x3], $0x80, s28, s16, $0xb8;
	[tilespmem:$0x1E800] =	vst v63  }
0x12a: {  	_ =	swait.ge [sflag:s14], $0x4000  }
0x12b: {  	s29 =	sadd.s32 $0x1, s29;
	[sflag:s14] =	ssyncset.done $0x0  }
0x12c: {  	p0 =	sne.s32 s29, s12;
	[sflag:s14] =	ssyncadd.s32 $0xFFFFC000  }
.Ltmp2:
0x12d: {  	[bflag:$0x0] =	sbarrier.arrive $0xFFFF;
	(pc) =	sbr.rel @p0 .LBB2_1-.Ltmp2, $4  }
0x12e: {  	[hbm:s11], [sflag:s6] =	dma.local [spmem:s13], $0x2800  }
0x12f: {  	_ =	swait.ge [sflag:s14], $0x2800  }
0x130: {  	[sflag:s14] =	ssyncset.done $0x0  }
0x131: {  	[sflag:s14] =	ssyncadd.s32 $0xFFFFD800  }
0x132: {  	_ =	sfence.sel $0x180000  }
0x133: {  	[bflag:$0x0] =	sbarrier.arrive $0xFFFF  }
0x134: {  	_ =	strace $0x9000004D  }
0x135: {  	s0 =	stileid.u32;
	[bflag:$0x2] =	sbarrier.arrive $0xFFFF  }
0x136: {  	p0 =	sne.s32 s0, $0x0;
	s0 =	rddreg [dreg:$0x3]  }
0x137: {  	s0 =	sadd.s32 @!p0 $0x100000, s0  }
0x138: {  	[sflag:s0] =	ssyncadd.tile.s32 @!p0 $0x1;
	_ =	shalt  }
.Lfunc_end2:
_tile_overlayer_lowered:
.L_overlay_start_2:
0x139: {  	(tag) =	ssettag $0x2  }
0x13a: {  	s0 =	rddreg [dreg:$0x0];
	s2 =	stileid.u32  }
0x13b: {  	s1 =	rddreg [dreg:$0x1];
	p0 =	sne.s32 s2, $0x0  }
0x13c: {  	s3 =	rddreg [dreg:$0x2];
	[bflag:$0x3] =	sbarrier.arrive $0xFFFF;
	s2 =	simm.s32 @!p0 $0x1C03  }
0x13d: {  	[timem:s3], [sflag:s2] =	dma.local @!p0 [hbm:s0], s1  }
0x13e: {  	s0 =	simm.s32 @!p0 $0x3  }
0x13f: {  	_ =	swait.ge @!p0 [sflag:s0], s1  }
0x140: {  	s1 =	ssub.s32 @!p0 $0x0, s1;
	[sflag:s0] =	ssyncset.done @!p0 $0x0  }
0x141: {  	[sflag:s0] =	ssyncadd.s32 @!p0 s1  }
0x142: {  	[bflag:$0x3] =	sbarrier.arrive $0xFFFF  }
0x143: {  	_ =	shalt  }

// kernel: kernel.8.cloned.1.call-start
scs
__scs_entry_jumppad:
0x0: {  	(pc) =	sbr.rel $0x88, $3  }
0x1: {  	(tag) =	ssettag $0x0;
	lr =	simm.s32 $0x1  }
0x2: {  	[smem:$0x3F9B] =	sst lr;
	_ =	strace $0xD0000000  }
0x3: {  	_ = 	snop  }
0x4: {  	_ = 	snop  }
0x5: {  	_ = 	snop  }
0x6: {  	_ = 	snop  }
0x7: {  	_ = 	snop  }
__scs_overlays_trampoline_lowered:
0x8: {  	[smem:$0x3FAA] =	sst s0  }
0x9: {  	[smem:$0x3FAB] =	sst s1  }
0xa: {  	[smem:$0x3FAC] =	sst s2  }
0xb: {  	[smem:$0x3FAD] =	sst s3  }
0xc: {  	[smem:$0x3FAE] =	sst s4  }
0xd: {  	[smem:$0x3FAF] =	sst s5  }
0xe: {  	[smem:$0x3FB0] =	sst s6  }
0xf: {  	[smem:$0x3FB1] =	sst s7  }
0x10: {  	[smem:$0x3FB2] =	sst s8  }
0x11: {  	[smem:$0x3FB3] =	sst s9;
	s0 =	simm.s32 @!p0 $0x0  }
0x12: {  	s1 =	sld [smem:$0x3F99];
	s0 =	simm.s32 @p0 $0x1  }
0x13: {  	[smem:$0x3FB4] =	sst s0;
	s0 =	simm.s32 @!p1 $0x0  }
0x14: {  	s2 =	sld [smem:$0x3F98];
	s0 =	simm.s32 @p1 $0x1  }
0x15: {  	[smem:$0x3FB5] =	sst s0;
	s0 =	simm.s32 @!p2 $0x0  }
0x16: {  	s3 =	sld [smem:$0x3FDB];
	s0 =	simm.s32 @p2 $0x1  }
0x17: {  	s4 =	simm.s32 $0x1BF5;
	[smem:$0x3FB7] =	sst s0  }
0x18: {  	s0 =	sld [smem:$0x3F9A];
	_ =	swait.ge [sflag:s4], $0x0  }
0x19: {  	s7 =	sld [smem:$0x3F9B]  }
0x1a: {  	s8 =	sadd.s32 $0xFFFFE003, lr  }
0x1b: {  	s9 =	sadd.s32 $0xFFFFFEF7, lr;
	s5 =	simm.s32 $0xFFFFFFFF;
	p2 =	slt.u32 s8, $0xFFFFF086  }
0x1c: {  	p1 =	slt.u32 s9, $0xF7A;
	s5 =	simm.s32 @!p2 $0x0  }
0x1d: {  	s5 =	simm.s32 @p1 $0x1;
	p0 =	seq.s32 s7, s2  }
0x1e: {  	s7 =	smul.u32 @!p0 $0xF7A, s2;
	p2 =	seq.s32 @!p0 s5, $0x0  }
0x1f: {  	s9 =	smul.u32 $0xF7A, s1;
	s8 =	simm.s32 @!p0 $0x1BF5;
	p2 =	por !p2, p0  }
0x20: {  	[sflag:s8] =	ssyncset.s32 @!p0 $0xFFFFF086;
	s6 =	sadd.s32 @!p0 s3, s7;
	s7 =	simm.s32 @!p0 $0x108  }
0x21: {  	s3 =	sadd.s32 s3, s9;
	s6 =	sadd.s32 @!p0 $0x88, s6;
	s7 =	simm.s32 @p2 $0x1082  }
0x22: {  	[simem:s7], [sflag:s8] =	dma.local @!p0 [hbm:s6], $0xF7A  }
0x23: {  	s9 =	sor.u32 $0xD0000000, s2;
	s6 =	simm.s32 $0x108;
	_ =	swait.ge @!p0 [sflag:s8], $0x0  }
0x24: {  	s3 =	sadd.s32 $0x88, s3;
	s6 =	simm.s32 @!p1 $0x1082;
	[sflag:s4] =	ssyncset.s32 $0xFFFFF086  }
0x25: {  	[simem:s6], [sflag:s4] =	dma.local [hbm:s3], $0xF7A  }
0x26: {  	[smem:$0x3F9B] =	sst s1;
	(tag) =	ssettag s2;
	_ =	strace s9  }
0x27: {  	s1 =	sld [smem:$0x3FAB]  }
0x28: {  	s2 =	sld [smem:$0x3FAC]  }
0x29: {  	s4 =	sld [smem:$0x3FAE]  }
0x2a: {  	p0 =	seq.s32 s5, $0x0;
	s5 =	sld [smem:$0x3FAF]  }
0x2b: {  	s6 =	sld [smem:$0x3FB0]  }
0x2c: {  	s7 =	sld [smem:$0x3FB1]  }
0x2d: {  	s3 =	simm.s32 $0x108;
	s8 =	sld [smem:$0x3FB2]  }
0x2e: {  	s3 =	simm.s32 @!p0 $0x1082;
	s9 =	sld [smem:$0x3FB3]  }
0x2f: {  	lr =	sadd.s32 s0, s3;
	s0 =	sld [smem:$0x3FAA]  }
0x30: {  	s3 =	sld [smem:$0x3FAD]  }
0x31: {  	[smem:$0x3FB6] =	sst s10  }
0x32: {  	s10 =	sld [smem:$0x3FB4];
	_ =	sdelay $0x3  }
0x33: {  	p0 =	seq.s32 s10, $0x1;
	s10 =	sld [smem:$0x3FB6];
	_ =	sdelay $0x3  }
0x34: {  	[smem:$0x3FB6] =	sst s10  }
0x35: {  	s10 =	sld [smem:$0x3FB5];
	_ =	sdelay $0x3  }
0x36: {  	p1 =	seq.s32 s10, $0x1;
	s10 =	sld [smem:$0x3FB6];
	_ =	sdelay $0x3  }
0x37: {  	[smem:$0x3FB6] =	sst s10  }
0x38: {  	s10 =	sld [smem:$0x3FB7]  }
0x39: {  	_ = 	snop;
	(pc) =	sbr.ind lr, $3  }
0x3a: {  	_ = 	snop  }
0x3b: {  	_ = 	snop  }
0x3c: {  	p2 =	seq.s32 s10, $0x1;
	s10 =	sld [smem:$0x3FB6]  }
0x3d: {  	_ =	shalt  }
0x3e: {  	_ =	shalt  }
0x3f: {  	_ =	shalt  }
0x40: {  	_ =	shalt  }
0x41: {  	_ =	shalt  }
0x42: {  	_ =	shalt  }
0x43: {  	_ =	shalt  }
0x44: {  	_ =	shalt  }
0x45: {  	_ =	shalt  }
0x46: {  	_ =	shalt  }
0x47: {  	_ =	shalt  }
0x48: {  	_ =	shalt  }
0x49: {  	_ =	shalt  }
0x4a: {  	_ =	shalt  }
0x4b: {  	_ =	shalt  }
0x4c: {  	_ =	shalt  }
0x4d: {  	_ =	shalt  }
0x4e: {  	_ =	shalt  }
0x4f: {  	_ =	shalt  }
0x50: {  	_ =	shalt  }
0x51: {  	_ =	shalt  }
0x52: {  	_ =	shalt  }
0x53: {  	_ =	shalt  }
0x54: {  	_ =	shalt  }
0x55: {  	_ =	shalt  }
0x56: {  	_ =	shalt  }
0x57: {  	_ =	shalt  }
0x58: {  	_ =	shalt  }
0x59: {  	_ =	shalt  }
0x5a: {  	_ =	shalt  }
0x5b: {  	_ =	shalt  }
0x5c: {  	_ =	shalt  }
0x5d: {  	_ =	shalt  }
0x5e: {  	_ =	shalt  }
0x5f: {  	_ =	shalt  }
0x60: {  	_ =	shalt  }
0x61: {  	_ =	shalt  }
0x62: {  	_ =	shalt  }
0x63: {  	_ =	shalt  }
0x64: {  	_ =	shalt  }
0x65: {  	_ =	shalt  }
0x66: {  	_ =	shalt  }
0x67: {  	_ =	shalt  }
0x68: {  	_ =	shalt  }
0x69: {  	_ =	shalt  }
0x6a: {  	_ =	shalt  }
0x6b: {  	_ =	shalt  }
0x6c: {  	_ =	shalt  }
0x6d: {  	_ =	shalt  }
0x6e: {  	_ =	shalt  }
0x6f: {  	_ =	shalt  }
0x70: {  	_ =	shalt  }
0x71: {  	_ =	shalt  }
0x72: {  	_ =	shalt  }
0x73: {  	_ =	shalt  }
0x74: {  	_ =	shalt  }
0x75: {  	_ =	shalt  }
0x76: {  	_ =	shalt  }
0x77: {  	_ =	shalt  }
0x78: {  	_ =	shalt  }
0x79: {  	_ =	shalt  }
0x7a: {  	_ =	shalt  }
0x7b: {  	_ =	shalt  }
0x7c: {  	_ =	shalt  }
0x7d: {  	_ =	shalt  }
0x7e: {  	_ =	shalt  }
0x7f: {  	_ =	shalt  }
0x80: {  	_ =	shalt  }
0x81: {  	_ =	shalt  }
0x82: {  	_ =	shalt  }
0x83: {  	_ =	shalt  }
0x84: {  	_ =	shalt  }
0x85: {  	_ =	shalt  }
0x86: {  	_ =	shalt  }
0x87: {  	_ =	shalt  }
.Lfunc_end0:
.L_simem_size_0:
called_computation_lowered:
.L_overlay_start_0:
0x88: {  	s2 =	sld [smem:$0x3FD9]  }
0x89: {  	s3 =	sld [smem:$0x3FFE];
	_ =	sdelay $0x1  }
0x8a: {  	s1 =	srdreg.scid  }
0x8b: {  	s0 =	sand.u32 $0x1, s1  }
0x8c: {  	s17 =	sshll.u32 s0, $0xA;
	s2 =	sadd.s32 s3, s2  }
0x8d: {  	s2 =	sadd.s32 s2, s17  }
0x8e: {  	[smem:$0x3FC2] =	sst s2  }
0x8f: {  	_ = 	snop  }
0x90: {  	s2 =	sld [smem:$0x3FD0];
	(tm) =	ssettm $0x1  }
0x91: {  	s18 =	sld [smem:$0x3FFB];
	_ =	sdelay $0x3  }
0x92: {  	_ =	strace s18  }
0x93: {  	s3 =	sld [smem:$0x3FFC];
	_ =	sdelay $0x3  }
0x94: {  	_ =	strace s3  }
0x95: {  	s3 =	sld [smem:$0x3FFD];
	_ =	sdelay $0x3  }
0x96: {  	_ =	strace s3  }
0x97: {  	_ =	strace $0x8FFFFFFF  }
0x98: {  	s19 =	sld [smem:$0x3FDB];
	_ =	sdelay $0x1  }
0x99: {  	s4 =	simm.s32 $_scs_section_size  }
0x9a: {  	s5 =	simm.s32 $_size__tile_overlayer_lowered;
	s6 =	simm.s32 $_tile_overlayer_lowered  }
0x9b: {  	s22 =	simm.s32 $0x1BFF;
	s21 =	sshll.u32 s6, $0x1;
	s3 =	sadd.s32 s4, s19  }
0x9c: {  	s7 =	simm.s32 $0x0;
	s20 =	sshll.u32 s5, $0x1;
	s5 =	sadd.s32 s21, s3  }
0x9d: {  	[timem:s7], [sflag:s22] =	dma.local [hbm:s5], s20  }
0x9e: {  	_ =	swait.ge [sflag:s22], s20  }
0x9f: {  	s4 =	ssub.s32 $0x0, s20;
	[sflag:s22] =	ssyncset.done $0x0  }
0xa0: {  	[sflag:s22] =	ssyncadd.s32 s4;
	_ =	sdelay $0x1  }
0xa1: {  	s23 =	simm.s32 $0x1B8B  }
0xa2: {  	_ =	swait.ge [sflag:s23], $0x1  }
0xa3: {  	[sflag:s23] =	ssyncset.done $0x0  }
0xa4: {  	s25 =	simm.s32 $0x1B8E;
	s24 =	sld [smem:$0x3FFE];
	[sflag:s23] =	ssyncadd.s32 $0xFFFFFFFF  }
0xa5: {  	s26 =	simm.s32 $execute0_lowered;
	[smem:$0x3FD2] =	sst s25  }
0xa6: {  	s5 =	sshll.u32 s26, $0x1;
	_ =	strace $0x80000046;
	[dreg:$0x1] =	wrdreg $0xFFFFFFFF  }
0xa7: {  	s28 =	simm.s32 $_size_execute0_lowered;
	s3 =	sadd.s32 s3, s5;
	[dreg:$0x0] =	wrdreg $0x0  }
0xa8: {  	s5 =	sshll.u32 s28, $0x1;
	[dreg:$0x2] =	wrdreg s3  }
0xa9: {  	[dreg:$0x3] =	wrdreg s5  }
0xaa: {  	[dreg:$0x4] =	wrdreg $0xC0  }
0xab: {  	_ =	task [dreg:s7], $0x5FFFF  }
0xac: {  	[dreg:$0x1] =	wrdreg $0xFFFFFFFF  }
0xad: {  	[dreg:$0x0] =	wrdreg $0x60  }
0xae: {  	[dreg:$0x2] =	wrdreg s2  }
0xaf: {  	[dreg:$0x3] =	wrdreg s24  }
0xb0: {  	[dreg:$0x4] =	wrdreg $0x77800  }
0xb1: {  	[dreg:$0x5] =	wrdreg $0x9  }
0xb2: {  	_ =	task.clear_ibuf [dreg:s7], $0x6FFFF;
	_ =	strace $0x90000046  }
0xb3: {  	s29 =	simm.s32 $0x9;
	_ =	strace $0x80000048  }
0xb4: {  	_ =	swait.ge [sflag:s29], $0x1  }
0xb5: {  	[sflag:s29] =	ssyncadd.s32 $0xFFFFFFFF  }
0xb6: {  	_ =	strace $0x90000048  }
0xb7: {  	_ =	sfence  }
0xb8: {  	s30 =	sld [smem:$0x0];
	_ =	sdelay $0x2  }
0xb9: {  	s31 =	sshll.u32 s1, $0xD;
	s1 =	sshrl.u32 s1, $0x2  }
0xba: {  	s3 =	sand.u32 $0x4000, s31;
	s1 =	sadd.s32 s1, s30  }
0xbb: {  	s0 =	sor.u32 s3, s0;
	s1 =	sshll.u32 s1, $0x11  }
0xbc: {  	s0 =	sor.u32 s1, s0  }
0xbd: {  	s0 =	sadd.s32 $0x8F2B, s0  }
0xbe: {  	[sflag:s0] =	ssyncadd.remote.s32 $0x1  }
0xbf: {  	_ =	sfence.sel $0xFFFF  }
0xc0: {  	[dreg:$0x0] =	wrdreg $0xFFFFFFFF;
	(pc) =	sbr.abs _section_cstart, $3  }
0xc1: {  	[dreg:$0x1] =	wrdreg $0xFFFFFFFF  }
0xc2: {  	_ =	task.clear_ibuf [dreg:s7], $0x2FFFF;
	_ =	strace $0x9FFFFFFF  }
0xc3: {  	(tm) =	ssettm $0x7FFFFFFF  }
tec
execute0_lowered:
.L_overlay_start_1:
0x0: {  	(tag) =	ssettag $0x1  }
0x1: {  	s0 =	rddreg [dreg:$0x0]  }
0x2: {  	s1 =	rddreg [dreg:$0x1]  }
0x3: {  	s3 =	srdreg.scid;
	s9 =	stileid.u32  }
0x4: {  	s3 =	sand.u32 $0x1, s3;
	s6 =	sshll.u32 s9, $0x1;
	s8 =	smul.u32 $0x5000, s9  }
0x5: {  	s10 =	smul.u32 $0x2800, s3;
	s6 =	sor.u32 s3, s6;
	s3 =	ssub.s32 $0x2, s3  }
0x6: {  	s2 =	rddreg [dreg:$0x2];
	s7 =	sshrl.u32 s3, $0x1;
	s16 =	sshrl.u32 s8, $0x2  }
0x7: {  	s5 =	simm.s32 $0x0;
	s13 =	ssub.s32 s3, s7;
	s3 =	sadd.s32 s16, s2  }
0x8: {  	[smem:$0x7FF] =	sst s5;
	s19 =	sadd.s32 $0x80, s3  }
0x9: {  	_ =	strace $0x80000047;
	s20 =	sadd.s32 $0x100, s3;
	[dreg:$0x6] =	wrdreg s19  }
0xa: {  	s21 =	sadd.s32 $0x180, s3;
	[dreg:$0x7] =	wrdreg s20  }
0xb: {  	s22 =	sadd.s32 $0x200, s3;
	[dreg:$0x8] =	wrdreg s21  }
0xc: {  	s23 =	sadd.s32 $0x280, s3;
	[dreg:$0x9] =	wrdreg s22  }
0xd: {  	s12 =	sshrl.u32 s9, $0x3;
	s24 =	sadd.s32 $0x300, s3;
	[dreg:$0xa] =	wrdreg s23  }
0xe: {  	s11 =	smul.u32 $0x2710, s6;
	s25 =	sadd.s32 $0x380, s3;
	[dreg:$0xb] =	wrdreg s24  }
0xf: {  	s6 =	smul.u32 $0x50000, s12;
	s26 =	sadd.s32 $0x14000, s3;
	[dreg:$0xc] =	wrdreg s25  }
0x10: {  	s31 =	sadd.s32 $0x14080, s3;
	[dreg:$0xd] =	wrdreg s26  }
0x11: {  	s15 =	sshrl.u32 s6, $0x2;
	s6 =	sadd.s32 $0x14200, s3;
	[dreg:$0xe] =	wrdreg s31  }
0x12: {  	s7 =	sadd.s32 $0x14280, s3;
	[dreg:$0x11] =	wrdreg s6  }
0x13: {  	s4 =	smul.u32 $0x280, s9;
	s8 =	sadd.s32 $0x14300, s3;
	[dreg:$0x12] =	wrdreg s7  }
0x14: {  	s14 =	sshll.u32 s9, $0x7;
	s9 =	sadd.s32 $0x14380, s3;
	[dreg:$0x13] =	wrdreg s8  }
0x15: {  	s5 =	sshrl.u32 s11, $0x3;
	s11 =	smax.u32 s13, $0x1;
	[dreg:$0x14] =	wrdreg s9  }
0x16: {  	s12 =	sadd.s32 $0x400, s3;
	[dreg:$0x16] =	wrdreg s11  }
0x17: {  	s13 =	sadd.s32 $0x800, s3;
	[dreg:$0x17] =	wrdreg s12  }
0x18: {  	s17 =	sand.u32 $0x380, s14;
	s14 =	sadd.s32 $0xC00, s3;
	[dreg:$0x18] =	wrdreg s13  }
0x19: {  	s16 =	sadd.s32 $0x480, s3;
	s0 =	sadd.s32 s0, s5;
	[dreg:$0x19] =	wrdreg s14  }
0x1a: {  	s5 =	sadd.s32 s15, s2;
	s2 =	sadd.s32 $0x14100, s3;
	[dreg:$0x1b] =	wrdreg s16  }
0x1b: {  	s15 =	sadd.s32 $0x1000, s3;
	[dreg:$0xf] =	wrdreg s2  }
0x1c: {  	s19 =	sadd.s32 $0x1080, s3;
	[dreg:$0x1a] =	wrdreg s15  }
0x1d: {  	s20 =	sadd.s32 $0x500, s3;
	[dreg:$0x1e] =	wrdreg s19  }
0x1e: {  	s21 =	sadd.s32 $0x900, s3;
	[dreg:$0x1f] =	wrdreg s20  }
0x1f: {  	s22 =	sadd.s32 $0xD00, s3;
	[smem:$0x7DD] =	sst s21  }
0x20: {  	s23 =	sadd.s32 $0x1100, s3;
	[smem:$0x7DE] =	sst s22  }
0x21: {  	s24 =	sadd.s32 $0x580, s3;
	[smem:$0x7DF] =	sst s23  }
0x22: {  	s25 =	sadd.s32 $0x980, s3;
	[smem:$0x7E0] =	sst s24  }
0x23: {  	s4 =	sadd.s32 s4, s10;
	s26 =	sadd.s32 $0xD80, s3;
	[smem:$0x7E1] =	sst s25  }
0x24: {  	s4 =	sshrl.u32 s4, $0x3;
	s31 =	sadd.s32 $0x1180, s3;
	[smem:$0x7E2] =	sst s26  }
0x25: {  	s1 =	sadd.s32 s4, s1;
	s4 =	sadd.s32 $0xE00, s3;
	[smem:$0x7E3] =	sst s31  }
0x26: {  	s6 =	sadd.s32 $0x680, s3;
	[smem:$0x7E6] =	sst s4  }
0x27: {  	s7 =	sadd.s32 $0xA80, s3;
	[smem:$0x7E8] =	sst s6  }
0x28: {  	s8 =	sadd.s32 $0xE80, s3;
	[smem:$0x7E9] =	sst s7  }
0x29: {  	s9 =	sadd.s32 $0x1280, s3;
	[smem:$0x7EA] =	sst s8  }
0x2a: {  	s11 =	sadd.s32 $0xB00, s3;
	[smem:$0x7EB] =	sst s9  }
0x2b: {  	s12 =	sadd.s32 $0xF00, s3;
	[smem:$0x7ED] =	sst s11  }
0x2c: {  	s13 =	sadd.s32 $0x1300, s3;
	[smem:$0x7EE] =	sst s12  }
0x2d: {  	s14 =	sadd.s32 $0x780, s3;
	[smem:$0x7EF] =	sst s13  }
0x2e: {  	s16 =	sadd.s32 $0xF80, s3;
	[smem:$0x7F0] =	sst s14  }
0x2f: {  	s0 =	sadd.s32 $0x9C40, s0;
	[smem:$0x7F2] =	sst s16  }
0x30: {  	s18 =	sadd.s32 s17, s5;
	[dreg:$0x4] =	wrdreg s0  }
0x31: {  	s28 =	simm.s32 $0x1;
	s5 =	sadd.s32 $0x14180, s3;
	[dreg:$0x5] =	wrdreg s18  }
0x32: {  	s29 =	simm.s32 $0x2780;
	s10 =	sadd.s32 $0x2C00, s1;
	[dreg:$0x10] =	wrdreg s5  }
0x33: {  	s30 =	simm.s32 $0x0;
	s17 =	sadd.s32 $0x880, s3;
	[dreg:$0x15] =	wrdreg s10  }
0x34: {  	s1 =	sadd.s32 $0x600, s3;
	s2 =	sadd.s32 $0xA00, s3;
	[dreg:$0x1c] =	wrdreg s17  }
0x35: {  	s15 =	sadd.s32 $0xB80, s3;
	s19 =	sadd.s32 $0x14800, s3;
	[smem:$0x7E4] =	sst s1  }
0x36: {  	s20 =	sadd.s32 $0x14C00, s3;
	s21 =	sadd.s32 $0x15000, s3;
	[smem:$0x7E5] =	sst s2  }
0x37: {  	s22 =	sadd.s32 $0x14480, s3;
	s23 =	sadd.s32 $0x14880, s3;
	[smem:$0x7F1] =	sst s15  }
0x38: {  	s24 =	sadd.s32 $0x14C80, s3;
	s25 =	sadd.s32 $0x15080, s3;
	[smem:$0x7F5] =	sst s19  }
0x39: {  	s26 =	sadd.s32 $0x14500, s3;
	s31 =	sadd.s32 $0x14900, s3;
	[smem:$0x7F6] =	sst s20  }
0x3a: {  	s6 =	sadd.s32 $0x15100, s3;
	s7 =	sadd.s32 $0x14580, s3;
	[smem:$0x7F7] =	sst s21  }
0x3b: {  	s8 =	sadd.s32 $0x14980, s3;
	s9 =	sadd.s32 $0x14D80, s3;
	[smem:$0x7F8] =	sst s22  }
0x3c: {  	s11 =	sadd.s32 $0x14600, s3;
	s12 =	sadd.s32 $0x14A00, s3;
	[smem:$0x7F9] =	sst s23  }
0x3d: {  	s13 =	sadd.s32 $0x14E00, s3;
	s14 =	sadd.s32 $0x15200, s3;
	[smem:$0x7FA] =	sst s24  }
0x3e: {  	s16 =	sadd.s32 $0x14A80, s3;
	s18 =	sadd.s32 $0xC80, s3;
	[smem:$0x7FB] =	sst s25  }
0x3f: {  	s5 =	sadd.s32 $0x1200, s3;
	s10 =	sadd.s32 $0x700, s3;
	[smem:$0x7FC] =	sst s26  }
0x40: {  	s17 =	sadd.s32 $0x1380, s3;
	[smem:$0x7FD] =	sst s31;
	s15 =	sadd.s32 $0x14680, s3  }
0x41: {  	s19 =	sadd.s32 $0x14700, s3;
	s20 =	sadd.s32 $0x14B00, s3;
	[dreg:$0x1d] =	wrdreg s18  }
0x42: {  	s21 =	sadd.s32 $0x14F00, s3;
	s22 =	sadd.s32 $0x15300, s3;
	[smem:$0x7E7] =	sst s5  }
0x43: {  	s23 =	sadd.s32 $0x14780, s3;
	s24 =	sadd.s32 $0x14B80, s3;
	[smem:$0x7EC] =	sst s10  }
0x44: {  	s25 =	sadd.s32 $0x14F80, s3;
	s26 =	sadd.s32 $0x15380, s3;
	[smem:$0x7F3] =	sst s17  }
0x45: {  	s18 =	sadd.s32 $0x14400, s3;
	s5 =	sadd.s32 $0x14D00, s3;
	s10 =	sadd.s32 $0x15180, s3  }
0x46: {  	v0 =	vimm.f32 $0.0e+00;
	v1 =	vimm.f32 $1.000000000e+00;
	s17 =	sadd.s32 $0x14E80, s3;
	[smem:$0x7F4] =	sst s18;
	s18 =	sadd.s32 $0x15280, s3  }
.LBB2_1:
0x47: {  	s0 =	simm.s32 $0x40;
	s1 =	simm.s32 $0x0  }
.LBB2_2:
0x48: {  	p0 =	sne.s32 s0, $0x9FC0;
	[tilespmem:s1+$0x2780] =	vst v0;
	s1 =	smov.u32 s0;
	s0 =	sadd.s32 $0x40, s0  }
.Ltmp0:
0x49: {  	(pc) =	sbr.rel @p0 .LBB2_2-.Ltmp0, $2  }
0x4a: {  	_ =	sdelay $0x2  }
0x4b: {  	s1 =	sshra.s32 s1, $0x2  }
0x4c: {  	[tilespmem:s1+$0x2780] =	vst v0;
	s0 =	simm.s32 $0x0;
	s31 =	rddreg [dreg:$0x4]  }
0x4d: {  	[tilespmem:s0], [sflag:$0x1] =	stream.linear.gather [hbm4b:s31+s0], $0x2710, $0x38;
	[tilespmem:$0x9F80] =	vst v63  }
0x4e: {  	_ =	swait.ge [sflag:s28], $0x2710  }
0x4f: {  	[sflag:s28] =	ssyncset.done $0x0  }
0x50: {  	s1 =	simm.s32 $0x0;
	s0 =	simm.s32 $0x40;
	[sflag:s28] =	ssyncadd.s32 $0xFFFFD8F0  }
.LBB2_4:
0x51: {  	p0 =	sne.s32 s0, $0x9C00;
	v2 =	vld [tilespmem:s1+$0x0];
	_ =	sdelay $0x3  }
.Ltmp1:
0x52: {  	(pc) =	sbr.rel @p0 .LBB2_4-.Ltmp1, $2  }
0x53: {  	_ =	sdelay $0x2  }
0x54: {  	s1 =	sshra.s32 s0, $0x2;
	s0 =	sadd.s32 $0x40, s0;
	[tilespmem:v2+s29+$0x0] =	vst.idx.add.f32.msk $0xffff, v1  }
0x55: {  	v2 =	vld [tilespmem:s1+$0x0];
	_ =	sdelay $0x6  }
0x56: {  	s31 =	simm.s32 $0x2780  }
0x57: {  	s0 =	rddreg [dreg:$0x5];
	s4 =	simm.s32 $0x80;
	s2 =	simm.s32 $0x400;
	[tilespmem:v2+s29+$0x0] =	vst.idx.add.f32.msk $0xffff, v1  }
0x58: {  	[spmem:s0] =	stream.strided.scatter [tilespmem:s31], [sflag:$0x1], $0x2800, s2, s4, $0x38;
	[tilespmem:$0x9F80] =	vst v63  }
0x59: {  	_ =	swait.ge [sflag:s28], $0x2800  }
0x5a: {  	[sflag:s28] =	ssyncset.done $0x0  }
0x5b: {  	[sflag:s28] =	ssyncadd.s32 $0xFFFFD800  }
0x5c: {  	s1 =	simm.s32 $0x4F80;
	[bflag:$0x0] =	sbarrier.arrive $0xFFFF  }
0x5d: {  	[tilespmem:s1], [sflag:$0x1] =	stream.linear.gather [spmem:s3], $0x80, $0x38;
	[tilespmem:$0x9F80] =	vst v63  }
0x5e: {  	s4 =	simm.s32 $0x5380;
	s2 =	rddreg [dreg:$0x17]  }
0x5f: {  	[tilespmem:s4], [sflag:$0x1] =	stream.linear.gather [spmem:s2], $0x80, $0x38;
	[tilespmem:$0x9F80] =	vst v63  }
0x60: {  	s2 =	rddreg [dreg:$0x18];
	s4 =	simm.s32 $0x5780  }
0x61: {  	[tilespmem:s4], [sflag:$0x1] =	stream.linear.gather [spmem:s2], $0x80, $0x38;
	[tilespmem:$0x9F80] =	vst v63  }
0x62: {  	s2 =	rddreg [dreg:$0x19];
	s4 =	simm.s32 $0x5B80  }
0x63: {  	[tilespmem:s4], [sflag:$0x1] =	stream.linear.gather [spmem:s2], $0x80, $0x38;
	[tilespmem:$0x9F80] =	vst v63  }
0x64: {  	s2 =	rddreg [dreg:$0x1a];
	s4 =	simm.s32 $0x5F80  }
0x65: {  	[tilespmem:s4], [sflag:$0x1] =	stream.linear.gather [spmem:s2], $0x80, $0x38;
	[tilespmem:$0x9F80] =	vst v63  }
0x66: {  	_ =	swait.ge [sflag:s28], $0x280  }
0x67: {  	[sflag:s28] =	ssyncset.done $0x0  }
0x68: {  	s4 =	simm.s32 $0x5000;
	s2 =	rddreg [dreg:$0x6];
	[sflag:s28] =	ssyncadd.s32 $0xFFFFFD80  }
0x69: {  	[tilespmem:s4], [sflag:$0x1] =	stream.linear.gather [spmem:s2], $0x80, $0x38;
	[tilespmem:$0x9F80] =	vst v63  }
0x6a: {  	s2 =	rddreg [dreg:$0x1b];
	s4 =	simm.s32 $0x5400  }
0x6b: {  	[tilespmem:s4], [sflag:$0x1] =	stream.linear.gather [spmem:s2], $0x80, $0x38;
	[tilespmem:$0x9F80] =	vst v63  }
0x6c: {  	s2 =	rddreg [dreg:$0x1c];
	s4 =	simm.s32 $0x5800  }
0x6d: {  	[tilespmem:s4], [sflag:$0x1] =	stream.linear.gather [spmem:s2], $0x80, $0x38;
	[tilespmem:$0x9F80] =	vst v63  }
0x6e: {  	s2 =	rddreg [dreg:$0x1d];
	s4 =	simm.s32 $0x5C00  }
0x6f: {  	[tilespmem:s4], [sflag:$0x1] =	stream.linear.gather [spmem:s2], $0x80, $0x38;
	[tilespmem:$0x9F80] =	vst v63  }
0x70: {  	s2 =	rddreg [dreg:$0x1e];
	s4 =	simm.s32 $0x6000  }
0x71: {  	[tilespmem:s4], [sflag:$0x1] =	stream.linear.gather [spmem:s2], $0x80, $0x38;
	[tilespmem:$0x9F80] =	vst v63  }
0x72: {  	_ =	swait.ge [sflag:s28], $0x280  }
0x73: {  	[sflag:s28] =	ssyncset.done $0x0  }
0x74: {  	s4 =	simm.s32 $0x5080;
	s2 =	rddreg [dreg:$0x7];
	[sflag:s28] =	ssyncadd.s32 $0xFFFFFD80  }
0x75: {  	[tilespmem:s4], [sflag:$0x1] =	stream.linear.gather [spmem:s2], $0x80, $0x38;
	[tilespmem:$0x9F80] =	vst v63  }
0x76: {  	s2 =	rddreg [dreg:$0x1f];
	s4 =	simm.s32 $0x5480  }
0x77: {  	[tilespmem:s4], [sflag:$0x1] =	stream.linear.gather [spmem:s2], $0x80, $0x38;
	[tilespmem:$0x9F80] =	vst v63  }
0x78: {  	s2 =	sld [smem:$0x7DD];
	_ =	sdelay $0x1  }
0x79: {  	s4 =	simm.s32 $0x5880  }
0x7a: {  	[tilespmem:s4], [sflag:$0x1] =	stream.linear.gather [spmem:s2], $0x80, $0x38;
	[tilespmem:$0x9F80] =	vst v63  }
0x7b: {  	s2 =	sld [smem:$0x7DE];
	_ =	sdelay $0x1  }
0x7c: {  	s4 =	simm.s32 $0x5C80  }
0x7d: {  	[tilespmem:s4], [sflag:$0x1] =	stream.linear.gather [spmem:s2], $0x80, $0x38;
	[tilespmem:$0x9F80] =	vst v63  }
0x7e: {  	s2 =	sld [smem:$0x7DF];
	_ =	sdelay $0x1  }
0x7f: {  	s4 =	simm.s32 $0x6080  }
0x80: {  	[tilespmem:s4], [sflag:$0x1] =	stream.linear.gather [spmem:s2], $0x80, $0x38;
	[tilespmem:$0x9F80] =	vst v63  }
0x81: {  	_ =	swait.ge [sflag:s28], $0x280  }
0x82: {  	[sflag:s28] =	ssyncset.done $0x0  }
0x83: {  	s4 =	simm.s32 $0x5100;
	s2 =	rddreg [dreg:$0x8];
	[sflag:s28] =	ssyncadd.s32 $0xFFFFFD80  }
0x84: {  	[tilespmem:s4], [sflag:$0x1] =	stream.linear.gather [spmem:s2], $0x80, $0x38;
	[tilespmem:$0x9F80] =	vst v63  }
0x85: {  	s2 =	sld [smem:$0x7E0];
	_ =	sdelay $0x1  }
0x86: {  	s4 =	simm.s32 $0x5500  }
0x87: {  	[tilespmem:s4], [sflag:$0x1] =	stream.linear.gather [spmem:s2], $0x80, $0x38;
	[tilespmem:$0x9F80] =	vst v63  }
0x88: {  	s2 =	sld [smem:$0x7E1];
	_ =	sdelay $0x1  }
0x89: {  	s4 =	simm.s32 $0x5900  }
0x8a: {  	[tilespmem:s4], [sflag:$0x1] =	stream.linear.gather [spmem:s2], $0x80, $0x38;
	[tilespmem:$0x9F80] =	vst v63  }
0x8b: {  	s2 =	sld [smem:$0x7E2];
	_ =	sdelay $0x1  }
0x8c: {  	s4 =	simm.s32 $0x5D00  }
0x8d: {  	[tilespmem:s4], [sflag:$0x1] =	stream.linear.gather [spmem:s2], $0x80, $0x38;
	[tilespmem:$0x9F80] =	vst v63  }
0x8e: {  	s2 =	sld [smem:$0x7E3];
	_ =	sdelay $0x1  }
0x8f: {  	s4 =	simm.s32 $0x6100  }
0x90: {  	[tilespmem:s4], [sflag:$0x1] =	stream.linear.gather [spmem:s2], $0x80, $0x38;
	[tilespmem:$0x9F80] =	vst v63  }
0x91: {  	_ =	swait.ge [sflag:s28], $0x280  }
0x92: {  	[sflag:s28] =	ssyncset.done $0x0  }
0x93: {  	s4 =	simm.s32 $0x5180;
	s2 =	rddreg [dreg:$0x9];
	[sflag:s28] =	ssyncadd.s32 $0xFFFFFD80  }
0x94: {  	[tilespmem:s4], [sflag:$0x1] =	stream.linear.gather [spmem:s2], $0x80, $0x38;
	[tilespmem:$0x9F80] =	vst v63  }
0x95: {  	s2 =	sld [smem:$0x7E4];
	_ =	sdelay $0x1  }
0x96: {  	s4 =	simm.s32 $0x5580  }
0x97: {  	[tilespmem:s4], [sflag:$0x1] =	stream.linear.gather [spmem:s2], $0x80, $0x38;
	[tilespmem:$0x9F80] =	vst v63  }
0x98: {  	s2 =	sld [smem:$0x7E5];
	_ =	sdelay $0x1  }
0x99: {  	s4 =	simm.s32 $0x5980  }
0x9a: {  	[tilespmem:s4], [sflag:$0x1] =	stream.linear.gather [spmem:s2], $0x80, $0x38;
	[tilespmem:$0x9F80] =	vst v63  }
0x9b: {  	s2 =	sld [smem:$0x7E6];
	_ =	sdelay $0x1  }
0x9c: {  	s4 =	simm.s32 $0x5D80  }
0x9d: {  	[tilespmem:s4], [sflag:$0x1] =	stream.linear.gather [spmem:s2], $0x80, $0x38;
	[tilespmem:$0x9F80] =	vst v63  }
0x9e: {  	s2 =	sld [smem:$0x7E7];
	_ =	sdelay $0x1  }
0x9f: {  	s4 =	simm.s32 $0x6180  }
0xa0: {  	[tilespmem:s4], [sflag:$0x1] =	stream.linear.gather [spmem:s2], $0x80, $0x38;
	[tilespmem:$0x9F80] =	vst v63  }
0xa1: {  	_ =	swait.ge [sflag:s28], $0x280  }
0xa2: {  	[sflag:s28] =	ssyncset.done $0x0  }
0xa3: {  	s4 =	simm.s32 $0x5200;
	s2 =	rddreg [dreg:$0xa];
	[sflag:s28] =	ssyncadd.s32 $0xFFFFFD80  }
0xa4: {  	[tilespmem:s4], [sflag:$0x1] =	stream.linear.gather [spmem:s2], $0x80, $0x38;
	[tilespmem:$0x9F80] =	vst v63  }
0xa5: {  	s2 =	sld [smem:$0x7E8];
	_ =	sdelay $0x1  }
0xa6: {  	s4 =	simm.s32 $0x5600  }
0xa7: {  	[tilespmem:s4], [sflag:$0x1] =	stream.linear.gather [spmem:s2], $0x80, $0x38;
	[tilespmem:$0x9F80] =	vst v63  }
0xa8: {  	s2 =	sld [smem:$0x7E9];
	_ =	sdelay $0x1  }
0xa9: {  	s4 =	simm.s32 $0x5A00  }
0xaa: {  	[tilespmem:s4], [sflag:$0x1] =	stream.linear.gather [spmem:s2], $0x80, $0x38;
	[tilespmem:$0x9F80] =	vst v63  }
0xab: {  	s2 =	sld [smem:$0x7EA];
	_ =	sdelay $0x1  }
0xac: {  	s4 =	simm.s32 $0x5E00  }
0xad: {  	[tilespmem:s4], [sflag:$0x1] =	stream.linear.gather [spmem:s2], $0x80, $0x38;
	[tilespmem:$0x9F80] =	vst v63  }
0xae: {  	s2 =	sld [smem:$0x7EB];
	_ =	sdelay $0x1  }
0xaf: {  	s4 =	simm.s32 $0x6200  }
0xb0: {  	[tilespmem:s4], [sflag:$0x1] =	stream.linear.gather [spmem:s2], $0x80, $0x38;
	[tilespmem:$0x9F80] =	vst v63  }
0xb1: {  	_ =	swait.ge [sflag:s28], $0x280  }
0xb2: {  	[sflag:s28] =	ssyncset.done $0x0  }
0xb3: {  	s4 =	simm.s32 $0x5280;
	s2 =	rddreg [dreg:$0xb];
	[sflag:s28] =	ssyncadd.s32 $0xFFFFFD80  }
0xb4: {  	[tilespmem:s4], [sflag:$0x1] =	stream.linear.gather [spmem:s2], $0x80, $0x38;
	[tilespmem:$0x9F80] =	vst v63  }
0xb5: {  	s2 =	sld [smem:$0x7EC];
	_ =	sdelay $0x1  }
0xb6: {  	s4 =	simm.s32 $0x5680  }
0xb7: {  	[tilespmem:s4], [sflag:$0x1] =	stream.linear.gather [spmem:s2], $0x80, $0x38;
	[tilespmem:$0x9F80] =	vst v63  }
0xb8: {  	s2 =	sld [smem:$0x7ED];
	_ =	sdelay $0x1  }
0xb9: {  	s4 =	simm.s32 $0x5A80  }
0xba: {  	[tilespmem:s4], [sflag:$0x1] =	stream.linear.gather [spmem:s2], $0x80, $0x38;
	[tilespmem:$0x9F80] =	vst v63  }
0xbb: {  	s2 =	sld [smem:$0x7EE];
	_ =	sdelay $0x1  }
0xbc: {  	s4 =	simm.s32 $0x5E80  }
0xbd: {  	[tilespmem:s4], [sflag:$0x1] =	stream.linear.gather [spmem:s2], $0x80, $0x38;
	[tilespmem:$0x9F80] =	vst v63  }
0xbe: {  	s2 =	sld [smem:$0x7EF];
	_ =	sdelay $0x1  }
0xbf: {  	s4 =	simm.s32 $0x6280  }
0xc0: {  	[tilespmem:s4], [sflag:$0x1] =	stream.linear.gather [spmem:s2], $0x80, $0x38;
	[tilespmem:$0x9F80] =	vst v63  }
0xc1: {  	_ =	swait.ge [sflag:s28], $0x280  }
0xc2: {  	[sflag:s28] =	ssyncset.done $0x0  }
0xc3: {  	s4 =	simm.s32 $0x5300;
	s2 =	rddreg [dreg:$0xc];
	[sflag:s28] =	ssyncadd.s32 $0xFFFFFD80  }
0xc4: {  	[tilespmem:s4], [sflag:$0x1] =	stream.linear.gather [spmem:s2], $0x80, $0x38;
	[tilespmem:$0x9F80] =	vst v63  }
0xc5: {  	s2 =	sld [smem:$0x7F0];
	_ =	sdelay $0x1  }
0xc6: {  	s4 =	simm.s32 $0x5700  }
0xc7: {  	[tilespmem:s4], [sflag:$0x1] =	stream.linear.gather [spmem:s2], $0x80, $0x38;
	[tilespmem:$0x9F80] =	vst v63  }
0xc8: {  	s2 =	sld [smem:$0x7F1];
	_ =	sdelay $0x1  }
0xc9: {  	s4 =	simm.s32 $0x5B00  }
0xca: {  	[tilespmem:s4], [sflag:$0x1] =	stream.linear.gather [spmem:s2], $0x80, $0x38;
	[tilespmem:$0x9F80] =	vst v63  }
0xcb: {  	s2 =	sld [smem:$0x7F2];
	_ =	sdelay $0x1  }
0xcc: {  	s4 =	simm.s32 $0x5F00  }
0xcd: {  	[tilespmem:s4], [sflag:$0x1] =	stream.linear.gather [spmem:s2], $0x80, $0x38;
	[tilespmem:$0x9F80] =	vst v63  }
0xce: {  	s2 =	sld [smem:$0x7F3];
	_ =	sdelay $0x1  }
0xcf: {  	s4 =	simm.s32 $0x6300  }
0xd0: {  	[tilespmem:s4], [sflag:$0x1] =	stream.linear.gather [spmem:s2], $0x80, $0x38;
	[tilespmem:$0x9F80] =	vst v63  }
0xd1: {  	_ =	swait.ge [sflag:s28], $0x280  }
0xd2: {  	[sflag:s28] =	ssyncset.done $0x0  }
0xd3: {  	s4 =	simm.s32 $0x6380;
	s2 =	rddreg [dreg:$0xd];
	[sflag:s28] =	ssyncadd.s32 $0xFFFFFD80  }
0xd4: {  	[tilespmem:s4], [sflag:$0x1] =	stream.linear.gather [spmem:s2], $0x80, $0x38;
	[tilespmem:$0x9F80] =	vst v63  }
0xd5: {  	s2 =	sld [smem:$0x7F4];
	_ =	sdelay $0x1  }
0xd6: {  	s4 =	simm.s32 $0x6780  }
0xd7: {  	[tilespmem:s4], [sflag:$0x1] =	stream.linear.gather [spmem:s2], $0x80, $0x38;
	[tilespmem:$0x9F80] =	vst v63  }
0xd8: {  	s2 =	sld [smem:$0x7F5];
	_ =	sdelay $0x1  }
0xd9: {  	s4 =	simm.s32 $0x6B80  }
0xda: {  	[tilespmem:s4], [sflag:$0x1] =	stream.linear.gather [spmem:s2], $0x80, $0x38;
	[tilespmem:$0x9F80] =	vst v63  }
0xdb: {  	s2 =	sld [smem:$0x7F6];
	_ =	sdelay $0x1  }
0xdc: {  	s4 =	simm.s32 $0x6F80  }
0xdd: {  	[tilespmem:s4], [sflag:$0x1] =	stream.linear.gather [spmem:s2], $0x80, $0x38;
	[tilespmem:$0x9F80] =	vst v63  }
0xde: {  	s2 =	sld [smem:$0x7F7];
	_ =	sdelay $0x1  }
0xdf: {  	s4 =	simm.s32 $0x7380  }
0xe0: {  	[tilespmem:s4], [sflag:$0x1] =	stream.linear.gather [spmem:s2], $0x80, $0x38;
	[tilespmem:$0x9F80] =	vst v63  }
0xe1: {  	_ =	swait.ge [sflag:s28], $0x280  }
0xe2: {  	[sflag:s28] =	ssyncset.done $0x0  }
0xe3: {  	s4 =	simm.s32 $0x6400;
	s2 =	rddreg [dreg:$0xe];
	[sflag:s28] =	ssyncadd.s32 $0xFFFFFD80  }
0xe4: {  	[tilespmem:s4], [sflag:$0x1] =	stream.linear.gather [spmem:s2], $0x80, $0x38;
	[tilespmem:$0x9F80] =	vst v63  }
0xe5: {  	s2 =	sld [smem:$0x7F8];
	_ =	sdelay $0x1  }
0xe6: {  	s4 =	simm.s32 $0x6800  }
0xe7: {  	[tilespmem:s4], [sflag:$0x1] =	stream.linear.gather [spmem:s2], $0x80, $0x38;
	[tilespmem:$0x9F80] =	vst v63  }
0xe8: {  	s2 =	sld [smem:$0x7F9];
	_ =	sdelay $0x1  }
0xe9: {  	s4 =	simm.s32 $0x6C00  }
0xea: {  	[tilespmem:s4], [sflag:$0x1] =	stream.linear.gather [spmem:s2], $0x80, $0x38;
	[tilespmem:$0x9F80] =	vst v63  }
0xeb: {  	s2 =	sld [smem:$0x7FA];
	_ =	sdelay $0x1  }
0xec: {  	s4 =	simm.s32 $0x7000  }
0xed: {  	[tilespmem:s4], [sflag:$0x1] =	stream.linear.gather [spmem:s2], $0x80, $0x38;
	[tilespmem:$0x9F80] =	vst v63  }
0xee: {  	s2 =	sld [smem:$0x7FB];
	_ =	sdelay $0x1  }
0xef: {  	s4 =	simm.s32 $0x7400  }
0xf0: {  	[tilespmem:s4], [sflag:$0x1] =	stream.linear.gather [spmem:s2], $0x80, $0x38;
	[tilespmem:$0x9F80] =	vst v63  }
0xf1: {  	_ =	swait.ge [sflag:s28], $0x280  }
0xf2: {  	[sflag:s28] =	ssyncset.done $0x0  }
0xf3: {  	s4 =	simm.s32 $0x6480;
	s2 =	rddreg [dreg:$0xf];
	[sflag:s28] =	ssyncadd.s32 $0xFFFFFD80  }
0xf4: {  	[tilespmem:s4], [sflag:$0x1] =	stream.linear.gather [spmem:s2], $0x80, $0x38;
	[tilespmem:$0x9F80] =	vst v63  }
0xf5: {  	s2 =	sld [smem:$0x7FC];
	_ =	sdelay $0x1  }
0xf6: {  	s1 =	sld [smem:$0x7FD];
	s4 =	simm.s32 $0x6880  }
0xf7: {  	[tilespmem:s4], [sflag:$0x1] =	stream.linear.gather [spmem:s2], $0x80, $0x38;
	[tilespmem:$0x9F80] =	vst v63  }
0xf8: {  	s2 =	simm.s32 $0x6C80  }
0xf9: {  	[tilespmem:s2], [sflag:$0x1] =	stream.linear.gather [spmem:s1], $0x80, $0x38;
	[tilespmem:$0x9F80] =	vst v63  }
0xfa: {  	s4 =	simm.s32 $0x7080  }
0xfb: {  	[tilespmem:s4], [sflag:$0x1] =	stream.linear.gather [spmem:s5], $0x80, $0x38;
	[tilespmem:$0x9F80] =	vst v63  }
0xfc: {  	s1 =	simm.s32 $0x7480  }
0xfd: {  	[tilespmem:s1], [sflag:$0x1] =	stream.linear.gather [spmem:s6], $0x80, $0x38;
	[tilespmem:$0x9F80] =	vst v63  }
0xfe: {  	_ =	swait.ge [sflag:s28], $0x280  }
0xff: {  	[sflag:s28] =	ssyncset.done $0x0  }
0x100: {  	s4 =	simm.s32 $0x6500;
	s2 =	rddreg [dreg:$0x10];
	[sflag:s28] =	ssyncadd.s32 $0xFFFFFD80  }
0x101: {  	[tilespmem:s4], [sflag:$0x1] =	stream.linear.gather [spmem:s2], $0x80, $0x38;
	[tilespmem:$0x9F80] =	vst v63  }
0x102: {  	s1 =	simm.s32 $0x6900  }
0x103: {  	[tilespmem:s1], [sflag:$0x1] =	stream.linear.gather [spmem:s7], $0x80, $0x38;
	[tilespmem:$0x9F80] =	vst v63  }
0x104: {  	s2 =	simm.s32 $0x6D00  }
0x105: {  	[tilespmem:s2], [sflag:$0x1] =	stream.linear.gather [spmem:s8], $0x80, $0x38;
	[tilespmem:$0x9F80] =	vst v63  }
0x106: {  	s4 =	simm.s32 $0x7100  }
0x107: {  	[tilespmem:s4], [sflag:$0x1] =	stream.linear.gather [spmem:s9], $0x80, $0x38;
	[tilespmem:$0x9F80] =	vst v63  }
0x108: {  	s1 =	simm.s32 $0x7500  }
0x109: {  	[tilespmem:s1], [sflag:$0x1] =	stream.linear.gather [spmem:s10], $0x80, $0x38;
	[tilespmem:$0x9F80] =	vst v63  }
0x10a: {  	_ =	swait.ge [sflag:s28], $0x280  }
0x10b: {  	[sflag:s28] =	ssyncset.done $0x0  }
0x10c: {  	s4 =	simm.s32 $0x6580;
	s2 =	rddreg [dreg:$0x11];
	[sflag:s28] =	ssyncadd.s32 $0xFFFFFD80  }
0x10d: {  	[tilespmem:s4], [sflag:$0x1] =	stream.linear.gather [spmem:s2], $0x80, $0x38;
	[tilespmem:$0x9F80] =	vst v63  }
0x10e: {  	s1 =	simm.s32 $0x6980  }
0x10f: {  	[tilespmem:s1], [sflag:$0x1] =	stream.linear.gather [spmem:s11], $0x80, $0x38;
	[tilespmem:$0x9F80] =	vst v63  }
0x110: {  	s2 =	simm.s32 $0x6D80  }
0x111: {  	[tilespmem:s2], [sflag:$0x1] =	stream.linear.gather [spmem:s12], $0x80, $0x38;
	[tilespmem:$0x9F80] =	vst v63  }
0x112: {  	s4 =	simm.s32 $0x7180  }
0x113: {  	[tilespmem:s4], [sflag:$0x1] =	stream.linear.gather [spmem:s13], $0x80, $0x38;
	[tilespmem:$0x9F80] =	vst v63  }
0x114: {  	s1 =	simm.s32 $0x7580  }
0x115: {  	[tilespmem:s1], [sflag:$0x1] =	stream.linear.gather [spmem:s14], $0x80, $0x38;
	[tilespmem:$0x9F80] =	vst v63  }
0x116: {  	_ =	swait.ge [sflag:s28], $0x280  }
0x117: {  	[sflag:s28] =	ssyncset.done $0x0  }
0x118: {  	s4 =	simm.s32 $0x6600;
	s2 =	rddreg [dreg:$0x12];
	[sflag:s28] =	ssyncadd.s32 $0xFFFFFD80  }
0x119: {  	[tilespmem:s4], [sflag:$0x1] =	stream.linear.gather [spmem:s2], $0x80, $0x38;
	[tilespmem:$0x9F80] =	vst v63  }
0x11a: {  	s1 =	simm.s32 $0x6A00  }
0x11b: {  	[tilespmem:s1], [sflag:$0x1] =	stream.linear.gather [spmem:s15], $0x80, $0x38;
	[tilespmem:$0x9F80] =	vst v63  }
0x11c: {  	s2 =	simm.s32 $0x6E00  }
0x11d: {  	[tilespmem:s2], [sflag:$0x1] =	stream.linear.gather [spmem:s16], $0x80, $0x38;
	[tilespmem:$0x9F80] =	vst v63  }
0x11e: {  	s4 =	simm.s32 $0x7200  }
0x11f: {  	[tilespmem:s4], [sflag:$0x1] =	stream.linear.gather [spmem:s17], $0x80, $0x38;
	[tilespmem:$0x9F80] =	vst v63  }
0x120: {  	s1 =	simm.s32 $0x7600  }
0x121: {  	[tilespmem:s1], [sflag:$0x1] =	stream.linear.gather [spmem:s18], $0x80, $0x38;
	[tilespmem:$0x9F80] =	vst v63  }
0x122: {  	_ =	swait.ge [sflag:s28], $0x280  }
0x123: {  	[sflag:s28] =	ssyncset.done $0x0  }
0x124: {  	s4 =	simm.s32 $0x6680;
	s2 =	rddreg [dreg:$0x13];
	[sflag:s28] =	ssyncadd.s32 $0xFFFFFD80  }
0x125: {  	[tilespmem:s4], [sflag:$0x1] =	stream.linear.gather [spmem:s2], $0x80, $0x38;
	[tilespmem:$0x9F80] =	vst v63  }
0x126: {  	s1 =	simm.s32 $0x6A80  }
0x127: {  	[tilespmem:s1], [sflag:$0x1] =	stream.linear.gather [spmem:s19], $0x80, $0x38;
	[tilespmem:$0x9F80] =	vst v63  }
0x128: {  	s2 =	simm.s32 $0x6E80  }
0x129: {  	[tilespmem:s2], [sflag:$0x1] =	stream.linear.gather [spmem:s20], $0x80, $0x38;
	[tilespmem:$0x9F80] =	vst v63  }
0x12a: {  	s4 =	simm.s32 $0x7280  }
0x12b: {  	[tilespmem:s4], [sflag:$0x1] =	stream.linear.gather [spmem:s21], $0x80, $0x38;
	[tilespmem:$0x9F80] =	vst v63  }
0x12c: {  	s1 =	simm.s32 $0x7680  }
0x12d: {  	[tilespmem:s1], [sflag:$0x1] =	stream.linear.gather [spmem:s22], $0x80, $0x38;
	[tilespmem:$0x9F80] =	vst v63  }
0x12e: {  	_ =	swait.ge [sflag:s28], $0x280  }
0x12f: {  	[sflag:s28] =	ssyncset.done $0x0  }
0x130: {  	s4 =	simm.s32 $0x6700;
	s2 =	rddreg [dreg:$0x14];
	[sflag:s28] =	ssyncadd.s32 $0xFFFFFD80  }
0x131: {  	[tilespmem:s4], [sflag:$0x1] =	stream.linear.gather [spmem:s2], $0x80, $0x38;
	[tilespmem:$0x9F80] =	vst v63  }
0x132: {  	s1 =	simm.s32 $0x6B00  }
0x133: {  	[tilespmem:s1], [sflag:$0x1] =	stream.linear.gather [spmem:s23], $0x80, $0x38;
	[tilespmem:$0x9F80] =	vst v63  }
0x134: {  	s2 =	simm.s32 $0x6F00  }
0x135: {  	[tilespmem:s2], [sflag:$0x1] =	stream.linear.gather [spmem:s24], $0x80, $0x38;
	[tilespmem:$0x9F80] =	vst v63  }
0x136: {  	s4 =	simm.s32 $0x7300  }
0x137: {  	[tilespmem:s4], [sflag:$0x1] =	stream.linear.gather [spmem:s25], $0x80, $0x38;
	[tilespmem:$0x9F80] =	vst v63  }
0x138: {  	s1 =	simm.s32 $0x7700  }
0x139: {  	[tilespmem:s1], [sflag:$0x1] =	stream.linear.gather [spmem:s26], $0x80, $0x38;
	[tilespmem:$0x9F80] =	vst v63  }
0x13a: {  	s2 =	simm.s32 $0x0;
	_ =	swait.ge [sflag:s28], $0x280  }
0x13b: {  	s0 =	sand.u32 $0x1C00, s2;
	s4 =	sand.u32 $0x70, s2;
	[sflag:s28] =	ssyncset.done $0x0  }
0x13c: {  	s0 =	sor.u32 s4, s0;
	[sflag:s28] =	ssyncadd.s32 $0xFFFFFD80  }
0x13d: {  	v2 =	vld [tilespmem:s0+$0x5000]  }
0x13e: {  	v3 =	vld [tilespmem:s0+$0x4F80];
	_ =	sdelay $0x1  }
0x13f: {  	v4 =	vld [tilespmem:s0+$0x5080];
	_ =	sdelay $0x1  }
0x140: {  	v5 =	vld [tilespmem:s0+$0x5100]  }
0x141: {  	v2 =	vadd.f32 v2, v3  }
0x142: {  	v3 =	vld [tilespmem:s0+$0x5180]  }
0x143: {  	v2 =	vadd.f32 v4, v2  }
0x144: {  	v56 =	vld [tilespmem:s0+$0x5200]  }
0x145: {  	v2 =	vadd.f32 v5, v2  }
0x146: {  	v57 =	vld [tilespmem:s0+$0x5280]  }
0x147: {  	v2 =	vadd.f32 v3, v2  }
0x148: {  	v3 =	vld [tilespmem:s0+$0x5300]  }
0x149: {  	v2 =	vadd.f32 v56, v2  }
0x14a: {  	v58 =	vld [tilespmem:s0+$0x6380]  }
0x14b: {  	v2 =	vadd.f32 v57, v2  }
0x14c: {  	v59 =	vld [tilespmem:s0+$0x6400]  }
0x14d: {  	v2 =	vadd.f32 v3, v2  }
0x14e: {  	v3 =	vld [tilespmem:s0+$0x6480]  }
0x14f: {  	v2 =	vadd.f32 v58, v2  }
0x150: {  	v60 =	vld [tilespmem:s0+$0x6500]  }
0x151: {  	v2 =	vadd.f32 v59, v2  }
0x152: {  	v61 =	vld [tilespmem:s0+$0x6580]  }
0x153: {  	v2 =	vadd.f32 v3, v2  }
0x154: {  	v3 =	vld [tilespmem:s0+$0x6600]  }
0x155: {  	v2 =	vadd.f32 v60, v2  }
0x156: {  	v62 =	vld [tilespmem:s0+$0x6680]  }
0x157: {  	v2 =	vadd.f32 v61, v2  }
0x158: {  	v63 =	vld [tilespmem:s0+$0x6700]  }
0x159: {  	v2 =	vadd.f32 v3, v2;
	_ =	sdelay $0x1  }
0x15a: {  	v2 =	vadd.f32 v62, v2;
	_ =	sdelay $0x1  }
0x15b: {  	s2 =	simm.s32 $0x10;
	s1 =	simm.s32 $0x80;
	v2 =	vadd.f32 v63, v2  }
0x15c: {  	s4 =	sand.u32 $0x1C00, s1;
	s0 =	sand.u32 $0x70, s2  }
0x15d: {  	s2 =	simm.s32 $0x20;
	s0 =	sor.u32 s0, s4;
	[tilespmem:s31+$0x0] =	vst v2  }
.LBB2_6:
0x15e: {  	p0 =	sne.s32 s2, $0x270;
	v2 =	vld [tilespmem:s0+$0x5000]  }
0x15f: {  	v3 =	vld [tilespmem:s0+$0x4F80];
	_ =	sdelay $0x1  }
0x160: {  	v4 =	vld [tilespmem:s0+$0x5080];
	_ =	sdelay $0x1  }
0x161: {  	v5 =	vld [tilespmem:s0+$0x5100]  }
0x162: {  	v2 =	vadd.f32 v2, v3  }
0x163: {  	v3 =	vld [tilespmem:s0+$0x5180]  }
0x164: {  	v2 =	vadd.f32 v4, v2  }
0x165: {  	v4 =	vld [tilespmem:s0+$0x5200]  }
0x166: {  	v2 =	vadd.f32 v5, v2  }
0x167: {  	v5 =	vld [tilespmem:s0+$0x5280]  }
0x168: {  	v2 =	vadd.f32 v3, v2  }
0x169: {  	v3 =	vld [tilespmem:s0+$0x5300]  }
0x16a: {  	v2 =	vadd.f32 v4, v2  }
0x16b: {  	v4 =	vld [tilespmem:s0+$0x6380]  }
0x16c: {  	v2 =	vadd.f32 v5, v2  }
0x16d: {  	v5 =	vld [tilespmem:s0+$0x6400]  }
0x16e: {  	v2 =	vadd.f32 v3, v2  }
0x16f: {  	v3 =	vld [tilespmem:s0+$0x6480]  }
0x170: {  	v2 =	vadd.f32 v4, v2  }
0x171: {  	v4 =	vld [tilespmem:s0+$0x6500]  }
0x172: {  	v2 =	vadd.f32 v5, v2  }
0x173: {  	v5 =	vld [tilespmem:s0+$0x6580]  }
0x174: {  	v2 =	vadd.f32 v3, v2  }
0x175: {  	v3 =	vld [tilespmem:s0+$0x6600]  }
0x176: {  	v2 =	vadd.f32 v4, v2  }
0x177: {  	v4 =	vld [tilespmem:s0+$0x6680]  }
0x178: {  	v2 =	vadd.f32 v5, v2  }
0x179: {  	v5 =	vld [tilespmem:s0+$0x6700]  }
0x17a: {  	v2 =	vadd.f32 v3, v2;
	_ =	sdelay $0x1  }
.Ltmp2:
0x17b: {  	v2 =	vadd.f32 v4, v2;
	(pc) =	sbr.rel @p0 .LBB2_6-.Ltmp2, $4  }
0x17c: {  	_ = 	snop  }
0x17d: {  	s1 =	sadd.s32 $0x80, s1;
	v2 =	vadd.f32 v5, v2  }
0x17e: {  	s31 =	sadd.s32 $0x10, s31;
	s4 =	sand.u32 $0x1C00, s1;
	s0 =	sand.u32 $0x70, s2  }
0x17f: {  	s2 =	sadd.s32 $0x10, s2;
	s0 =	sor.u32 s0, s4;
	[tilespmem:s31+$0x0] =	vst v2  }
0x180: {  	v2 =	vld [tilespmem:s0+$0x5000]  }
0x181: {  	v3 =	vld [tilespmem:s0+$0x4F80];
	_ =	sdelay $0x1  }
0x182: {  	v4 =	vld [tilespmem:s0+$0x5080];
	_ =	sdelay $0x1  }
0x183: {  	v5 =	vld [tilespmem:s0+$0x5100]  }
0x184: {  	v2 =	vadd.f32 v2, v3  }
0x185: {  	v3 =	vld [tilespmem:s0+$0x5180]  }
0x186: {  	v2 =	vadd.f32 v4, v2  }
0x187: {  	v56 =	vld [tilespmem:s0+$0x5200]  }
0x188: {  	v2 =	vadd.f32 v5, v2  }
0x189: {  	v57 =	vld [tilespmem:s0+$0x5280]  }
0x18a: {  	v2 =	vadd.f32 v3, v2  }
0x18b: {  	v3 =	vld [tilespmem:s0+$0x5300]  }
0x18c: {  	v2 =	vadd.f32 v56, v2  }
0x18d: {  	v58 =	vld [tilespmem:s0+$0x6380]  }
0x18e: {  	v2 =	vadd.f32 v57, v2  }
0x18f: {  	v59 =	vld [tilespmem:s0+$0x6400]  }
0x190: {  	v2 =	vadd.f32 v3, v2  }
0x191: {  	v3 =	vld [tilespmem:s0+$0x6480]  }
0x192: {  	v2 =	vadd.f32 v58, v2  }
0x193: {  	v60 =	vld [tilespmem:s0+$0x6500]  }
0x194: {  	v2 =	vadd.f32 v59, v2  }
0x195: {  	v61 =	vld [tilespmem:s0+$0x6580]  }
0x196: {  	v2 =	vadd.f32 v3, v2  }
0x197: {  	v3 =	vld [tilespmem:s0+$0x6600]  }
0x198: {  	v2 =	vadd.f32 v60, v2  }
0x199: {  	v62 =	vld [tilespmem:s0+$0x6680]  }
0x19a: {  	v2 =	vadd.f32 v61, v2  }
0x19b: {  	v63 =	vld [tilespmem:s0+$0x6700]  }
0x19c: {  	v2 =	vadd.f32 v3, v2;
	_ =	sdelay $0x1  }
0x19d: {  	v2 =	vadd.f32 v62, v2;
	_ =	sdelay $0x1  }
0x19e: {  	v2 =	vadd.f32 v63, v2  }
0x19f: {  	s2 =	sadd.s32 $0x10, s31  }
0x1a0: {  	s4 =	simm.s32 $0x0;
	s1 =	rddreg [dreg:$0x15];
	[tilespmem:s2+$0x0] =	vst v2  }
0x1a1: {  	[hbm4b:s1+s4] =	stream.linear.scatter [tilespmem:s29], [sflag:$0x1], $0x280, $0x38;
	[tilespmem:$0x9F80] =	vst v63  }
0x1a2: {  	_ =	swait.ge [sflag:s28], $0x280  }
0x1a3: {  	s30 =	sadd.s32 $0x1, s30;
	s31 =	rddreg [dreg:$0x16]  }
0x1a4: {  	p0 =	sne.s32 s30, s31  }
.Ltmp3:
0x1a5: {  	_ = 	snop;
	(pc) =	sbr.rel @p0 .LBB2_1-.Ltmp3, $3  }
0x1a6: {  	_ =	sdelay $0x1  }
0x1a7: {  	[sflag:s28] =	ssyncset.done $0x0  }
0x1a8: {  	[sflag:s28] =	ssyncadd.s32 $0xFFFFFD80  }
0x1a9: {  	_ =	sfence.sel $0x180000  }
0x1aa: {  	[bflag:$0x0] =	sbarrier.arrive $0xFFFF  }
0x1ab: {  	_ =	strace $0x90000047  }
0x1ac: {  	s0 =	stileid.u32;
	[bflag:$0x2] =	sbarrier.arrive $0xFFFF  }
0x1ad: {  	p0 =	sne.s32 s0, $0x0;
	s0 =	rddreg [dreg:$0x3]  }
0x1ae: {  	s0 =	sadd.s32 @!p0 $0x100000, s0  }
0x1af: {  	[sflag:s0] =	ssyncadd.tile.s32 @!p0 $0x1;
	_ =	shalt  }
.Lfunc_end2:
_tile_overlayer_lowered:
.L_overlay_start_2:
0x1b0: {  	(tag) =	ssettag $0x2  }
0x1b1: {  	s0 =	rddreg [dreg:$0x0];
	s2 =	stileid.u32  }
0x1b2: {  	s1 =	rddreg [dreg:$0x1];
	p0 =	sne.s32 s2, $0x0  }
0x1b3: {  	s3 =	rddreg [dreg:$0x2];
	[bflag:$0x3] =	sbarrier.arrive $0xFFFF;
	s2 =	simm.s32 @!p0 $0x1C01  }
0x1b4: {  	[timem:s3], [sflag:s2] =	dma.local @!p0 [hbm:s0], s1  }
0x1b5: {  	s0 =	simm.s32 @!p0 $0x1  }
0x1b6: {  	_ =	swait.ge @!p0 [sflag:s0], s1  }
0x1b7: {  	s1 =	ssub.s32 @!p0 $0x0, s1;
	[sflag:s0] =	ssyncset.done @!p0 $0x0  }
0x1b8: {  	[sflag:s0] =	ssyncadd.s32 @!p0 s1  }
0x1b9: {  	[bflag:$0x3] =	sbarrier.arrive $0xFFFF  }
0x1ba: {  	_ =	shalt  }

</sc_bundles>
